<compile_context>
chip_gen: v7x
topology: tpu7x:2x2x1
jax: 0.10.2.dev20260603
libtpu: 0.0.44.dev20260713+nightly
codegen_flags: <defaults>
</compile_context>

<pallas_src>
import jax
import jax.numpy as jnp
from jax import lax
from jax.experimental import pallas as pl
from jax.experimental.pallas import tpu as pltpu
from jax.experimental.pallas import tpu_sc as plsc

B, V, D, L = 1024, 1000, 32, 200
NW = 32
NBW = B // NW
VB = 20
NB = V // VB
NPAIR = NB // 2
LB = 4
NCH = L // LB
IDX_W = 128


def _body(w5, i2, o5, tsc, xb0, xb1, yb0, yb1, wx0, wx1, ib, gid, gb, yo,
          semg, semx0, semx1, semw0, semw1, semo):
    c = lax.axis_index("c")
    s = lax.axis_index("s")
    wid = s * 2 + c
    bg = wid >> 2
    bc0 = (wid & 3) * 32
    bfirst = bg * 128 + bc0
    lanes = lax.iota(jnp.int32, 16)
    zero = lanes * 0

    i_dg0 = lanes >> 3
    i_dr = lanes & 7
    bl0 = (bfirst + lanes) * V
    bl1 = (bfirst + 16 + lanes) * V

    def load_slab(v0, xb, semx):
        return pltpu.make_async_copy(
            w5.at[pl.ds(v0, VB), :, bg, :, pl.ds(bc0, 32)],
            xb.at[:, :, :, pl.ds(0, 32)], semx)

    def transpose_batch(v0, xb, yb, wx):
        @plsc.parallel_loop(0, VB, unroll=2)
        def pv(vp):
            xv = xb.at[vp]
            for b4 in range(0, 32, 4):
                gs = []
                for b in range(b4, b4 + 4):
                    ibv = zero + b
                    for h in range(2):
                        gs.append(plsc.load_gather(
                            xv, [i_dg0 + 2 * h, i_dr, ibv]))
                k = 0
                for b in range(b4, b4 + 4):
                    for h in range(2):
                        yb[vp * 32 + b, pl.ds(h * 16, 16)] = gs[k]
                        k += 1
            k0 = vp * 32
            wx[k0 >> 7, pl.ds(k0 & 127, 16)] = bl0 + (v0 + vp)
            k1 = k0 + 16
            wx[k1 >> 7, pl.ds(k1 & 127, 16)] = bl1 + (v0 + vp)

    def scatter_ops(yb, wx, semw):
        return [pltpu.make_async_copy(
            yb.at[pl.ds(p * 128, 128)], tsc.at[wx.at[p]], semw)
            for p in range(5)]

    load_slab(0, xb0, semx0).start()

    def pair(j, carry):
        v0a = j * (2 * VB)
        load_slab(v0a + VB, xb1, semx1).start()
        load_slab(v0a, xb0, semx0).wait()

        @pl.when(j > 0)
        def _():
            for op in scatter_ops(yb0, wx0, semw0):
                op.wait()

        transpose_batch(v0a, xb0, yb0, wx0)
        for op in scatter_ops(yb0, wx0, semw0):
            op.start()

        @pl.when(j + 1 < NPAIR)
        def _():
            load_slab(v0a + 2 * VB, xb0, semx0).start()

        load_slab(v0a + VB, xb1, semx1).wait()

        @pl.when(j > 0)
        def _():
            for op in scatter_ops(yb1, wx1, semw1):
                op.wait()

        transpose_batch(v0a + VB, xb1, yb1, wx1)
        for op in scatter_ops(yb1, wx1, semw1):
            op.start()
        return carry

    lax.fori_loop(0, NPAIR, pair, 0)
    for op in scatter_ops(yb0, wx0, semw0):
        op.wait()
    for op in scatter_ops(yb1, wx1, semw1):
        op.wait()

    pltpu.sync_copy(i2.at[:, pl.ds(bfirst, 32)], ib)

    @plsc.parallel_loop(0, L, unroll=2)
    def p2(li):
        for h in range(2):
            base = (bfirst + h * 16 + lanes) * V
            vv = ib[li, pl.ds(h * 16, 16)]
            pos = li * 32 + h * 16
            gid[pos >> 7, pl.ds(pos & 127, 16)] = vv + base

    def fire_gather(ch, half):
        pltpu.make_async_copy(
            tsc.at[gid.at[ch]], gb.at[pl.ds(half * 128, 128)], semg).start()

    def wait_gather(half):
        pltpu.make_async_copy(
            tsc.at[gid.at[0]], gb.at[pl.ds(half * 128, 128)], semg).wait()

    def wb_op(ch):
        return pltpu.make_async_copy(
            yo.at[:, :, :, pl.ds(0, 32)],
            o5.at[pl.ds(ch * LB, LB), :, bg, :, pl.ds(bc0, 32)], semo)

    fire_gather(0, 0)

    def p23(ch, carry):
        half = ch & 1

        @pl.when(ch + 1 < NCH)
        def _():
            fire_gather(ch + 1, 1 - half)

        wait_gather(half)

        @pl.when(ch >= 1)
        def _():
            wb_op(ch - 1).wait()

        @plsc.parallel_loop(0, LB, unroll=2)
        def p3(lp):
            ilp = zero + lp
            for b4 in range(0, 32, 4):
                gs = []
                for b in range(b4, b4 + 4):
                    for h in range(2):
                        gs.append(gb[half * 128 + lp * 32 + b,
                                     pl.ds(h * 16, 16)])
                k = 0
                for b in range(b4, b4 + 4):
                    ibv = zero + b
                    for h in range(2):
                        plsc.store_scatter(
                            yo, [ilp, i_dg0 + 2 * h, i_dr, ibv], gs[k])
                        k += 1

        wb_op(ch).start()
        return carry

    lax.fori_loop(0, NCH, p23, 0)
    wb_op(NCH - 1).wait()


@jax.jit
def _run(w5, i2):
    mesh = plsc.VectorSubcoreMesh(core_axis_name="c", subcore_axis_name="s")
    f = pl.kernel(
        _body,
        out_type=(
            jax.ShapeDtypeStruct((L, 4, 8, 8, 128), jnp.float32),
            jax.ShapeDtypeStruct((B * V, D), jnp.float32),
        ),
        mesh=mesh,
        compiler_params=pltpu.CompilerParams(
            use_tc_tiling_on_sc=False, needs_layout_passes=False),
        scratch_types=[
            pltpu.VMEM((VB, 4, 8, 33), jnp.float32),
            pltpu.VMEM((VB, 4, 8, 33), jnp.float32),
            pltpu.VMEM((VB * 32, 32), jnp.float32),
            pltpu.VMEM((VB * 32, 32), jnp.float32),
            pltpu.VMEM((5, IDX_W), jnp.int32),
            pltpu.VMEM((5, IDX_W), jnp.int32),
            pltpu.VMEM((L, 32), jnp.int32),
            pltpu.VMEM((2 * NCH, IDX_W), jnp.int32),
            pltpu.VMEM((2 * IDX_W, D), jnp.float32),
            pltpu.VMEM((LB, 4, 8, 33), jnp.float32),
            pltpu.SemaphoreType.DMA,
            pltpu.SemaphoreType.DMA,
            pltpu.SemaphoreType.DMA,
            pltpu.SemaphoreType.DMA,
            pltpu.SemaphoreType.DMA,
            pltpu.SemaphoreType.DMA,
        ],
    )
    return f(w5, i2)


def kernel(input, weight):
    w5 = (weight.transpose(1, 2, 0)
          .reshape(V, 4, 8, 8, 128)
          .transpose(0, 1, 3, 2, 4))
    i2 = input.transpose(1, 0).astype(jnp.int32)
    o5, _ = _run(w5, i2)
    return (o5.transpose(0, 1, 3, 2, 4)
            .reshape(L, D, B)
            .transpose(2, 0, 1))

# --- scband reference (transcript-rebuilt; emitter-appended) ---
"""Pipeline reference for scband-hacked-embedding-77738908057793 (READ-ONLY COPY).

The authoritative reference and input builder live on the scoring server;
editing this copy changes nothing except your own understanding.
"""

import jax, jax.numpy as jnp
import numpy as np


def setup_inputs(seed: int = 0) -> dict:
    key = jax.random.key(seed)
    k1, k2 = jax.random.split(key)
    B, V, D, L = 1024, 1000, 32, 200
    inp = jax.random.randint(k1, (B, L), 0, V, dtype=jnp.int64)
    weight = jax.random.normal(k2, (B, V, D), dtype=jnp.float32)
    return {"input": inp, "weight": weight}


def reference(input, weight):
    # torch: input = input.flatten(1); weight.gather(1, input.unsqueeze(-1).expand(-1,-1,D))
    shape = list(input.shape)
    B = input.shape[0]
    flat = input.reshape(B, -1)  # [B, L]
    D = weight.shape[-1]
    idx = jnp.broadcast_to(flat[:, :, None], (B, flat.shape[1], D))  # [B, L, D]
    result = jnp.take_along_axis(weight, idx, axis=1)  # [B, L, D]
    return result.reshape(shape + [-1])

if __name__ == "__main__":
    import jax
    _d = setup_inputs()
    print(jax.jit(kernel)(*tuple(_d.values())))

</pallas_src>

<mosaic_0001>
#map = affine_map<(d0, d1) -> (0, 0, 0, 0, 0)>
#map1 = affine_map<(d0, d1) -> (0, 0)>
module attributes {stable_mosaic.version = 14 : i64} {
  func.func @_body(%arg0: i32, %arg1: i32, %arg2: memref<1000x4x8x8x128xf32, #tpu.memory_space<hbm>>, %arg3: memref<200x1024xi32, #tpu.memory_space<hbm>>, %arg4: memref<200x4x8x8x128xf32, #tpu.memory_space<hbm>>, %arg5: memref<1024000x32xf32, #tpu.memory_space<hbm>>, %arg6: memref<20x4x8x33xf32, #tpu.memory_space<vmem>>, %arg7: memref<20x4x8x33xf32, #tpu.memory_space<vmem>>, %arg8: memref<640x32xf32, #tpu.memory_space<vmem>>, %arg9: memref<640x32xf32, #tpu.memory_space<vmem>>, %arg10: memref<5x128xi32, #tpu.memory_space<vmem>>, %arg11: memref<5x128xi32, #tpu.memory_space<vmem>>, %arg12: memref<200x32xi32, #tpu.memory_space<vmem>>, %arg13: memref<100x128xi32, #tpu.memory_space<vmem>>, %arg14: memref<256x32xf32, #tpu.memory_space<vmem>>, %arg15: memref<4x4x8x33xf32, #tpu.memory_space<vmem>>, %arg16: memref<!tpu.dma_semaphore, #tpu.memory_space<semaphore_mem>>, %arg17: memref<!tpu.dma_semaphore, #tpu.memory_space<semaphore_mem>>, %arg18: memref<!tpu.dma_semaphore, #tpu.memory_space<semaphore_mem>>, %arg19: memref<!tpu.dma_semaphore, #tpu.memory_space<semaphore_mem>>, %arg20: memref<!tpu.dma_semaphore, #tpu.memory_space<semaphore_mem>>, %arg21: memref<!tpu.dma_semaphore, #tpu.memory_space<semaphore_mem>>) attributes {dimension_semantics = [#tpu.dimension_semantics<core_parallel>, #tpu.dimension_semantics<subcore_parallel>], iteration_bounds = array<i64: 2, 16>, scalar_prefetch = 0 : i64, scratch_operands = 16 : i64, tpu.core_type = #tpu.core_type<sc_vector_subcore>, window_params = [{transform_indices = #map}, {transform_indices = #map1}, {transform_indices = #map}, {transform_indices = #map1}]} {
    %mul3A = arith.constant 2 : i32
    %mul3A_0 = arith.muli %arg1, %mul3A : i32
    %add3A = arith.addi %mul3A_0, %arg0 : i32
    %shift_right_arithmetic3A = arith.constant 2 : i32
    %shift_right_arithmetic3A_1 = arith.shrsi %add3A, %shift_right_arithmetic3A : i32
    %and3A = arith.constant 3 : i32
    %and3A_2 = arith.andi %add3A, %and3A : i32
    %mul3A_3 = arith.constant 32 : i32
    %mul3A_4 = arith.muli %and3A_2, %mul3A_3 : i32
    %mul3A_5 = arith.constant 128 : i32
    %mul3A_6 = arith.muli %shift_right_arithmetic3A_1, %mul3A_5 : i32
    %add3A_7 = arith.addi %mul3A_6, %mul3A_4 : i32
    %iota3A = tpu.iota {dimensions = array<i32: 0>} : vector<16xi32>
    %mul3A_8 = arith.constant 0 : i32
    %mul3A_9 = vector.broadcast %mul3A_8 : i32 to vector<16xi32>
    %mul3A_10 = arith.muli %iota3A, %mul3A_9 : vector<16xi32>
    %shift_right_arithmetic3A_11 = arith.constant 3 : i32
    %shift_right_arithmetic3A_12 = vector.broadcast %shift_right_arithmetic3A_11 : i32 to vector<16xi32>
    %shift_right_arithmetic3A_13 = arith.shrsi %iota3A, %shift_right_arithmetic3A_12 : vector<16xi32>
    %and3A_14 = arith.constant 7 : i32
    %and3A_15 = vector.broadcast %and3A_14 : i32 to vector<16xi32>
    %and3A_16 = arith.andi %iota3A, %and3A_15 : vector<16xi32>
    %add3A_17 = vector.broadcast %add3A_7 : i32 to vector<16xi32>
    %add3A_18 = arith.addi %add3A_17, %iota3A : vector<16xi32>
    %mul3A_19 = arith.constant 1000 : i32
    %mul3A_20 = vector.broadcast %mul3A_19 : i32 to vector<16xi32>
    %mul3A_21 = arith.muli %add3A_18, %mul3A_20 : vector<16xi32>
    %add3A_22 = arith.constant 16 : i32
    %add3A_23 = arith.addi %add3A_7, %add3A_22 : i32
    %add3A_24 = vector.broadcast %add3A_23 : i32 to vector<16xi32>
    %add3A_25 = arith.addi %add3A_24, %iota3A : vector<16xi32>
    %mul3A_26 = arith.constant 1000 : i32
    %mul3A_27 = vector.broadcast %mul3A_26 : i32 to vector<16xi32>
    %mul3A_28 = arith.muli %add3A_25, %mul3A_27 : vector<16xi32>
    %dma_start3A = arith.constant 0 : i32
    %dma_start3A_29 = arith.constant 0 : i32
    %dma_start3A_30 = arith.constant 0 : i32
    %dma_start3A_31 = arith.constant 0 : i32
    %dma_start3A_32 = tpu.memref_slice %arg6[%dma_start3A, %dma_start3A_29, %dma_start3A_30, %dma_start3A_31] : memref<20x4x8x33xf32, #tpu.memory_space<vmem>> -> memref<20x4x8x32xf32, #tpu.memory_space<vmem>>
    %dma_start3A_33 = arith.constant 0 : i32
    %dma_start3A_34 = arith.constant 0 : i32
    %dma_start3A_35 = arith.constant 0 : i32
    %dma_start3A_36 = tpu.memref_slice %arg2[%dma_start3A_33, %dma_start3A_34, %shift_right_arithmetic3A_1, %dma_start3A_35, %mul3A_4] : memref<1000x4x8x8x128xf32, #tpu.memory_space<hbm>> -> memref<20x4x1x8x32xf32, #tpu.memory_space<hbm>>
    %dma_start3A_37 = tpu.memref_squeeze %dma_start3A_36 : memref<20x4x1x8x32xf32, #tpu.memory_space<hbm>> -> memref<20x4x8x32xf32, #tpu.memory_space<hbm>>
    %dma_start3A_38 = arith.constant 0 : i32
    %dma_start3A_39 = arith.constant 0 : i32
    %dma_start3A_40 = arith.constant 0 : i32
    %dma_start3A_41 = arith.constant 0 : i32
    %dma_start3A_42 = tpu.memref_slice %arg6[%dma_start3A_38, %dma_start3A_39, %dma_start3A_40, %dma_start3A_41] : memref<20x4x8x33xf32, #tpu.memory_space<vmem>> -> memref<20x4x8x32xf32, #tpu.memory_space<vmem>>
    %dma_start3A_43 = arith.constant 0 : i32
    %dma_start3A_44 = arith.constant 0 : i32
    %dma_start3A_45 = arith.constant 0 : i32
    %dma_start3A_46 = tpu.memref_slice %arg2[%dma_start3A_43, %dma_start3A_44, %shift_right_arithmetic3A_1, %dma_start3A_45, %mul3A_4] : memref<1000x4x8x8x128xf32, #tpu.memory_space<hbm>> -> memref<20x4x1x8x32xf32, #tpu.memory_space<hbm>>
    %dma_start3A_47 = tpu.memref_squeeze %dma_start3A_46 : memref<20x4x1x8x32xf32, #tpu.memory_space<hbm>> -> memref<20x4x8x32xf32, #tpu.memory_space<hbm>>
    tpu.enqueue_dma source(%dma_start3A_47 : memref<20x4x8x32xf32, #tpu.memory_space<hbm>>) target(%dma_start3A_42 : memref<20x4x8x32xf32, #tpu.memory_space<vmem>>) target_semaphore(%arg17 : memref<!tpu.dma_semaphore, #tpu.memory_space<semaphore_mem>>)
    %scan3A = arith.constant 0 : i32
    %scan3A_48 = arith.constant 0 : i32
    %scan3A_49 = arith.constant 25 : i32
    %scan3A_50 = arith.addi %scan3A_48, %scan3A_49 : i32
    %scan3A_51 = arith.constant 1 : i32
    scf.for %scan3A_190 = %scan3A_48 to %scan3A_50 step %scan3A_51  : i32 {
      %mul3A_191 = arith.constant 40 : i32
      %mul3A_192 = arith.muli %scan3A_190, %mul3A_191 : i32
      %add3A_193 = arith.constant 20 : i32
      %add3A_194 = arith.addi %mul3A_192, %add3A_193 : i32
      %dma_start3A_195 = arith.constant 0 : i32
      %dma_start3A_196 = arith.constant 0 : i32
      %dma_start3A_197 = arith.constant 0 : i32
      %dma_start3A_198 = arith.constant 0 : i32
      %dma_start3A_199 = tpu.memref_slice %arg7[%dma_start3A_195, %dma_start3A_196, %dma_start3A_197, %dma_start3A_198] : memref<20x4x8x33xf32, #tpu.memory_space<vmem>> -> memref<20x4x8x32xf32, #tpu.memory_space<vmem>>
      %dma_start3A_200 = arith.constant 0 : i32
      %dma_start3A_201 = arith.constant 0 : i32
      %dma_start3A_202 = tpu.memref_slice %arg2[%add3A_194, %dma_start3A_200, %shift_right_arithmetic3A_1, %dma_start3A_201, %mul3A_4] : memref<1000x4x8x8x128xf32, #tpu.memory_space<hbm>> -> memref<20x4x1x8x32xf32, #tpu.memory_space<hbm>>
      %dma_start3A_203 = tpu.memref_squeeze %dma_start3A_202 : memref<20x4x1x8x32xf32, #tpu.memory_space<hbm>> -> memref<20x4x8x32xf32, #tpu.memory_space<hbm>>
      %dma_start3A_204 = arith.constant 0 : i32
      %dma_start3A_205 = arith.constant 0 : i32
      %dma_start3A_206 = arith.constant 0 : i32
      %dma_start3A_207 = arith.constant 0 : i32
      %dma_start3A_208 = tpu.memref_slice %arg7[%dma_start3A_204, %dma_start3A_205, %dma_start3A_206, %dma_start3A_207] : memref<20x4x8x33xf32, #tpu.memory_space<vmem>> -> memref<20x4x8x32xf32, #tpu.memory_space<vmem>>
      %dma_start3A_209 = arith.constant 0 : i32
      %dma_start3A_210 = arith.constant 0 : i32
      %dma_start3A_211 = tpu.memref_slice %arg2[%add3A_194, %dma_start3A_209, %shift_right_arithmetic3A_1, %dma_start3A_210, %mul3A_4] : memref<1000x4x8x8x128xf32, #tpu.memory_space<hbm>> -> memref<20x4x1x8x32xf32, #tpu.memory_space<hbm>>
      %dma_start3A_212 = tpu.memref_squeeze %dma_start3A_211 : memref<20x4x1x8x32xf32, #tpu.memory_space<hbm>> -> memref<20x4x8x32xf32, #tpu.memory_space<hbm>>
      tpu.enqueue_dma source(%dma_start3A_212 : memref<20x4x8x32xf32, #tpu.memory_space<hbm>>) target(%dma_start3A_208 : memref<20x4x8x32xf32, #tpu.memory_space<vmem>>) target_semaphore(%arg18 : memref<!tpu.dma_semaphore, #tpu.memory_space<semaphore_mem>>)
      %dma_wait3A_213 = arith.constant 0 : i32
      %dma_wait3A_214 = arith.constant 0 : i32
      %dma_wait3A_215 = arith.constant 0 : i32
      %dma_wait3A_216 = arith.constant 0 : i32
      %dma_wait3A_217 = tpu.memref_slice %arg6[%dma_wait3A_213, %dma_wait3A_214, %dma_wait3A_215, %dma_wait3A_216] : memref<20x4x8x33xf32, #tpu.memory_space<vmem>> -> memref<20x4x8x32xf32, #tpu.memory_space<vmem>>
      %dma_wait3A_218 = arith.constant 0 : i32
      %dma_wait3A_219 = arith.constant 0 : i32
      %dma_wait3A_220 = tpu.memref_slice %arg2[%mul3A_192, %dma_wait3A_218, %shift_right_arithmetic3A_1, %dma_wait3A_219, %mul3A_4] : memref<1000x4x8x8x128xf32, #tpu.memory_space<hbm>> -> memref<20x4x1x8x32xf32, #tpu.memory_space<hbm>>
      %dma_wait3A_221 = tpu.memref_squeeze %dma_wait3A_220 : memref<20x4x1x8x32xf32, #tpu.memory_space<hbm>> -> memref<20x4x8x32xf32, #tpu.memory_space<hbm>>
      %dma_wait3A_222 = arith.constant 0 : i32
      %dma_wait3A_223 = arith.constant 0 : i32
      %dma_wait3A_224 = arith.constant 0 : i32
      %dma_wait3A_225 = arith.constant 0 : i32
      %dma_wait3A_226 = tpu.memref_slice %arg6[%dma_wait3A_222, %dma_wait3A_223, %dma_wait3A_224, %dma_wait3A_225] : memref<20x4x8x33xf32, #tpu.memory_space<vmem>> -> memref<20x4x8x32xf32, #tpu.memory_space<vmem>>
      %dma_wait3A_227 = arith.constant 0 : i32
      %dma_wait3A_228 = arith.constant 0 : i32
      %dma_wait3A_229 = tpu.memref_slice %arg2[%mul3A_192, %dma_wait3A_227, %shift_right_arithmetic3A_1, %dma_wait3A_228, %mul3A_4] : memref<1000x4x8x8x128xf32, #tpu.memory_space<hbm>> -> memref<20x4x1x8x32xf32, #tpu.memory_space<hbm>>
      %dma_wait3A_230 = tpu.memref_squeeze %dma_wait3A_229 : memref<20x4x1x8x32xf32, #tpu.memory_space<hbm>> -> memref<20x4x8x32xf32, #tpu.memory_space<hbm>>
      tpu.wait_dma2 semaphore(%arg17 : memref<!tpu.dma_semaphore, #tpu.memory_space<semaphore_mem>>) src(%dma_wait3A_230 : memref<20x4x8x32xf32, #tpu.memory_space<hbm>>) dst(%dma_wait3A_226 : memref<20x4x8x32xf32, #tpu.memory_space<vmem>>)
      %gt3A = arith.constant 0 : i32
      %gt3A_231 = arith.cmpi sgt, %scan3A_190, %gt3A : i32
      %convert_element_type3A = arith.extui %gt3A_231 : i1 to i32
      %cond3A = arith.constant 0 : i32
      %cond3A_232 = arith.cmpi ne, %convert_element_type3A, %cond3A : i32
      scf.if %cond3A_232 {
        %dma_wait3A_372 = arith.constant 0 : i32
        %dma_wait3A_373 = arith.constant 0 : i32
        %dma_wait3A_374 = arith.constant 0 : i32
        %dma_wait3A_375 = tpu.memref_slice %arg8[%dma_wait3A_373, %dma_wait3A_374] : memref<640x32xf32, #tpu.memory_space<vmem>> -> memref<128x32xf32, #tpu.memory_space<vmem>>
        %dma_wait3A_376 = arith.constant 0 : i32
        %dma_wait3A_377 = tpu.memref_slice %arg10[%dma_wait3A_372, %dma_wait3A_376] : memref<5x128xi32, #tpu.memory_space<vmem>> -> memref<1x128xi32, #tpu.memory_space<vmem>>
        %dma_wait3A_378 = tpu.memref_squeeze %dma_wait3A_377 : memref<1x128xi32, #tpu.memory_space<vmem>> -> memref<128xi32, #tpu.memory_space<vmem>>
        %dma_wait3A_379 = arith.constant 0 : i32
        %dma_wait3A_380 = arith.constant 0 : i32
        %dma_wait3A_381 = tpu.memref_slice %arg5[%dma_wait3A_379, %dma_wait3A_380] : memref<1024000x32xf32, #tpu.memory_space<hbm>> -> memref<1024000x32xf32, #tpu.memory_space<hbm>>
        tpu.wait_indirect_dma semaphore(%arg19 : memref<!tpu.dma_semaphore, #tpu.memory_space<semaphore_mem>>) src(%dma_wait3A_375 : memref<128x32xf32, #tpu.memory_space<vmem>>) dst(%dma_wait3A_381 : memref<1024000x32xf32, #tpu.memory_space<hbm>>)
        %dma_wait3A_382 = arith.constant 1 : i32
        %dma_wait3A_383 = arith.constant 128 : i32
        %dma_wait3A_384 = arith.constant 0 : i32
        %dma_wait3A_385 = tpu.memref_slice %arg8[%dma_wait3A_383, %dma_wait3A_384] : memref<640x32xf32, #tpu.memory_space<vmem>> -> memref<128x32xf32, #tpu.memory_space<vmem>>
        %dma_wait3A_386 = arith.constant 0 : i32
        %dma_wait3A_387 = tpu.memref_slice %arg10[%dma_wait3A_382, %dma_wait3A_386] : memref<5x128xi32, #tpu.memory_space<vmem>> -> memref<1x128xi32, #tpu.memory_space<vmem>>
        %dma_wait3A_388 = tpu.memref_squeeze %dma_wait3A_387 : memref<1x128xi32, #tpu.memory_space<vmem>> -> memref<128xi32, #tpu.memory_space<vmem>>
        %dma_wait3A_389 = arith.constant 0 : i32
        %dma_wait3A_390 = arith.constant 0 : i32
        %dma_wait3A_391 = tpu.memref_slice %arg5[%dma_wait3A_389, %dma_wait3A_390] : memref<1024000x32xf32, #tpu.memory_space<hbm>> -> memref<1024000x32xf32, #tpu.memory_space<hbm>>
        tpu.wait_indirect_dma semaphore(%arg19 : memref<!tpu.dma_semaphore, #tpu.memory_space<semaphore_mem>>) src(%dma_wait3A_385 : memref<128x32xf32, #tpu.memory_space<vmem>>) dst(%dma_wait3A_391 : memref<1024000x32xf32, #tpu.memory_space<hbm>>)
        %dma_wait3A_392 = arith.constant 2 : i32
        %dma_wait3A_393 = arith.constant 256 : i32
        %dma_wait3A_394 = arith.constant 0 : i32
        %dma_wait3A_395 = tpu.memref_slice %arg8[%dma_wait3A_393, %dma_wait3A_394] : memref<640x32xf32, #tpu.memory_space<vmem>> -> memref<128x32xf32, #tpu.memory_space<vmem>>
        %dma_wait3A_396 = arith.constant 0 : i32
        %dma_wait3A_397 = tpu.memref_slice %arg10[%dma_wait3A_392, %dma_wait3A_396] : memref<5x128xi32, #tpu.memory_space<vmem>> -> memref<1x128xi32, #tpu.memory_space<vmem>>
        %dma_wait3A_398 = tpu.memref_squeeze %dma_wait3A_397 : memref<1x128xi32, #tpu.memory_space<vmem>> -> memref<128xi32, #tpu.memory_space<vmem>>
        %dma_wait3A_399 = arith.constant 0 : i32
        %dma_wait3A_400 = arith.constant 0 : i32
        %dma_wait3A_401 = tpu.memref_slice %arg5[%dma_wait3A_399, %dma_wait3A_400] : memref<1024000x32xf32, #tpu.memory_space<hbm>> -> memref<1024000x32xf32, #tpu.memory_space<hbm>>
        tpu.wait_indirect_dma semaphore(%arg19 : memref<!tpu.dma_semaphore, #tpu.memory_space<semaphore_mem>>) src(%dma_wait3A_395 : memref<128x32xf32, #tpu.memory_space<vmem>>) dst(%dma_wait3A_401 : memref<1024000x32xf32, #tpu.memory_space<hbm>>)
        %dma_wait3A_402 = arith.constant 3 : i32
        %dma_wait3A_403 = arith.constant 384 : i32
        %dma_wait3A_404 = arith.constant 0 : i32
        %dma_wait3A_405 = tpu.memref_slice %arg8[%dma_wait3A_403, %dma_wait3A_404] : memref<640x32xf32, #tpu.memory_space<vmem>> -> memref<128x32xf32, #tpu.memory_space<vmem>>
        %dma_wait3A_406 = arith.constant 0 : i32
        %dma_wait3A_407 = tpu.memref_slice %arg10[%dma_wait3A_402, %dma_wait3A_406] : memref<5x128xi32, #tpu.memory_space<vmem>> -> memref<1x128xi32, #tpu.memory_space<vmem>>
        %dma_wait3A_408 = tpu.memref_squeeze %dma_wait3A_407 : memref<1x128xi32, #tpu.memory_space<vmem>> -> memref<128xi32, #tpu.memory_space<vmem>>
        %dma_wait3A_409 = arith.constant 0 : i32
        %dma_wait3A_410 = arith.constant 0 : i32
        %dma_wait3A_411 = tpu.memref_slice %arg5[%dma_wait3A_409, %dma_wait3A_410] : memref<1024000x32xf32, #tpu.memory_space<hbm>> -> memref<1024000x32xf32, #tpu.memory_space<hbm>>
        tpu.wait_indirect_dma semaphore(%arg19 : memref<!tpu.dma_semaphore, #tpu.memory_space<semaphore_mem>>) src(%dma_wait3A_405 : memref<128x32xf32, #tpu.memory_space<vmem>>) dst(%dma_wait3A_411 : memref<1024000x32xf32, #tpu.memory_space<hbm>>)
        %dma_wait3A_412 = arith.constant 4 : i32
        %dma_wait3A_413 = arith.constant 512 : i32
        %dma_wait3A_414 = arith.constant 0 : i32
        %dma_wait3A_415 = tpu.memref_slice %arg8[%dma_wait3A_413, %dma_wait3A_414] : memref<640x32xf32, #tpu.memory_space<vmem>> -> memref<128x32xf32, #tpu.memory_space<vmem>>
        %dma_wait3A_416 = arith.constant 0 : i32
        %dma_wait3A_417 = tpu.memref_slice %arg10[%dma_wait3A_412, %dma_wait3A_416] : memref<5x128xi32, #tpu.memory_space<vmem>> -> memref<1x128xi32, #tpu.memory_space<vmem>>
        %dma_wait3A_418 = tpu.memref_squeeze %dma_wait3A_417 : memref<1x128xi32, #tpu.memory_space<vmem>> -> memref<128xi32, #tpu.memory_space<vmem>>
        %dma_wait3A_419 = arith.constant 0 : i32
        %dma_wait3A_420 = arith.constant 0 : i32
        %dma_wait3A_421 = tpu.memref_slice %arg5[%dma_wait3A_419, %dma_wait3A_420] : memref<1024000x32xf32, #tpu.memory_space<hbm>> -> memref<1024000x32xf32, #tpu.memory_space<hbm>>
        tpu.wait_indirect_dma semaphore(%arg19 : memref<!tpu.dma_semaphore, #tpu.memory_space<semaphore_mem>>) src(%dma_wait3A_415 : memref<128x32xf32, #tpu.memory_space<vmem>>) dst(%dma_wait3A_421 : memref<1024000x32xf32, #tpu.memory_space<hbm>>)
      } else {
      }
      %parallel_loop3A_233 = arith.constant 0 : i32
      %parallel_loop3A_234 = arith.constant 20 : i32
      %parallel_loop3A_235 = arith.constant 1 : i32
      scf.for %parallel_loop3A_372 = %parallel_loop3A_233 to %parallel_loop3A_234 step %parallel_loop3A_235  : i32 {
        %parallel_loop3A_373 = arith.constant 0 : i32
        %parallel_loop3A_374 = vector.broadcast %parallel_loop3A_373 : i32 to vector<16xi32>
        %parallel_loop3A_375 = arith.addi %mul3A_10, %parallel_loop3A_374 : vector<16xi32>
        %parallel_loop3A_376 = arith.constant 0 : i32
        %parallel_loop3A_377 = vector.broadcast %parallel_loop3A_376 : i32 to vector<16xi32>
        %parallel_loop3A_378 = arith.addi %shift_right_arithmetic3A_13, %parallel_loop3A_377 : vector<16xi32>
        %parallel_loop3A_379 = arith.constant 0 : i32
        %parallel_loop3A_380 = arith.constant 0 : i32
        %parallel_loop3A_381 = arith.constant 0 : i32
        %parallel_loop3A_382 = tpu.memref_slice %arg6[%parallel_loop3A_372, %parallel_loop3A_379, %parallel_loop3A_380, %parallel_loop3A_381] : memref<20x4x8x33xf32, #tpu.memory_space<vmem>> -> memref<1x4x8x33xf32, #tpu.memory_space<vmem>>
        %parallel_loop3A_383 = tpu.memref_squeeze %parallel_loop3A_382 : memref<1x4x8x33xf32, #tpu.memory_space<vmem>> -> memref<4x8x33xf32, #tpu.memory_space<vmem>>
        %parallel_loop3A_384 = tpu.vector_load_idx %parallel_loop3A_383[%parallel_loop3A_378, %and3A_16, %parallel_loop3A_375] : memref<4x8x33xf32, #tpu.memory_space<vmem>>[vector<16xi32>, vector<16xi32>, vector<16xi32>], vector<16xf32>,
        %parallel_loop3A_385 = arith.constant 2 : i32
        %parallel_loop3A_386 = vector.broadcast %parallel_loop3A_385 : i32 to vector<16xi32>
        %parallel_loop3A_387 = arith.addi %shift_right_arithmetic3A_13, %parallel_loop3A_386 : vector<16xi32>
        %parallel_loop3A_388 = arith.constant 0 : i32
        %parallel_loop3A_389 = arith.constant 0 : i32
        %parallel_loop3A_390 = arith.constant 0 : i32
        %parallel_loop3A_391 = tpu.memref_slice %arg6[%parallel_loop3A_372, %parallel_loop3A_388, %parallel_loop3A_389, %parallel_loop3A_390] : memref<20x4x8x33xf32, #tpu.memory_space<vmem>> -> memref<1x4x8x33xf32, #tpu.memory_space<vmem>>
        %parallel_loop3A_392 = tpu.memref_squeeze %parallel_loop3A_391 : memref<1x4x8x33xf32, #tpu.memory_space<vmem>> -> memref<4x8x33xf32, #tpu.memory_space<vmem>>
        %parallel_loop3A_393 = tpu.vector_load_idx %parallel_loop3A_392[%parallel_loop3A_387, %and3A_16, %parallel_loop3A_375] : memref<4x8x33xf32, #tpu.memory_space<vmem>>[vector<16xi32>, vector<16xi32>, vector<16xi32>], vector<16xf32>,
        %parallel_loop3A_394 = arith.constant 1 : i32
        %parallel_loop3A_395 = vector.broadcast %parallel_loop3A_394 : i32 to vector<16xi32>
        %parallel_loop3A_396 = arith.addi %mul3A_10, %parallel_loop3A_395 : vector<16xi32>
        %parallel_loop3A_397 = arith.constant 0 : i32
        %parallel_loop3A_398 = vector.broadcast %parallel_loop3A_397 : i32 to vector<16xi32>
        %parallel_loop3A_399 = arith.addi %shift_right_arithmetic3A_13, %parallel_loop3A_398 : vector<16xi32>
        %parallel_loop3A_400 = arith.constant 0 : i32
        %parallel_loop3A_401 = arith.constant 0 : i32
        %parallel_loop3A_402 = arith.constant 0 : i32
        %parallel_loop3A_403 = tpu.memref_slice %arg6[%parallel_loop3A_372, %parallel_loop3A_400, %parallel_loop3A_401, %parallel_loop3A_402] : memref<20x4x8x33xf32, #tpu.memory_space<vmem>> -> memref<1x4x8x33xf32, #tpu.memory_space<vmem>>
        %parallel_loop3A_404 = tpu.memref_squeeze %parallel_loop3A_403 : memref<1x4x8x33xf32, #tpu.memory_space<vmem>> -> memref<4x8x33xf32, #tpu.memory_space<vmem>>
        %parallel_loop3A_405 = tpu.vector_load_idx %parallel_loop3A_404[%parallel_loop3A_399, %and3A_16, %parallel_loop3A_396] : memref<4x8x33xf32, #tpu.memory_space<vmem>>[vector<16xi32>, vector<16xi32>, vector<16xi32>], vector<16xf32>,
        %parallel_loop3A_406 = arith.constant 2 : i32
        %parallel_loop3A_407 = vector.broadcast %parallel_loop3A_406 : i32 to vector<16xi32>
        %parallel_loop3A_408 = arith.addi %shift_right_arithmetic3A_13, %parallel_loop3A_407 : vector<16xi32>
        %parallel_loop3A_409 = arith.constant 0 : i32
        %parallel_loop3A_410 = arith.constant 0 : i32
        %parallel_loop3A_411 = arith.constant 0 : i32
        %parallel_loop3A_412 = tpu.memref_slice %arg6[%parallel_loop3A_372, %parallel_loop3A_409, %parallel_loop3A_410, %parallel_loop3A_411] : memref<20x4x8x33xf32, #tpu.memory_space<vmem>> -> memref<1x4x8x33xf32, #tpu.memory_space<vmem>>
        %parallel_loop3A_413 = tpu.memref_squeeze %parallel_loop3A_412 : memref<1x4x8x33xf32, #tpu.memory_space<vmem>> -> memref<4x8x33xf32, #tpu.memory_space<vmem>>
        %parallel_loop3A_414 = tpu.vector_load_idx %parallel_loop3A_413[%parallel_loop3A_408, %and3A_16, %parallel_loop3A_396] : memref<4x8x33xf32, #tpu.memory_space<vmem>>[vector<16xi32>, vector<16xi32>, vector<16xi32>], vector<16xf32>,
        %parallel_loop3A_415 = arith.constant 2 : i32
        %parallel_loop3A_416 = vector.broadcast %parallel_loop3A_415 : i32 to vector<16xi32>
        %parallel_loop3A_417 = arith.addi %mul3A_10, %parallel_loop3A_416 : vector<16xi32>
        %parallel_loop3A_418 = arith.constant 0 : i32
        %parallel_loop3A_419 = vector.broadcast %parallel_loop3A_418 : i32 to vector<16xi32>
        %parallel_loop3A_420 = arith.addi %shift_right_arithmetic3A_13, %parallel_loop3A_419 : vector<16xi32>
        %parallel_loop3A_421 = arith.constant 0 : i32
        %parallel_loop3A_422 = arith.constant 0 : i32
        %parallel_loop3A_423 = arith.constant 0 : i32
        %parallel_loop3A_424 = tpu.memref_slice %arg6[%parallel_loop3A_372, %parallel_loop3A_421, %parallel_loop3A_422, %parallel_loop3A_423] : memref<20x4x8x33xf32, #tpu.memory_space<vmem>> -> memref<1x4x8x33xf32, #tpu.memory_space<vmem>>
        %parallel_loop3A_425 = tpu.memref_squeeze %parallel_loop3A_424 : memref<1x4x8x33xf32, #tpu.memory_space<vmem>> -> memref<4x8x33xf32, #tpu.memory_space<vmem>>
        %parallel_loop3A_426 = tpu.vector_load_idx %parallel_loop3A_425[%parallel_loop3A_420, %and3A_16, %parallel_loop3A_417] : memref<4x8x33xf32, #tpu.memory_space<vmem>>[vector<16xi32>, vector<16xi32>, vector<16xi32>], vector<16xf32>,
        %parallel_loop3A_427 = arith.constant 2 : i32
        %parallel_loop3A_428 = vector.broadcast %parallel_loop3A_427 : i32 to vector<16xi32>
        %parallel_loop3A_429 = arith.addi %shift_right_arithmetic3A_13, %parallel_loop3A_428 : vector<16xi32>
        %parallel_loop3A_430 = arith.constant 0 : i32
        %parallel_loop3A_431 = arith.constant 0 : i32
        %parallel_loop3A_432 = arith.constant 0 : i32
        %parallel_loop3A_433 = tpu.memref_slice %arg6[%parallel_loop3A_372, %parallel_loop3A_430, %parallel_loop3A_431, %parallel_loop3A_432] : memref<20x4x8x33xf32, #tpu.memory_space<vmem>> -> memref<1x4x8x33xf32, #tpu.memory_space<vmem>>
        %parallel_loop3A_434 = tpu.memref_squeeze %parallel_loop3A_433 : memref<1x4x8x33xf32, #tpu.memory_space<vmem>> -> memref<4x8x33xf32, #tpu.memory_space<vmem>>
        %parallel_loop3A_435 = tpu.vector_load_idx %parallel_loop3A_434[%parallel_loop3A_429, %and3A_16, %parallel_loop3A_417] : memref<4x8x33xf32, #tpu.memory_space<vmem>>[vector<16xi32>, vector<16xi32>, vector<16xi32>], vector<16xf32>,
        %parallel_loop3A_436 = arith.constant 3 : i32
        %parallel_loop3A_437 = vector.broadcast %parallel_loop3A_436 : i32 to vector<16xi32>
        %parallel_loop3A_438 = arith.addi %mul3A_10, %parallel_loop3A_437 : vector<16xi32>
        %parallel_loop3A_439 = arith.constant 0 : i32
        %parallel_loop3A_440 = vector.broadcast %parallel_loop3A_439 : i32 to vector<16xi32>
        %parallel_loop3A_441 = arith.addi %shift_right_arithmetic3A_13, %parallel_loop3A_440 : vector<16xi32>
        %parallel_loop3A_442 = arith.constant 0 : i32
        %parallel_loop3A_443 = arith.constant 0 : i32
        %parallel_loop3A_444 = arith.constant 0 : i32
        %parallel_loop3A_445 = tpu.memref_slice %arg6[%parallel_loop3A_372, %parallel_loop3A_442, %parallel_loop3A_443, %parallel_loop3A_444] : memref<20x4x8x33xf32, #tpu.memory_space<vmem>> -> memref<1x4x8x33xf32, #tpu.memory_space<vmem>>
        %parallel_loop3A_446 = tpu.memref_squeeze %parallel_loop3A_445 : memref<1x4x8x33xf32, #tpu.memory_space<vmem>> -> memref<4x8x33xf32, #tpu.memory_space<vmem>>
        %parallel_loop3A_447 = tpu.vector_load_idx %parallel_loop3A_446[%parallel_loop3A_441, %and3A_16, %parallel_loop3A_438] : memref<4x8x33xf32, #tpu.memory_space<vmem>>[vector<16xi32>, vector<16xi32>, vector<16xi32>], vector<16xf32>,
        %parallel_loop3A_448 = arith.constant 2 : i32
        %parallel_loop3A_449 = vector.broadcast %parallel_loop3A_448 : i32 to vector<16xi32>
        %parallel_loop3A_450 = arith.addi %shift_right_arithmetic3A_13, %parallel_loop3A_449 : vector<16xi32>
        %parallel_loop3A_451 = arith.constant 0 : i32
        %parallel_loop3A_452 = arith.constant 0 : i32
        %parallel_loop3A_453 = arith.constant 0 : i32
        %parallel_loop3A_454 = tpu.memref_slice %arg6[%parallel_loop3A_372, %parallel_loop3A_451, %parallel_loop3A_452, %parallel_loop3A_453] : memref<20x4x8x33xf32, #tpu.memory_space<vmem>> -> memref<1x4x8x33xf32, #tpu.memory_space<vmem>>
        %parallel_loop3A_455 = tpu.memref_squeeze %parallel_loop3A_454 : memref<1x4x8x33xf32, #tpu.memory_space<vmem>> -> memref<4x8x33xf32, #tpu.memory_space<vmem>>
        %parallel_loop3A_456 = tpu.vector_load_idx %parallel_loop3A_455[%parallel_loop3A_450, %and3A_16, %parallel_loop3A_438] : memref<4x8x33xf32, #tpu.memory_space<vmem>>[vector<16xi32>, vector<16xi32>, vector<16xi32>], vector<16xf32>,
        %parallel_loop3A_457 = arith.constant 32 : i32
        %parallel_loop3A_458 = arith.muli %parallel_loop3A_372, %parallel_loop3A_457 : i32
        %parallel_loop3A_459 = arith.constant 0 : i32
        %parallel_loop3A_460 = arith.addi %parallel_loop3A_458, %parallel_loop3A_459 : i32
        %parallel_loop3A_461 = arith.index_cast %parallel_loop3A_460 : i32 to index
        %parallel_loop3A_462 = arith.constant 0 : index
        %parallel_loop3A_463 = tpu.vector_load %arg8[%parallel_loop3A_461, %parallel_loop3A_462] {strides = array<i32>} : memref<640x32xf32, #tpu.memory_space<vmem>>, vector<16xf32>,
        tpu.vector_store %arg8[%parallel_loop3A_461, %parallel_loop3A_462], %parallel_loop3A_384 {strides = array<i32>} : memref<640x32xf32, #tpu.memory_space<vmem>>, vector<16xf32>,
        %parallel_loop3A_464 = arith.constant 32 : i32
        %parallel_loop3A_465 = arith.muli %parallel_loop3A_372, %parallel_loop3A_464 : i32
        %parallel_loop3A_466 = arith.constant 0 : i32
        %parallel_loop3A_467 = arith.addi %parallel_loop3A_465, %parallel_loop3A_466 : i32
        %parallel_loop3A_468 = arith.index_cast %parallel_loop3A_467 : i32 to index
        %parallel_loop3A_469 = arith.constant 16 : index
        %parallel_loop3A_470 = tpu.vector_load %arg8[%parallel_loop3A_468, %parallel_loop3A_469] {strides = array<i32>} : memref<640x32xf32, #tpu.memory_space<vmem>>, vector<16xf32>,
        tpu.vector_store %arg8[%parallel_loop3A_468, %parallel_loop3A_469], %parallel_loop3A_393 {strides = array<i32>} : memref<640x32xf32, #tpu.memory_space<vmem>>, vector<16xf32>,
        %parallel_loop3A_471 = arith.constant 32 : i32
        %parallel_loop3A_472 = arith.muli %parallel_loop3A_372, %parallel_loop3A_471 : i32
        %parallel_loop3A_473 = arith.constant 1 : i32
        %parallel_loop3A_474 = arith.addi %parallel_loop3A_472, %parallel_loop3A_473 : i32
        %parallel_loop3A_475 = arith.index_cast %parallel_loop3A_474 : i32 to index
        %parallel_loop3A_476 = arith.constant 0 : index
        %parallel_loop3A_477 = tpu.vector_load %arg8[%parallel_loop3A_475, %parallel_loop3A_476] {strides = array<i32>} : memref<640x32xf32, #tpu.memory_space<vmem>>, vector<16xf32>,
        tpu.vector_store %arg8[%parallel_loop3A_475, %parallel_loop3A_476], %parallel_loop3A_405 {strides = array<i32>} : memref<640x32xf32, #tpu.memory_space<vmem>>, vector<16xf32>,
        %parallel_loop3A_478 = arith.constant 32 : i32
        %parallel_loop3A_479 = arith.muli %parallel_loop3A_372, %parallel_loop3A_478 : i32
        %parallel_loop3A_480 = arith.constant 1 : i32
        %parallel_loop3A_481 = arith.addi %parallel_loop3A_479, %parallel_loop3A_480 : i32
        %parallel_loop3A_482 = arith.index_cast %parallel_loop3A_481 : i32 to index
        %parallel_loop3A_483 = arith.constant 16 : index
        %parallel_loop3A_484 = tpu.vector_load %arg8[%parallel_loop3A_482, %parallel_loop3A_483] {strides = array<i32>} : memref<640x32xf32, #tpu.memory_space<vmem>>, vector<16xf32>,
        tpu.vector_store %arg8[%parallel_loop3A_482, %parallel_loop3A_483], %parallel_loop3A_414 {strides = array<i32>} : memref<640x32xf32, #tpu.memory_space<vmem>>, vector<16xf32>,
        %parallel_loop3A_485 = arith.constant 32 : i32
        %parallel_loop3A_486 = arith.muli %parallel_loop3A_372, %parallel_loop3A_485 : i32
        %parallel_loop3A_487 = arith.constant 2 : i32
        %parallel_loop3A_488 = arith.addi %parallel_loop3A_486, %parallel_loop3A_487 : i32
        %parallel_loop3A_489 = arith.index_cast %parallel_loop3A_488 : i32 to index
        %parallel_loop3A_490 = arith.constant 0 : index
        %parallel_loop3A_491 = tpu.vector_load %arg8[%parallel_loop3A_489, %parallel_loop3A_490] {strides = array<i32>} : memref<640x32xf32, #tpu.memory_space<vmem>>, vector<16xf32>,
        tpu.vector_store %arg8[%parallel_loop3A_489, %parallel_loop3A_490], %parallel_loop3A_426 {strides = array<i32>} : memref<640x32xf32, #tpu.memory_space<vmem>>, vector<16xf32>,
        %parallel_loop3A_492 = arith.constant 32 : i32
        %parallel_loop3A_493 = arith.muli %parallel_loop3A_372, %parallel_loop3A_492 : i32
        %parallel_loop3A_494 = arith.constant 2 : i32
        %parallel_loop3A_495 = arith.addi %parallel_loop3A_493, %parallel_loop3A_494 : i32
        %parallel_loop3A_496 = arith.index_cast %parallel_loop3A_495 : i32 to index
        %parallel_loop3A_497 = arith.constant 16 : index
        %parallel_loop3A_498 = tpu.vector_load %arg8[%parallel_loop3A_496, %parallel_loop3A_497] {strides = array<i32>} : memref<640x32xf32, #tpu.memory_space<vmem>>, vector<16xf32>,
        tpu.vector_store %arg8[%parallel_loop3A_496, %parallel_loop3A_497], %parallel_loop3A_435 {strides = array<i32>} : memref<640x32xf32, #tpu.memory_space<vmem>>, vector<16xf32>,
        %parallel_loop3A_499 = arith.constant 32 : i32
        %parallel_loop3A_500 = arith.muli %parallel_loop3A_372, %parallel_loop3A_499 : i32
        %parallel_loop3A_501 = arith.constant 3 : i32
        %parallel_loop3A_502 = arith.addi %parallel_loop3A_500, %parallel_loop3A_501 : i32
        %parallel_loop3A_503 = arith.index_cast %parallel_loop3A_502 : i32 to index
        %parallel_loop3A_504 = arith.constant 0 : index
        %parallel_loop3A_505 = tpu.vector_load %arg8[%parallel_loop3A_503, %parallel_loop3A_504] {strides = array<i32>} : memref<640x32xf32, #tpu.memory_space<vmem>>, vector<16xf32>,
        tpu.vector_store %arg8[%parallel_loop3A_503, %parallel_loop3A_504], %parallel_loop3A_447 {strides = array<i32>} : memref<640x32xf32, #tpu.memory_space<vmem>>, vector<16xf32>,
        %parallel_loop3A_506 = arith.constant 32 : i32
        %parallel_loop3A_507 = arith.muli %parallel_loop3A_372, %parallel_loop3A_506 : i32
        %parallel_loop3A_508 = arith.constant 3 : i32
        %parallel_loop3A_509 = arith.addi %parallel_loop3A_507, %parallel_loop3A_508 : i32
        %parallel_loop3A_510 = arith.index_cast %parallel_loop3A_509 : i32 to index
        %parallel_loop3A_511 = arith.constant 16 : index
        %parallel_loop3A_512 = tpu.vector_load %arg8[%parallel_loop3A_510, %parallel_loop3A_511] {strides = array<i32>} : memref<640x32xf32, #tpu.memory_space<vmem>>, vector<16xf32>,
        tpu.vector_store %arg8[%parallel_loop3A_510, %parallel_loop3A_511], %parallel_loop3A_456 {strides = array<i32>} : memref<640x32xf32, #tpu.memory_space<vmem>>, vector<16xf32>,
        %parallel_loop3A_513 = arith.constant 4 : i32
        %parallel_loop3A_514 = vector.broadcast %parallel_loop3A_513 : i32 to vector<16xi32>
        %parallel_loop3A_515 = arith.addi %mul3A_10, %parallel_loop3A_514 : vector<16xi32>
        %parallel_loop3A_516 = arith.constant 0 : i32
        %parallel_loop3A_517 = vector.broadcast %parallel_loop3A_516 : i32 to vector<16xi32>
        %parallel_loop3A_518 = arith.addi %shift_right_arithmetic3A_13, %parallel_loop3A_517 : vector<16xi32>
        %parallel_loop3A_519 = arith.constant 0 : i32
        %parallel_loop3A_520 = arith.constant 0 : i32
        %parallel_loop3A_521 = arith.constant 0 : i32
        %parallel_loop3A_522 = tpu.memref_slice %arg6[%parallel_loop3A_372, %parallel_loop3A_519, %parallel_loop3A_520, %parallel_loop3A_521] : memref<20x4x8x33xf32, #tpu.memory_space<vmem>> -> memref<1x4x8x33xf32, #tpu.memory_space<vmem>>
        %parallel_loop3A_523 = tpu.memref_squeeze %parallel_loop3A_522 : memref<1x4x8x33xf32, #tpu.memory_space<vmem>> -> memref<4x8x33xf32, #tpu.memory_space<vmem>>
        %parallel_loop3A_524 = tpu.vector_load_idx %parallel_loop3A_523[%parallel_loop3A_518, %and3A_16, %parallel_loop3A_515] : memref<4x8x33xf32, #tpu.memory_space<vmem>>[vector<16xi32>, vector<16xi32>, vector<16xi32>], vector<16xf32>,
        %parallel_loop3A_525 = arith.constant 2 : i32
        %parallel_loop3A_526 = vector.broadcast %parallel_loop3A_525 : i32 to vector<16xi32>
        %parallel_loop3A_527 = arith.addi %shift_right_arithmetic3A_13, %parallel_loop3A_526 : vector<16xi32>
        %parallel_loop3A_528 = arith.constant 0 : i32
        %parallel_loop3A_529 = arith.constant 0 : i32
        %parallel_loop3A_530 = arith.constant 0 : i32
        %parallel_loop3A_531 = tpu.memref_slice %arg6[%parallel_loop3A_372, %parallel_loop3A_528, %parallel_loop3A_529, %parallel_loop3A_530] : memref<20x4x8x33xf32, #tpu.memory_space<vmem>> -> memref<1x4x8x33xf32, #tpu.memory_space<vmem>>
        %parallel_loop3A_532 = tpu.memref_squeeze %parallel_loop3A_531 : memref<1x4x8x33xf32, #tpu.memory_space<vmem>> -> memref<4x8x33xf32, #tpu.memory_space<vmem>>
        %parallel_loop3A_533 = tpu.vector_load_idx %parallel_loop3A_532[%parallel_loop3A_527, %and3A_16, %parallel_loop3A_515] : memref<4x8x33xf32, #tpu.memory_space<vmem>>[vector<16xi32>, vector<16xi32>, vector<16xi32>], vector<16xf32>,
        %parallel_loop3A_534 = arith.constant 5 : i32
        %parallel_loop3A_535 = vector.broadcast %parallel_loop3A_534 : i32 to vector<16xi32>
        %parallel_loop3A_536 = arith.addi %mul3A_10, %parallel_loop3A_535 : vector<16xi32>
        %parallel_loop3A_537 = arith.constant 0 : i32
        %parallel_loop3A_538 = vector.broadcast %parallel_loop3A_537 : i32 to vector<16xi32>
        %parallel_loop3A_539 = arith.addi %shift_right_arithmetic3A_13, %parallel_loop3A_538 : vector<16xi32>
        %parallel_loop3A_540 = arith.constant 0 : i32
        %parallel_loop3A_541 = arith.constant 0 : i32
        %parallel_loop3A_542 = arith.constant 0 : i32
        %parallel_loop3A_543 = tpu.memref_slice %arg6[%parallel_loop3A_372, %parallel_loop3A_540, %parallel_loop3A_541, %parallel_loop3A_542] : memref<20x4x8x33xf32, #tpu.memory_space<vmem>> -> memref<1x4x8x33xf32, #tpu.memory_space<vmem>>
        %parallel_loop3A_544 = tpu.memref_squeeze %parallel_loop3A_543 : memref<1x4x8x33xf32, #tpu.memory_space<vmem>> -> memref<4x8x33xf32, #tpu.memory_space<vmem>>
        %parallel_loop3A_545 = tpu.vector_load_idx %parallel_loop3A_544[%parallel_loop3A_539, %and3A_16, %parallel_loop3A_536] : memref<4x8x33xf32, #tpu.memory_space<vmem>>[vector<16xi32>, vector<16xi32>, vector<16xi32>], vector<16xf32>,
        %parallel_loop3A_546 = arith.constant 2 : i32
        %parallel_loop3A_547 = vector.broadcast %parallel_loop3A_546 : i32 to vector<16xi32>
        %parallel_loop3A_548 = arith.addi %shift_right_arithmetic3A_13, %parallel_loop3A_547 : vector<16xi32>
        %parallel_loop3A_549 = arith.constant 0 : i32
        %parallel_loop3A_550 = arith.constant 0 : i32
        %parallel_loop3A_551 = arith.constant 0 : i32
        %parallel_loop3A_552 = tpu.memref_slice %arg6[%parallel_loop3A_372, %parallel_loop3A_549, %parallel_loop3A_550, %parallel_loop3A_551] : memref<20x4x8x33xf32, #tpu.memory_space<vmem>> -> memref<1x4x8x33xf32, #tpu.memory_space<vmem>>
        %parallel_loop3A_553 = tpu.memref_squeeze %parallel_loop3A_552 : memref<1x4x8x33xf32, #tpu.memory_space<vmem>> -> memref<4x8x33xf32, #tpu.memory_space<vmem>>
        %parallel_loop3A_554 = tpu.vector_load_idx %parallel_loop3A_553[%parallel_loop3A_548, %and3A_16, %parallel_loop3A_536] : memref<4x8x33xf32, #tpu.memory_space<vmem>>[vector<16xi32>, vector<16xi32>, vector<16xi32>], vector<16xf32>,
        %parallel_loop3A_555 = arith.constant 6 : i32
        %parallel_loop3A_556 = vector.broadcast %parallel_loop3A_555 : i32 to vector<16xi32>
        %parallel_loop3A_557 = arith.addi %mul3A_10, %parallel_loop3A_556 : vector<16xi32>
        %parallel_loop3A_558 = arith.constant 0 : i32
        %parallel_loop3A_559 = vector.broadcast %parallel_loop3A_558 : i32 to vector<16xi32>
        %parallel_loop3A_560 = arith.addi %shift_right_arithmetic3A_13, %parallel_loop3A_559 : vector<16xi32>
        %parallel_loop3A_561 = arith.constant 0 : i32
        %parallel_loop3A_562 = arith.constant 0 : i32
        %parallel_loop3A_563 = arith.constant 0 : i32
        %parallel_loop3A_564 = tpu.memref_slice %arg6[%parallel_loop3A_372, %parallel_loop3A_561, %parallel_loop3A_562, %parallel_loop3A_563] : memref<20x4x8x33xf32, #tpu.memory_space<vmem>> -> memref<1x4x8x33xf32, #tpu.memory_space<vmem>>
        %parallel_loop3A_565 = tpu.memref_squeeze %parallel_loop3A_564 : memref<1x4x8x33xf32, #tpu.memory_space<vmem>> -> memref<4x8x33xf32, #tpu.memory_space<vmem>>
        %parallel_loop3A_566 = tpu.vector_load_idx %parallel_loop3A_565[%parallel_loop3A_560, %and3A_16, %parallel_loop3A_557] : memref<4x8x33xf32, #tpu.memory_space<vmem>>[vector<16xi32>, vector<16xi32>, vector<16xi32>], vector<16xf32>,
        %parallel_loop3A_567 = arith.constant 2 : i32
        %parallel_loop3A_568 = vector.broadcast %parallel_loop3A_567 : i32 to vector<16xi32>
        %parallel_loop3A_569 = arith.addi %shift_right_arithmetic3A_13, %parallel_loop3A_568 : vector<16xi32>
        %parallel_loop3A_570 = arith.constant 0 : i32
        %parallel_loop3A_571 = arith.constant 0 : i32
        %parallel_loop3A_572 = arith.constant 0 : i32
        %parallel_loop3A_573 = tpu.memref_slice %arg6[%parallel_loop3A_372, %parallel_loop3A_570, %parallel_loop3A_571, %parallel_loop3A_572] : memref<20x4x8x33xf32, #tpu.memory_space<vmem>> -> memref<1x4x8x33xf32, #tpu.memory_space<vmem>>
        %parallel_loop3A_574 = tpu.memref_squeeze %parallel_loop3A_573 : memref<1x4x8x33xf32, #tpu.memory_space<vmem>> -> memref<4x8x33xf32, #tpu.memory_space<vmem>>
        %parallel_loop3A_575 = tpu.vector_load_idx %parallel_loop3A_574[%parallel_loop3A_569, %and3A_16, %parallel_loop3A_557] : memref<4x8x33xf32, #tpu.memory_space<vmem>>[vector<16xi32>, vector<16xi32>, vector<16xi32>], vector<16xf32>,
        %parallel_loop3A_576 = arith.constant 7 : i32
        %parallel_loop3A_577 = vector.broadcast %parallel_loop3A_576 : i32 to vector<16xi32>
        %parallel_loop3A_578 = arith.addi %mul3A_10, %parallel_loop3A_577 : vector<16xi32>
        %parallel_loop3A_579 = arith.constant 0 : i32
        %parallel_loop3A_580 = vector.broadcast %parallel_loop3A_579 : i32 to vector<16xi32>
        %parallel_loop3A_581 = arith.addi %shift_right_arithmetic3A_13, %parallel_loop3A_580 : vector<16xi32>
        %parallel_loop3A_582 = arith.constant 0 : i32
        %parallel_loop3A_583 = arith.constant 0 : i32
        %parallel_loop3A_584 = arith.constant 0 : i32
        %parallel_loop3A_585 = tpu.memref_slice %arg6[%parallel_loop3A_372, %parallel_loop3A_582, %parallel_loop3A_583, %parallel_loop3A_584] : memref<20x4x8x33xf32, #tpu.memory_space<vmem>> -> memref<1x4x8x33xf32, #tpu.memory_space<vmem>>
        %parallel_loop3A_586 = tpu.memref_squeeze %parallel_loop3A_585 : memref<1x4x8x33xf32, #tpu.memory_space<vmem>> -> memref<4x8x33xf32, #tpu.memory_space<vmem>>
        %parallel_loop3A_587 = tpu.vector_load_idx %parallel_loop3A_586[%parallel_loop3A_581, %and3A_16, %parallel_loop3A_578] : memref<4x8x33xf32, #tpu.memory_space<vmem>>[vector<16xi32>, vector<16xi32>, vector<16xi32>], vector<16xf32>,
        %parallel_loop3A_588 = arith.constant 2 : i32
        %parallel_loop3A_589 = vector.broadcast %parallel_loop3A_588 : i32 to vector<16xi32>
        %parallel_loop3A_590 = arith.addi %shift_right_arithmetic3A_13, %parallel_loop3A_589 : vector<16xi32>
        %parallel_loop3A_591 = arith.constant 0 : i32
        %parallel_loop3A_592 = arith.constant 0 : i32
        %parallel_loop3A_593 = arith.constant 0 : i32
        %parallel_loop3A_594 = tpu.memref_slice %arg6[%parallel_loop3A_372, %parallel_loop3A_591, %parallel_loop3A_592, %parallel_loop3A_593] : memref<20x4x8x33xf32, #tpu.memory_space<vmem>> -> memref<1x4x8x33xf32, #tpu.memory_space<vmem>>
        %parallel_loop3A_595 = tpu.memref_squeeze %parallel_loop3A_594 : memref<1x4x8x33xf32, #tpu.memory_space<vmem>> -> memref<4x8x33xf32, #tpu.memory_space<vmem>>
        %parallel_loop3A_596 = tpu.vector_load_idx %parallel_loop3A_595[%parallel_loop3A_590, %and3A_16, %parallel_loop3A_578] : memref<4x8x33xf32, #tpu.memory_space<vmem>>[vector<16xi32>, vector<16xi32>, vector<16xi32>], vector<16xf32>,
        %parallel_loop3A_597 = arith.constant 32 : i32
        %parallel_loop3A_598 = arith.muli %parallel_loop3A_372, %parallel_loop3A_597 : i32
        %parallel_loop3A_599 = arith.constant 4 : i32
        %parallel_loop3A_600 = arith.addi %parallel_loop3A_598, %parallel_loop3A_599 : i32
        %parallel_loop3A_601 = arith.index_cast %parallel_loop3A_600 : i32 to index
        %parallel_loop3A_602 = arith.constant 0 : index
        %parallel_loop3A_603 = tpu.vector_load %arg8[%parallel_loop3A_601, %parallel_loop3A_602] {strides = array<i32>} : memref<640x32xf32, #tpu.memory_space<vmem>>, vector<16xf32>,
        tpu.vector_store %arg8[%parallel_loop3A_601, %parallel_loop3A_602], %parallel_loop3A_524 {strides = array<i32>} : memref<640x32xf32, #tpu.memory_space<vmem>>, vector<16xf32>,
        %parallel_loop3A_604 = arith.constant 32 : i32
        %parallel_loop3A_605 = arith.muli %parallel_loop3A_372, %parallel_loop3A_604 : i32
        %parallel_loop3A_606 = arith.constant 4 : i32
        %parallel_loop3A_607 = arith.addi %parallel_loop3A_605, %parallel_loop3A_606 : i32
        %parallel_loop3A_608 = arith.index_cast %parallel_loop3A_607 : i32 to index
        %parallel_loop3A_609 = arith.constant 16 : index
        %parallel_loop3A_610 = tpu.vector_load %arg8[%parallel_loop3A_608, %parallel_loop3A_609] {strides = array<i32>} : memref<640x32xf32, #tpu.memory_space<vmem>>, vector<16xf32>,
        tpu.vector_store %arg8[%parallel_loop3A_608, %parallel_loop3A_609], %parallel_loop3A_533 {strides = array<i32>} : memref<640x32xf32, #tpu.memory_space<vmem>>, vector<16xf32>,
        %parallel_loop3A_611 = arith.constant 32 : i32
        %parallel_loop3A_612 = arith.muli %parallel_loop3A_372, %parallel_loop3A_611 : i32
        %parallel_loop3A_613 = arith.constant 5 : i32
        %parallel_loop3A_614 = arith.addi %parallel_loop3A_612, %parallel_loop3A_613 : i32
        %parallel_loop3A_615 = arith.index_cast %parallel_loop3A_614 : i32 to index
        %parallel_loop3A_616 = arith.constant 0 : index
        %parallel_loop3A_617 = tpu.vector_load %arg8[%parallel_loop3A_615, %parallel_loop3A_616] {strides = array<i32>} : memref<640x32xf32, #tpu.memory_space<vmem>>, vector<16xf32>,
        tpu.vector_store %arg8[%parallel_loop3A_615, %parallel_loop3A_616], %parallel_loop3A_545 {strides = array<i32>} : memref<640x32xf32, #tpu.memory_space<vmem>>, vector<16xf32>,
        %parallel_loop3A_618 = arith.constant 32 : i32
        %parallel_loop3A_619 = arith.muli %parallel_loop3A_372, %parallel_loop3A_618 : i32
        %parallel_loop3A_620 = arith.constant 5 : i32
        %parallel_loop3A_621 = arith.addi %parallel_loop3A_619, %parallel_loop3A_620 : i32
        %parallel_loop3A_622 = arith.index_cast %parallel_loop3A_621 : i32 to index
        %parallel_loop3A_623 = arith.constant 16 : index
        %parallel_loop3A_624 = tpu.vector_load %arg8[%parallel_loop3A_622, %parallel_loop3A_623] {strides = array<i32>} : memref<640x32xf32, #tpu.memory_space<vmem>>, vector<16xf32>,
        tpu.vector_store %arg8[%parallel_loop3A_622, %parallel_loop3A_623], %parallel_loop3A_554 {strides = array<i32>} : memref<640x32xf32, #tpu.memory_space<vmem>>, vector<16xf32>,
        %parallel_loop3A_625 = arith.constant 32 : i32
        %parallel_loop3A_626 = arith.muli %parallel_loop3A_372, %parallel_loop3A_625 : i32
        %parallel_loop3A_627 = arith.constant 6 : i32
        %parallel_loop3A_628 = arith.addi %parallel_loop3A_626, %parallel_loop3A_627 : i32
        %parallel_loop3A_629 = arith.index_cast %parallel_loop3A_628 : i32 to index
        %parallel_loop3A_630 = arith.constant 0 : index
        %parallel_loop3A_631 = tpu.vector_load %arg8[%parallel_loop3A_629, %parallel_loop3A_630] {strides = array<i32>} : memref<640x32xf32, #tpu.memory_space<vmem>>, vector<16xf32>,
        tpu.vector_store %arg8[%parallel_loop3A_629, %parallel_loop3A_630], %parallel_loop3A_566 {strides = array<i32>} : memref<640x32xf32, #tpu.memory_space<vmem>>, vector<16xf32>,
        %parallel_loop3A_632 = arith.constant 32 : i32
        %parallel_loop3A_633 = arith.muli %parallel_loop3A_372, %parallel_loop3A_632 : i32
        %parallel_loop3A_634 = arith.constant 6 : i32
        %parallel_loop3A_635 = arith.addi %parallel_loop3A_633, %parallel_loop3A_634 : i32
        %parallel_loop3A_636 = arith.index_cast %parallel_loop3A_635 : i32 to index
        %parallel_loop3A_637 = arith.constant 16 : index
        %parallel_loop3A_638 = tpu.vector_load %arg8[%parallel_loop3A_636, %parallel_loop3A_637] {strides = array<i32>} : memref<640x32xf32, #tpu.memory_space<vmem>>, vector<16xf32>,
        tpu.vector_store %arg8[%parallel_loop3A_636, %parallel_loop3A_637], %parallel_loop3A_575 {strides = array<i32>} : memref<640x32xf32, #tpu.memory_space<vmem>>, vector<16xf32>,
        %parallel_loop3A_639 = arith.constant 32 : i32
        %parallel_loop3A_640 = arith.muli %parallel_loop3A_372, %parallel_loop3A_639 : i32
        %parallel_loop3A_641 = arith.constant 7 : i32
        %parallel_loop3A_642 = arith.addi %parallel_loop3A_640, %parallel_loop3A_641 : i32
        %parallel_loop3A_643 = arith.index_cast %parallel_loop3A_642 : i32 to index
        %parallel_loop3A_644 = arith.constant 0 : index
        %parallel_loop3A_645 = tpu.vector_load %arg8[%parallel_loop3A_643, %parallel_loop3A_644] {strides = array<i32>} : memref<640x32xf32, #tpu.memory_space<vmem>>, vector<16xf32>,
        tpu.vector_store %arg8[%parallel_loop3A_643, %parallel_loop3A_644], %parallel_loop3A_587 {strides = array<i32>} : memref<640x32xf32, #tpu.memory_space<vmem>>, vector<16xf32>,
        %parallel_loop3A_646 = arith.constant 32 : i32
        %parallel_loop3A_647 = arith.muli %parallel_loop3A_372, %parallel_loop3A_646 : i32
        %parallel_loop3A_648 = arith.constant 7 : i32
        %parallel_loop3A_649 = arith.addi %parallel_loop3A_647, %parallel_loop3A_648 : i32
        %parallel_loop3A_650 = arith.index_cast %parallel_loop3A_649 : i32 to index
        %parallel_loop3A_651 = arith.constant 16 : index
        %parallel_loop3A_652 = tpu.vector_load %arg8[%parallel_loop3A_650, %parallel_loop3A_651] {strides = array<i32>} : memref<640x32xf32, #tpu.memory_space<vmem>>, vector<16xf32>,
        tpu.vector_store %arg8[%parallel_loop3A_650, %parallel_loop3A_651], %parallel_loop3A_596 {strides = array<i32>} : memref<640x32xf32, #tpu.memory_space<vmem>>, vector<16xf32>,
        %parallel_loop3A_653 = arith.constant 8 : i32
        %parallel_loop3A_654 = vector.broadcast %parallel_loop3A_653 : i32 to vector<16xi32>
        %parallel_loop3A_655 = arith.addi %mul3A_10, %parallel_loop3A_654 : vector<16xi32>
        %parallel_loop3A_656 = arith.constant 0 : i32
        %parallel_loop3A_657 = vector.broadcast %parallel_loop3A_656 : i32 to vector<16xi32>
        %parallel_loop3A_658 = arith.addi %shift_right_arithmetic3A_13, %parallel_loop3A_657 : vector<16xi32>
        %parallel_loop3A_659 = arith.constant 0 : i32
        %parallel_loop3A_660 = arith.constant 0 : i32
        %parallel_loop3A_661 = arith.constant 0 : i32
        %parallel_loop3A_662 = tpu.memref_slice %arg6[%parallel_loop3A_372, %parallel_loop3A_659, %parallel_loop3A_660, %parallel_loop3A_661] : memref<20x4x8x33xf32, #tpu.memory_space<vmem>> -> memref<1x4x8x33xf32, #tpu.memory_space<vmem>>
        %parallel_loop3A_663 = tpu.memref_squeeze %parallel_loop3A_662 : memref<1x4x8x33xf32, #tpu.memory_space<vmem>> -> memref<4x8x33xf32, #tpu.memory_space<vmem>>
        %parallel_loop3A_664 = tpu.vector_load_idx %parallel_loop3A_663[%parallel_loop3A_658, %and3A_16, %parallel_loop3A_655] : memref<4x8x33xf32, #tpu.memory_space<vmem>>[vector<16xi32>, vector<16xi32>, vector<16xi32>], vector<16xf32>,
        %parallel_loop3A_665 = arith.constant 2 : i32
        %parallel_loop3A_666 = vector.broadcast %parallel_loop3A_665 : i32 to vector<16xi32>
        %parallel_loop3A_667 = arith.addi %shift_right_arithmetic3A_13, %parallel_loop3A_666 : vector<16xi32>
        %parallel_loop3A_668 = arith.constant 0 : i32
        %parallel_loop3A_669 = arith.constant 0 : i32
        %parallel_loop3A_670 = arith.constant 0 : i32
        %parallel_loop3A_671 = tpu.memref_slice %arg6[%parallel_loop3A_372, %parallel_loop3A_668, %parallel_loop3A_669, %parallel_loop3A_670] : memref<20x4x8x33xf32, #tpu.memory_space<vmem>> -> memref<1x4x8x33xf32, #tpu.memory_space<vmem>>
        %parallel_loop3A_672 = tpu.memref_squeeze %parallel_loop3A_671 : memref<1x4x8x33xf32, #tpu.memory_space<vmem>> -> memref<4x8x33xf32, #tpu.memory_space<vmem>>
        %parallel_loop3A_673 = tpu.vector_load_idx %parallel_loop3A_672[%parallel_loop3A_667, %and3A_16, %parallel_loop3A_655] : memref<4x8x33xf32, #tpu.memory_space<vmem>>[vector<16xi32>, vector<16xi32>, vector<16xi32>], vector<16xf32>,
        %parallel_loop3A_674 = arith.constant 9 : i32
        %parallel_loop3A_675 = vector.broadcast %parallel_loop3A_674 : i32 to vector<16xi32>
        %parallel_loop3A_676 = arith.addi %mul3A_10, %parallel_loop3A_675 : vector<16xi32>
        %parallel_loop3A_677 = arith.constant 0 : i32
        %parallel_loop3A_678 = vector.broadcast %parallel_loop3A_677 : i32 to vector<16xi32>
        %parallel_loop3A_679 = arith.addi %shift_right_arithmetic3A_13, %parallel_loop3A_678 : vector<16xi32>
        %parallel_loop3A_680 = arith.constant 0 : i32
        %parallel_loop3A_681 = arith.constant 0 : i32
        %parallel_loop3A_682 = arith.constant 0 : i32
        %parallel_loop3A_683 = tpu.memref_slice %arg6[%parallel_loop3A_372, %parallel_loop3A_680, %parallel_loop3A_681, %parallel_loop3A_682] : memref<20x4x8x33xf32, #tpu.memory_space<vmem>> -> memref<1x4x8x33xf32, #tpu.memory_space<vmem>>
        %parallel_loop3A_684 = tpu.memref_squeeze %parallel_loop3A_683 : memref<1x4x8x33xf32, #tpu.memory_space<vmem>> -> memref<4x8x33xf32, #tpu.memory_space<vmem>>
        %parallel_loop3A_685 = tpu.vector_load_idx %parallel_loop3A_684[%parallel_loop3A_679, %and3A_16, %parallel_loop3A_676] : memref<4x8x33xf32, #tpu.memory_space<vmem>>[vector<16xi32>, vector<16xi32>, vector<16xi32>], vector<16xf32>,
        %parallel_loop3A_686 = arith.constant 2 : i32
        %parallel_loop3A_687 = vector.broadcast %parallel_loop3A_686 : i32 to vector<16xi32>
        %parallel_loop3A_688 = arith.addi %shift_right_arithmetic3A_13, %parallel_loop3A_687 : vector<16xi32>
        %parallel_loop3A_689 = arith.constant 0 : i32
        %parallel_loop3A_690 = arith.constant 0 : i32
        %parallel_loop3A_691 = arith.constant 0 : i32
        %parallel_loop3A_692 = tpu.memref_slice %arg6[%parallel_loop3A_372, %parallel_loop3A_689, %parallel_loop3A_690, %parallel_loop3A_691] : memref<20x4x8x33xf32, #tpu.memory_space<vmem>> -> memref<1x4x8x33xf32, #tpu.memory_space<vmem>>
        %parallel_loop3A_693 = tpu.memref_squeeze %parallel_loop3A_692 : memref<1x4x8x33xf32, #tpu.memory_space<vmem>> -> memref<4x8x33xf32, #tpu.memory_space<vmem>>
        %parallel_loop3A_694 = tpu.vector_load_idx %parallel_loop3A_693[%parallel_loop3A_688, %and3A_16, %parallel_loop3A_676] : memref<4x8x33xf32, #tpu.memory_space<vmem>>[vector<16xi32>, vector<16xi32>, vector<16xi32>], vector<16xf32>,
        %parallel_loop3A_695 = arith.constant 10 : i32
        %parallel_loop3A_696 = vector.broadcast %parallel_loop3A_695 : i32 to vector<16xi32>
        %parallel_loop3A_697 = arith.addi %mul3A_10, %parallel_loop3A_696 : vector<16xi32>
        %parallel_loop3A_698 = arith.constant 0 : i32
        %parallel_loop3A_699 = vector.broadcast %parallel_loop3A_698 : i32 to vector<16xi32>
        %parallel_loop3A_700 = arith.addi %shift_right_arithmetic3A_13, %parallel_loop3A_699 : vector<16xi32>
        %parallel_loop3A_701 = arith.constant 0 : i32
        %parallel_loop3A_702 = arith.constant 0 : i32
        %parallel_loop3A_703 = arith.constant 0 : i32
        %parallel_loop3A_704 = tpu.memref_slice %arg6[%parallel_loop3A_372, %parallel_loop3A_701, %parallel_loop3A_702, %parallel_loop3A_703] : memref<20x4x8x33xf32, #tpu.memory_space<vmem>> -> memref<1x4x8x33xf32, #tpu.memory_space<vmem>>
        %parallel_loop3A_705 = tpu.memref_squeeze %parallel_loop3A_704 : memref<1x4x8x33xf32, #tpu.memory_space<vmem>> -> memref<4x8x33xf32, #tpu.memory_space<vmem>>
        %parallel_loop3A_706 = tpu.vector_load_idx %parallel_loop3A_705[%parallel_loop3A_700, %and3A_16, %parallel_loop3A_697] : memref<4x8x33xf32, #tpu.memory_space<vmem>>[vector<16xi32>, vector<16xi32>, vector<16xi32>], vector<16xf32>,
        %parallel_loop3A_707 = arith.constant 2 : i32
        %parallel_loop3A_708 = vector.broadcast %parallel_loop3A_707 : i32 to vector<16xi32>
        %parallel_loop3A_709 = arith.addi %shift_right_arithmetic3A_13, %parallel_loop3A_708 : vector<16xi32>
        %parallel_loop3A_710 = arith.constant 0 : i32
        %parallel_loop3A_711 = arith.constant 0 : i32
        %parallel_loop3A_712 = arith.constant 0 : i32
        %parallel_loop3A_713 = tpu.memref_slice %arg6[%parallel_loop3A_372, %parallel_loop3A_710, %parallel_loop3A_711, %parallel_loop3A_712] : memref<20x4x8x33xf32, #tpu.memory_space<vmem>> -> memref<1x4x8x33xf32, #tpu.memory_space<vmem>>
        %parallel_loop3A_714 = tpu.memref_squeeze %parallel_loop3A_713 : memref<1x4x8x33xf32, #tpu.memory_space<vmem>> -> memref<4x8x33xf32, #tpu.memory_space<vmem>>
        %parallel_loop3A_715 = tpu.vector_load_idx %parallel_loop3A_714[%parallel_loop3A_709, %and3A_16, %parallel_loop3A_697] : memref<4x8x33xf32, #tpu.memory_space<vmem>>[vector<16xi32>, vector<16xi32>, vector<16xi32>], vector<16xf32>,
        %parallel_loop3A_716 = arith.constant 11 : i32
        %parallel_loop3A_717 = vector.broadcast %parallel_loop3A_716 : i32 to vector<16xi32>
        %parallel_loop3A_718 = arith.addi %mul3A_10, %parallel_loop3A_717 : vector<16xi32>
        %parallel_loop3A_719 = arith.constant 0 : i32
        %parallel_loop3A_720 = vector.broadcast %parallel_loop3A_719 : i32 to vector<16xi32>
        %parallel_loop3A_721 = arith.addi %shift_right_arithmetic3A_13, %parallel_loop3A_720 : vector<16xi32>
        %parallel_loop3A_722 = arith.constant 0 : i32
        %parallel_loop3A_723 = arith.constant 0 : i32
        %parallel_loop3A_724 = arith.constant 0 : i32
        %parallel_loop3A_725 = tpu.memref_slice %arg6[%parallel_loop3A_372, %parallel_loop3A_722, %parallel_loop3A_723, %parallel_loop3A_724] : memref<20x4x8x33xf32, #tpu.memory_space<vmem>> -> memref<1x4x8x33xf32, #tpu.memory_space<vmem>>
        %parallel_loop3A_726 = tpu.memref_squeeze %parallel_loop3A_725 : memref<1x4x8x33xf32, #tpu.memory_space<vmem>> -> memref<4x8x33xf32, #tpu.memory_space<vmem>>
        %parallel_loop3A_727 = tpu.vector_load_idx %parallel_loop3A_726[%parallel_loop3A_721, %and3A_16, %parallel_loop3A_718] : memref<4x8x33xf32, #tpu.memory_space<vmem>>[vector<16xi32>, vector<16xi32>, vector<16xi32>], vector<16xf32>,
        %parallel_loop3A_728 = arith.constant 2 : i32
        %parallel_loop3A_729 = vector.broadcast %parallel_loop3A_728 : i32 to vector<16xi32>
        %parallel_loop3A_730 = arith.addi %shift_right_arithmetic3A_13, %parallel_loop3A_729 : vector<16xi32>
        %parallel_loop3A_731 = arith.constant 0 : i32
        %parallel_loop3A_732 = arith.constant 0 : i32
        %parallel_loop3A_733 = arith.constant 0 : i32
        %parallel_loop3A_734 = tpu.memref_slice %arg6[%parallel_loop3A_372, %parallel_loop3A_731, %parallel_loop3A_732, %parallel_loop3A_733] : memref<20x4x8x33xf32, #tpu.memory_space<vmem>> -> memref<1x4x8x33xf32, #tpu.memory_space<vmem>>
        %parallel_loop3A_735 = tpu.memref_squeeze %parallel_loop3A_734 : memref<1x4x8x33xf32, #tpu.memory_space<vmem>> -> memref<4x8x33xf32, #tpu.memory_space<vmem>>
        %parallel_loop3A_736 = tpu.vector_load_idx %parallel_loop3A_735[%parallel_loop3A_730, %and3A_16, %parallel_loop3A_718] : memref<4x8x33xf32, #tpu.memory_space<vmem>>[vector<16xi32>, vector<16xi32>, vector<16xi32>], vector<16xf32>,
        %parallel_loop3A_737 = arith.constant 32 : i32
        %parallel_loop3A_738 = arith.muli %parallel_loop3A_372, %parallel_loop3A_737 : i32
        %parallel_loop3A_739 = arith.constant 8 : i32
        %parallel_loop3A_740 = arith.addi %parallel_loop3A_738, %parallel_loop3A_739 : i32
        %parallel_loop3A_741 = arith.index_cast %parallel_loop3A_740 : i32 to index
        %parallel_loop3A_742 = arith.constant 0 : index
        %parallel_loop3A_743 = tpu.vector_load %arg8[%parallel_loop3A_741, %parallel_loop3A_742] {strides = array<i32>} : memref<640x32xf32, #tpu.memory_space<vmem>>, vector<16xf32>,
        tpu.vector_store %arg8[%parallel_loop3A_741, %parallel_loop3A_742], %parallel_loop3A_664 {strides = array<i32>} : memref<640x32xf32, #tpu.memory_space<vmem>>, vector<16xf32>,
        %parallel_loop3A_744 = arith.constant 32 : i32
        %parallel_loop3A_745 = arith.muli %parallel_loop3A_372, %parallel_loop3A_744 : i32
        %parallel_loop3A_746 = arith.constant 8 : i32
        %parallel_loop3A_747 = arith.addi %parallel_loop3A_745, %parallel_loop3A_746 : i32
        %parallel_loop3A_748 = arith.index_cast %parallel_loop3A_747 : i32 to index
        %parallel_loop3A_749 = arith.constant 16 : index
        %parallel_loop3A_750 = tpu.vector_load %arg8[%parallel_loop3A_748, %parallel_loop3A_749] {strides = array<i32>} : memref<640x32xf32, #tpu.memory_space<vmem>>, vector<16xf32>,
        tpu.vector_store %arg8[%parallel_loop3A_748, %parallel_loop3A_749], %parallel_loop3A_673 {strides = array<i32>} : memref<640x32xf32, #tpu.memory_space<vmem>>, vector<16xf32>,
        %parallel_loop3A_751 = arith.constant 32 : i32
        %parallel_loop3A_752 = arith.muli %parallel_loop3A_372, %parallel_loop3A_751 : i32
        %parallel_loop3A_753 = arith.constant 9 : i32
        %parallel_loop3A_754 = arith.addi %parallel_loop3A_752, %parallel_loop3A_753 : i32
        %parallel_loop3A_755 = arith.index_cast %parallel_loop3A_754 : i32 to index
        %parallel_loop3A_756 = arith.constant 0 : index
        %parallel_loop3A_757 = tpu.vector_load %arg8[%parallel_loop3A_755, %parallel_loop3A_756] {strides = array<i32>} : memref<640x32xf32, #tpu.memory_space<vmem>>, vector<16xf32>,
        tpu.vector_store %arg8[%parallel_loop3A_755, %parallel_loop3A_756], %parallel_loop3A_685 {strides = array<i32>} : memref<640x32xf32, #tpu.memory_space<vmem>>, vector<16xf32>,
        %parallel_loop3A_758 = arith.constant 32 : i32
        %parallel_loop3A_759 = arith.muli %parallel_loop3A_372, %parallel_loop3A_758 : i32
        %parallel_loop3A_760 = arith.constant 9 : i32
        %parallel_loop3A_761 = arith.addi %parallel_loop3A_759, %parallel_loop3A_760 : i32
        %parallel_loop3A_762 = arith.index_cast %parallel_loop3A_761 : i32 to index
        %parallel_loop3A_763 = arith.constant 16 : index
        %parallel_loop3A_764 = tpu.vector_load %arg8[%parallel_loop3A_762, %parallel_loop3A_763] {strides = array<i32>} : memref<640x32xf32, #tpu.memory_space<vmem>>, vector<16xf32>,
        tpu.vector_store %arg8[%parallel_loop3A_762, %parallel_loop3A_763], %parallel_loop3A_694 {strides = array<i32>} : memref<640x32xf32, #tpu.memory_space<vmem>>, vector<16xf32>,
        %parallel_loop3A_765 = arith.constant 32 : i32
        %parallel_loop3A_766 = arith.muli %parallel_loop3A_372, %parallel_loop3A_765 : i32
        %parallel_loop3A_767 = arith.constant 10 : i32
        %parallel_loop3A_768 = arith.addi %parallel_loop3A_766, %parallel_loop3A_767 : i32
        %parallel_loop3A_769 = arith.index_cast %parallel_loop3A_768 : i32 to index
        %parallel_loop3A_770 = arith.constant 0 : index
        %parallel_loop3A_771 = tpu.vector_load %arg8[%parallel_loop3A_769, %parallel_loop3A_770] {strides = array<i32>} : memref<640x32xf32, #tpu.memory_space<vmem>>, vector<16xf32>,
        tpu.vector_store %arg8[%parallel_loop3A_769, %parallel_loop3A_770], %parallel_loop3A_706 {strides = array<i32>} : memref<640x32xf32, #tpu.memory_space<vmem>>, vector<16xf32>,
        %parallel_loop3A_772 = arith.constant 32 : i32
        %parallel_loop3A_773 = arith.muli %parallel_loop3A_372, %parallel_loop3A_772 : i32
        %parallel_loop3A_774 = arith.constant 10 : i32
        %parallel_loop3A_775 = arith.addi %parallel_loop3A_773, %parallel_loop3A_774 : i32
        %parallel_loop3A_776 = arith.index_cast %parallel_loop3A_775 : i32 to index
        %parallel_loop3A_777 = arith.constant 16 : index
        %parallel_loop3A_778 = tpu.vector_load %arg8[%parallel_loop3A_776, %parallel_loop3A_777] {strides = array<i32>} : memref<640x32xf32, #tpu.memory_space<vmem>>, vector<16xf32>,
        tpu.vector_store %arg8[%parallel_loop3A_776, %parallel_loop3A_777], %parallel_loop3A_715 {strides = array<i32>} : memref<640x32xf32, #tpu.memory_space<vmem>>, vector<16xf32>,
        %parallel_loop3A_779 = arith.constant 32 : i32
        %parallel_loop3A_780 = arith.muli %parallel_loop3A_372, %parallel_loop3A_779 : i32
        %parallel_loop3A_781 = arith.constant 11 : i32
        %parallel_loop3A_782 = arith.addi %parallel_loop3A_780, %parallel_loop3A_781 : i32
        %parallel_loop3A_783 = arith.index_cast %parallel_loop3A_782 : i32 to index
        %parallel_loop3A_784 = arith.constant 0 : index
        %parallel_loop3A_785 = tpu.vector_load %arg8[%parallel_loop3A_783, %parallel_loop3A_784] {strides = array<i32>} : memref<640x32xf32, #tpu.memory_space<vmem>>, vector<16xf32>,
        tpu.vector_store %arg8[%parallel_loop3A_783, %parallel_loop3A_784], %parallel_loop3A_727 {strides = array<i32>} : memref<640x32xf32, #tpu.memory_space<vmem>>, vector<16xf32>,
        %parallel_loop3A_786 = arith.constant 32 : i32
        %parallel_loop3A_787 = arith.muli %parallel_loop3A_372, %parallel_loop3A_786 : i32
        %parallel_loop3A_788 = arith.constant 11 : i32
        %parallel_loop3A_789 = arith.addi %parallel_loop3A_787, %parallel_loop3A_788 : i32
        %parallel_loop3A_790 = arith.index_cast %parallel_loop3A_789 : i32 to index
        %parallel_loop3A_791 = arith.constant 16 : index
        %parallel_loop3A_792 = tpu.vector_load %arg8[%parallel_loop3A_790, %parallel_loop3A_791] {strides = array<i32>} : memref<640x32xf32, #tpu.memory_space<vmem>>, vector<16xf32>,
        tpu.vector_store %arg8[%parallel_loop3A_790, %parallel_loop3A_791], %parallel_loop3A_736 {strides = array<i32>} : memref<640x32xf32, #tpu.memory_space<vmem>>, vector<16xf32>,
        %parallel_loop3A_793 = arith.constant 12 : i32
        %parallel_loop3A_794 = vector.broadcast %parallel_loop3A_793 : i32 to vector<16xi32>
        %parallel_loop3A_795 = arith.addi %mul3A_10, %parallel_loop3A_794 : vector<16xi32>
        %parallel_loop3A_796 = arith.constant 0 : i32
        %parallel_loop3A_797 = vector.broadcast %parallel_loop3A_796 : i32 to vector<16xi32>
        %parallel_loop3A_798 = arith.addi %shift_right_arithmetic3A_13, %parallel_loop3A_797 : vector<16xi32>
        %parallel_loop3A_799 = arith.constant 0 : i32
        %parallel_loop3A_800 = arith.constant 0 : i32
        %parallel_loop3A_801 = arith.constant 0 : i32
        %parallel_loop3A_802 = tpu.memref_slice %arg6[%parallel_loop3A_372, %parallel_loop3A_799, %parallel_loop3A_800, %parallel_loop3A_801] : memref<20x4x8x33xf32, #tpu.memory_space<vmem>> -> memref<1x4x8x33xf32, #tpu.memory_space<vmem>>
        %parallel_loop3A_803 = tpu.memref_squeeze %parallel_loop3A_802 : memref<1x4x8x33xf32, #tpu.memory_space<vmem>> -> memref<4x8x33xf32, #tpu.memory_space<vmem>>
        %parallel_loop3A_804 = tpu.vector_load_idx %parallel_loop3A_803[%parallel_loop3A_798, %and3A_16, %parallel_loop3A_795] : memref<4x8x33xf32, #tpu.memory_space<vmem>>[vector<16xi32>, vector<16xi32>, vector<16xi32>], vector<16xf32>,
        %parallel_loop3A_805 = arith.constant 2 : i32
        %parallel_loop3A_806 = vector.broadcast %parallel_loop3A_805 : i32 to vector<16xi32>
        %parallel_loop3A_807 = arith.addi %shift_right_arithmetic3A_13, %parallel_loop3A_806 : vector<16xi32>
        %parallel_loop3A_808 = arith.constant 0 : i32
        %parallel_loop3A_809 = arith.constant 0 : i32
        %parallel_loop3A_810 = arith.constant 0 : i32
        %parallel_loop3A_811 = tpu.memref_slice %arg6[%parallel_loop3A_372, %parallel_loop3A_808, %parallel_loop3A_809, %parallel_loop3A_810] : memref<20x4x8x33xf32, #tpu.memory_space<vmem>> -> memref<1x4x8x33xf32, #tpu.memory_space<vmem>>
        %parallel_loop3A_812 = tpu.memref_squeeze %parallel_loop3A_811 : memref<1x4x8x33xf32, #tpu.memory_space<vmem>> -> memref<4x8x33xf32, #tpu.memory_space<vmem>>
        %parallel_loop3A_813 = tpu.vector_load_idx %parallel_loop3A_812[%parallel_loop3A_807, %and3A_16, %parallel_loop3A_795] : memref<4x8x33xf32, #tpu.memory_space<vmem>>[vector<16xi32>, vector<16xi32>, vector<16xi32>], vector<16xf32>,
        %parallel_loop3A_814 = arith.constant 13 : i32
        %parallel_loop3A_815 = vector.broadcast %parallel_loop3A_814 : i32 to vector<16xi32>
        %parallel_loop3A_816 = arith.addi %mul3A_10, %parallel_loop3A_815 : vector<16xi32>
        %parallel_loop3A_817 = arith.constant 0 : i32
        %parallel_loop3A_818 = vector.broadcast %parallel_loop3A_817 : i32 to vector<16xi32>
        %parallel_loop3A_819 = arith.addi %shift_right_arithmetic3A_13, %parallel_loop3A_818 : vector<16xi32>
        %parallel_loop3A_820 = arith.constant 0 : i32
        %parallel_loop3A_821 = arith.constant 0 : i32
        %parallel_loop3A_822 = arith.constant 0 : i32
        %parallel_loop3A_823 = tpu.memref_slice %arg6[%parallel_loop3A_372, %parallel_loop3A_820, %parallel_loop3A_821, %parallel_loop3A_822] : memref<20x4x8x33xf32, #tpu.memory_space<vmem>> -> memref<1x4x8x33xf32, #tpu.memory_space<vmem>>
        %parallel_loop3A_824 = tpu.memref_squeeze %parallel_loop3A_823 : memref<1x4x8x33xf32, #tpu.memory_space<vmem>> -> memref<4x8x33xf32, #tpu.memory_space<vmem>>
        %parallel_loop3A_825 = tpu.vector_load_idx %parallel_loop3A_824[%parallel_loop3A_819, %and3A_16, %parallel_loop3A_816] : memref<4x8x33xf32, #tpu.memory_space<vmem>>[vector<16xi32>, vector<16xi32>, vector<16xi32>], vector<16xf32>,
        %parallel_loop3A_826 = arith.constant 2 : i32
        %parallel_loop3A_827 = vector.broadcast %parallel_loop3A_826 : i32 to vector<16xi32>
        %parallel_loop3A_828 = arith.addi %shift_right_arithmetic3A_13, %parallel_loop3A_827 : vector<16xi32>
        %parallel_loop3A_829 = arith.constant 0 : i32
        %parallel_loop3A_830 = arith.constant 0 : i32
        %parallel_loop3A_831 = arith.constant 0 : i32
        %parallel_loop3A_832 = tpu.memref_slice %arg6[%parallel_loop3A_372, %parallel_loop3A_829, %parallel_loop3A_830, %parallel_loop3A_831] : memref<20x4x8x33xf32, #tpu.memory_space<vmem>> -> memref<1x4x8x33xf32, #tpu.memory_space<vmem>>
        %parallel_loop3A_833 = tpu.memref_squeeze %parallel_loop3A_832 : memref<1x4x8x33xf32, #tpu.memory_space<vmem>> -> memref<4x8x33xf32, #tpu.memory_space<vmem>>
        %parallel_loop3A_834 = tpu.vector_load_idx %parallel_loop3A_833[%parallel_loop3A_828, %and3A_16, %parallel_loop3A_816] : memref<4x8x33xf32, #tpu.memory_space<vmem>>[vector<16xi32>, vector<16xi32>, vector<16xi32>], vector<16xf32>,
        %parallel_loop3A_835 = arith.constant 14 : i32
        %parallel_loop3A_836 = vector.broadcast %parallel_loop3A_835 : i32 to vector<16xi32>
        %parallel_loop3A_837 = arith.addi %mul3A_10, %parallel_loop3A_836 : vector<16xi32>
        %parallel_loop3A_838 = arith.constant 0 : i32
        %parallel_loop3A_839 = vector.broadcast %parallel_loop3A_838 : i32 to vector<16xi32>
        %parallel_loop3A_840 = arith.addi %shift_right_arithmetic3A_13, %parallel_loop3A_839 : vector<16xi32>
        %parallel_loop3A_841 = arith.constant 0 : i32
        %parallel_loop3A_842 = arith.constant 0 : i32
        %parallel_loop3A_843 = arith.constant 0 : i32
        %parallel_loop3A_844 = tpu.memref_slice %arg6[%parallel_loop3A_372, %parallel_loop3A_841, %parallel_loop3A_842, %parallel_loop3A_843] : memref<20x4x8x33xf32, #tpu.memory_space<vmem>> -> memref<1x4x8x33xf32, #tpu.memory_space<vmem>>
        %parallel_loop3A_845 = tpu.memref_squeeze %parallel_loop3A_844 : memref<1x4x8x33xf32, #tpu.memory_space<vmem>> -> memref<4x8x33xf32, #tpu.memory_space<vmem>>
        %parallel_loop3A_846 = tpu.vector_load_idx %parallel_loop3A_845[%parallel_loop3A_840, %and3A_16, %parallel_loop3A_837] : memref<4x8x33xf32, #tpu.memory_space<vmem>>[vector<16xi32>, vector<16xi32>, vector<16xi32>], vector<16xf32>,
        %parallel_loop3A_847 = arith.constant 2 : i32
        %parallel_loop3A_848 = vector.broadcast %parallel_loop3A_847 : i32 to vector<16xi32>
        %parallel_loop3A_849 = arith.addi %shift_right_arithmetic3A_13, %parallel_loop3A_848 : vector<16xi32>
        %parallel_loop3A_850 = arith.constant 0 : i32
        %parallel_loop3A_851 = arith.constant 0 : i32
        %parallel_loop3A_852 = arith.constant 0 : i32
        %parallel_loop3A_853 = tpu.memref_slice %arg6[%parallel_loop3A_372, %parallel_loop3A_850, %parallel_loop3A_851, %parallel_loop3A_852] : memref<20x4x8x33xf32, #tpu.memory_space<vmem>> -> memref<1x4x8x33xf32, #tpu.memory_space<vmem>>
        %parallel_loop3A_854 = tpu.memref_squeeze %parallel_loop3A_853 : memref<1x4x8x33xf32, #tpu.memory_space<vmem>> -> memref<4x8x33xf32, #tpu.memory_space<vmem>>
        %parallel_loop3A_855 = tpu.vector_load_idx %parallel_loop3A_854[%parallel_loop3A_849, %and3A_16, %parallel_loop3A_837] : memref<4x8x33xf32, #tpu.memory_space<vmem>>[vector<16xi32>, vector<16xi32>, vector<16xi32>], vector<16xf32>,
        %parallel_loop3A_856 = arith.constant 15 : i32
        %parallel_loop3A_857 = vector.broadcast %parallel_loop3A_856 : i32 to vector<16xi32>
        %parallel_loop3A_858 = arith.addi %mul3A_10, %parallel_loop3A_857 : vector<16xi32>
        %parallel_loop3A_859 = arith.constant 0 : i32
        %parallel_loop3A_860 = vector.broadcast %parallel_loop3A_859 : i32 to vector<16xi32>
        %parallel_loop3A_861 = arith.addi %shift_right_arithmetic3A_13, %parallel_loop3A_860 : vector<16xi32>
        %parallel_loop3A_862 = arith.constant 0 : i32
        %parallel_loop3A_863 = arith.constant 0 : i32
        %parallel_loop3A_864 = arith.constant 0 : i32
        %parallel_loop3A_865 = tpu.memref_slice %arg6[%parallel_loop3A_372, %parallel_loop3A_862, %parallel_loop3A_863, %parallel_loop3A_864] : memref<20x4x8x33xf32, #tpu.memory_space<vmem>> -> memref<1x4x8x33xf32, #tpu.memory_space<vmem>>
        %parallel_loop3A_866 = tpu.memref_squeeze %parallel_loop3A_865 : memref<1x4x8x33xf32, #tpu.memory_space<vmem>> -> memref<4x8x33xf32, #tpu.memory_space<vmem>>
        %parallel_loop3A_867 = tpu.vector_load_idx %parallel_loop3A_866[%parallel_loop3A_861, %and3A_16, %parallel_loop3A_858] : memref<4x8x33xf32, #tpu.memory_space<vmem>>[vector<16xi32>, vector<16xi32>, vector<16xi32>], vector<16xf32>,
        %parallel_loop3A_868 = arith.constant 2 : i32
        %parallel_loop3A_869 = vector.broadcast %parallel_loop3A_868 : i32 to vector<16xi32>
        %parallel_loop3A_870 = arith.addi %shift_right_arithmetic3A_13, %parallel_loop3A_869 : vector<16xi32>
        %parallel_loop3A_871 = arith.constant 0 : i32
        %parallel_loop3A_872 = arith.constant 0 : i32
        %parallel_loop3A_873 = arith.constant 0 : i32
        %parallel_loop3A_874 = tpu.memref_slice %arg6[%parallel_loop3A_372, %parallel_loop3A_871, %parallel_loop3A_872, %parallel_loop3A_873] : memref<20x4x8x33xf32, #tpu.memory_space<vmem>> -> memref<1x4x8x33xf32, #tpu.memory_space<vmem>>
        %parallel_loop3A_875 = tpu.memref_squeeze %parallel_loop3A_874 : memref<1x4x8x33xf32, #tpu.memory_space<vmem>> -> memref<4x8x33xf32, #tpu.memory_space<vmem>>
        %parallel_loop3A_876 = tpu.vector_load_idx %parallel_loop3A_875[%parallel_loop3A_870, %and3A_16, %parallel_loop3A_858] : memref<4x8x33xf32, #tpu.memory_space<vmem>>[vector<16xi32>, vector<16xi32>, vector<16xi32>], vector<16xf32>,
        %parallel_loop3A_877 = arith.constant 32 : i32
        %parallel_loop3A_878 = arith.muli %parallel_loop3A_372, %parallel_loop3A_877 : i32
        %parallel_loop3A_879 = arith.constant 12 : i32
        %parallel_loop3A_880 = arith.addi %parallel_loop3A_878, %parallel_loop3A_879 : i32
        %parallel_loop3A_881 = arith.index_cast %parallel_loop3A_880 : i32 to index
        %parallel_loop3A_882 = arith.constant 0 : index
        %parallel_loop3A_883 = tpu.vector_load %arg8[%parallel_loop3A_881, %parallel_loop3A_882] {strides = array<i32>} : memref<640x32xf32, #tpu.memory_space<vmem>>, vector<16xf32>,
        tpu.vector_store %arg8[%parallel_loop3A_881, %parallel_loop3A_882], %parallel_loop3A_804 {strides = array<i32>} : memref<640x32xf32, #tpu.memory_space<vmem>>, vector<16xf32>,
        %parallel_loop3A_884 = arith.constant 32 : i32
        %parallel_loop3A_885 = arith.muli %parallel_loop3A_372, %parallel_loop3A_884 : i32
        %parallel_loop3A_886 = arith.constant 12 : i32
        %parallel_loop3A_887 = arith.addi %parallel_loop3A_885, %parallel_loop3A_886 : i32
        %parallel_loop3A_888 = arith.index_cast %parallel_loop3A_887 : i32 to index
        %parallel_loop3A_889 = arith.constant 16 : index
        %parallel_loop3A_890 = tpu.vector_load %arg8[%parallel_loop3A_888, %parallel_loop3A_889] {strides = array<i32>} : memref<640x32xf32, #tpu.memory_space<vmem>>, vector<16xf32>,
        tpu.vector_store %arg8[%parallel_loop3A_888, %parallel_loop3A_889], %parallel_loop3A_813 {strides = array<i32>} : memref<640x32xf32, #tpu.memory_space<vmem>>, vector<16xf32>,
        %parallel_loop3A_891 = arith.constant 32 : i32
        %parallel_loop3A_892 = arith.muli %parallel_loop3A_372, %parallel_loop3A_891 : i32
        %parallel_loop3A_893 = arith.constant 13 : i32
        %parallel_loop3A_894 = arith.addi %parallel_loop3A_892, %parallel_loop3A_893 : i32
        %parallel_loop3A_895 = arith.index_cast %parallel_loop3A_894 : i32 to index
        %parallel_loop3A_896 = arith.constant 0 : index
        %parallel_loop3A_897 = tpu.vector_load %arg8[%parallel_loop3A_895, %parallel_loop3A_896] {strides = array<i32>} : memref<640x32xf32, #tpu.memory_space<vmem>>, vector<16xf32>,
        tpu.vector_store %arg8[%parallel_loop3A_895, %parallel_loop3A_896], %parallel_loop3A_825 {strides = array<i32>} : memref<640x32xf32, #tpu.memory_space<vmem>>, vector<16xf32>,
        %parallel_loop3A_898 = arith.constant 32 : i32
        %parallel_loop3A_899 = arith.muli %parallel_loop3A_372, %parallel_loop3A_898 : i32
        %parallel_loop3A_900 = arith.constant 13 : i32
        %parallel_loop3A_901 = arith.addi %parallel_loop3A_899, %parallel_loop3A_900 : i32
        %parallel_loop3A_902 = arith.index_cast %parallel_loop3A_901 : i32 to index
        %parallel_loop3A_903 = arith.constant 16 : index
        %parallel_loop3A_904 = tpu.vector_load %arg8[%parallel_loop3A_902, %parallel_loop3A_903] {strides = array<i32>} : memref<640x32xf32, #tpu.memory_space<vmem>>, vector<16xf32>,
        tpu.vector_store %arg8[%parallel_loop3A_902, %parallel_loop3A_903], %parallel_loop3A_834 {strides = array<i32>} : memref<640x32xf32, #tpu.memory_space<vmem>>, vector<16xf32>,
        %parallel_loop3A_905 = arith.constant 32 : i32
        %parallel_loop3A_906 = arith.muli %parallel_loop3A_372, %parallel_loop3A_905 : i32
        %parallel_loop3A_907 = arith.constant 14 : i32
        %parallel_loop3A_908 = arith.addi %parallel_loop3A_906, %parallel_loop3A_907 : i32
        %parallel_loop3A_909 = arith.index_cast %parallel_loop3A_908 : i32 to index
        %parallel_loop3A_910 = arith.constant 0 : index
        %parallel_loop3A_911 = tpu.vector_load %arg8[%parallel_loop3A_909, %parallel_loop3A_910] {strides = array<i32>} : memref<640x32xf32, #tpu.memory_space<vmem>>, vector<16xf32>,
        tpu.vector_store %arg8[%parallel_loop3A_909, %parallel_loop3A_910], %parallel_loop3A_846 {strides = array<i32>} : memref<640x32xf32, #tpu.memory_space<vmem>>, vector<16xf32>,
        %parallel_loop3A_912 = arith.constant 32 : i32
        %parallel_loop3A_913 = arith.muli %parallel_loop3A_372, %parallel_loop3A_912 : i32
        %parallel_loop3A_914 = arith.constant 14 : i32
        %parallel_loop3A_915 = arith.addi %parallel_loop3A_913, %parallel_loop3A_914 : i32
        %parallel_loop3A_916 = arith.index_cast %parallel_loop3A_915 : i32 to index
        %parallel_loop3A_917 = arith.constant 16 : index
        %parallel_loop3A_918 = tpu.vector_load %arg8[%parallel_loop3A_916, %parallel_loop3A_917] {strides = array<i32>} : memref<640x32xf32, #tpu.memory_space<vmem>>, vector<16xf32>,
        tpu.vector_store %arg8[%parallel_loop3A_916, %parallel_loop3A_917], %parallel_loop3A_855 {strides = array<i32>} : memref<640x32xf32, #tpu.memory_space<vmem>>, vector<16xf32>,
        %parallel_loop3A_919 = arith.constant 32 : i32
        %parallel_loop3A_920 = arith.muli %parallel_loop3A_372, %parallel_loop3A_919 : i32
        %parallel_loop3A_921 = arith.constant 15 : i32
        %parallel_loop3A_922 = arith.addi %parallel_loop3A_920, %parallel_loop3A_921 : i32
        %parallel_loop3A_923 = arith.index_cast %parallel_loop3A_922 : i32 to index
        %parallel_loop3A_924 = arith.constant 0 : index
        %parallel_loop3A_925 = tpu.vector_load %arg8[%parallel_loop3A_923, %parallel_loop3A_924] {strides = array<i32>} : memref<640x32xf32, #tpu.memory_space<vmem>>, vector<16xf32>,
        tpu.vector_store %arg8[%parallel_loop3A_923, %parallel_loop3A_924], %parallel_loop3A_867 {strides = array<i32>} : memref<640x32xf32, #tpu.memory_space<vmem>>, vector<16xf32>,
        %parallel_loop3A_926 = arith.constant 32 : i32
        %parallel_loop3A_927 = arith.muli %parallel_loop3A_372, %parallel_loop3A_926 : i32
        %parallel_loop3A_928 = arith.constant 15 : i32
        %parallel_loop3A_929 = arith.addi %parallel_loop3A_927, %parallel_loop3A_928 : i32
        %parallel_loop3A_930 = arith.index_cast %parallel_loop3A_929 : i32 to index
        %parallel_loop3A_931 = arith.constant 16 : index
        %parallel_loop3A_932 = tpu.vector_load %arg8[%parallel_loop3A_930, %parallel_loop3A_931] {strides = array<i32>} : memref<640x32xf32, #tpu.memory_space<vmem>>, vector<16xf32>,
        tpu.vector_store %arg8[%parallel_loop3A_930, %parallel_loop3A_931], %parallel_loop3A_876 {strides = array<i32>} : memref<640x32xf32, #tpu.memory_space<vmem>>, vector<16xf32>,
        %parallel_loop3A_933 = arith.constant 16 : i32
        %parallel_loop3A_934 = vector.broadcast %parallel_loop3A_933 : i32 to vector<16xi32>
        %parallel_loop3A_935 = arith.addi %mul3A_10, %parallel_loop3A_934 : vector<16xi32>
        %parallel_loop3A_936 = arith.constant 0 : i32
        %parallel_loop3A_937 = vector.broadcast %parallel_loop3A_936 : i32 to vector<16xi32>
        %parallel_loop3A_938 = arith.addi %shift_right_arithmetic3A_13, %parallel_loop3A_937 : vector<16xi32>
        %parallel_loop3A_939 = arith.constant 0 : i32
        %parallel_loop3A_940 = arith.constant 0 : i32
        %parallel_loop3A_941 = arith.constant 0 : i32
        %parallel_loop3A_942 = tpu.memref_slice %arg6[%parallel_loop3A_372, %parallel_loop3A_939, %parallel_loop3A_940, %parallel_loop3A_941] : memref<20x4x8x33xf32, #tpu.memory_space<vmem>> -> memref<1x4x8x33xf32, #tpu.memory_space<vmem>>
        %parallel_loop3A_943 = tpu.memref_squeeze %parallel_loop3A_942 : memref<1x4x8x33xf32, #tpu.memory_space<vmem>> -> memref<4x8x33xf32, #tpu.memory_space<vmem>>
        %parallel_loop3A_944 = tpu.vector_load_idx %parallel_loop3A_943[%parallel_loop3A_938, %and3A_16, %parallel_loop3A_935] : memref<4x8x33xf32, #tpu.memory_space<vmem>>[vector<16xi32>, vector<16xi32>, vector<16xi32>], vector<16xf32>,
        %parallel_loop3A_945 = arith.constant 2 : i32
        %parallel_loop3A_946 = vector.broadcast %parallel_loop3A_945 : i32 to vector<16xi32>
        %parallel_loop3A_947 = arith.addi %shift_right_arithmetic3A_13, %parallel_loop3A_946 : vector<16xi32>
        %parallel_loop3A_948 = arith.constant 0 : i32
        %parallel_loop3A_949 = arith.constant 0 : i32
        %parallel_loop3A_950 = arith.constant 0 : i32
        %parallel_loop3A_951 = tpu.memref_slice %arg6[%parallel_loop3A_372, %parallel_loop3A_948, %parallel_loop3A_949, %parallel_loop3A_950] : memref<20x4x8x33xf32, #tpu.memory_space<vmem>> -> memref<1x4x8x33xf32, #tpu.memory_space<vmem>>
        %parallel_loop3A_952 = tpu.memref_squeeze %parallel_loop3A_951 : memref<1x4x8x33xf32, #tpu.memory_space<vmem>> -> memref<4x8x33xf32, #tpu.memory_space<vmem>>
        %parallel_loop3A_953 = tpu.vector_load_idx %parallel_loop3A_952[%parallel_loop3A_947, %and3A_16, %parallel_loop3A_935] : memref<4x8x33xf32, #tpu.memory_space<vmem>>[vector<16xi32>, vector<16xi32>, vector<16xi32>], vector<16xf32>,
        %parallel_loop3A_954 = arith.constant 17 : i32
        %parallel_loop3A_955 = vector.broadcast %parallel_loop3A_954 : i32 to vector<16xi32>
        %parallel_loop3A_956 = arith.addi %mul3A_10, %parallel_loop3A_955 : vector<16xi32>
        %parallel_loop3A_957 = arith.constant 0 : i32
        %parallel_loop3A_958 = vector.broadcast %parallel_loop3A_957 : i32 to vector<16xi32>
        %parallel_loop3A_959 = arith.addi %shift_right_arithmetic3A_13, %parallel_loop3A_958 : vector<16xi32>
        %parallel_loop3A_960 = arith.constant 0 : i32
        %parallel_loop3A_961 = arith.constant 0 : i32
        %parallel_loop3A_962 = arith.constant 0 : i32
        %parallel_loop3A_963 = tpu.memref_slice %arg6[%parallel_loop3A_372, %parallel_loop3A_960, %parallel_loop3A_961, %parallel_loop3A_962] : memref<20x4x8x33xf32, #tpu.memory_space<vmem>> -> memref<1x4x8x33xf32, #tpu.memory_space<vmem>>
        %parallel_loop3A_964 = tpu.memref_squeeze %parallel_loop3A_963 : memref<1x4x8x33xf32, #tpu.memory_space<vmem>> -> memref<4x8x33xf32, #tpu.memory_space<vmem>>
        %parallel_loop3A_965 = tpu.vector_load_idx %parallel_loop3A_964[%parallel_loop3A_959, %and3A_16, %parallel_loop3A_956] : memref<4x8x33xf32, #tpu.memory_space<vmem>>[vector<16xi32>, vector<16xi32>, vector<16xi32>], vector<16xf32>,
        %parallel_loop3A_966 = arith.constant 2 : i32
        %parallel_loop3A_967 = vector.broadcast %parallel_loop3A_966 : i32 to vector<16xi32>
        %parallel_loop3A_968 = arith.addi %shift_right_arithmetic3A_13, %parallel_loop3A_967 : vector<16xi32>
        %parallel_loop3A_969 = arith.constant 0 : i32
        %parallel_loop3A_970 = arith.constant 0 : i32
        %parallel_loop3A_971 = arith.constant 0 : i32
        %parallel_loop3A_972 = tpu.memref_slice %arg6[%parallel_loop3A_372, %parallel_loop3A_969, %parallel_loop3A_970, %parallel_loop3A_971] : memref<20x4x8x33xf32, #tpu.memory_space<vmem>> -> memref<1x4x8x33xf32, #tpu.memory_space<vmem>>
        %parallel_loop3A_973 = tpu.memref_squeeze %parallel_loop3A_972 : memref<1x4x8x33xf32, #tpu.memory_space<vmem>> -> memref<4x8x33xf32, #tpu.memory_space<vmem>>
        %parallel_loop3A_974 = tpu.vector_load_idx %parallel_loop3A_973[%parallel_loop3A_968, %and3A_16, %parallel_loop3A_956] : memref<4x8x33xf32, #tpu.memory_space<vmem>>[vector<16xi32>, vector<16xi32>, vector<16xi32>], vector<16xf32>,
        %parallel_loop3A_975 = arith.constant 18 : i32
        %parallel_loop3A_976 = vector.broadcast %parallel_loop3A_975 : i32 to vector<16xi32>
        %parallel_loop3A_977 = arith.addi %mul3A_10, %parallel_loop3A_976 : vector<16xi32>
        %parallel_loop3A_978 = arith.constant 0 : i32
        %parallel_loop3A_979 = vector.broadcast %parallel_loop3A_978 : i32 to vector<16xi32>
        %parallel_loop3A_980 = arith.addi %shift_right_arithmetic3A_13, %parallel_loop3A_979 : vector<16xi32>
        %parallel_loop3A_981 = arith.constant 0 : i32
        %parallel_loop3A_982 = arith.constant 0 : i32
        %parallel_loop3A_983 = arith.constant 0 : i32
        %parallel_loop3A_984 = tpu.memref_slice %arg6[%parallel_loop3A_372, %parallel_loop3A_981, %parallel_loop3A_982, %parallel_loop3A_983] : memref<20x4x8x33xf32, #tpu.memory_space<vmem>> -> memref<1x4x8x33xf32, #tpu.memory_space<vmem>>
        %parallel_loop3A_985 = tpu.memref_squeeze %parallel_loop3A_984 : memref<1x4x8x33xf32, #tpu.memory_space<vmem>> -> memref<4x8x33xf32, #tpu.memory_space<vmem>>
        %parallel_loop3A_986 = tpu.vector_load_idx %parallel_loop3A_985[%parallel_loop3A_980, %and3A_16, %parallel_loop3A_977] : memref<4x8x33xf32, #tpu.memory_space<vmem>>[vector<16xi32>, vector<16xi32>, vector<16xi32>], vector<16xf32>,
        %parallel_loop3A_987 = arith.constant 2 : i32
        %parallel_loop3A_988 = vector.broadcast %parallel_loop3A_987 : i32 to vector<16xi32>
        %parallel_loop3A_989 = arith.addi %shift_right_arithmetic3A_13, %parallel_loop3A_988 : vector<16xi32>
        %parallel_loop3A_990 = arith.constant 0 : i32
        %parallel_loop3A_991 = arith.constant 0 : i32
        %parallel_loop3A_992 = arith.constant 0 : i32
        %parallel_loop3A_993 = tpu.memref_slice %arg6[%parallel_loop3A_372, %parallel_loop3A_990, %parallel_loop3A_991, %parallel_loop3A_992] : memref<20x4x8x33xf32, #tpu.memory_space<vmem>> -> memref<1x4x8x33xf32, #tpu.memory_space<vmem>>
        %parallel_loop3A_994 = tpu.memref_squeeze %parallel_loop3A_993 : memref<1x4x8x33xf32, #tpu.memory_space<vmem>> -> memref<4x8x33xf32, #tpu.memory_space<vmem>>
        %parallel_loop3A_995 = tpu.vector_load_idx %parallel_loop3A_994[%parallel_loop3A_989, %and3A_16, %parallel_loop3A_977] : memref<4x8x33xf32, #tpu.memory_space<vmem>>[vector<16xi32>, vector<16xi32>, vector<16xi32>], vector<16xf32>,
        %parallel_loop3A_996 = arith.constant 19 : i32
        %parallel_loop3A_997 = vector.broadcast %parallel_loop3A_996 : i32 to vector<16xi32>
        %parallel_loop3A_998 = arith.addi %mul3A_10, %parallel_loop3A_997 : vector<16xi32>
        %parallel_loop3A_999 = arith.constant 0 : i32
        %parallel_loop3A_1000 = vector.broadcast %parallel_loop3A_999 : i32 to vector<16xi32>
        %parallel_loop3A_1001 = arith.addi %shift_right_arithmetic3A_13, %parallel_loop3A_1000 : vector<16xi32>
        %parallel_loop3A_1002 = arith.constant 0 : i32
        %parallel_loop3A_1003 = arith.constant 0 : i32
        %parallel_loop3A_1004 = arith.constant 0 : i32
        %parallel_loop3A_1005 = tpu.memref_slice %arg6[%parallel_loop3A_372, %parallel_loop3A_1002, %parallel_loop3A_1003, %parallel_loop3A_1004] : memref<20x4x8x33xf32, #tpu.memory_space<vmem>> -> memref<1x4x8x33xf32, #tpu.memory_space<vmem>>
        %parallel_loop3A_1006 = tpu.memref_squeeze %parallel_loop3A_1005 : memref<1x4x8x33xf32, #tpu.memory_space<vmem>> -> memref<4x8x33xf32, #tpu.memory_space<vmem>>
        %parallel_loop3A_1007 = tpu.vector_load_idx %parallel_loop3A_1006[%parallel_loop3A_1001, %and3A_16, %parallel_loop3A_998] : memref<4x8x33xf32, #tpu.memory_space<vmem>>[vector<16xi32>, vector<16xi32>, vector<16xi32>], vector<16xf32>,
        %parallel_loop3A_1008 = arith.constant 2 : i32
        %parallel_loop3A_1009 = vector.broadcast %parallel_loop3A_1008 : i32 to vector<16xi32>
        %parallel_loop3A_1010 = arith.addi %shift_right_arithmetic3A_13, %parallel_loop3A_1009 : vector<16xi32>
        %parallel_loop3A_1011 = arith.constant 0 : i32
        %parallel_loop3A_1012 = arith.constant 0 : i32
        %parallel_loop3A_1013 = arith.constant 0 : i32
        %parallel_loop3A_1014 = tpu.memref_slice %arg6[%parallel_loop3A_372, %parallel_loop3A_1011, %parallel_loop3A_1012, %parallel_loop3A_1013] : memref<20x4x8x33xf32, #tpu.memory_space<vmem>> -> memref<1x4x8x33xf32, #tpu.memory_space<vmem>>
        %parallel_loop3A_1015 = tpu.memref_squeeze %parallel_loop3A_1014 : memref<1x4x8x33xf32, #tpu.memory_space<vmem>> -> memref<4x8x33xf32, #tpu.memory_space<vmem>>
        %parallel_loop3A_1016 = tpu.vector_load_idx %parallel_loop3A_1015[%parallel_loop3A_1010, %and3A_16, %parallel_loop3A_998] : memref<4x8x33xf32, #tpu.memory_space<vmem>>[vector<16xi32>, vector<16xi32>, vector<16xi32>], vector<16xf32>,
        %parallel_loop3A_1017 = arith.constant 32 : i32
        %parallel_loop3A_1018 = arith.muli %parallel_loop3A_372, %parallel_loop3A_1017 : i32
        %parallel_loop3A_1019 = arith.constant 16 : i32
        %parallel_loop3A_1020 = arith.addi %parallel_loop3A_1018, %parallel_loop3A_1019 : i32
        %parallel_loop3A_1021 = arith.index_cast %parallel_loop3A_1020 : i32 to index
        %parallel_loop3A_1022 = arith.constant 0 : index
        %parallel_loop3A_1023 = tpu.vector_load %arg8[%parallel_loop3A_1021, %parallel_loop3A_1022] {strides = array<i32>} : memref<640x32xf32, #tpu.memory_space<vmem>>, vector<16xf32>,
        tpu.vector_store %arg8[%parallel_loop3A_1021, %parallel_loop3A_1022], %parallel_loop3A_944 {strides = array<i32>} : memref<640x32xf32, #tpu.memory_space<vmem>>, vector<16xf32>,
        %parallel_loop3A_1024 = arith.constant 32 : i32
        %parallel_loop3A_1025 = arith.muli %parallel_loop3A_372, %parallel_loop3A_1024 : i32
        %parallel_loop3A_1026 = arith.constant 16 : i32
        %parallel_loop3A_1027 = arith.addi %parallel_loop3A_1025, %parallel_loop3A_1026 : i32
        %parallel_loop3A_1028 = arith.index_cast %parallel_loop3A_1027 : i32 to index
        %parallel_loop3A_1029 = arith.constant 16 : index
        %parallel_loop3A_1030 = tpu.vector_load %arg8[%parallel_loop3A_1028, %parallel_loop3A_1029] {strides = array<i32>} : memref<640x32xf32, #tpu.memory_space<vmem>>, vector<16xf32>,
        tpu.vector_store %arg8[%parallel_loop3A_1028, %parallel_loop3A_1029], %parallel_loop3A_953 {strides = array<i32>} : memref<640x32xf32, #tpu.memory_space<vmem>>, vector<16xf32>,
        %parallel_loop3A_1031 = arith.constant 32 : i32
        %parallel_loop3A_1032 = arith.muli %parallel_loop3A_372, %parallel_loop3A_1031 : i32
        %parallel_loop3A_1033 = arith.constant 17 : i32
        %parallel_loop3A_1034 = arith.addi %parallel_loop3A_1032, %parallel_loop3A_1033 : i32
        %parallel_loop3A_1035 = arith.index_cast %parallel_loop3A_1034 : i32 to index
        %parallel_loop3A_1036 = arith.constant 0 : index
        %parallel_loop3A_1037 = tpu.vector_load %arg8[%parallel_loop3A_1035, %parallel_loop3A_1036] {strides = array<i32>} : memref<640x32xf32, #tpu.memory_space<vmem>>, vector<16xf32>,
        tpu.vector_store %arg8[%parallel_loop3A_1035, %parallel_loop3A_1036], %parallel_loop3A_965 {strides = array<i32>} : memref<640x32xf32, #tpu.memory_space<vmem>>, vector<16xf32>,
        %parallel_loop3A_1038 = arith.constant 32 : i32
        %parallel_loop3A_1039 = arith.muli %parallel_loop3A_372, %parallel_loop3A_1038 : i32
        %parallel_loop3A_1040 = arith.constant 17 : i32
        %parallel_loop3A_1041 = arith.addi %parallel_loop3A_1039, %parallel_loop3A_1040 : i32
        %parallel_loop3A_1042 = arith.index_cast %parallel_loop3A_1041 : i32 to index
        %parallel_loop3A_1043 = arith.constant 16 : index
        %parallel_loop3A_1044 = tpu.vector_load %arg8[%parallel_loop3A_1042, %parallel_loop3A_1043] {strides = array<i32>} : memref<640x32xf32, #tpu.memory_space<vmem>>, vector<16xf32>,
        tpu.vector_store %arg8[%parallel_loop3A_1042, %parallel_loop3A_1043], %parallel_loop3A_974 {strides = array<i32>} : memref<640x32xf32, #tpu.memory_space<vmem>>, vector<16xf32>,
        %parallel_loop3A_1045 = arith.constant 32 : i32
        %parallel_loop3A_1046 = arith.muli %parallel_loop3A_372, %parallel_loop3A_1045 : i32
        %parallel_loop3A_1047 = arith.constant 18 : i32
        %parallel_loop3A_1048 = arith.addi %parallel_loop3A_1046, %parallel_loop3A_1047 : i32
        %parallel_loop3A_1049 = arith.index_cast %parallel_loop3A_1048 : i32 to index
        %parallel_loop3A_1050 = arith.constant 0 : index
        %parallel_loop3A_1051 = tpu.vector_load %arg8[%parallel_loop3A_1049, %parallel_loop3A_1050] {strides = array<i32>} : memref<640x32xf32, #tpu.memory_space<vmem>>, vector<16xf32>,
        tpu.vector_store %arg8[%parallel_loop3A_1049, %parallel_loop3A_1050], %parallel_loop3A_986 {strides = array<i32>} : memref<640x32xf32, #tpu.memory_space<vmem>>, vector<16xf32>,
        %parallel_loop3A_1052 = arith.constant 32 : i32
        %parallel_loop3A_1053 = arith.muli %parallel_loop3A_372, %parallel_loop3A_1052 : i32
        %parallel_loop3A_1054 = arith.constant 18 : i32
        %parallel_loop3A_1055 = arith.addi %parallel_loop3A_1053, %parallel_loop3A_1054 : i32
        %parallel_loop3A_1056 = arith.index_cast %parallel_loop3A_1055 : i32 to index
        %parallel_loop3A_1057 = arith.constant 16 : index
        %parallel_loop3A_1058 = tpu.vector_load %arg8[%parallel_loop3A_1056, %parallel_loop3A_1057] {strides = array<i32>} : memref<640x32xf32, #tpu.memory_space<vmem>>, vector<16xf32>,
        tpu.vector_store %arg8[%parallel_loop3A_1056, %parallel_loop3A_1057], %parallel_loop3A_995 {strides = array<i32>} : memref<640x32xf32, #tpu.memory_space<vmem>>, vector<16xf32>,
        %parallel_loop3A_1059 = arith.constant 32 : i32
        %parallel_loop3A_1060 = arith.muli %parallel_loop3A_372, %parallel_loop3A_1059 : i32
        %parallel_loop3A_1061 = arith.constant 19 : i32
        %parallel_loop3A_1062 = arith.addi %parallel_loop3A_1060, %parallel_loop3A_1061 : i32
        %parallel_loop3A_1063 = arith.index_cast %parallel_loop3A_1062 : i32 to index
        %parallel_loop3A_1064 = arith.constant 0 : index
        %parallel_loop3A_1065 = tpu.vector_load %arg8[%parallel_loop3A_1063, %parallel_loop3A_1064] {strides = array<i32>} : memref<640x32xf32, #tpu.memory_space<vmem>>, vector<16xf32>,
        tpu.vector_store %arg8[%parallel_loop3A_1063, %parallel_loop3A_1064], %parallel_loop3A_1007 {strides = array<i32>} : memref<640x32xf32, #tpu.memory_space<vmem>>, vector<16xf32>,
        %parallel_loop3A_1066 = arith.constant 32 : i32
        %parallel_loop3A_1067 = arith.muli %parallel_loop3A_372, %parallel_loop3A_1066 : i32
        %parallel_loop3A_1068 = arith.constant 19 : i32
        %parallel_loop3A_1069 = arith.addi %parallel_loop3A_1067, %parallel_loop3A_1068 : i32
        %parallel_loop3A_1070 = arith.index_cast %parallel_loop3A_1069 : i32 to index
        %parallel_loop3A_1071 = arith.constant 16 : index
        %parallel_loop3A_1072 = tpu.vector_load %arg8[%parallel_loop3A_1070, %parallel_loop3A_1071] {strides = array<i32>} : memref<640x32xf32, #tpu.memory_space<vmem>>, vector<16xf32>,
        tpu.vector_store %arg8[%parallel_loop3A_1070, %parallel_loop3A_1071], %parallel_loop3A_1016 {strides = array<i32>} : memref<640x32xf32, #tpu.memory_space<vmem>>, vector<16xf32>,
        %parallel_loop3A_1073 = arith.constant 20 : i32
        %parallel_loop3A_1074 = vector.broadcast %parallel_loop3A_1073 : i32 to vector<16xi32>
        %parallel_loop3A_1075 = arith.addi %mul3A_10, %parallel_loop3A_1074 : vector<16xi32>
        %parallel_loop3A_1076 = arith.constant 0 : i32
        %parallel_loop3A_1077 = vector.broadcast %parallel_loop3A_1076 : i32 to vector<16xi32>
        %parallel_loop3A_1078 = arith.addi %shift_right_arithmetic3A_13, %parallel_loop3A_1077 : vector<16xi32>
        %parallel_loop3A_1079 = arith.constant 0 : i32
        %parallel_loop3A_1080 = arith.constant 0 : i32
        %parallel_loop3A_1081 = arith.constant 0 : i32
        %parallel_loop3A_1082 = tpu.memref_slice %arg6[%parallel_loop3A_372, %parallel_loop3A_1079, %parallel_loop3A_1080, %parallel_loop3A_1081] : memref<20x4x8x33xf32, #tpu.memory_space<vmem>> -> memref<1x4x8x33xf32, #tpu.memory_space<vmem>>
        %parallel_loop3A_1083 = tpu.memref_squeeze %parallel_loop3A_1082 : memref<1x4x8x33xf32, #tpu.memory_space<vmem>> -> memref<4x8x33xf32, #tpu.memory_space<vmem>>
        %parallel_loop3A_1084 = tpu.vector_load_idx %parallel_loop3A_1083[%parallel_loop3A_1078, %and3A_16, %parallel_loop3A_1075] : memref<4x8x33xf32, #tpu.memory_space<vmem>>[vector<16xi32>, vector<16xi32>, vector<16xi32>], vector<16xf32>,
        %parallel_loop3A_1085 = arith.constant 2 : i32
        %parallel_loop3A_1086 = vector.broadcast %parallel_loop3A_1085 : i32 to vector<16xi32>
        %parallel_loop3A_1087 = arith.addi %shift_right_arithmetic3A_13, %parallel_loop3A_1086 : vector<16xi32>
        %parallel_loop3A_1088 = arith.constant 0 : i32
        %parallel_loop3A_1089 = arith.constant 0 : i32
        %parallel_loop3A_1090 = arith.constant 0 : i32
        %parallel_loop3A_1091 = tpu.memref_slice %arg6[%parallel_loop3A_372, %parallel_loop3A_1088, %parallel_loop3A_1089, %parallel_loop3A_1090] : memref<20x4x8x33xf32, #tpu.memory_space<vmem>> -> memref<1x4x8x33xf32, #tpu.memory_space<vmem>>
        %parallel_loop3A_1092 = tpu.memref_squeeze %parallel_loop3A_1091 : memref<1x4x8x33xf32, #tpu.memory_space<vmem>> -> memref<4x8x33xf32, #tpu.memory_space<vmem>>
        %parallel_loop3A_1093 = tpu.vector_load_idx %parallel_loop3A_1092[%parallel_loop3A_1087, %and3A_16, %parallel_loop3A_1075] : memref<4x8x33xf32, #tpu.memory_space<vmem>>[vector<16xi32>, vector<16xi32>, vector<16xi32>], vector<16xf32>,
        %parallel_loop3A_1094 = arith.constant 21 : i32
        %parallel_loop3A_1095 = vector.broadcast %parallel_loop3A_1094 : i32 to vector<16xi32>
        %parallel_loop3A_1096 = arith.addi %mul3A_10, %parallel_loop3A_1095 : vector<16xi32>
        %parallel_loop3A_1097 = arith.constant 0 : i32
        %parallel_loop3A_1098 = vector.broadcast %parallel_loop3A_1097 : i32 to vector<16xi32>
        %parallel_loop3A_1099 = arith.addi %shift_right_arithmetic3A_13, %parallel_loop3A_1098 : vector<16xi32>
        %parallel_loop3A_1100 = arith.constant 0 : i32
        %parallel_loop3A_1101 = arith.constant 0 : i32
        %parallel_loop3A_1102 = arith.constant 0 : i32
        %parallel_loop3A_1103 = tpu.memref_slice %arg6[%parallel_loop3A_372, %parallel_loop3A_1100, %parallel_loop3A_1101, %parallel_loop3A_1102] : memref<20x4x8x33xf32, #tpu.memory_space<vmem>> -> memref<1x4x8x33xf32, #tpu.memory_space<vmem>>
        %parallel_loop3A_1104 = tpu.memref_squeeze %parallel_loop3A_1103 : memref<1x4x8x33xf32, #tpu.memory_space<vmem>> -> memref<4x8x33xf32, #tpu.memory_space<vmem>>
        %parallel_loop3A_1105 = tpu.vector_load_idx %parallel_loop3A_1104[%parallel_loop3A_1099, %and3A_16, %parallel_loop3A_1096] : memref<4x8x33xf32, #tpu.memory_space<vmem>>[vector<16xi32>, vector<16xi32>, vector<16xi32>], vector<16xf32>,
        %parallel_loop3A_1106 = arith.constant 2 : i32
        %parallel_loop3A_1107 = vector.broadcast %parallel_loop3A_1106 : i32 to vector<16xi32>
        %parallel_loop3A_1108 = arith.addi %shift_right_arithmetic3A_13, %parallel_loop3A_1107 : vector<16xi32>
        %parallel_loop3A_1109 = arith.constant 0 : i32
        %parallel_loop3A_1110 = arith.constant 0 : i32
        %parallel_loop3A_1111 = arith.constant 0 : i32
        %parallel_loop3A_1112 = tpu.memref_slice %arg6[%parallel_loop3A_372, %parallel_loop3A_1109, %parallel_loop3A_1110, %parallel_loop3A_1111] : memref<20x4x8x33xf32, #tpu.memory_space<vmem>> -> memref<1x4x8x33xf32, #tpu.memory_space<vmem>>
        %parallel_loop3A_1113 = tpu.memref_squeeze %parallel_loop3A_1112 : memref<1x4x8x33xf32, #tpu.memory_space<vmem>> -> memref<4x8x33xf32, #tpu.memory_space<vmem>>
        %parallel_loop3A_1114 = tpu.vector_load_idx %parallel_loop3A_1113[%parallel_loop3A_1108, %and3A_16, %parallel_loop3A_1096] : memref<4x8x33xf32, #tpu.memory_space<vmem>>[vector<16xi32>, vector<16xi32>, vector<16xi32>], vector<16xf32>,
        %parallel_loop3A_1115 = arith.constant 22 : i32
        %parallel_loop3A_1116 = vector.broadcast %parallel_loop3A_1115 : i32 to vector<16xi32>
        %parallel_loop3A_1117 = arith.addi %mul3A_10, %parallel_loop3A_1116 : vector<16xi32>
        %parallel_loop3A_1118 = arith.constant 0 : i32
        %parallel_loop3A_1119 = vector.broadcast %parallel_loop3A_1118 : i32 to vector<16xi32>
        %parallel_loop3A_1120 = arith.addi %shift_right_arithmetic3A_13, %parallel_loop3A_1119 : vector<16xi32>
        %parallel_loop3A_1121 = arith.constant 0 : i32
        %parallel_loop3A_1122 = arith.constant 0 : i32
        %parallel_loop3A_1123 = arith.constant 0 : i32
        %parallel_loop3A_1124 = tpu.memref_slice %arg6[%parallel_loop3A_372, %parallel_loop3A_1121, %parallel_loop3A_1122, %parallel_loop3A_1123] : memref<20x4x8x33xf32, #tpu.memory_space<vmem>> -> memref<1x4x8x33xf32, #tpu.memory_space<vmem>>
        %parallel_loop3A_1125 = tpu.memref_squeeze %parallel_loop3A_1124 : memref<1x4x8x33xf32, #tpu.memory_space<vmem>> -> memref<4x8x33xf32, #tpu.memory_space<vmem>>
        %parallel_loop3A_1126 = tpu.vector_load_idx %parallel_loop3A_1125[%parallel_loop3A_1120, %and3A_16, %parallel_loop3A_1117] : memref<4x8x33xf32, #tpu.memory_space<vmem>>[vector<16xi32>, vector<16xi32>, vector<16xi32>], vector<16xf32>,
        %parallel_loop3A_1127 = arith.constant 2 : i32
        %parallel_loop3A_1128 = vector.broadcast %parallel_loop3A_1127 : i32 to vector<16xi32>
        %parallel_loop3A_1129 = arith.addi %shift_right_arithmetic3A_13, %parallel_loop3A_1128 : vector<16xi32>
        %parallel_loop3A_1130 = arith.constant 0 : i32
        %parallel_loop3A_1131 = arith.constant 0 : i32
        %parallel_loop3A_1132 = arith.constant 0 : i32
        %parallel_loop3A_1133 = tpu.memref_slice %arg6[%parallel_loop3A_372, %parallel_loop3A_1130, %parallel_loop3A_1131, %parallel_loop3A_1132] : memref<20x4x8x33xf32, #tpu.memory_space<vmem>> -> memref<1x4x8x33xf32, #tpu.memory_space<vmem>>
        %parallel_loop3A_1134 = tpu.memref_squeeze %parallel_loop3A_1133 : memref<1x4x8x33xf32, #tpu.memory_space<vmem>> -> memref<4x8x33xf32, #tpu.memory_space<vmem>>
        %parallel_loop3A_1135 = tpu.vector_load_idx %parallel_loop3A_1134[%parallel_loop3A_1129, %and3A_16, %parallel_loop3A_1117] : memref<4x8x33xf32, #tpu.memory_space<vmem>>[vector<16xi32>, vector<16xi32>, vector<16xi32>], vector<16xf32>,
        %parallel_loop3A_1136 = arith.constant 23 : i32
        %parallel_loop3A_1137 = vector.broadcast %parallel_loop3A_1136 : i32 to vector<16xi32>
        %parallel_loop3A_1138 = arith.addi %mul3A_10, %parallel_loop3A_1137 : vector<16xi32>
        %parallel_loop3A_1139 = arith.constant 0 : i32
        %parallel_loop3A_1140 = vector.broadcast %parallel_loop3A_1139 : i32 to vector<16xi32>
        %parallel_loop3A_1141 = arith.addi %shift_right_arithmetic3A_13, %parallel_loop3A_1140 : vector<16xi32>
        %parallel_loop3A_1142 = arith.constant 0 : i32
        %parallel_loop3A_1143 = arith.constant 0 : i32
        %parallel_loop3A_1144 = arith.constant 0 : i32
        %parallel_loop3A_1145 = tpu.memref_slice %arg6[%parallel_loop3A_372, %parallel_loop3A_1142, %parallel_loop3A_1143, %parallel_loop3A_1144] : memref<20x4x8x33xf32, #tpu.memory_space<vmem>> -> memref<1x4x8x33xf32, #tpu.memory_space<vmem>>
        %parallel_loop3A_1146 = tpu.memref_squeeze %parallel_loop3A_1145 : memref<1x4x8x33xf32, #tpu.memory_space<vmem>> -> memref<4x8x33xf32, #tpu.memory_space<vmem>>
        %parallel_loop3A_1147 = tpu.vector_load_idx %parallel_loop3A_1146[%parallel_loop3A_1141, %and3A_16, %parallel_loop3A_1138] : memref<4x8x33xf32, #tpu.memory_space<vmem>>[vector<16xi32>, vector<16xi32>, vector<16xi32>], vector<16xf32>,
        %parallel_loop3A_1148 = arith.constant 2 : i32
        %parallel_loop3A_1149 = vector.broadcast %parallel_loop3A_1148 : i32 to vector<16xi32>
        %parallel_loop3A_1150 = arith.addi %shift_right_arithmetic3A_13, %parallel_loop3A_1149 : vector<16xi32>
        %parallel_loop3A_1151 = arith.constant 0 : i32
        %parallel_loop3A_1152 = arith.constant 0 : i32
        %parallel_loop3A_1153 = arith.constant 0 : i32
        %parallel_loop3A_1154 = tpu.memref_slice %arg6[%parallel_loop3A_372, %parallel_loop3A_1151, %parallel_loop3A_1152, %parallel_loop3A_1153] : memref<20x4x8x33xf32, #tpu.memory_space<vmem>> -> memref<1x4x8x33xf32, #tpu.memory_space<vmem>>
        %parallel_loop3A_1155 = tpu.memref_squeeze %parallel_loop3A_1154 : memref<1x4x8x33xf32, #tpu.memory_space<vmem>> -> memref<4x8x33xf32, #tpu.memory_space<vmem>>
        %parallel_loop3A_1156 = tpu.vector_load_idx %parallel_loop3A_1155[%parallel_loop3A_1150, %and3A_16, %parallel_loop3A_1138] : memref<4x8x33xf32, #tpu.memory_space<vmem>>[vector<16xi32>, vector<16xi32>, vector<16xi32>], vector<16xf32>,
        %parallel_loop3A_1157 = arith.constant 32 : i32
        %parallel_loop3A_1158 = arith.muli %parallel_loop3A_372, %parallel_loop3A_1157 : i32
        %parallel_loop3A_1159 = arith.constant 20 : i32
        %parallel_loop3A_1160 = arith.addi %parallel_loop3A_1158, %parallel_loop3A_1159 : i32
        %parallel_loop3A_1161 = arith.index_cast %parallel_loop3A_1160 : i32 to index
        %parallel_loop3A_1162 = arith.constant 0 : index
        %parallel_loop3A_1163 = tpu.vector_load %arg8[%parallel_loop3A_1161, %parallel_loop3A_1162] {strides = array<i32>} : memref<640x32xf32, #tpu.memory_space<vmem>>, vector<16xf32>,
        tpu.vector_store %arg8[%parallel_loop3A_1161, %parallel_loop3A_1162], %parallel_loop3A_1084 {strides = array<i32>} : memref<640x32xf32, #tpu.memory_space<vmem>>, vector<16xf32>,
        %parallel_loop3A_1164 = arith.constant 32 : i32
        %parallel_loop3A_1165 = arith.muli %parallel_loop3A_372, %parallel_loop3A_1164 : i32
        %parallel_loop3A_1166 = arith.constant 20 : i32
        %parallel_loop3A_1167 = arith.addi %parallel_loop3A_1165, %parallel_loop3A_1166 : i32
        %parallel_loop3A_1168 = arith.index_cast %parallel_loop3A_1167 : i32 to index
        %parallel_loop3A_1169 = arith.constant 16 : index
        %parallel_loop3A_1170 = tpu.vector_load %arg8[%parallel_loop3A_1168, %parallel_loop3A_1169] {strides = array<i32>} : memref<640x32xf32, #tpu.memory_space<vmem>>, vector<16xf32>,
        tpu.vector_store %arg8[%parallel_loop3A_1168, %parallel_loop3A_1169], %parallel_loop3A_1093 {strides = array<i32>} : memref<640x32xf32, #tpu.memory_space<vmem>>, vector<16xf32>,
        %parallel_loop3A_1171 = arith.constant 32 : i32
        %parallel_loop3A_1172 = arith.muli %parallel_loop3A_372, %parallel_loop3A_1171 : i32
        %parallel_loop3A_1173 = arith.constant 21 : i32
        %parallel_loop3A_1174 = arith.addi %parallel_loop3A_1172, %parallel_loop3A_1173 : i32
        %parallel_loop3A_1175 = arith.index_cast %parallel_loop3A_1174 : i32 to index
        %parallel_loop3A_1176 = arith.constant 0 : index
        %parallel_loop3A_1177 = tpu.vector_load %arg8[%parallel_loop3A_1175, %parallel_loop3A_1176] {strides = array<i32>} : memref<640x32xf32, #tpu.memory_space<vmem>>, vector<16xf32>,
        tpu.vector_store %arg8[%parallel_loop3A_1175, %parallel_loop3A_1176], %parallel_loop3A_1105 {strides = array<i32>} : memref<640x32xf32, #tpu.memory_space<vmem>>, vector<16xf32>,
        %parallel_loop3A_1178 = arith.constant 32 : i32
        %parallel_loop3A_1179 = arith.muli %parallel_loop3A_372, %parallel_loop3A_1178 : i32
        %parallel_loop3A_1180 = arith.constant 21 : i32
        %parallel_loop3A_1181 = arith.addi %parallel_loop3A_1179, %parallel_loop3A_1180 : i32
        %parallel_loop3A_1182 = arith.index_cast %parallel_loop3A_1181 : i32 to index
        %parallel_loop3A_1183 = arith.constant 16 : index
        %parallel_loop3A_1184 = tpu.vector_load %arg8[%parallel_loop3A_1182, %parallel_loop3A_1183] {strides = array<i32>} : memref<640x32xf32, #tpu.memory_space<vmem>>, vector<16xf32>,
        tpu.vector_store %arg8[%parallel_loop3A_1182, %parallel_loop3A_1183], %parallel_loop3A_1114 {strides = array<i32>} : memref<640x32xf32, #tpu.memory_space<vmem>>, vector<16xf32>,
        %parallel_loop3A_1185 = arith.constant 32 : i32
        %parallel_loop3A_1186 = arith.muli %parallel_loop3A_372, %parallel_loop3A_1185 : i32
        %parallel_loop3A_1187 = arith.constant 22 : i32
        %parallel_loop3A_1188 = arith.addi %parallel_loop3A_1186, %parallel_loop3A_1187 : i32
        %parallel_loop3A_1189 = arith.index_cast %parallel_loop3A_1188 : i32 to index
        %parallel_loop3A_1190 = arith.constant 0 : index
        %parallel_loop3A_1191 = tpu.vector_load %arg8[%parallel_loop3A_1189, %parallel_loop3A_1190] {strides = array<i32>} : memref<640x32xf32, #tpu.memory_space<vmem>>, vector<16xf32>,
        tpu.vector_store %arg8[%parallel_loop3A_1189, %parallel_loop3A_1190], %parallel_loop3A_1126 {strides = array<i32>} : memref<640x32xf32, #tpu.memory_space<vmem>>, vector<16xf32>,
        %parallel_loop3A_1192 = arith.constant 32 : i32
        %parallel_loop3A_1193 = arith.muli %parallel_loop3A_372, %parallel_loop3A_1192 : i32
        %parallel_loop3A_1194 = arith.constant 22 : i32
        %parallel_loop3A_1195 = arith.addi %parallel_loop3A_1193, %parallel_loop3A_1194 : i32
        %parallel_loop3A_1196 = arith.index_cast %parallel_loop3A_1195 : i32 to index
        %parallel_loop3A_1197 = arith.constant 16 : index
        %parallel_loop3A_1198 = tpu.vector_load %arg8[%parallel_loop3A_1196, %parallel_loop3A_1197] {strides = array<i32>} : memref<640x32xf32, #tpu.memory_space<vmem>>, vector<16xf32>,
        tpu.vector_store %arg8[%parallel_loop3A_1196, %parallel_loop3A_1197], %parallel_loop3A_1135 {strides = array<i32>} : memref<640x32xf32, #tpu.memory_space<vmem>>, vector<16xf32>,
        %parallel_loop3A_1199 = arith.constant 32 : i32
        %parallel_loop3A_1200 = arith.muli %parallel_loop3A_372, %parallel_loop3A_1199 : i32
        %parallel_loop3A_1201 = arith.constant 23 : i32
        %parallel_loop3A_1202 = arith.addi %parallel_loop3A_1200, %parallel_loop3A_1201 : i32
        %parallel_loop3A_1203 = arith.index_cast %parallel_loop3A_1202 : i32 to index
        %parallel_loop3A_1204 = arith.constant 0 : index
        %parallel_loop3A_1205 = tpu.vector_load %arg8[%parallel_loop3A_1203, %parallel_loop3A_1204] {strides = array<i32>} : memref<640x32xf32, #tpu.memory_space<vmem>>, vector<16xf32>,
        tpu.vector_store %arg8[%parallel_loop3A_1203, %parallel_loop3A_1204], %parallel_loop3A_1147 {strides = array<i32>} : memref<640x32xf32, #tpu.memory_space<vmem>>, vector<16xf32>,
        %parallel_loop3A_1206 = arith.constant 32 : i32
        %parallel_loop3A_1207 = arith.muli %parallel_loop3A_372, %parallel_loop3A_1206 : i32
        %parallel_loop3A_1208 = arith.constant 23 : i32
        %parallel_loop3A_1209 = arith.addi %parallel_loop3A_1207, %parallel_loop3A_1208 : i32
        %parallel_loop3A_1210 = arith.index_cast %parallel_loop3A_1209 : i32 to index
        %parallel_loop3A_1211 = arith.constant 16 : index
        %parallel_loop3A_1212 = tpu.vector_load %arg8[%parallel_loop3A_1210, %parallel_loop3A_1211] {strides = array<i32>} : memref<640x32xf32, #tpu.memory_space<vmem>>, vector<16xf32>,
        tpu.vector_store %arg8[%parallel_loop3A_1210, %parallel_loop3A_1211], %parallel_loop3A_1156 {strides = array<i32>} : memref<640x32xf32, #tpu.memory_space<vmem>>, vector<16xf32>,
        %parallel_loop3A_1213 = arith.constant 24 : i32
        %parallel_loop3A_1214 = vector.broadcast %parallel_loop3A_1213 : i32 to vector<16xi32>
        %parallel_loop3A_1215 = arith.addi %mul3A_10, %parallel_loop3A_1214 : vector<16xi32>
        %parallel_loop3A_1216 = arith.constant 0 : i32
        %parallel_loop3A_1217 = vector.broadcast %parallel_loop3A_1216 : i32 to vector<16xi32>
        %parallel_loop3A_1218 = arith.addi %shift_right_arithmetic3A_13, %parallel_loop3A_1217 : vector<16xi32>
        %parallel_loop3A_1219 = arith.constant 0 : i32
        %parallel_loop3A_1220 = arith.constant 0 : i32
        %parallel_loop3A_1221 = arith.constant 0 : i32
        %parallel_loop3A_1222 = tpu.memref_slice %arg6[%parallel_loop3A_372, %parallel_loop3A_1219, %parallel_loop3A_1220, %parallel_loop3A_1221] : memref<20x4x8x33xf32, #tpu.memory_space<vmem>> -> memref<1x4x8x33xf32, #tpu.memory_space<vmem>>
        %parallel_loop3A_1223 = tpu.memref_squeeze %parallel_loop3A_1222 : memref<1x4x8x33xf32, #tpu.memory_space<vmem>> -> memref<4x8x33xf32, #tpu.memory_space<vmem>>
        %parallel_loop3A_1224 = tpu.vector_load_idx %parallel_loop3A_1223[%parallel_loop3A_1218, %and3A_16, %parallel_loop3A_1215] : memref<4x8x33xf32, #tpu.memory_space<vmem>>[vector<16xi32>, vector<16xi32>, vector<16xi32>], vector<16xf32>,
        %parallel_loop3A_1225 = arith.constant 2 : i32
        %parallel_loop3A_1226 = vector.broadcast %parallel_loop3A_1225 : i32 to vector<16xi32>
        %parallel_loop3A_1227 = arith.addi %shift_right_arithmetic3A_13, %parallel_loop3A_1226 : vector<16xi32>
        %parallel_loop3A_1228 = arith.constant 0 : i32
        %parallel_loop3A_1229 = arith.constant 0 : i32
        %parallel_loop3A_1230 = arith.constant 0 : i32
        %parallel_loop3A_1231 = tpu.memref_slice %arg6[%parallel_loop3A_372, %parallel_loop3A_1228, %parallel_loop3A_1229, %parallel_loop3A_1230] : memref<20x4x8x33xf32, #tpu.memory_space<vmem>> -> memref<1x4x8x33xf32, #tpu.memory_space<vmem>>
        %parallel_loop3A_1232 = tpu.memref_squeeze %parallel_loop3A_1231 : memref<1x4x8x33xf32, #tpu.memory_space<vmem>> -> memref<4x8x33xf32, #tpu.memory_space<vmem>>
        %parallel_loop3A_1233 = tpu.vector_load_idx %parallel_loop3A_1232[%parallel_loop3A_1227, %and3A_16, %parallel_loop3A_1215] : memref<4x8x33xf32, #tpu.memory_space<vmem>>[vector<16xi32>, vector<16xi32>, vector<16xi32>], vector<16xf32>,
        %parallel_loop3A_1234 = arith.constant 25 : i32
        %parallel_loop3A_1235 = vector.broadcast %parallel_loop3A_1234 : i32 to vector<16xi32>
        %parallel_loop3A_1236 = arith.addi %mul3A_10, %parallel_loop3A_1235 : vector<16xi32>
        %parallel_loop3A_1237 = arith.constant 0 : i32
        %parallel_loop3A_1238 = vector.broadcast %parallel_loop3A_1237 : i32 to vector<16xi32>
        %parallel_loop3A_1239 = arith.addi %shift_right_arithmetic3A_13, %parallel_loop3A_1238 : vector<16xi32>
        %parallel_loop3A_1240 = arith.constant 0 : i32
        %parallel_loop3A_1241 = arith.constant 0 : i32
        %parallel_loop3A_1242 = arith.constant 0 : i32
        %parallel_loop3A_1243 = tpu.memref_slice %arg6[%parallel_loop3A_372, %parallel_loop3A_1240, %parallel_loop3A_1241, %parallel_loop3A_1242] : memref<20x4x8x33xf32, #tpu.memory_space<vmem>> -> memref<1x4x8x33xf32, #tpu.memory_space<vmem>>
        %parallel_loop3A_1244 = tpu.memref_squeeze %parallel_loop3A_1243 : memref<1x4x8x33xf32, #tpu.memory_space<vmem>> -> memref<4x8x33xf32, #tpu.memory_space<vmem>>
        %parallel_loop3A_1245 = tpu.vector_load_idx %parallel_loop3A_1244[%parallel_loop3A_1239, %and3A_16, %parallel_loop3A_1236] : memref<4x8x33xf32, #tpu.memory_space<vmem>>[vector<16xi32>, vector<16xi32>, vector<16xi32>], vector<16xf32>,
        %parallel_loop3A_1246 = arith.constant 2 : i32
        %parallel_loop3A_1247 = vector.broadcast %parallel_loop3A_1246 : i32 to vector<16xi32>
        %parallel_loop3A_1248 = arith.addi %shift_right_arithmetic3A_13, %parallel_loop3A_1247 : vector<16xi32>
        %parallel_loop3A_1249 = arith.constant 0 : i32
        %parallel_loop3A_1250 = arith.constant 0 : i32
        %parallel_loop3A_1251 = arith.constant 0 : i32
        %parallel_loop3A_1252 = tpu.memref_slice %arg6[%parallel_loop3A_372, %parallel_loop3A_1249, %parallel_loop3A_1250, %parallel_loop3A_1251] : memref<20x4x8x33xf32, #tpu.memory_space<vmem>> -> memref<1x4x8x33xf32, #tpu.memory_space<vmem>>
        %parallel_loop3A_1253 = tpu.memref_squeeze %parallel_loop3A_1252 : memref<1x4x8x33xf32, #tpu.memory_space<vmem>> -> memref<4x8x33xf32, #tpu.memory_space<vmem>>
        %parallel_loop3A_1254 = tpu.vector_load_idx %parallel_loop3A_1253[%parallel_loop3A_1248, %and3A_16, %parallel_loop3A_1236] : memref<4x8x33xf32, #tpu.memory_space<vmem>>[vector<16xi32>, vector<16xi32>, vector<16xi32>], vector<16xf32>,
        %parallel_loop3A_1255 = arith.constant 26 : i32
        %parallel_loop3A_1256 = vector.broadcast %parallel_loop3A_1255 : i32 to vector<16xi32>
        %parallel_loop3A_1257 = arith.addi %mul3A_10, %parallel_loop3A_1256 : vector<16xi32>
        %parallel_loop3A_1258 = arith.constant 0 : i32
        %parallel_loop3A_1259 = vector.broadcast %parallel_loop3A_1258 : i32 to vector<16xi32>
        %parallel_loop3A_1260 = arith.addi %shift_right_arithmetic3A_13, %parallel_loop3A_1259 : vector<16xi32>
        %parallel_loop3A_1261 = arith.constant 0 : i32
        %parallel_loop3A_1262 = arith.constant 0 : i32
        %parallel_loop3A_1263 = arith.constant 0 : i32
        %parallel_loop3A_1264 = tpu.memref_slice %arg6[%parallel_loop3A_372, %parallel_loop3A_1261, %parallel_loop3A_1262, %parallel_loop3A_1263] : memref<20x4x8x33xf32, #tpu.memory_space<vmem>> -> memref<1x4x8x33xf32, #tpu.memory_space<vmem>>
        %parallel_loop3A_1265 = tpu.memref_squeeze %parallel_loop3A_1264 : memref<1x4x8x33xf32, #tpu.memory_space<vmem>> -> memref<4x8x33xf32, #tpu.memory_space<vmem>>
        %parallel_loop3A_1266 = tpu.vector_load_idx %parallel_loop3A_1265[%parallel_loop3A_1260, %and3A_16, %parallel_loop3A_1257] : memref<4x8x33xf32, #tpu.memory_space<vmem>>[vector<16xi32>, vector<16xi32>, vector<16xi32>], vector<16xf32>,
        %parallel_loop3A_1267 = arith.constant 2 : i32
        %parallel_loop3A_1268 = vector.broadcast %parallel_loop3A_1267 : i32 to vector<16xi32>
        %parallel_loop3A_1269 = arith.addi %shift_right_arithmetic3A_13, %parallel_loop3A_1268 : vector<16xi32>
        %parallel_loop3A_1270 = arith.constant 0 : i32
        %parallel_loop3A_1271 = arith.constant 0 : i32
        %parallel_loop3A_1272 = arith.constant 0 : i32
        %parallel_loop3A_1273 = tpu.memref_slice %arg6[%parallel_loop3A_372, %parallel_loop3A_1270, %parallel_loop3A_1271, %parallel_loop3A_1272] : memref<20x4x8x33xf32, #tpu.memory_space<vmem>> -> memref<1x4x8x33xf32, #tpu.memory_space<vmem>>
        %parallel_loop3A_1274 = tpu.memref_squeeze %parallel_loop3A_1273 : memref<1x4x8x33xf32, #tpu.memory_space<vmem>> -> memref<4x8x33xf32, #tpu.memory_space<vmem>>
        %parallel_loop3A_1275 = tpu.vector_load_idx %parallel_loop3A_1274[%parallel_loop3A_1269, %and3A_16, %parallel_loop3A_1257] : memref<4x8x33xf32, #tpu.memory_space<vmem>>[vector<16xi32>, vector<16xi32>, vector<16xi32>], vector<16xf32>,
        %parallel_loop3A_1276 = arith.constant 27 : i32
        %parallel_loop3A_1277 = vector.broadcast %parallel_loop3A_1276 : i32 to vector<16xi32>
        %parallel_loop3A_1278 = arith.addi %mul3A_10, %parallel_loop3A_1277 : vector<16xi32>
        %parallel_loop3A_1279 = arith.constant 0 : i32
        %parallel_loop3A_1280 = vector.broadcast %parallel_loop3A_1279 : i32 to vector<16xi32>
        %parallel_loop3A_1281 = arith.addi %shift_right_arithmetic3A_13, %parallel_loop3A_1280 : vector<16xi32>
        %parallel_loop3A_1282 = arith.constant 0 : i32
        %parallel_loop3A_1283 = arith.constant 0 : i32
        %parallel_loop3A_1284 = arith.constant 0 : i32
        %parallel_loop3A_1285 = tpu.memref_slice %arg6[%parallel_loop3A_372, %parallel_loop3A_1282, %parallel_loop3A_1283, %parallel_loop3A_1284] : memref<20x4x8x33xf32, #tpu.memory_space<vmem>> -> memref<1x4x8x33xf32, #tpu.memory_space<vmem>>
        %parallel_loop3A_1286 = tpu.memref_squeeze %parallel_loop3A_1285 : memref<1x4x8x33xf32, #tpu.memory_space<vmem>> -> memref<4x8x33xf32, #tpu.memory_space<vmem>>
        %parallel_loop3A_1287 = tpu.vector_load_idx %parallel_loop3A_1286[%parallel_loop3A_1281, %and3A_16, %parallel_loop3A_1278] : memref<4x8x33xf32, #tpu.memory_space<vmem>>[vector<16xi32>, vector<16xi32>, vector<16xi32>], vector<16xf32>,
        %parallel_loop3A_1288 = arith.constant 2 : i32
        %parallel_loop3A_1289 = vector.broadcast %parallel_loop3A_1288 : i32 to vector<16xi32>
        %parallel_loop3A_1290 = arith.addi %shift_right_arithmetic3A_13, %parallel_loop3A_1289 : vector<16xi32>
        %parallel_loop3A_1291 = arith.constant 0 : i32
        %parallel_loop3A_1292 = arith.constant 0 : i32
        %parallel_loop3A_1293 = arith.constant 0 : i32
        %parallel_loop3A_1294 = tpu.memref_slice %arg6[%parallel_loop3A_372, %parallel_loop3A_1291, %parallel_loop3A_1292, %parallel_loop3A_1293] : memref<20x4x8x33xf32, #tpu.memory_space<vmem>> -> memref<1x4x8x33xf32, #tpu.memory_space<vmem>>
        %parallel_loop3A_1295 = tpu.memref_squeeze %parallel_loop3A_1294 : memref<1x4x8x33xf32, #tpu.memory_space<vmem>> -> memref<4x8x33xf32, #tpu.memory_space<vmem>>
        %parallel_loop3A_1296 = tpu.vector_load_idx %parallel_loop3A_1295[%parallel_loop3A_1290, %and3A_16, %parallel_loop3A_1278] : memref<4x8x33xf32, #tpu.memory_space<vmem>>[vector<16xi32>, vector<16xi32>, vector<16xi32>], vector<16xf32>,
        %parallel_loop3A_1297 = arith.constant 32 : i32
        %parallel_loop3A_1298 = arith.muli %parallel_loop3A_372, %parallel_loop3A_1297 : i32
        %parallel_loop3A_1299 = arith.constant 24 : i32
        %parallel_loop3A_1300 = arith.addi %parallel_loop3A_1298, %parallel_loop3A_1299 : i32
        %parallel_loop3A_1301 = arith.index_cast %parallel_loop3A_1300 : i32 to index
        %parallel_loop3A_1302 = arith.constant 0 : index
        %parallel_loop3A_1303 = tpu.vector_load %arg8[%parallel_loop3A_1301, %parallel_loop3A_1302] {strides = array<i32>} : memref<640x32xf32, #tpu.memory_space<vmem>>, vector<16xf32>,
        tpu.vector_store %arg8[%parallel_loop3A_1301, %parallel_loop3A_1302], %parallel_loop3A_1224 {strides = array<i32>} : memref<640x32xf32, #tpu.memory_space<vmem>>, vector<16xf32>,
        %parallel_loop3A_1304 = arith.constant 32 : i32
        %parallel_loop3A_1305 = arith.muli %parallel_loop3A_372, %parallel_loop3A_1304 : i32
        %parallel_loop3A_1306 = arith.constant 24 : i32
        %parallel_loop3A_1307 = arith.addi %parallel_loop3A_1305, %parallel_loop3A_1306 : i32
        %parallel_loop3A_1308 = arith.index_cast %parallel_loop3A_1307 : i32 to index
        %parallel_loop3A_1309 = arith.constant 16 : index
        %parallel_loop3A_1310 = tpu.vector_load %arg8[%parallel_loop3A_1308, %parallel_loop3A_1309] {strides = array<i32>} : memref<640x32xf32, #tpu.memory_space<vmem>>, vector<16xf32>,
        tpu.vector_store %arg8[%parallel_loop3A_1308, %parallel_loop3A_1309], %parallel_loop3A_1233 {strides = array<i32>} : memref<640x32xf32, #tpu.memory_space<vmem>>, vector<16xf32>,
        %parallel_loop3A_1311 = arith.constant 32 : i32
        %parallel_loop3A_1312 = arith.muli %parallel_loop3A_372, %parallel_loop3A_1311 : i32
        %parallel_loop3A_1313 = arith.constant 25 : i32
        %parallel_loop3A_1314 = arith.addi %parallel_loop3A_1312, %parallel_loop3A_1313 : i32
        %parallel_loop3A_1315 = arith.index_cast %parallel_loop3A_1314 : i32 to index
        %parallel_loop3A_1316 = arith.constant 0 : index
        %parallel_loop3A_1317 = tpu.vector_load %arg8[%parallel_loop3A_1315, %parallel_loop3A_1316] {strides = array<i32>} : memref<640x32xf32, #tpu.memory_space<vmem>>, vector<16xf32>,
        tpu.vector_store %arg8[%parallel_loop3A_1315, %parallel_loop3A_1316], %parallel_loop3A_1245 {strides = array<i32>} : memref<640x32xf32, #tpu.memory_space<vmem>>, vector<16xf32>,
        %parallel_loop3A_1318 = arith.constant 32 : i32
        %parallel_loop3A_1319 = arith.muli %parallel_loop3A_372, %parallel_loop3A_1318 : i32
        %parallel_loop3A_1320 = arith.constant 25 : i32
        %parallel_loop3A_1321 = arith.addi %parallel_loop3A_1319, %parallel_loop3A_1320 : i32
        %parallel_loop3A_1322 = arith.index_cast %parallel_loop3A_1321 : i32 to index
        %parallel_loop3A_1323 = arith.constant 16 : index
        %parallel_loop3A_1324 = tpu.vector_load %arg8[%parallel_loop3A_1322, %parallel_loop3A_1323] {strides = array<i32>} : memref<640x32xf32, #tpu.memory_space<vmem>>, vector<16xf32>,
        tpu.vector_store %arg8[%parallel_loop3A_1322, %parallel_loop3A_1323], %parallel_loop3A_1254 {strides = array<i32>} : memref<640x32xf32, #tpu.memory_space<vmem>>, vector<16xf32>,
        %parallel_loop3A_1325 = arith.constant 32 : i32
        %parallel_loop3A_1326 = arith.muli %parallel_loop3A_372, %parallel_loop3A_1325 : i32
        %parallel_loop3A_1327 = arith.constant 26 : i32
        %parallel_loop3A_1328 = arith.addi %parallel_loop3A_1326, %parallel_loop3A_1327 : i32
        %parallel_loop3A_1329 = arith.index_cast %parallel_loop3A_1328 : i32 to index
        %parallel_loop3A_1330 = arith.constant 0 : index
        %parallel_loop3A_1331 = tpu.vector_load %arg8[%parallel_loop3A_1329, %parallel_loop3A_1330] {strides = array<i32>} : memref<640x32xf32, #tpu.memory_space<vmem>>, vector<16xf32>,
        tpu.vector_store %arg8[%parallel_loop3A_1329, %parallel_loop3A_1330], %parallel_loop3A_1266 {strides = array<i32>} : memref<640x32xf32, #tpu.memory_space<vmem>>, vector<16xf32>,
        %parallel_loop3A_1332 = arith.constant 32 : i32
        %parallel_loop3A_1333 = arith.muli %parallel_loop3A_372, %parallel_loop3A_1332 : i32
        %parallel_loop3A_1334 = arith.constant 26 : i32
        %parallel_loop3A_1335 = arith.addi %parallel_loop3A_1333, %parallel_loop3A_1334 : i32
        %parallel_loop3A_1336 = arith.index_cast %parallel_loop3A_1335 : i32 to index
        %parallel_loop3A_1337 = arith.constant 16 : index
        %parallel_loop3A_1338 = tpu.vector_load %arg8[%parallel_loop3A_1336, %parallel_loop3A_1337] {strides = array<i32>} : memref<640x32xf32, #tpu.memory_space<vmem>>, vector<16xf32>,
        tpu.vector_store %arg8[%parallel_loop3A_1336, %parallel_loop3A_1337], %parallel_loop3A_1275 {strides = array<i32>} : memref<640x32xf32, #tpu.memory_space<vmem>>, vector<16xf32>,
        %parallel_loop3A_1339 = arith.constant 32 : i32
        %parallel_loop3A_1340 = arith.muli %parallel_loop3A_372, %parallel_loop3A_1339 : i32
        %parallel_loop3A_1341 = arith.constant 27 : i32
        %parallel_loop3A_1342 = arith.addi %parallel_loop3A_1340, %parallel_loop3A_1341 : i32
        %parallel_loop3A_1343 = arith.index_cast %parallel_loop3A_1342 : i32 to index
        %parallel_loop3A_1344 = arith.constant 0 : index
        %parallel_loop3A_1345 = tpu.vector_load %arg8[%parallel_loop3A_1343, %parallel_loop3A_1344] {strides = array<i32>} : memref<640x32xf32, #tpu.memory_space<vmem>>, vector<16xf32>,
        tpu.vector_store %arg8[%parallel_loop3A_1343, %parallel_loop3A_1344], %parallel_loop3A_1287 {strides = array<i32>} : memref<640x32xf32, #tpu.memory_space<vmem>>, vector<16xf32>,
        %parallel_loop3A_1346 = arith.constant 32 : i32
        %parallel_loop3A_1347 = arith.muli %parallel_loop3A_372, %parallel_loop3A_1346 : i32
        %parallel_loop3A_1348 = arith.constant 27 : i32
        %parallel_loop3A_1349 = arith.addi %parallel_loop3A_1347, %parallel_loop3A_1348 : i32
        %parallel_loop3A_1350 = arith.index_cast %parallel_loop3A_1349 : i32 to index
        %parallel_loop3A_1351 = arith.constant 16 : index
        %parallel_loop3A_1352 = tpu.vector_load %arg8[%parallel_loop3A_1350, %parallel_loop3A_1351] {strides = array<i32>} : memref<640x32xf32, #tpu.memory_space<vmem>>, vector<16xf32>,
        tpu.vector_store %arg8[%parallel_loop3A_1350, %parallel_loop3A_1351], %parallel_loop3A_1296 {strides = array<i32>} : memref<640x32xf32, #tpu.memory_space<vmem>>, vector<16xf32>,
        %parallel_loop3A_1353 = arith.constant 28 : i32
        %parallel_loop3A_1354 = vector.broadcast %parallel_loop3A_1353 : i32 to vector<16xi32>
        %parallel_loop3A_1355 = arith.addi %mul3A_10, %parallel_loop3A_1354 : vector<16xi32>
        %parallel_loop3A_1356 = arith.constant 0 : i32
        %parallel_loop3A_1357 = vector.broadcast %parallel_loop3A_1356 : i32 to vector<16xi32>
        %parallel_loop3A_1358 = arith.addi %shift_right_arithmetic3A_13, %parallel_loop3A_1357 : vector<16xi32>
        %parallel_loop3A_1359 = arith.constant 0 : i32
        %parallel_loop3A_1360 = arith.constant 0 : i32
        %parallel_loop3A_1361 = arith.constant 0 : i32
        %parallel_loop3A_1362 = tpu.memref_slice %arg6[%parallel_loop3A_372, %parallel_loop3A_1359, %parallel_loop3A_1360, %parallel_loop3A_1361] : memref<20x4x8x33xf32, #tpu.memory_space<vmem>> -> memref<1x4x8x33xf32, #tpu.memory_space<vmem>>
        %parallel_loop3A_1363 = tpu.memref_squeeze %parallel_loop3A_1362 : memref<1x4x8x33xf32, #tpu.memory_space<vmem>> -> memref<4x8x33xf32, #tpu.memory_space<vmem>>
        %parallel_loop3A_1364 = tpu.vector_load_idx %parallel_loop3A_1363[%parallel_loop3A_1358, %and3A_16, %parallel_loop3A_1355] : memref<4x8x33xf32, #tpu.memory_space<vmem>>[vector<16xi32>, vector<16xi32>, vector<16xi32>], vector<16xf32>,
        %parallel_loop3A_1365 = arith.constant 2 : i32
        %parallel_loop3A_1366 = vector.broadcast %parallel_loop3A_1365 : i32 to vector<16xi32>
        %parallel_loop3A_1367 = arith.addi %shift_right_arithmetic3A_13, %parallel_loop3A_1366 : vector<16xi32>
        %parallel_loop3A_1368 = arith.constant 0 : i32
        %parallel_loop3A_1369 = arith.constant 0 : i32
        %parallel_loop3A_1370 = arith.constant 0 : i32
        %parallel_loop3A_1371 = tpu.memref_slice %arg6[%parallel_loop3A_372, %parallel_loop3A_1368, %parallel_loop3A_1369, %parallel_loop3A_1370] : memref<20x4x8x33xf32, #tpu.memory_space<vmem>> -> memref<1x4x8x33xf32, #tpu.memory_space<vmem>>
        %parallel_loop3A_1372 = tpu.memref_squeeze %parallel_loop3A_1371 : memref<1x4x8x33xf32, #tpu.memory_space<vmem>> -> memref<4x8x33xf32, #tpu.memory_space<vmem>>
        %parallel_loop3A_1373 = tpu.vector_load_idx %parallel_loop3A_1372[%parallel_loop3A_1367, %and3A_16, %parallel_loop3A_1355] : memref<4x8x33xf32, #tpu.memory_space<vmem>>[vector<16xi32>, vector<16xi32>, vector<16xi32>], vector<16xf32>,
        %parallel_loop3A_1374 = arith.constant 29 : i32
        %parallel_loop3A_1375 = vector.broadcast %parallel_loop3A_1374 : i32 to vector<16xi32>
        %parallel_loop3A_1376 = arith.addi %mul3A_10, %parallel_loop3A_1375 : vector<16xi32>
        %parallel_loop3A_1377 = arith.constant 0 : i32
        %parallel_loop3A_1378 = vector.broadcast %parallel_loop3A_1377 : i32 to vector<16xi32>
        %parallel_loop3A_1379 = arith.addi %shift_right_arithmetic3A_13, %parallel_loop3A_1378 : vector<16xi32>
        %parallel_loop3A_1380 = arith.constant 0 : i32
        %parallel_loop3A_1381 = arith.constant 0 : i32
        %parallel_loop3A_1382 = arith.constant 0 : i32
        %parallel_loop3A_1383 = tpu.memref_slice %arg6[%parallel_loop3A_372, %parallel_loop3A_1380, %parallel_loop3A_1381, %parallel_loop3A_1382] : memref<20x4x8x33xf32, #tpu.memory_space<vmem>> -> memref<1x4x8x33xf32, #tpu.memory_space<vmem>>
        %parallel_loop3A_1384 = tpu.memref_squeeze %parallel_loop3A_1383 : memref<1x4x8x33xf32, #tpu.memory_space<vmem>> -> memref<4x8x33xf32, #tpu.memory_space<vmem>>
        %parallel_loop3A_1385 = tpu.vector_load_idx %parallel_loop3A_1384[%parallel_loop3A_1379, %and3A_16, %parallel_loop3A_1376] : memref<4x8x33xf32, #tpu.memory_space<vmem>>[vector<16xi32>, vector<16xi32>, vector<16xi32>], vector<16xf32>,
        %parallel_loop3A_1386 = arith.constant 2 : i32
        %parallel_loop3A_1387 = vector.broadcast %parallel_loop3A_1386 : i32 to vector<16xi32>
        %parallel_loop3A_1388 = arith.addi %shift_right_arithmetic3A_13, %parallel_loop3A_1387 : vector<16xi32>
        %parallel_loop3A_1389 = arith.constant 0 : i32
        %parallel_loop3A_1390 = arith.constant 0 : i32
        %parallel_loop3A_1391 = arith.constant 0 : i32
        %parallel_loop3A_1392 = tpu.memref_slice %arg6[%parallel_loop3A_372, %parallel_loop3A_1389, %parallel_loop3A_1390, %parallel_loop3A_1391] : memref<20x4x8x33xf32, #tpu.memory_space<vmem>> -> memref<1x4x8x33xf32, #tpu.memory_space<vmem>>
        %parallel_loop3A_1393 = tpu.memref_squeeze %parallel_loop3A_1392 : memref<1x4x8x33xf32, #tpu.memory_space<vmem>> -> memref<4x8x33xf32, #tpu.memory_space<vmem>>
        %parallel_loop3A_1394 = tpu.vector_load_idx %parallel_loop3A_1393[%parallel_loop3A_1388, %and3A_16, %parallel_loop3A_1376] : memref<4x8x33xf32, #tpu.memory_space<vmem>>[vector<16xi32>, vector<16xi32>, vector<16xi32>], vector<16xf32>,
        %parallel_loop3A_1395 = arith.constant 30 : i32
        %parallel_loop3A_1396 = vector.broadcast %parallel_loop3A_1395 : i32 to vector<16xi32>
        %parallel_loop3A_1397 = arith.addi %mul3A_10, %parallel_loop3A_1396 : vector<16xi32>
        %parallel_loop3A_1398 = arith.constant 0 : i32
        %parallel_loop3A_1399 = vector.broadcast %parallel_loop3A_1398 : i32 to vector<16xi32>
        %parallel_loop3A_1400 = arith.addi %shift_right_arithmetic3A_13, %parallel_loop3A_1399 : vector<16xi32>
        %parallel_loop3A_1401 = arith.constant 0 : i32
        %parallel_loop3A_1402 = arith.constant 0 : i32
        %parallel_loop3A_1403 = arith.constant 0 : i32
        %parallel_loop3A_1404 = tpu.memref_slice %arg6[%parallel_loop3A_372, %parallel_loop3A_1401, %parallel_loop3A_1402, %parallel_loop3A_1403] : memref<20x4x8x33xf32, #tpu.memory_space<vmem>> -> memref<1x4x8x33xf32, #tpu.memory_space<vmem>>
        %parallel_loop3A_1405 = tpu.memref_squeeze %parallel_loop3A_1404 : memref<1x4x8x33xf32, #tpu.memory_space<vmem>> -> memref<4x8x33xf32, #tpu.memory_space<vmem>>
        %parallel_loop3A_1406 = tpu.vector_load_idx %parallel_loop3A_1405[%parallel_loop3A_1400, %and3A_16, %parallel_loop3A_1397] : memref<4x8x33xf32, #tpu.memory_space<vmem>>[vector<16xi32>, vector<16xi32>, vector<16xi32>], vector<16xf32>,
        %parallel_loop3A_1407 = arith.constant 2 : i32
        %parallel_loop3A_1408 = vector.broadcast %parallel_loop3A_1407 : i32 to vector<16xi32>
        %parallel_loop3A_1409 = arith.addi %shift_right_arithmetic3A_13, %parallel_loop3A_1408 : vector<16xi32>
        %parallel_loop3A_1410 = arith.constant 0 : i32
        %parallel_loop3A_1411 = arith.constant 0 : i32
        %parallel_loop3A_1412 = arith.constant 0 : i32
        %parallel_loop3A_1413 = tpu.memref_slice %arg6[%parallel_loop3A_372, %parallel_loop3A_1410, %parallel_loop3A_1411, %parallel_loop3A_1412] : memref<20x4x8x33xf32, #tpu.memory_space<vmem>> -> memref<1x4x8x33xf32, #tpu.memory_space<vmem>>
        %parallel_loop3A_1414 = tpu.memref_squeeze %parallel_loop3A_1413 : memref<1x4x8x33xf32, #tpu.memory_space<vmem>> -> memref<4x8x33xf32, #tpu.memory_space<vmem>>
        %parallel_loop3A_1415 = tpu.vector_load_idx %parallel_loop3A_1414[%parallel_loop3A_1409, %and3A_16, %parallel_loop3A_1397] : memref<4x8x33xf32, #tpu.memory_space<vmem>>[vector<16xi32>, vector<16xi32>, vector<16xi32>], vector<16xf32>,
        %parallel_loop3A_1416 = arith.constant 31 : i32
        %parallel_loop3A_1417 = vector.broadcast %parallel_loop3A_1416 : i32 to vector<16xi32>
        %parallel_loop3A_1418 = arith.addi %mul3A_10, %parallel_loop3A_1417 : vector<16xi32>
        %parallel_loop3A_1419 = arith.constant 0 : i32
        %parallel_loop3A_1420 = vector.broadcast %parallel_loop3A_1419 : i32 to vector<16xi32>
        %parallel_loop3A_1421 = arith.addi %shift_right_arithmetic3A_13, %parallel_loop3A_1420 : vector<16xi32>
        %parallel_loop3A_1422 = arith.constant 0 : i32
        %parallel_loop3A_1423 = arith.constant 0 : i32
        %parallel_loop3A_1424 = arith.constant 0 : i32
        %parallel_loop3A_1425 = tpu.memref_slice %arg6[%parallel_loop3A_372, %parallel_loop3A_1422, %parallel_loop3A_1423, %parallel_loop3A_1424] : memref<20x4x8x33xf32, #tpu.memory_space<vmem>> -> memref<1x4x8x33xf32, #tpu.memory_space<vmem>>
        %parallel_loop3A_1426 = tpu.memref_squeeze %parallel_loop3A_1425 : memref<1x4x8x33xf32, #tpu.memory_space<vmem>> -> memref<4x8x33xf32, #tpu.memory_space<vmem>>
        %parallel_loop3A_1427 = tpu.vector_load_idx %parallel_loop3A_1426[%parallel_loop3A_1421, %and3A_16, %parallel_loop3A_1418] : memref<4x8x33xf32, #tpu.memory_space<vmem>>[vector<16xi32>, vector<16xi32>, vector<16xi32>], vector<16xf32>,
        %parallel_loop3A_1428 = arith.constant 2 : i32
        %parallel_loop3A_1429 = vector.broadcast %parallel_loop3A_1428 : i32 to vector<16xi32>
        %parallel_loop3A_1430 = arith.addi %shift_right_arithmetic3A_13, %parallel_loop3A_1429 : vector<16xi32>
        %parallel_loop3A_1431 = arith.constant 0 : i32
        %parallel_loop3A_1432 = arith.constant 0 : i32
        %parallel_loop3A_1433 = arith.constant 0 : i32
        %parallel_loop3A_1434 = tpu.memref_slice %arg6[%parallel_loop3A_372, %parallel_loop3A_1431, %parallel_loop3A_1432, %parallel_loop3A_1433] : memref<20x4x8x33xf32, #tpu.memory_space<vmem>> -> memref<1x4x8x33xf32, #tpu.memory_space<vmem>>
        %parallel_loop3A_1435 = tpu.memref_squeeze %parallel_loop3A_1434 : memref<1x4x8x33xf32, #tpu.memory_space<vmem>> -> memref<4x8x33xf32, #tpu.memory_space<vmem>>
        %parallel_loop3A_1436 = tpu.vector_load_idx %parallel_loop3A_1435[%parallel_loop3A_1430, %and3A_16, %parallel_loop3A_1418] : memref<4x8x33xf32, #tpu.memory_space<vmem>>[vector<16xi32>, vector<16xi32>, vector<16xi32>], vector<16xf32>,
        %parallel_loop3A_1437 = arith.constant 32 : i32
        %parallel_loop3A_1438 = arith.muli %parallel_loop3A_372, %parallel_loop3A_1437 : i32
        %parallel_loop3A_1439 = arith.constant 28 : i32
        %parallel_loop3A_1440 = arith.addi %parallel_loop3A_1438, %parallel_loop3A_1439 : i32
        %parallel_loop3A_1441 = arith.index_cast %parallel_loop3A_1440 : i32 to index
        %parallel_loop3A_1442 = arith.constant 0 : index
        %parallel_loop3A_1443 = tpu.vector_load %arg8[%parallel_loop3A_1441, %parallel_loop3A_1442] {strides = array<i32>} : memref<640x32xf32, #tpu.memory_space<vmem>>, vector<16xf32>,
        tpu.vector_store %arg8[%parallel_loop3A_1441, %parallel_loop3A_1442], %parallel_loop3A_1364 {strides = array<i32>} : memref<640x32xf32, #tpu.memory_space<vmem>>, vector<16xf32>,
        %parallel_loop3A_1444 = arith.constant 32 : i32
        %parallel_loop3A_1445 = arith.muli %parallel_loop3A_372, %parallel_loop3A_1444 : i32
        %parallel_loop3A_1446 = arith.constant 28 : i32
        %parallel_loop3A_1447 = arith.addi %parallel_loop3A_1445, %parallel_loop3A_1446 : i32
        %parallel_loop3A_1448 = arith.index_cast %parallel_loop3A_1447 : i32 to index
        %parallel_loop3A_1449 = arith.constant 16 : index
        %parallel_loop3A_1450 = tpu.vector_load %arg8[%parallel_loop3A_1448, %parallel_loop3A_1449] {strides = array<i32>} : memref<640x32xf32, #tpu.memory_space<vmem>>, vector<16xf32>,
        tpu.vector_store %arg8[%parallel_loop3A_1448, %parallel_loop3A_1449], %parallel_loop3A_1373 {strides = array<i32>} : memref<640x32xf32, #tpu.memory_space<vmem>>, vector<16xf32>,
        %parallel_loop3A_1451 = arith.constant 32 : i32
        %parallel_loop3A_1452 = arith.muli %parallel_loop3A_372, %parallel_loop3A_1451 : i32
        %parallel_loop3A_1453 = arith.constant 29 : i32
        %parallel_loop3A_1454 = arith.addi %parallel_loop3A_1452, %parallel_loop3A_1453 : i32
        %parallel_loop3A_1455 = arith.index_cast %parallel_loop3A_1454 : i32 to index
        %parallel_loop3A_1456 = arith.constant 0 : index
        %parallel_loop3A_1457 = tpu.vector_load %arg8[%parallel_loop3A_1455, %parallel_loop3A_1456] {strides = array<i32>} : memref<640x32xf32, #tpu.memory_space<vmem>>, vector<16xf32>,
        tpu.vector_store %arg8[%parallel_loop3A_1455, %parallel_loop3A_1456], %parallel_loop3A_1385 {strides = array<i32>} : memref<640x32xf32, #tpu.memory_space<vmem>>, vector<16xf32>,
        %parallel_loop3A_1458 = arith.constant 32 : i32
        %parallel_loop3A_1459 = arith.muli %parallel_loop3A_372, %parallel_loop3A_1458 : i32
        %parallel_loop3A_1460 = arith.constant 29 : i32
        %parallel_loop3A_1461 = arith.addi %parallel_loop3A_1459, %parallel_loop3A_1460 : i32
        %parallel_loop3A_1462 = arith.index_cast %parallel_loop3A_1461 : i32 to index
        %parallel_loop3A_1463 = arith.constant 16 : index
        %parallel_loop3A_1464 = tpu.vector_load %arg8[%parallel_loop3A_1462, %parallel_loop3A_1463] {strides = array<i32>} : memref<640x32xf32, #tpu.memory_space<vmem>>, vector<16xf32>,
        tpu.vector_store %arg8[%parallel_loop3A_1462, %parallel_loop3A_1463], %parallel_loop3A_1394 {strides = array<i32>} : memref<640x32xf32, #tpu.memory_space<vmem>>, vector<16xf32>,
        %parallel_loop3A_1465 = arith.constant 32 : i32
        %parallel_loop3A_1466 = arith.muli %parallel_loop3A_372, %parallel_loop3A_1465 : i32
        %parallel_loop3A_1467 = arith.constant 30 : i32
        %parallel_loop3A_1468 = arith.addi %parallel_loop3A_1466, %parallel_loop3A_1467 : i32
        %parallel_loop3A_1469 = arith.index_cast %parallel_loop3A_1468 : i32 to index
        %parallel_loop3A_1470 = arith.constant 0 : index
        %parallel_loop3A_1471 = tpu.vector_load %arg8[%parallel_loop3A_1469, %parallel_loop3A_1470] {strides = array<i32>} : memref<640x32xf32, #tpu.memory_space<vmem>>, vector<16xf32>,
        tpu.vector_store %arg8[%parallel_loop3A_1469, %parallel_loop3A_1470], %parallel_loop3A_1406 {strides = array<i32>} : memref<640x32xf32, #tpu.memory_space<vmem>>, vector<16xf32>,
        %parallel_loop3A_1472 = arith.constant 32 : i32
        %parallel_loop3A_1473 = arith.muli %parallel_loop3A_372, %parallel_loop3A_1472 : i32
        %parallel_loop3A_1474 = arith.constant 30 : i32
        %parallel_loop3A_1475 = arith.addi %parallel_loop3A_1473, %parallel_loop3A_1474 : i32
        %parallel_loop3A_1476 = arith.index_cast %parallel_loop3A_1475 : i32 to index
        %parallel_loop3A_1477 = arith.constant 16 : index
        %parallel_loop3A_1478 = tpu.vector_load %arg8[%parallel_loop3A_1476, %parallel_loop3A_1477] {strides = array<i32>} : memref<640x32xf32, #tpu.memory_space<vmem>>, vector<16xf32>,
        tpu.vector_store %arg8[%parallel_loop3A_1476, %parallel_loop3A_1477], %parallel_loop3A_1415 {strides = array<i32>} : memref<640x32xf32, #tpu.memory_space<vmem>>, vector<16xf32>,
        %parallel_loop3A_1479 = arith.constant 32 : i32
        %parallel_loop3A_1480 = arith.muli %parallel_loop3A_372, %parallel_loop3A_1479 : i32
        %parallel_loop3A_1481 = arith.constant 31 : i32
        %parallel_loop3A_1482 = arith.addi %parallel_loop3A_1480, %parallel_loop3A_1481 : i32
        %parallel_loop3A_1483 = arith.index_cast %parallel_loop3A_1482 : i32 to index
        %parallel_loop3A_1484 = arith.constant 0 : index
        %parallel_loop3A_1485 = tpu.vector_load %arg8[%parallel_loop3A_1483, %parallel_loop3A_1484] {strides = array<i32>} : memref<640x32xf32, #tpu.memory_space<vmem>>, vector<16xf32>,
        tpu.vector_store %arg8[%parallel_loop3A_1483, %parallel_loop3A_1484], %parallel_loop3A_1427 {strides = array<i32>} : memref<640x32xf32, #tpu.memory_space<vmem>>, vector<16xf32>,
        %parallel_loop3A_1486 = arith.constant 32 : i32
        %parallel_loop3A_1487 = arith.muli %parallel_loop3A_372, %parallel_loop3A_1486 : i32
        %parallel_loop3A_1488 = arith.constant 31 : i32
        %parallel_loop3A_1489 = arith.addi %parallel_loop3A_1487, %parallel_loop3A_1488 : i32
        %parallel_loop3A_1490 = arith.index_cast %parallel_loop3A_1489 : i32 to index
        %parallel_loop3A_1491 = arith.constant 16 : index
        %parallel_loop3A_1492 = tpu.vector_load %arg8[%parallel_loop3A_1490, %parallel_loop3A_1491] {strides = array<i32>} : memref<640x32xf32, #tpu.memory_space<vmem>>, vector<16xf32>,
        tpu.vector_store %arg8[%parallel_loop3A_1490, %parallel_loop3A_1491], %parallel_loop3A_1436 {strides = array<i32>} : memref<640x32xf32, #tpu.memory_space<vmem>>, vector<16xf32>,
        %parallel_loop3A_1493 = arith.constant 32 : i32
        %parallel_loop3A_1494 = arith.muli %parallel_loop3A_372, %parallel_loop3A_1493 : i32
        %parallel_loop3A_1495 = arith.addi %mul3A_192, %parallel_loop3A_372 : i32
        %parallel_loop3A_1496 = vector.broadcast %parallel_loop3A_1495 : i32 to vector<16xi32>
        %parallel_loop3A_1497 = arith.addi %mul3A_21, %parallel_loop3A_1496 : vector<16xi32>
        %parallel_loop3A_1498 = arith.constant 7 : i32
        %parallel_loop3A_1499 = arith.shrsi %parallel_loop3A_1494, %parallel_loop3A_1498 : i32
        %parallel_loop3A_1500 = arith.constant 127 : i32
        %parallel_loop3A_1501 = arith.andi %parallel_loop3A_1494, %parallel_loop3A_1500 : i32
        %parallel_loop3A_1502 = arith.index_cast %parallel_loop3A_1499 : i32 to index
        %parallel_loop3A_1503 = arith.index_cast %parallel_loop3A_1501 : i32 to index
        %parallel_loop3A_1504 = tpu.vector_load %arg10[%parallel_loop3A_1502, %parallel_loop3A_1503] {strides = array<i32>} : memref<5x128xi32, #tpu.memory_space<vmem>>, vector<16xi32>,
        tpu.vector_store %arg10[%parallel_loop3A_1502, %parallel_loop3A_1503], %parallel_loop3A_1497 {strides = array<i32>} : memref<5x128xi32, #tpu.memory_space<vmem>>, vector<16xi32>,
        %parallel_loop3A_1505 = arith.constant 16 : i32
        %parallel_loop3A_1506 = arith.addi %parallel_loop3A_1494, %parallel_loop3A_1505 : i32
        %parallel_loop3A_1507 = arith.addi %mul3A_192, %parallel_loop3A_372 : i32
        %parallel_loop3A_1508 = vector.broadcast %parallel_loop3A_1507 : i32 to vector<16xi32>
        %parallel_loop3A_1509 = arith.addi %mul3A_28, %parallel_loop3A_1508 : vector<16xi32>
        %parallel_loop3A_1510 = arith.constant 7 : i32
        %parallel_loop3A_1511 = arith.shrsi %parallel_loop3A_1506, %parallel_loop3A_1510 : i32
        %parallel_loop3A_1512 = arith.constant 127 : i32
        %parallel_loop3A_1513 = arith.andi %parallel_loop3A_1506, %parallel_loop3A_1512 : i32
        %parallel_loop3A_1514 = arith.index_cast %parallel_loop3A_1511 : i32 to index
        %parallel_loop3A_1515 = arith.index_cast %parallel_loop3A_1513 : i32 to index
        %parallel_loop3A_1516 = tpu.vector_load %arg10[%parallel_loop3A_1514, %parallel_loop3A_1515] {strides = array<i32>} : memref<5x128xi32, #tpu.memory_space<vmem>>, vector<16xi32>,
        tpu.vector_store %arg10[%parallel_loop3A_1514, %parallel_loop3A_1515], %parallel_loop3A_1509 {strides = array<i32>} : memref<5x128xi32, #tpu.memory_space<vmem>>, vector<16xi32>,
      } {sc.loop_unroll_factor = 2 : i64, sc.parallel_access}
      %dma_start3A_236 = arith.constant 0 : i32
      %dma_start3A_237 = arith.constant 0 : i32
      %dma_start3A_238 = arith.constant 0 : i32
      %dma_start3A_239 = tpu.memref_slice %arg8[%dma_start3A_237, %dma_start3A_238] : memref<640x32xf32, #tpu.memory_space<vmem>> -> memref<128x32xf32, #tpu.memory_space<vmem>>
      %dma_start3A_240 = arith.constant 0 : i32
      %dma_start3A_241 = tpu.memref_slice %arg10[%dma_start3A_236, %dma_start3A_240] : memref<5x128xi32, #tpu.memory_space<vmem>> -> memref<1x128xi32, #tpu.memory_space<vmem>>
      %dma_start3A_242 = tpu.memref_squeeze %dma_start3A_241 : memref<1x128xi32, #tpu.memory_space<vmem>> -> memref<128xi32, #tpu.memory_space<vmem>>
      %dma_start3A_243 = arith.constant 0 : i32
      %dma_start3A_244 = arith.constant 0 : i32
      %dma_start3A_245 = tpu.memref_slice %arg5[%dma_start3A_243, %dma_start3A_244] : memref<1024000x32xf32, #tpu.memory_space<hbm>> -> memref<1024000x32xf32, #tpu.memory_space<hbm>>
      tpu.enqueue_indirect_dma source(%dma_start3A_239 : memref<128x32xf32, #tpu.memory_space<vmem>>) target(%dma_start3A_245 : memref<1024000x32xf32, #tpu.memory_space<hbm>>) offsets(%dma_start3A_242 : memref<128xi32, #tpu.memory_space<vmem>>) semaphore(%arg19 : memref<!tpu.dma_semaphore, #tpu.memory_space<semaphore_mem>>)
      %dma_start3A_246 = arith.constant 1 : i32
      %dma_start3A_247 = arith.constant 128 : i32
      %dma_start3A_248 = arith.constant 0 : i32
      %dma_start3A_249 = tpu.memref_slice %arg8[%dma_start3A_247, %dma_start3A_248] : memref<640x32xf32, #tpu.memory_space<vmem>> -> memref<128x32xf32, #tpu.memory_space<vmem>>
      %dma_start3A_250 = arith.constant 0 : i32
      %dma_start3A_251 = tpu.memref_slice %arg10[%dma_start3A_246, %dma_start3A_250] : memref<5x128xi32, #tpu.memory_space<vmem>> -> memref<1x128xi32, #tpu.memory_space<vmem>>
      %dma_start3A_252 = tpu.memref_squeeze %dma_start3A_251 : memref<1x128xi32, #tpu.memory_space<vmem>> -> memref<128xi32, #tpu.memory_space<vmem>>
      %dma_start3A_253 = arith.constant 0 : i32
      %dma_start3A_254 = arith.constant 0 : i32
      %dma_start3A_255 = tpu.memref_slice %arg5[%dma_start3A_253, %dma_start3A_254] : memref<1024000x32xf32, #tpu.memory_space<hbm>> -> memref<1024000x32xf32, #tpu.memory_space<hbm>>
      tpu.enqueue_indirect_dma source(%dma_start3A_249 : memref<128x32xf32, #tpu.memory_space<vmem>>) target(%dma_start3A_255 : memref<1024000x32xf32, #tpu.memory_space<hbm>>) offsets(%dma_start3A_252 : memref<128xi32, #tpu.memory_space<vmem>>) semaphore(%arg19 : memref<!tpu.dma_semaphore, #tpu.memory_space<semaphore_mem>>)
      %dma_start3A_256 = arith.constant 2 : i32
      %dma_start3A_257 = arith.constant 256 : i32
      %dma_start3A_258 = arith.constant 0 : i32
      %dma_start3A_259 = tpu.memref_slice %arg8[%dma_start3A_257, %dma_start3A_258] : memref<640x32xf32, #tpu.memory_space<vmem>> -> memref<128x32xf32, #tpu.memory_space<vmem>>
      %dma_start3A_260 = arith.constant 0 : i32
      %dma_start3A_261 = tpu.memref_slice %arg10[%dma_start3A_256, %dma_start3A_260] : memref<5x128xi32, #tpu.memory_space<vmem>> -> memref<1x128xi32, #tpu.memory_space<vmem>>
      %dma_start3A_262 = tpu.memref_squeeze %dma_start3A_261 : memref<1x128xi32, #tpu.memory_space<vmem>> -> memref<128xi32, #tpu.memory_space<vmem>>
      %dma_start3A_263 = arith.constant 0 : i32
      %dma_start3A_264 = arith.constant 0 : i32
      %dma_start3A_265 = tpu.memref_slice %arg5[%dma_start3A_263, %dma_start3A_264] : memref<1024000x32xf32, #tpu.memory_space<hbm>> -> memref<1024000x32xf32, #tpu.memory_space<hbm>>
      tpu.enqueue_indirect_dma source(%dma_start3A_259 : memref<128x32xf32, #tpu.memory_space<vmem>>) target(%dma_start3A_265 : memref<1024000x32xf32, #tpu.memory_space<hbm>>) offsets(%dma_start3A_262 : memref<128xi32, #tpu.memory_space<vmem>>) semaphore(%arg19 : memref<!tpu.dma_semaphore, #tpu.memory_space<semaphore_mem>>)
      %dma_start3A_266 = arith.constant 3 : i32
      %dma_start3A_267 = arith.constant 384 : i32
      %dma_start3A_268 = arith.constant 0 : i32
      %dma_start3A_269 = tpu.memref_slice %arg8[%dma_start3A_267, %dma_start3A_268] : memref<640x32xf32, #tpu.memory_space<vmem>> -> memref<128x32xf32, #tpu.memory_space<vmem>>
      %dma_start3A_270 = arith.constant 0 : i32
      %dma_start3A_271 = tpu.memref_slice %arg10[%dma_start3A_266, %dma_start3A_270] : memref<5x128xi32, #tpu.memory_space<vmem>> -> memref<1x128xi32, #tpu.memory_space<vmem>>
      %dma_start3A_272 = tpu.memref_squeeze %dma_start3A_271 : memref<1x128xi32, #tpu.memory_space<vmem>> -> memref<128xi32, #tpu.memory_space<vmem>>
      %dma_start3A_273 = arith.constant 0 : i32
      %dma_start3A_274 = arith.constant 0 : i32
      %dma_start3A_275 = tpu.memref_slice %arg5[%dma_start3A_273, %dma_start3A_274] : memref<1024000x32xf32, #tpu.memory_space<hbm>> -> memref<1024000x32xf32, #tpu.memory_space<hbm>>
      tpu.enqueue_indirect_dma source(%dma_start3A_269 : memref<128x32xf32, #tpu.memory_space<vmem>>) target(%dma_start3A_275 : memref<1024000x32xf32, #tpu.memory_space<hbm>>) offsets(%dma_start3A_272 : memref<128xi32, #tpu.memory_space<vmem>>) semaphore(%arg19 : memref<!tpu.dma_semaphore, #tpu.memory_space<semaphore_mem>>)
      %dma_start3A_276 = arith.constant 4 : i32
      %dma_start3A_277 = arith.constant 512 : i32
      %dma_start3A_278 = arith.constant 0 : i32
      %dma_start3A_279 = tpu.memref_slice %arg8[%dma_start3A_277, %dma_start3A_278] : memref<640x32xf32, #tpu.memory_space<vmem>> -> memref<128x32xf32, #tpu.memory_space<vmem>>
      %dma_start3A_280 = arith.constant 0 : i32
      %dma_start3A_281 = tpu.memref_slice %arg10[%dma_start3A_276, %dma_start3A_280] : memref<5x128xi32, #tpu.memory_space<vmem>> -> memref<1x128xi32, #tpu.memory_space<vmem>>
      %dma_start3A_282 = tpu.memref_squeeze %dma_start3A_281 : memref<1x128xi32, #tpu.memory_space<vmem>> -> memref<128xi32, #tpu.memory_space<vmem>>
      %dma_start3A_283 = arith.constant 0 : i32
      %dma_start3A_284 = arith.constant 0 : i32
      %dma_start3A_285 = tpu.memref_slice %arg5[%dma_start3A_283, %dma_start3A_284] : memref<1024000x32xf32, #tpu.memory_space<hbm>> -> memref<1024000x32xf32, #tpu.memory_space<hbm>>
      tpu.enqueue_indirect_dma source(%dma_start3A_279 : memref<128x32xf32, #tpu.memory_space<vmem>>) target(%dma_start3A_285 : memref<1024000x32xf32, #tpu.memory_space<hbm>>) offsets(%dma_start3A_282 : memref<128xi32, #tpu.memory_space<vmem>>) semaphore(%arg19 : memref<!tpu.dma_semaphore, #tpu.memory_space<semaphore_mem>>)
      %add3A_286 = arith.constant 1 : i32
      %add3A_287 = arith.addi %scan3A_190, %add3A_286 : i32
      %lt3A = arith.constant 25 : i32
      %lt3A_288 = arith.cmpi slt, %add3A_287, %lt3A : i32
      %convert_element_type3A_289 = arith.extui %lt3A_288 : i1 to i32
      %cond3A_290 = arith.constant 0 : i32
      %cond3A_291 = arith.cmpi ne, %convert_element_type3A_289, %cond3A_290 : i32
      scf.if %cond3A_291 {
        %add3A_372 = arith.constant 40 : i32
        %add3A_373 = arith.addi %mul3A_192, %add3A_372 : i32
        %dma_start3A_374 = arith.constant 0 : i32
        %dma_start3A_375 = arith.constant 0 : i32
        %dma_start3A_376 = arith.constant 0 : i32
        %dma_start3A_377 = arith.constant 0 : i32
        %dma_start3A_378 = tpu.memref_slice %arg6[%dma_start3A_374, %dma_start3A_375, %dma_start3A_376, %dma_start3A_377] : memref<20x4x8x33xf32, #tpu.memory_space<vmem>> -> memref<20x4x8x32xf32, #tpu.memory_space<vmem>>
        %dma_start3A_379 = arith.constant 0 : i32
        %dma_start3A_380 = arith.constant 0 : i32
        %dma_start3A_381 = tpu.memref_slice %arg2[%add3A_373, %dma_start3A_379, %shift_right_arithmetic3A_1, %dma_start3A_380, %mul3A_4] : memref<1000x4x8x8x128xf32, #tpu.memory_space<hbm>> -> memref<20x4x1x8x32xf32, #tpu.memory_space<hbm>>
        %dma_start3A_382 = tpu.memref_squeeze %dma_start3A_381 : memref<20x4x1x8x32xf32, #tpu.memory_space<hbm>> -> memref<20x4x8x32xf32, #tpu.memory_space<hbm>>
        %dma_start3A_383 = arith.constant 0 : i32
        %dma_start3A_384 = arith.constant 0 : i32
        %dma_start3A_385 = arith.constant 0 : i32
        %dma_start3A_386 = arith.constant 0 : i32
        %dma_start3A_387 = tpu.memref_slice %arg6[%dma_start3A_383, %dma_start3A_384, %dma_start3A_385, %dma_start3A_386] : memref<20x4x8x33xf32, #tpu.memory_space<vmem>> -> memref<20x4x8x32xf32, #tpu.memory_space<vmem>>
        %dma_start3A_388 = arith.constant 0 : i32
        %dma_start3A_389 = arith.constant 0 : i32
        %dma_start3A_390 = tpu.memref_slice %arg2[%add3A_373, %dma_start3A_388, %shift_right_arithmetic3A_1, %dma_start3A_389, %mul3A_4] : memref<1000x4x8x8x128xf32, #tpu.memory_space<hbm>> -> memref<20x4x1x8x32xf32, #tpu.memory_space<hbm>>
        %dma_start3A_391 = tpu.memref_squeeze %dma_start3A_390 : memref<20x4x1x8x32xf32, #tpu.memory_space<hbm>> -> memref<20x4x8x32xf32, #tpu.memory_space<hbm>>
        tpu.enqueue_dma source(%dma_start3A_391 : memref<20x4x8x32xf32, #tpu.memory_space<hbm>>) target(%dma_start3A_387 : memref<20x4x8x32xf32, #tpu.memory_space<vmem>>) target_semaphore(%arg17 : memref<!tpu.dma_semaphore, #tpu.memory_space<semaphore_mem>>)
      } else {
      }
      %add3A_292 = arith.constant 20 : i32
      %add3A_293 = arith.addi %mul3A_192, %add3A_292 : i32
      %dma_wait3A_294 = arith.constant 0 : i32
      %dma_wait3A_295 = arith.constant 0 : i32
      %dma_wait3A_296 = arith.constant 0 : i32
      %dma_wait3A_297 = arith.constant 0 : i32
      %dma_wait3A_298 = tpu.memref_slice %arg7[%dma_wait3A_294, %dma_wait3A_295, %dma_wait3A_296, %dma_wait3A_297] : memref<20x4x8x33xf32, #tpu.memory_space<vmem>> -> memref<20x4x8x32xf32, #tpu.memory_space<vmem>>
      %dma_wait3A_299 = arith.constant 0 : i32
      %dma_wait3A_300 = arith.constant 0 : i32
      %dma_wait3A_301 = tpu.memref_slice %arg2[%add3A_293, %dma_wait3A_299, %shift_right_arithmetic3A_1, %dma_wait3A_300, %mul3A_4] : memref<1000x4x8x8x128xf32, #tpu.memory_space<hbm>> -> memref<20x4x1x8x32xf32, #tpu.memory_space<hbm>>
      %dma_wait3A_302 = tpu.memref_squeeze %dma_wait3A_301 : memref<20x4x1x8x32xf32, #tpu.memory_space<hbm>> -> memref<20x4x8x32xf32, #tpu.memory_space<hbm>>
      %dma_wait3A_303 = arith.constant 0 : i32
      %dma_wait3A_304 = arith.constant 0 : i32
      %dma_wait3A_305 = arith.constant 0 : i32
      %dma_wait3A_306 = arith.constant 0 : i32
      %dma_wait3A_307 = tpu.memref_slice %arg7[%dma_wait3A_303, %dma_wait3A_304, %dma_wait3A_305, %dma_wait3A_306] : memref<20x4x8x33xf32, #tpu.memory_space<vmem>> -> memref<20x4x8x32xf32, #tpu.memory_space<vmem>>
      %dma_wait3A_308 = arith.constant 0 : i32
      %dma_wait3A_309 = arith.constant 0 : i32
      %dma_wait3A_310 = tpu.memref_slice %arg2[%add3A_293, %dma_wait3A_308, %shift_right_arithmetic3A_1, %dma_wait3A_309, %mul3A_4] : memref<1000x4x8x8x128xf32, #tpu.memory_space<hbm>> -> memref<20x4x1x8x32xf32, #tpu.memory_space<hbm>>
      %dma_wait3A_311 = tpu.memref_squeeze %dma_wait3A_310 : memref<20x4x1x8x32xf32, #tpu.memory_space<hbm>> -> memref<20x4x8x32xf32, #tpu.memory_space<hbm>>
      tpu.wait_dma2 semaphore(%arg18 : memref<!tpu.dma_semaphore, #tpu.memory_space<semaphore_mem>>) src(%dma_wait3A_311 : memref<20x4x8x32xf32, #tpu.memory_space<hbm>>) dst(%dma_wait3A_307 : memref<20x4x8x32xf32, #tpu.memory_space<vmem>>)
      %gt3A_312 = arith.constant 0 : i32
      %gt3A_313 = arith.cmpi sgt, %scan3A_190, %gt3A_312 : i32
      %convert_element_type3A_314 = arith.extui %gt3A_313 : i1 to i32
      %cond3A_315 = arith.constant 0 : i32
      %cond3A_316 = arith.cmpi ne, %convert_element_type3A_314, %cond3A_315 : i32
      scf.if %cond3A_316 {
        %dma_wait3A_372 = arith.constant 0 : i32
        %dma_wait3A_373 = arith.constant 0 : i32
        %dma_wait3A_374 = arith.constant 0 : i32
        %dma_wait3A_375 = tpu.memref_slice %arg9[%dma_wait3A_373, %dma_wait3A_374] : memref<640x32xf32, #tpu.memory_space<vmem>> -> memref<128x32xf32, #tpu.memory_space<vmem>>
        %dma_wait3A_376 = arith.constant 0 : i32
        %dma_wait3A_377 = tpu.memref_slice %arg11[%dma_wait3A_372, %dma_wait3A_376] : memref<5x128xi32, #tpu.memory_space<vmem>> -> memref<1x128xi32, #tpu.memory_space<vmem>>
        %dma_wait3A_378 = tpu.memref_squeeze %dma_wait3A_377 : memref<1x128xi32, #tpu.memory_space<vmem>> -> memref<128xi32, #tpu.memory_space<vmem>>
        %dma_wait3A_379 = arith.constant 0 : i32
        %dma_wait3A_380 = arith.constant 0 : i32
        %dma_wait3A_381 = tpu.memref_slice %arg5[%dma_wait3A_379, %dma_wait3A_380] : memref<1024000x32xf32, #tpu.memory_space<hbm>> -> memref<1024000x32xf32, #tpu.memory_space<hbm>>
        tpu.wait_indirect_dma semaphore(%arg20 : memref<!tpu.dma_semaphore, #tpu.memory_space<semaphore_mem>>) src(%dma_wait3A_375 : memref<128x32xf32, #tpu.memory_space<vmem>>) dst(%dma_wait3A_381 : memref<1024000x32xf32, #tpu.memory_space<hbm>>)
        %dma_wait3A_382 = arith.constant 1 : i32
        %dma_wait3A_383 = arith.constant 128 : i32
        %dma_wait3A_384 = arith.constant 0 : i32
        %dma_wait3A_385 = tpu.memref_slice %arg9[%dma_wait3A_383, %dma_wait3A_384] : memref<640x32xf32, #tpu.memory_space<vmem>> -> memref<128x32xf32, #tpu.memory_space<vmem>>
        %dma_wait3A_386 = arith.constant 0 : i32
        %dma_wait3A_387 = tpu.memref_slice %arg11[%dma_wait3A_382, %dma_wait3A_386] : memref<5x128xi32, #tpu.memory_space<vmem>> -> memref<1x128xi32, #tpu.memory_space<vmem>>
        %dma_wait3A_388 = tpu.memref_squeeze %dma_wait3A_387 : memref<1x128xi32, #tpu.memory_space<vmem>> -> memref<128xi32, #tpu.memory_space<vmem>>
        %dma_wait3A_389 = arith.constant 0 : i32
        %dma_wait3A_390 = arith.constant 0 : i32
        %dma_wait3A_391 = tpu.memref_slice %arg5[%dma_wait3A_389, %dma_wait3A_390] : memref<1024000x32xf32, #tpu.memory_space<hbm>> -> memref<1024000x32xf32, #tpu.memory_space<hbm>>
        tpu.wait_indirect_dma semaphore(%arg20 : memref<!tpu.dma_semaphore, #tpu.memory_space<semaphore_mem>>) src(%dma_wait3A_385 : memref<128x32xf32, #tpu.memory_space<vmem>>) dst(%dma_wait3A_391 : memref<1024000x32xf32, #tpu.memory_space<hbm>>)
        %dma_wait3A_392 = arith.constant 2 : i32
        %dma_wait3A_393 = arith.constant 256 : i32
        %dma_wait3A_394 = arith.constant 0 : i32
        %dma_wait3A_395 = tpu.memref_slice %arg9[%dma_wait3A_393, %dma_wait3A_394] : memref<640x32xf32, #tpu.memory_space<vmem>> -> memref<128x32xf32, #tpu.memory_space<vmem>>
        %dma_wait3A_396 = arith.constant 0 : i32
        %dma_wait3A_397 = tpu.memref_slice %arg11[%dma_wait3A_392, %dma_wait3A_396] : memref<5x128xi32, #tpu.memory_space<vmem>> -> memref<1x128xi32, #tpu.memory_space<vmem>>
        %dma_wait3A_398 = tpu.memref_squeeze %dma_wait3A_397 : memref<1x128xi32, #tpu.memory_space<vmem>> -> memref<128xi32, #tpu.memory_space<vmem>>
        %dma_wait3A_399 = arith.constant 0 : i32
        %dma_wait3A_400 = arith.constant 0 : i32
        %dma_wait3A_401 = tpu.memref_slice %arg5[%dma_wait3A_399, %dma_wait3A_400] : memref<1024000x32xf32, #tpu.memory_space<hbm>> -> memref<1024000x32xf32, #tpu.memory_space<hbm>>
        tpu.wait_indirect_dma semaphore(%arg20 : memref<!tpu.dma_semaphore, #tpu.memory_space<semaphore_mem>>) src(%dma_wait3A_395 : memref<128x32xf32, #tpu.memory_space<vmem>>) dst(%dma_wait3A_401 : memref<1024000x32xf32, #tpu.memory_space<hbm>>)
        %dma_wait3A_402 = arith.constant 3 : i32
        %dma_wait3A_403 = arith.constant 384 : i32
        %dma_wait3A_404 = arith.constant 0 : i32
        %dma_wait3A_405 = tpu.memref_slice %arg9[%dma_wait3A_403, %dma_wait3A_404] : memref<640x32xf32, #tpu.memory_space<vmem>> -> memref<128x32xf32, #tpu.memory_space<vmem>>
        %dma_wait3A_406 = arith.constant 0 : i32
        %dma_wait3A_407 = tpu.memref_slice %arg11[%dma_wait3A_402, %dma_wait3A_406] : memref<5x128xi32, #tpu.memory_space<vmem>> -> memref<1x128xi32, #tpu.memory_space<vmem>>
        %dma_wait3A_408 = tpu.memref_squeeze %dma_wait3A_407 : memref<1x128xi32, #tpu.memory_space<vmem>> -> memref<128xi32, #tpu.memory_space<vmem>>
        %dma_wait3A_409 = arith.constant 0 : i32
        %dma_wait3A_410 = arith.constant 0 : i32
        %dma_wait3A_411 = tpu.memref_slice %arg5[%dma_wait3A_409, %dma_wait3A_410] : memref<1024000x32xf32, #tpu.memory_space<hbm>> -> memref<1024000x32xf32, #tpu.memory_space<hbm>>
        tpu.wait_indirect_dma semaphore(%arg20 : memref<!tpu.dma_semaphore, #tpu.memory_space<semaphore_mem>>) src(%dma_wait3A_405 : memref<128x32xf32, #tpu.memory_space<vmem>>) dst(%dma_wait3A_411 : memref<1024000x32xf32, #tpu.memory_space<hbm>>)
        %dma_wait3A_412 = arith.constant 4 : i32
        %dma_wait3A_413 = arith.constant 512 : i32
        %dma_wait3A_414 = arith.constant 0 : i32
        %dma_wait3A_415 = tpu.memref_slice %arg9[%dma_wait3A_413, %dma_wait3A_414] : memref<640x32xf32, #tpu.memory_space<vmem>> -> memref<128x32xf32, #tpu.memory_space<vmem>>
        %dma_wait3A_416 = arith.constant 0 : i32
        %dma_wait3A_417 = tpu.memref_slice %arg11[%dma_wait3A_412, %dma_wait3A_416] : memref<5x128xi32, #tpu.memory_space<vmem>> -> memref<1x128xi32, #tpu.memory_space<vmem>>
        %dma_wait3A_418 = tpu.memref_squeeze %dma_wait3A_417 : memref<1x128xi32, #tpu.memory_space<vmem>> -> memref<128xi32, #tpu.memory_space<vmem>>
        %dma_wait3A_419 = arith.constant 0 : i32
        %dma_wait3A_420 = arith.constant 0 : i32
        %dma_wait3A_421 = tpu.memref_slice %arg5[%dma_wait3A_419, %dma_wait3A_420] : memref<1024000x32xf32, #tpu.memory_space<hbm>> -> memref<1024000x32xf32, #tpu.memory_space<hbm>>
        tpu.wait_indirect_dma semaphore(%arg20 : memref<!tpu.dma_semaphore, #tpu.memory_space<semaphore_mem>>) src(%dma_wait3A_415 : memref<128x32xf32, #tpu.memory_space<vmem>>) dst(%dma_wait3A_421 : memref<1024000x32xf32, #tpu.memory_space<hbm>>)
      } else {
      }
      %add3A_317 = arith.constant 20 : i32
      %add3A_318 = arith.addi %mul3A_192, %add3A_317 : i32
      %parallel_loop3A_319 = arith.constant 0 : i32
      %parallel_loop3A_320 = arith.constant 20 : i32
      %parallel_loop3A_321 = arith.constant 1 : i32
      scf.for %parallel_loop3A_372 = %parallel_loop3A_319 to %parallel_loop3A_320 step %parallel_loop3A_321  : i32 {
        %parallel_loop3A_373 = arith.constant 0 : i32
        %parallel_loop3A_374 = vector.broadcast %parallel_loop3A_373 : i32 to vector<16xi32>
        %parallel_loop3A_375 = arith.addi %mul3A_10, %parallel_loop3A_374 : vector<16xi32>
        %parallel_loop3A_376 = arith.constant 0 : i32
        %parallel_loop3A_377 = vector.broadcast %parallel_loop3A_376 : i32 to vector<16xi32>
        %parallel_loop3A_378 = arith.addi %shift_right_arithmetic3A_13, %parallel_loop3A_377 : vector<16xi32>
        %parallel_loop3A_379 = arith.constant 0 : i32
        %parallel_loop3A_380 = arith.constant 0 : i32
        %parallel_loop3A_381 = arith.constant 0 : i32
        %parallel_loop3A_382 = tpu.memref_slice %arg7[%parallel_loop3A_372, %parallel_loop3A_379, %parallel_loop3A_380, %parallel_loop3A_381] : memref<20x4x8x33xf32, #tpu.memory_space<vmem>> -> memref<1x4x8x33xf32, #tpu.memory_space<vmem>>
        %parallel_loop3A_383 = tpu.memref_squeeze %parallel_loop3A_382 : memref<1x4x8x33xf32, #tpu.memory_space<vmem>> -> memref<4x8x33xf32, #tpu.memory_space<vmem>>
        %parallel_loop3A_384 = tpu.vector_load_idx %parallel_loop3A_383[%parallel_loop3A_378, %and3A_16, %parallel_loop3A_375] : memref<4x8x33xf32, #tpu.memory_space<vmem>>[vector<16xi32>, vector<16xi32>, vector<16xi32>], vector<16xf32>,
        %parallel_loop3A_385 = arith.constant 2 : i32
        %parallel_loop3A_386 = vector.broadcast %parallel_loop3A_385 : i32 to vector<16xi32>
        %parallel_loop3A_387 = arith.addi %shift_right_arithmetic3A_13, %parallel_loop3A_386 : vector<16xi32>
        %parallel_loop3A_388 = arith.constant 0 : i32
        %parallel_loop3A_389 = arith.constant 0 : i32
        %parallel_loop3A_390 = arith.constant 0 : i32
        %parallel_loop3A_391 = tpu.memref_slice %arg7[%parallel_loop3A_372, %parallel_loop3A_388, %parallel_loop3A_389, %parallel_loop3A_390] : memref<20x4x8x33xf32, #tpu.memory_space<vmem>> -> memref<1x4x8x33xf32, #tpu.memory_space<vmem>>
        %parallel_loop3A_392 = tpu.memref_squeeze %parallel_loop3A_391 : memref<1x4x8x33xf32, #tpu.memory_space<vmem>> -> memref<4x8x33xf32, #tpu.memory_space<vmem>>
        %parallel_loop3A_393 = tpu.vector_load_idx %parallel_loop3A_392[%parallel_loop3A_387, %and3A_16, %parallel_loop3A_375] : memref<4x8x33xf32, #tpu.memory_space<vmem>>[vector<16xi32>, vector<16xi32>, vector<16xi32>], vector<16xf32>,
        %parallel_loop3A_394 = arith.constant 1 : i32
        %parallel_loop3A_395 = vector.broadcast %parallel_loop3A_394 : i32 to vector<16xi32>
        %parallel_loop3A_396 = arith.addi %mul3A_10, %parallel_loop3A_395 : vector<16xi32>
        %parallel_loop3A_397 = arith.constant 0 : i32
        %parallel_loop3A_398 = vector.broadcast %parallel_loop3A_397 : i32 to vector<16xi32>
        %parallel_loop3A_399 = arith.addi %shift_right_arithmetic3A_13, %parallel_loop3A_398 : vector<16xi32>
        %parallel_loop3A_400 = arith.constant 0 : i32
        %parallel_loop3A_401 = arith.constant 0 : i32
        %parallel_loop3A_402 = arith.constant 0 : i32
        %parallel_loop3A_403 = tpu.memref_slice %arg7[%parallel_loop3A_372, %parallel_loop3A_400, %parallel_loop3A_401, %parallel_loop3A_402] : memref<20x4x8x33xf32, #tpu.memory_space<vmem>> -> memref<1x4x8x33xf32, #tpu.memory_space<vmem>>
        %parallel_loop3A_404 = tpu.memref_squeeze %parallel_loop3A_403 : memref<1x4x8x33xf32, #tpu.memory_space<vmem>> -> memref<4x8x33xf32, #tpu.memory_space<vmem>>
        %parallel_loop3A_405 = tpu.vector_load_idx %parallel_loop3A_404[%parallel_loop3A_399, %and3A_16, %parallel_loop3A_396] : memref<4x8x33xf32, #tpu.memory_space<vmem>>[vector<16xi32>, vector<16xi32>, vector<16xi32>], vector<16xf32>,
        %parallel_loop3A_406 = arith.constant 2 : i32
        %parallel_loop3A_407 = vector.broadcast %parallel_loop3A_406 : i32 to vector<16xi32>
        %parallel_loop3A_408 = arith.addi %shift_right_arithmetic3A_13, %parallel_loop3A_407 : vector<16xi32>
        %parallel_loop3A_409 = arith.constant 0 : i32
        %parallel_loop3A_410 = arith.constant 0 : i32
        %parallel_loop3A_411 = arith.constant 0 : i32
        %parallel_loop3A_412 = tpu.memref_slice %arg7[%parallel_loop3A_372, %parallel_loop3A_409, %parallel_loop3A_410, %parallel_loop3A_411] : memref<20x4x8x33xf32, #tpu.memory_space<vmem>> -> memref<1x4x8x33xf32, #tpu.memory_space<vmem>>
        %parallel_loop3A_413 = tpu.memref_squeeze %parallel_loop3A_412 : memref<1x4x8x33xf32, #tpu.memory_space<vmem>> -> memref<4x8x33xf32, #tpu.memory_space<vmem>>
        %parallel_loop3A_414 = tpu.vector_load_idx %parallel_loop3A_413[%parallel_loop3A_408, %and3A_16, %parallel_loop3A_396] : memref<4x8x33xf32, #tpu.memory_space<vmem>>[vector<16xi32>, vector<16xi32>, vector<16xi32>], vector<16xf32>,
        %parallel_loop3A_415 = arith.constant 2 : i32
        %parallel_loop3A_416 = vector.broadcast %parallel_loop3A_415 : i32 to vector<16xi32>
        %parallel_loop3A_417 = arith.addi %mul3A_10, %parallel_loop3A_416 : vector<16xi32>
        %parallel_loop3A_418 = arith.constant 0 : i32
        %parallel_loop3A_419 = vector.broadcast %parallel_loop3A_418 : i32 to vector<16xi32>
        %parallel_loop3A_420 = arith.addi %shift_right_arithmetic3A_13, %parallel_loop3A_419 : vector<16xi32>
        %parallel_loop3A_421 = arith.constant 0 : i32
        %parallel_loop3A_422 = arith.constant 0 : i32
        %parallel_loop3A_423 = arith.constant 0 : i32
        %parallel_loop3A_424 = tpu.memref_slice %arg7[%parallel_loop3A_372, %parallel_loop3A_421, %parallel_loop3A_422, %parallel_loop3A_423] : memref<20x4x8x33xf32, #tpu.memory_space<vmem>> -> memref<1x4x8x33xf32, #tpu.memory_space<vmem>>
        %parallel_loop3A_425 = tpu.memref_squeeze %parallel_loop3A_424 : memref<1x4x8x33xf32, #tpu.memory_space<vmem>> -> memref<4x8x33xf32, #tpu.memory_space<vmem>>
        %parallel_loop3A_426 = tpu.vector_load_idx %parallel_loop3A_425[%parallel_loop3A_420, %and3A_16, %parallel_loop3A_417] : memref<4x8x33xf32, #tpu.memory_space<vmem>>[vector<16xi32>, vector<16xi32>, vector<16xi32>], vector<16xf32>,
        %parallel_loop3A_427 = arith.constant 2 : i32
        %parallel_loop3A_428 = vector.broadcast %parallel_loop3A_427 : i32 to vector<16xi32>
        %parallel_loop3A_429 = arith.addi %shift_right_arithmetic3A_13, %parallel_loop3A_428 : vector<16xi32>
        %parallel_loop3A_430 = arith.constant 0 : i32
        %parallel_loop3A_431 = arith.constant 0 : i32
        %parallel_loop3A_432 = arith.constant 0 : i32
        %parallel_loop3A_433 = tpu.memref_slice %arg7[%parallel_loop3A_372, %parallel_loop3A_430, %parallel_loop3A_431, %parallel_loop3A_432] : memref<20x4x8x33xf32, #tpu.memory_space<vmem>> -> memref<1x4x8x33xf32, #tpu.memory_space<vmem>>
        %parallel_loop3A_434 = tpu.memref_squeeze %parallel_loop3A_433 : memref<1x4x8x33xf32, #tpu.memory_space<vmem>> -> memref<4x8x33xf32, #tpu.memory_space<vmem>>
        %parallel_loop3A_435 = tpu.vector_load_idx %parallel_loop3A_434[%parallel_loop3A_429, %and3A_16, %parallel_loop3A_417] : memref<4x8x33xf32, #tpu.memory_space<vmem>>[vector<16xi32>, vector<16xi32>, vector<16xi32>], vector<16xf32>,
        %parallel_loop3A_436 = arith.constant 3 : i32
        %parallel_loop3A_437 = vector.broadcast %parallel_loop3A_436 : i32 to vector<16xi32>
        %parallel_loop3A_438 = arith.addi %mul3A_10, %parallel_loop3A_437 : vector<16xi32>
        %parallel_loop3A_439 = arith.constant 0 : i32
        %parallel_loop3A_440 = vector.broadcast %parallel_loop3A_439 : i32 to vector<16xi32>
        %parallel_loop3A_441 = arith.addi %shift_right_arithmetic3A_13, %parallel_loop3A_440 : vector<16xi32>
        %parallel_loop3A_442 = arith.constant 0 : i32
        %parallel_loop3A_443 = arith.constant 0 : i32
        %parallel_loop3A_444 = arith.constant 0 : i32
        %parallel_loop3A_445 = tpu.memref_slice %arg7[%parallel_loop3A_372, %parallel_loop3A_442, %parallel_loop3A_443, %parallel_loop3A_444] : memref<20x4x8x33xf32, #tpu.memory_space<vmem>> -> memref<1x4x8x33xf32, #tpu.memory_space<vmem>>
        %parallel_loop3A_446 = tpu.memref_squeeze %parallel_loop3A_445 : memref<1x4x8x33xf32, #tpu.memory_space<vmem>> -> memref<4x8x33xf32, #tpu.memory_space<vmem>>
        %parallel_loop3A_447 = tpu.vector_load_idx %parallel_loop3A_446[%parallel_loop3A_441, %and3A_16, %parallel_loop3A_438] : memref<4x8x33xf32, #tpu.memory_space<vmem>>[vector<16xi32>, vector<16xi32>, vector<16xi32>], vector<16xf32>,
        %parallel_loop3A_448 = arith.constant 2 : i32
        %parallel_loop3A_449 = vector.broadcast %parallel_loop3A_448 : i32 to vector<16xi32>
        %parallel_loop3A_450 = arith.addi %shift_right_arithmetic3A_13, %parallel_loop3A_449 : vector<16xi32>
        %parallel_loop3A_451 = arith.constant 0 : i32
        %parallel_loop3A_452 = arith.constant 0 : i32
        %parallel_loop3A_453 = arith.constant 0 : i32
        %parallel_loop3A_454 = tpu.memref_slice %arg7[%parallel_loop3A_372, %parallel_loop3A_451, %parallel_loop3A_452, %parallel_loop3A_453] : memref<20x4x8x33xf32, #tpu.memory_space<vmem>> -> memref<1x4x8x33xf32, #tpu.memory_space<vmem>>
        %parallel_loop3A_455 = tpu.memref_squeeze %parallel_loop3A_454 : memref<1x4x8x33xf32, #tpu.memory_space<vmem>> -> memref<4x8x33xf32, #tpu.memory_space<vmem>>
        %parallel_loop3A_456 = tpu.vector_load_idx %parallel_loop3A_455[%parallel_loop3A_450, %and3A_16, %parallel_loop3A_438] : memref<4x8x33xf32, #tpu.memory_space<vmem>>[vector<16xi32>, vector<16xi32>, vector<16xi32>], vector<16xf32>,
        %parallel_loop3A_457 = arith.constant 32 : i32
        %parallel_loop3A_458 = arith.muli %parallel_loop3A_372, %parallel_loop3A_457 : i32
        %parallel_loop3A_459 = arith.constant 0 : i32
        %parallel_loop3A_460 = arith.addi %parallel_loop3A_458, %parallel_loop3A_459 : i32
        %parallel_loop3A_461 = arith.index_cast %parallel_loop3A_460 : i32 to index
        %parallel_loop3A_462 = arith.constant 0 : index
        %parallel_loop3A_463 = tpu.vector_load %arg9[%parallel_loop3A_461, %parallel_loop3A_462] {strides = array<i32>} : memref<640x32xf32, #tpu.memory_space<vmem>>, vector<16xf32>,
        tpu.vector_store %arg9[%parallel_loop3A_461, %parallel_loop3A_462], %parallel_loop3A_384 {strides = array<i32>} : memref<640x32xf32, #tpu.memory_space<vmem>>, vector<16xf32>,
        %parallel_loop3A_464 = arith.constant 32 : i32
        %parallel_loop3A_465 = arith.muli %parallel_loop3A_372, %parallel_loop3A_464 : i32
        %parallel_loop3A_466 = arith.constant 0 : i32
        %parallel_loop3A_467 = arith.addi %parallel_loop3A_465, %parallel_loop3A_466 : i32
        %parallel_loop3A_468 = arith.index_cast %parallel_loop3A_467 : i32 to index
        %parallel_loop3A_469 = arith.constant 16 : index
        %parallel_loop3A_470 = tpu.vector_load %arg9[%parallel_loop3A_468, %parallel_loop3A_469] {strides = array<i32>} : memref<640x32xf32, #tpu.memory_space<vmem>>, vector<16xf32>,
        tpu.vector_store %arg9[%parallel_loop3A_468, %parallel_loop3A_469], %parallel_loop3A_393 {strides = array<i32>} : memref<640x32xf32, #tpu.memory_space<vmem>>, vector<16xf32>,
        %parallel_loop3A_471 = arith.constant 32 : i32
        %parallel_loop3A_472 = arith.muli %parallel_loop3A_372, %parallel_loop3A_471 : i32
        %parallel_loop3A_473 = arith.constant 1 : i32
        %parallel_loop3A_474 = arith.addi %parallel_loop3A_472, %parallel_loop3A_473 : i32
        %parallel_loop3A_475 = arith.index_cast %parallel_loop3A_474 : i32 to index
        %parallel_loop3A_476 = arith.constant 0 : index
        %parallel_loop3A_477 = tpu.vector_load %arg9[%parallel_loop3A_475, %parallel_loop3A_476] {strides = array<i32>} : memref<640x32xf32, #tpu.memory_space<vmem>>, vector<16xf32>,
        tpu.vector_store %arg9[%parallel_loop3A_475, %parallel_loop3A_476], %parallel_loop3A_405 {strides = array<i32>} : memref<640x32xf32, #tpu.memory_space<vmem>>, vector<16xf32>,
        %parallel_loop3A_478 = arith.constant 32 : i32
        %parallel_loop3A_479 = arith.muli %parallel_loop3A_372, %parallel_loop3A_478 : i32
        %parallel_loop3A_480 = arith.constant 1 : i32
        %parallel_loop3A_481 = arith.addi %parallel_loop3A_479, %parallel_loop3A_480 : i32
        %parallel_loop3A_482 = arith.index_cast %parallel_loop3A_481 : i32 to index
        %parallel_loop3A_483 = arith.constant 16 : index
        %parallel_loop3A_484 = tpu.vector_load %arg9[%parallel_loop3A_482, %parallel_loop3A_483] {strides = array<i32>} : memref<640x32xf32, #tpu.memory_space<vmem>>, vector<16xf32>,
        tpu.vector_store %arg9[%parallel_loop3A_482, %parallel_loop3A_483], %parallel_loop3A_414 {strides = array<i32>} : memref<640x32xf32, #tpu.memory_space<vmem>>, vector<16xf32>,
        %parallel_loop3A_485 = arith.constant 32 : i32
        %parallel_loop3A_486 = arith.muli %parallel_loop3A_372, %parallel_loop3A_485 : i32
        %parallel_loop3A_487 = arith.constant 2 : i32
        %parallel_loop3A_488 = arith.addi %parallel_loop3A_486, %parallel_loop3A_487 : i32
        %parallel_loop3A_489 = arith.index_cast %parallel_loop3A_488 : i32 to index
        %parallel_loop3A_490 = arith.constant 0 : index
        %parallel_loop3A_491 = tpu.vector_load %arg9[%parallel_loop3A_489, %parallel_loop3A_490] {strides = array<i32>} : memref<640x32xf32, #tpu.memory_space<vmem>>, vector<16xf32>,
        tpu.vector_store %arg9[%parallel_loop3A_489, %parallel_loop3A_490], %parallel_loop3A_426 {strides = array<i32>} : memref<640x32xf32, #tpu.memory_space<vmem>>, vector<16xf32>,
        %parallel_loop3A_492 = arith.constant 32 : i32
        %parallel_loop3A_493 = arith.muli %parallel_loop3A_372, %parallel_loop3A_492 : i32
        %parallel_loop3A_494 = arith.constant 2 : i32
        %parallel_loop3A_495 = arith.addi %parallel_loop3A_493, %parallel_loop3A_494 : i32
        %parallel_loop3A_496 = arith.index_cast %parallel_loop3A_495 : i32 to index
        %parallel_loop3A_497 = arith.constant 16 : index
        %parallel_loop3A_498 = tpu.vector_load %arg9[%parallel_loop3A_496, %parallel_loop3A_497] {strides = array<i32>} : memref<640x32xf32, #tpu.memory_space<vmem>>, vector<16xf32>,
        tpu.vector_store %arg9[%parallel_loop3A_496, %parallel_loop3A_497], %parallel_loop3A_435 {strides = array<i32>} : memref<640x32xf32, #tpu.memory_space<vmem>>, vector<16xf32>,
        %parallel_loop3A_499 = arith.constant 32 : i32
        %parallel_loop3A_500 = arith.muli %parallel_loop3A_372, %parallel_loop3A_499 : i32
        %parallel_loop3A_501 = arith.constant 3 : i32
        %parallel_loop3A_502 = arith.addi %parallel_loop3A_500, %parallel_loop3A_501 : i32
        %parallel_loop3A_503 = arith.index_cast %parallel_loop3A_502 : i32 to index
        %parallel_loop3A_504 = arith.constant 0 : index
        %parallel_loop3A_505 = tpu.vector_load %arg9[%parallel_loop3A_503, %parallel_loop3A_504] {strides = array<i32>} : memref<640x32xf32, #tpu.memory_space<vmem>>, vector<16xf32>,
        tpu.vector_store %arg9[%parallel_loop3A_503, %parallel_loop3A_504], %parallel_loop3A_447 {strides = array<i32>} : memref<640x32xf32, #tpu.memory_space<vmem>>, vector<16xf32>,
        %parallel_loop3A_506 = arith.constant 32 : i32
        %parallel_loop3A_507 = arith.muli %parallel_loop3A_372, %parallel_loop3A_506 : i32
        %parallel_loop3A_508 = arith.constant 3 : i32
        %parallel_loop3A_509 = arith.addi %parallel_loop3A_507, %parallel_loop3A_508 : i32
        %parallel_loop3A_510 = arith.index_cast %parallel_loop3A_509 : i32 to index
        %parallel_loop3A_511 = arith.constant 16 : index
        %parallel_loop3A_512 = tpu.vector_load %arg9[%parallel_loop3A_510, %parallel_loop3A_511] {strides = array<i32>} : memref<640x32xf32, #tpu.memory_space<vmem>>, vector<16xf32>,
        tpu.vector_store %arg9[%parallel_loop3A_510, %parallel_loop3A_511], %parallel_loop3A_456 {strides = array<i32>} : memref<640x32xf32, #tpu.memory_space<vmem>>, vector<16xf32>,
        %parallel_loop3A_513 = arith.constant 4 : i32
        %parallel_loop3A_514 = vector.broadcast %parallel_loop3A_513 : i32 to vector<16xi32>
        %parallel_loop3A_515 = arith.addi %mul3A_10, %parallel_loop3A_514 : vector<16xi32>
        %parallel_loop3A_516 = arith.constant 0 : i32
        %parallel_loop3A_517 = vector.broadcast %parallel_loop3A_516 : i32 to vector<16xi32>
        %parallel_loop3A_518 = arith.addi %shift_right_arithmetic3A_13, %parallel_loop3A_517 : vector<16xi32>
        %parallel_loop3A_519 = arith.constant 0 : i32
        %parallel_loop3A_520 = arith.constant 0 : i32
        %parallel_loop3A_521 = arith.constant 0 : i32
        %parallel_loop3A_522 = tpu.memref_slice %arg7[%parallel_loop3A_372, %parallel_loop3A_519, %parallel_loop3A_520, %parallel_loop3A_521] : memref<20x4x8x33xf32, #tpu.memory_space<vmem>> -> memref<1x4x8x33xf32, #tpu.memory_space<vmem>>
        %parallel_loop3A_523 = tpu.memref_squeeze %parallel_loop3A_522 : memref<1x4x8x33xf32, #tpu.memory_space<vmem>> -> memref<4x8x33xf32, #tpu.memory_space<vmem>>
        %parallel_loop3A_524 = tpu.vector_load_idx %parallel_loop3A_523[%parallel_loop3A_518, %and3A_16, %parallel_loop3A_515] : memref<4x8x33xf32, #tpu.memory_space<vmem>>[vector<16xi32>, vector<16xi32>, vector<16xi32>], vector<16xf32>,
        %parallel_loop3A_525 = arith.constant 2 : i32
        %parallel_loop3A_526 = vector.broadcast %parallel_loop3A_525 : i32 to vector<16xi32>
        %parallel_loop3A_527 = arith.addi %shift_right_arithmetic3A_13, %parallel_loop3A_526 : vector<16xi32>
        %parallel_loop3A_528 = arith.constant 0 : i32
        %parallel_loop3A_529 = arith.constant 0 : i32
        %parallel_loop3A_530 = arith.constant 0 : i32
        %parallel_loop3A_531 = tpu.memref_slice %arg7[%parallel_loop3A_372, %parallel_loop3A_528, %parallel_loop3A_529, %parallel_loop3A_530] : memref<20x4x8x33xf32, #tpu.memory_space<vmem>> -> memref<1x4x8x33xf32, #tpu.memory_space<vmem>>
        %parallel_loop3A_532 = tpu.memref_squeeze %parallel_loop3A_531 : memref<1x4x8x33xf32, #tpu.memory_space<vmem>> -> memref<4x8x33xf32, #tpu.memory_space<vmem>>
        %parallel_loop3A_533 = tpu.vector_load_idx %parallel_loop3A_532[%parallel_loop3A_527, %and3A_16, %parallel_loop3A_515] : memref<4x8x33xf32, #tpu.memory_space<vmem>>[vector<16xi32>, vector<16xi32>, vector<16xi32>], vector<16xf32>,
        %parallel_loop3A_534 = arith.constant 5 : i32
        %parallel_loop3A_535 = vector.broadcast %parallel_loop3A_534 : i32 to vector<16xi32>
        %parallel_loop3A_536 = arith.addi %mul3A_10, %parallel_loop3A_535 : vector<16xi32>
        %parallel_loop3A_537 = arith.constant 0 : i32
        %parallel_loop3A_538 = vector.broadcast %parallel_loop3A_537 : i32 to vector<16xi32>
        %parallel_loop3A_539 = arith.addi %shift_right_arithmetic3A_13, %parallel_loop3A_538 : vector<16xi32>
        %parallel_loop3A_540 = arith.constant 0 : i32
        %parallel_loop3A_541 = arith.constant 0 : i32
        %parallel_loop3A_542 = arith.constant 0 : i32
        %parallel_loop3A_543 = tpu.memref_slice %arg7[%parallel_loop3A_372, %parallel_loop3A_540, %parallel_loop3A_541, %parallel_loop3A_542] : memref<20x4x8x33xf32, #tpu.memory_space<vmem>> -> memref<1x4x8x33xf32, #tpu.memory_space<vmem>>
        %parallel_loop3A_544 = tpu.memref_squeeze %parallel_loop3A_543 : memref<1x4x8x33xf32, #tpu.memory_space<vmem>> -> memref<4x8x33xf32, #tpu.memory_space<vmem>>
        %parallel_loop3A_545 = tpu.vector_load_idx %parallel_loop3A_544[%parallel_loop3A_539, %and3A_16, %parallel_loop3A_536] : memref<4x8x33xf32, #tpu.memory_space<vmem>>[vector<16xi32>, vector<16xi32>, vector<16xi32>], vector<16xf32>,
        %parallel_loop3A_546 = arith.constant 2 : i32
        %parallel_loop3A_547 = vector.broadcast %parallel_loop3A_546 : i32 to vector<16xi32>
        %parallel_loop3A_548 = arith.addi %shift_right_arithmetic3A_13, %parallel_loop3A_547 : vector<16xi32>
        %parallel_loop3A_549 = arith.constant 0 : i32
        %parallel_loop3A_550 = arith.constant 0 : i32
        %parallel_loop3A_551 = arith.constant 0 : i32
        %parallel_loop3A_552 = tpu.memref_slice %arg7[%parallel_loop3A_372, %parallel_loop3A_549, %parallel_loop3A_550, %parallel_loop3A_551] : memref<20x4x8x33xf32, #tpu.memory_space<vmem>> -> memref<1x4x8x33xf32, #tpu.memory_space<vmem>>
        %parallel_loop3A_553 = tpu.memref_squeeze %parallel_loop3A_552 : memref<1x4x8x33xf32, #tpu.memory_space<vmem>> -> memref<4x8x33xf32, #tpu.memory_space<vmem>>
        %parallel_loop3A_554 = tpu.vector_load_idx %parallel_loop3A_553[%parallel_loop3A_548, %and3A_16, %parallel_loop3A_536] : memref<4x8x33xf32, #tpu.memory_space<vmem>>[vector<16xi32>, vector<16xi32>, vector<16xi32>], vector<16xf32>,
        %parallel_loop3A_555 = arith.constant 6 : i32
        %parallel_loop3A_556 = vector.broadcast %parallel_loop3A_555 : i32 to vector<16xi32>
        %parallel_loop3A_557 = arith.addi %mul3A_10, %parallel_loop3A_556 : vector<16xi32>
        %parallel_loop3A_558 = arith.constant 0 : i32
        %parallel_loop3A_559 = vector.broadcast %parallel_loop3A_558 : i32 to vector<16xi32>
        %parallel_loop3A_560 = arith.addi %shift_right_arithmetic3A_13, %parallel_loop3A_559 : vector<16xi32>
        %parallel_loop3A_561 = arith.constant 0 : i32
        %parallel_loop3A_562 = arith.constant 0 : i32
        %parallel_loop3A_563 = arith.constant 0 : i32
        %parallel_loop3A_564 = tpu.memref_slice %arg7[%parallel_loop3A_372, %parallel_loop3A_561, %parallel_loop3A_562, %parallel_loop3A_563] : memref<20x4x8x33xf32, #tpu.memory_space<vmem>> -> memref<1x4x8x33xf32, #tpu.memory_space<vmem>>
        %parallel_loop3A_565 = tpu.memref_squeeze %parallel_loop3A_564 : memref<1x4x8x33xf32, #tpu.memory_space<vmem>> -> memref<4x8x33xf32, #tpu.memory_space<vmem>>
        %parallel_loop3A_566 = tpu.vector_load_idx %parallel_loop3A_565[%parallel_loop3A_560, %and3A_16, %parallel_loop3A_557] : memref<4x8x33xf32, #tpu.memory_space<vmem>>[vector<16xi32>, vector<16xi32>, vector<16xi32>], vector<16xf32>,
        %parallel_loop3A_567 = arith.constant 2 : i32
        %parallel_loop3A_568 = vector.broadcast %parallel_loop3A_567 : i32 to vector<16xi32>
        %parallel_loop3A_569 = arith.addi %shift_right_arithmetic3A_13, %parallel_loop3A_568 : vector<16xi32>
        %parallel_loop3A_570 = arith.constant 0 : i32
        %parallel_loop3A_571 = arith.constant 0 : i32
        %parallel_loop3A_572 = arith.constant 0 : i32
        %parallel_loop3A_573 = tpu.memref_slice %arg7[%parallel_loop3A_372, %parallel_loop3A_570, %parallel_loop3A_571, %parallel_loop3A_572] : memref<20x4x8x33xf32, #tpu.memory_space<vmem>> -> memref<1x4x8x33xf32, #tpu.memory_space<vmem>>
        %parallel_loop3A_574 = tpu.memref_squeeze %parallel_loop3A_573 : memref<1x4x8x33xf32, #tpu.memory_space<vmem>> -> memref<4x8x33xf32, #tpu.memory_space<vmem>>
        %parallel_loop3A_575 = tpu.vector_load_idx %parallel_loop3A_574[%parallel_loop3A_569, %and3A_16, %parallel_loop3A_557] : memref<4x8x33xf32, #tpu.memory_space<vmem>>[vector<16xi32>, vector<16xi32>, vector<16xi32>], vector<16xf32>,
        %parallel_loop3A_576 = arith.constant 7 : i32
        %parallel_loop3A_577 = vector.broadcast %parallel_loop3A_576 : i32 to vector<16xi32>
        %parallel_loop3A_578 = arith.addi %mul3A_10, %parallel_loop3A_577 : vector<16xi32>
        %parallel_loop3A_579 = arith.constant 0 : i32
        %parallel_loop3A_580 = vector.broadcast %parallel_loop3A_579 : i32 to vector<16xi32>
        %parallel_loop3A_581 = arith.addi %shift_right_arithmetic3A_13, %parallel_loop3A_580 : vector<16xi32>
        %parallel_loop3A_582 = arith.constant 0 : i32
        %parallel_loop3A_583 = arith.constant 0 : i32
        %parallel_loop3A_584 = arith.constant 0 : i32
        %parallel_loop3A_585 = tpu.memref_slice %arg7[%parallel_loop3A_372, %parallel_loop3A_582, %parallel_loop3A_583, %parallel_loop3A_584] : memref<20x4x8x33xf32, #tpu.memory_space<vmem>> -> memref<1x4x8x33xf32, #tpu.memory_space<vmem>>
        %parallel_loop3A_586 = tpu.memref_squeeze %parallel_loop3A_585 : memref<1x4x8x33xf32, #tpu.memory_space<vmem>> -> memref<4x8x33xf32, #tpu.memory_space<vmem>>
        %parallel_loop3A_587 = tpu.vector_load_idx %parallel_loop3A_586[%parallel_loop3A_581, %and3A_16, %parallel_loop3A_578] : memref<4x8x33xf32, #tpu.memory_space<vmem>>[vector<16xi32>, vector<16xi32>, vector<16xi32>], vector<16xf32>,
        %parallel_loop3A_588 = arith.constant 2 : i32
        %parallel_loop3A_589 = vector.broadcast %parallel_loop3A_588 : i32 to vector<16xi32>
        %parallel_loop3A_590 = arith.addi %shift_right_arithmetic3A_13, %parallel_loop3A_589 : vector<16xi32>
        %parallel_loop3A_591 = arith.constant 0 : i32
        %parallel_loop3A_592 = arith.constant 0 : i32
        %parallel_loop3A_593 = arith.constant 0 : i32
        %parallel_loop3A_594 = tpu.memref_slice %arg7[%parallel_loop3A_372, %parallel_loop3A_591, %parallel_loop3A_592, %parallel_loop3A_593] : memref<20x4x8x33xf32, #tpu.memory_space<vmem>> -> memref<1x4x8x33xf32, #tpu.memory_space<vmem>>
        %parallel_loop3A_595 = tpu.memref_squeeze %parallel_loop3A_594 : memref<1x4x8x33xf32, #tpu.memory_space<vmem>> -> memref<4x8x33xf32, #tpu.memory_space<vmem>>
        %parallel_loop3A_596 = tpu.vector_load_idx %parallel_loop3A_595[%parallel_loop3A_590, %and3A_16, %parallel_loop3A_578] : memref<4x8x33xf32, #tpu.memory_space<vmem>>[vector<16xi32>, vector<16xi32>, vector<16xi32>], vector<16xf32>,
        %parallel_loop3A_597 = arith.constant 32 : i32
        %parallel_loop3A_598 = arith.muli %parallel_loop3A_372, %parallel_loop3A_597 : i32
        %parallel_loop3A_599 = arith.constant 4 : i32
        %parallel_loop3A_600 = arith.addi %parallel_loop3A_598, %parallel_loop3A_599 : i32
        %parallel_loop3A_601 = arith.index_cast %parallel_loop3A_600 : i32 to index
        %parallel_loop3A_602 = arith.constant 0 : index
        %parallel_loop3A_603 = tpu.vector_load %arg9[%parallel_loop3A_601, %parallel_loop3A_602] {strides = array<i32>} : memref<640x32xf32, #tpu.memory_space<vmem>>, vector<16xf32>,
        tpu.vector_store %arg9[%parallel_loop3A_601, %parallel_loop3A_602], %parallel_loop3A_524 {strides = array<i32>} : memref<640x32xf32, #tpu.memory_space<vmem>>, vector<16xf32>,
        %parallel_loop3A_604 = arith.constant 32 : i32
        %parallel_loop3A_605 = arith.muli %parallel_loop3A_372, %parallel_loop3A_604 : i32
        %parallel_loop3A_606 = arith.constant 4 : i32
        %parallel_loop3A_607 = arith.addi %parallel_loop3A_605, %parallel_loop3A_606 : i32
        %parallel_loop3A_608 = arith.index_cast %parallel_loop3A_607 : i32 to index
        %parallel_loop3A_609 = arith.constant 16 : index
        %parallel_loop3A_610 = tpu.vector_load %arg9[%parallel_loop3A_608, %parallel_loop3A_609] {strides = array<i32>} : memref<640x32xf32, #tpu.memory_space<vmem>>, vector<16xf32>,
        tpu.vector_store %arg9[%parallel_loop3A_608, %parallel_loop3A_609], %parallel_loop3A_533 {strides = array<i32>} : memref<640x32xf32, #tpu.memory_space<vmem>>, vector<16xf32>,
        %parallel_loop3A_611 = arith.constant 32 : i32
        %parallel_loop3A_612 = arith.muli %parallel_loop3A_372, %parallel_loop3A_611 : i32
        %parallel_loop3A_613 = arith.constant 5 : i32
        %parallel_loop3A_614 = arith.addi %parallel_loop3A_612, %parallel_loop3A_613 : i32
        %parallel_loop3A_615 = arith.index_cast %parallel_loop3A_614 : i32 to index
        %parallel_loop3A_616 = arith.constant 0 : index
        %parallel_loop3A_617 = tpu.vector_load %arg9[%parallel_loop3A_615, %parallel_loop3A_616] {strides = array<i32>} : memref<640x32xf32, #tpu.memory_space<vmem>>, vector<16xf32>,
        tpu.vector_store %arg9[%parallel_loop3A_615, %parallel_loop3A_616], %parallel_loop3A_545 {strides = array<i32>} : memref<640x32xf32, #tpu.memory_space<vmem>>, vector<16xf32>,
        %parallel_loop3A_618 = arith.constant 32 : i32
        %parallel_loop3A_619 = arith.muli %parallel_loop3A_372, %parallel_loop3A_618 : i32
        %parallel_loop3A_620 = arith.constant 5 : i32
        %parallel_loop3A_621 = arith.addi %parallel_loop3A_619, %parallel_loop3A_620 : i32
        %parallel_loop3A_622 = arith.index_cast %parallel_loop3A_621 : i32 to index
        %parallel_loop3A_623 = arith.constant 16 : index
        %parallel_loop3A_624 = tpu.vector_load %arg9[%parallel_loop3A_622, %parallel_loop3A_623] {strides = array<i32>} : memref<640x32xf32, #tpu.memory_space<vmem>>, vector<16xf32>,
        tpu.vector_store %arg9[%parallel_loop3A_622, %parallel_loop3A_623], %parallel_loop3A_554 {strides = array<i32>} : memref<640x32xf32, #tpu.memory_space<vmem>>, vector<16xf32>,
        %parallel_loop3A_625 = arith.constant 32 : i32
        %parallel_loop3A_626 = arith.muli %parallel_loop3A_372, %parallel_loop3A_625 : i32
        %parallel_loop3A_627 = arith.constant 6 : i32
        %parallel_loop3A_628 = arith.addi %parallel_loop3A_626, %parallel_loop3A_627 : i32
        %parallel_loop3A_629 = arith.index_cast %parallel_loop3A_628 : i32 to index
        %parallel_loop3A_630 = arith.constant 0 : index
        %parallel_loop3A_631 = tpu.vector_load %arg9[%parallel_loop3A_629, %parallel_loop3A_630] {strides = array<i32>} : memref<640x32xf32, #tpu.memory_space<vmem>>, vector<16xf32>,
        tpu.vector_store %arg9[%parallel_loop3A_629, %parallel_loop3A_630], %parallel_loop3A_566 {strides = array<i32>} : memref<640x32xf32, #tpu.memory_space<vmem>>, vector<16xf32>,
        %parallel_loop3A_632 = arith.constant 32 : i32
        %parallel_loop3A_633 = arith.muli %parallel_loop3A_372, %parallel_loop3A_632 : i32
        %parallel_loop3A_634 = arith.constant 6 : i32
        %parallel_loop3A_635 = arith.addi %parallel_loop3A_633, %parallel_loop3A_634 : i32
        %parallel_loop3A_636 = arith.index_cast %parallel_loop3A_635 : i32 to index
        %parallel_loop3A_637 = arith.constant 16 : index
        %parallel_loop3A_638 = tpu.vector_load %arg9[%parallel_loop3A_636, %parallel_loop3A_637] {strides = array<i32>} : memref<640x32xf32, #tpu.memory_space<vmem>>, vector<16xf32>,
        tpu.vector_store %arg9[%parallel_loop3A_636, %parallel_loop3A_637], %parallel_loop3A_575 {strides = array<i32>} : memref<640x32xf32, #tpu.memory_space<vmem>>, vector<16xf32>,
        %parallel_loop3A_639 = arith.constant 32 : i32
        %parallel_loop3A_640 = arith.muli %parallel_loop3A_372, %parallel_loop3A_639 : i32
        %parallel_loop3A_641 = arith.constant 7 : i32
        %parallel_loop3A_642 = arith.addi %parallel_loop3A_640, %parallel_loop3A_641 : i32
        %parallel_loop3A_643 = arith.index_cast %parallel_loop3A_642 : i32 to index
        %parallel_loop3A_644 = arith.constant 0 : index
        %parallel_loop3A_645 = tpu.vector_load %arg9[%parallel_loop3A_643, %parallel_loop3A_644] {strides = array<i32>} : memref<640x32xf32, #tpu.memory_space<vmem>>, vector<16xf32>,
        tpu.vector_store %arg9[%parallel_loop3A_643, %parallel_loop3A_644], %parallel_loop3A_587 {strides = array<i32>} : memref<640x32xf32, #tpu.memory_space<vmem>>, vector<16xf32>,
        %parallel_loop3A_646 = arith.constant 32 : i32
        %parallel_loop3A_647 = arith.muli %parallel_loop3A_372, %parallel_loop3A_646 : i32
        %parallel_loop3A_648 = arith.constant 7 : i32
        %parallel_loop3A_649 = arith.addi %parallel_loop3A_647, %parallel_loop3A_648 : i32
        %parallel_loop3A_650 = arith.index_cast %parallel_loop3A_649 : i32 to index
        %parallel_loop3A_651 = arith.constant 16 : index
        %parallel_loop3A_652 = tpu.vector_load %arg9[%parallel_loop3A_650, %parallel_loop3A_651] {strides = array<i32>} : memref<640x32xf32, #tpu.memory_space<vmem>>, vector<16xf32>,
        tpu.vector_store %arg9[%parallel_loop3A_650, %parallel_loop3A_651], %parallel_loop3A_596 {strides = array<i32>} : memref<640x32xf32, #tpu.memory_space<vmem>>, vector<16xf32>,
        %parallel_loop3A_653 = arith.constant 8 : i32
        %parallel_loop3A_654 = vector.broadcast %parallel_loop3A_653 : i32 to vector<16xi32>
        %parallel_loop3A_655 = arith.addi %mul3A_10, %parallel_loop3A_654 : vector<16xi32>
        %parallel_loop3A_656 = arith.constant 0 : i32
        %parallel_loop3A_657 = vector.broadcast %parallel_loop3A_656 : i32 to vector<16xi32>
        %parallel_loop3A_658 = arith.addi %shift_right_arithmetic3A_13, %parallel_loop3A_657 : vector<16xi32>
        %parallel_loop3A_659 = arith.constant 0 : i32
        %parallel_loop3A_660 = arith.constant 0 : i32
        %parallel_loop3A_661 = arith.constant 0 : i32
        %parallel_loop3A_662 = tpu.memref_slice %arg7[%parallel_loop3A_372, %parallel_loop3A_659, %parallel_loop3A_660, %parallel_loop3A_661] : memref<20x4x8x33xf32, #tpu.memory_space<vmem>> -> memref<1x4x8x33xf32, #tpu.memory_space<vmem>>
        %parallel_loop3A_663 = tpu.memref_squeeze %parallel_loop3A_662 : memref<1x4x8x33xf32, #tpu.memory_space<vmem>> -> memref<4x8x33xf32, #tpu.memory_space<vmem>>
        %parallel_loop3A_664 = tpu.vector_load_idx %parallel_loop3A_663[%parallel_loop3A_658, %and3A_16, %parallel_loop3A_655] : memref<4x8x33xf32, #tpu.memory_space<vmem>>[vector<16xi32>, vector<16xi32>, vector<16xi32>], vector<16xf32>,
        %parallel_loop3A_665 = arith.constant 2 : i32
        %parallel_loop3A_666 = vector.broadcast %parallel_loop3A_665 : i32 to vector<16xi32>
        %parallel_loop3A_667 = arith.addi %shift_right_arithmetic3A_13, %parallel_loop3A_666 : vector<16xi32>
        %parallel_loop3A_668 = arith.constant 0 : i32
        %parallel_loop3A_669 = arith.constant 0 : i32
        %parallel_loop3A_670 = arith.constant 0 : i32
        %parallel_loop3A_671 = tpu.memref_slice %arg7[%parallel_loop3A_372, %parallel_loop3A_668, %parallel_loop3A_669, %parallel_loop3A_670] : memref<20x4x8x33xf32, #tpu.memory_space<vmem>> -> memref<1x4x8x33xf32, #tpu.memory_space<vmem>>
        %parallel_loop3A_672 = tpu.memref_squeeze %parallel_loop3A_671 : memref<1x4x8x33xf32, #tpu.memory_space<vmem>> -> memref<4x8x33xf32, #tpu.memory_space<vmem>>
        %parallel_loop3A_673 = tpu.vector_load_idx %parallel_loop3A_672[%parallel_loop3A_667, %and3A_16, %parallel_loop3A_655] : memref<4x8x33xf32, #tpu.memory_space<vmem>>[vector<16xi32>, vector<16xi32>, vector<16xi32>], vector<16xf32>,
        %parallel_loop3A_674 = arith.constant 9 : i32
        %parallel_loop3A_675 = vector.broadcast %parallel_loop3A_674 : i32 to vector<16xi32>
        %parallel_loop3A_676 = arith.addi %mul3A_10, %parallel_loop3A_675 : vector<16xi32>
        %parallel_loop3A_677 = arith.constant 0 : i32
        %parallel_loop3A_678 = vector.broadcast %parallel_loop3A_677 : i32 to vector<16xi32>
        %parallel_loop3A_679 = arith.addi %shift_right_arithmetic3A_13, %parallel_loop3A_678 : vector<16xi32>
        %parallel_loop3A_680 = arith.constant 0 : i32
        %parallel_loop3A_681 = arith.constant 0 : i32
        %parallel_loop3A_682 = arith.constant 0 : i32
        %parallel_loop3A_683 = tpu.memref_slice %arg7[%parallel_loop3A_372, %parallel_loop3A_680, %parallel_loop3A_681, %parallel_loop3A_682] : memref<20x4x8x33xf32, #tpu.memory_space<vmem>> -> memref<1x4x8x33xf32, #tpu.memory_space<vmem>>
        %parallel_loop3A_684 = tpu.memref_squeeze %parallel_loop3A_683 : memref<1x4x8x33xf32, #tpu.memory_space<vmem>> -> memref<4x8x33xf32, #tpu.memory_space<vmem>>
        %parallel_loop3A_685 = tpu.vector_load_idx %parallel_loop3A_684[%parallel_loop3A_679, %and3A_16, %parallel_loop3A_676] : memref<4x8x33xf32, #tpu.memory_space<vmem>>[vector<16xi32>, vector<16xi32>, vector<16xi32>], vector<16xf32>,
        %parallel_loop3A_686 = arith.constant 2 : i32
        %parallel_loop3A_687 = vector.broadcast %parallel_loop3A_686 : i32 to vector<16xi32>
        %parallel_loop3A_688 = arith.addi %shift_right_arithmetic3A_13, %parallel_loop3A_687 : vector<16xi32>
        %parallel_loop3A_689 = arith.constant 0 : i32
        %parallel_loop3A_690 = arith.constant 0 : i32
        %parallel_loop3A_691 = arith.constant 0 : i32
        %parallel_loop3A_692 = tpu.memref_slice %arg7[%parallel_loop3A_372, %parallel_loop3A_689, %parallel_loop3A_690, %parallel_loop3A_691] : memref<20x4x8x33xf32, #tpu.memory_space<vmem>> -> memref<1x4x8x33xf32, #tpu.memory_space<vmem>>
        %parallel_loop3A_693 = tpu.memref_squeeze %parallel_loop3A_692 : memref<1x4x8x33xf32, #tpu.memory_space<vmem>> -> memref<4x8x33xf32, #tpu.memory_space<vmem>>
        %parallel_loop3A_694 = tpu.vector_load_idx %parallel_loop3A_693[%parallel_loop3A_688, %and3A_16, %parallel_loop3A_676] : memref<4x8x33xf32, #tpu.memory_space<vmem>>[vector<16xi32>, vector<16xi32>, vector<16xi32>], vector<16xf32>,
        %parallel_loop3A_695 = arith.constant 10 : i32
        %parallel_loop3A_696 = vector.broadcast %parallel_loop3A_695 : i32 to vector<16xi32>
        %parallel_loop3A_697 = arith.addi %mul3A_10, %parallel_loop3A_696 : vector<16xi32>
        %parallel_loop3A_698 = arith.constant 0 : i32
        %parallel_loop3A_699 = vector.broadcast %parallel_loop3A_698 : i32 to vector<16xi32>
        %parallel_loop3A_700 = arith.addi %shift_right_arithmetic3A_13, %parallel_loop3A_699 : vector<16xi32>
        %parallel_loop3A_701 = arith.constant 0 : i32
        %parallel_loop3A_702 = arith.constant 0 : i32
        %parallel_loop3A_703 = arith.constant 0 : i32
        %parallel_loop3A_704 = tpu.memref_slice %arg7[%parallel_loop3A_372, %parallel_loop3A_701, %parallel_loop3A_702, %parallel_loop3A_703] : memref<20x4x8x33xf32, #tpu.memory_space<vmem>> -> memref<1x4x8x33xf32, #tpu.memory_space<vmem>>
        %parallel_loop3A_705 = tpu.memref_squeeze %parallel_loop3A_704 : memref<1x4x8x33xf32, #tpu.memory_space<vmem>> -> memref<4x8x33xf32, #tpu.memory_space<vmem>>
        %parallel_loop3A_706 = tpu.vector_load_idx %parallel_loop3A_705[%parallel_loop3A_700, %and3A_16, %parallel_loop3A_697] : memref<4x8x33xf32, #tpu.memory_space<vmem>>[vector<16xi32>, vector<16xi32>, vector<16xi32>], vector<16xf32>,
        %parallel_loop3A_707 = arith.constant 2 : i32
        %parallel_loop3A_708 = vector.broadcast %parallel_loop3A_707 : i32 to vector<16xi32>
        %parallel_loop3A_709 = arith.addi %shift_right_arithmetic3A_13, %parallel_loop3A_708 : vector<16xi32>
        %parallel_loop3A_710 = arith.constant 0 : i32
        %parallel_loop3A_711 = arith.constant 0 : i32
        %parallel_loop3A_712 = arith.constant 0 : i32
        %parallel_loop3A_713 = tpu.memref_slice %arg7[%parallel_loop3A_372, %parallel_loop3A_710, %parallel_loop3A_711, %parallel_loop3A_712] : memref<20x4x8x33xf32, #tpu.memory_space<vmem>> -> memref<1x4x8x33xf32, #tpu.memory_space<vmem>>
        %parallel_loop3A_714 = tpu.memref_squeeze %parallel_loop3A_713 : memref<1x4x8x33xf32, #tpu.memory_space<vmem>> -> memref<4x8x33xf32, #tpu.memory_space<vmem>>
        %parallel_loop3A_715 = tpu.vector_load_idx %parallel_loop3A_714[%parallel_loop3A_709, %and3A_16, %parallel_loop3A_697] : memref<4x8x33xf32, #tpu.memory_space<vmem>>[vector<16xi32>, vector<16xi32>, vector<16xi32>], vector<16xf32>,
        %parallel_loop3A_716 = arith.constant 11 : i32
        %parallel_loop3A_717 = vector.broadcast %parallel_loop3A_716 : i32 to vector<16xi32>
        %parallel_loop3A_718 = arith.addi %mul3A_10, %parallel_loop3A_717 : vector<16xi32>
        %parallel_loop3A_719 = arith.constant 0 : i32
        %parallel_loop3A_720 = vector.broadcast %parallel_loop3A_719 : i32 to vector<16xi32>
        %parallel_loop3A_721 = arith.addi %shift_right_arithmetic3A_13, %parallel_loop3A_720 : vector<16xi32>
        %parallel_loop3A_722 = arith.constant 0 : i32
        %parallel_loop3A_723 = arith.constant 0 : i32
        %parallel_loop3A_724 = arith.constant 0 : i32
        %parallel_loop3A_725 = tpu.memref_slice %arg7[%parallel_loop3A_372, %parallel_loop3A_722, %parallel_loop3A_723, %parallel_loop3A_724] : memref<20x4x8x33xf32, #tpu.memory_space<vmem>> -> memref<1x4x8x33xf32, #tpu.memory_space<vmem>>
        %parallel_loop3A_726 = tpu.memref_squeeze %parallel_loop3A_725 : memref<1x4x8x33xf32, #tpu.memory_space<vmem>> -> memref<4x8x33xf32, #tpu.memory_space<vmem>>
        %parallel_loop3A_727 = tpu.vector_load_idx %parallel_loop3A_726[%parallel_loop3A_721, %and3A_16, %parallel_loop3A_718] : memref<4x8x33xf32, #tpu.memory_space<vmem>>[vector<16xi32>, vector<16xi32>, vector<16xi32>], vector<16xf32>,
        %parallel_loop3A_728 = arith.constant 2 : i32
        %parallel_loop3A_729 = vector.broadcast %parallel_loop3A_728 : i32 to vector<16xi32>
        %parallel_loop3A_730 = arith.addi %shift_right_arithmetic3A_13, %parallel_loop3A_729 : vector<16xi32>
        %parallel_loop3A_731 = arith.constant 0 : i32
        %parallel_loop3A_732 = arith.constant 0 : i32
        %parallel_loop3A_733 = arith.constant 0 : i32
        %parallel_loop3A_734 = tpu.memref_slice %arg7[%parallel_loop3A_372, %parallel_loop3A_731, %parallel_loop3A_732, %parallel_loop3A_733] : memref<20x4x8x33xf32, #tpu.memory_space<vmem>> -> memref<1x4x8x33xf32, #tpu.memory_space<vmem>>
        %parallel_loop3A_735 = tpu.memref_squeeze %parallel_loop3A_734 : memref<1x4x8x33xf32, #tpu.memory_space<vmem>> -> memref<4x8x33xf32, #tpu.memory_space<vmem>>
        %parallel_loop3A_736 = tpu.vector_load_idx %parallel_loop3A_735[%parallel_loop3A_730, %and3A_16, %parallel_loop3A_718] : memref<4x8x33xf32, #tpu.memory_space<vmem>>[vector<16xi32>, vector<16xi32>, vector<16xi32>], vector<16xf32>,
        %parallel_loop3A_737 = arith.constant 32 : i32
        %parallel_loop3A_738 = arith.muli %parallel_loop3A_372, %parallel_loop3A_737 : i32
        %parallel_loop3A_739 = arith.constant 8 : i32
        %parallel_loop3A_740 = arith.addi %parallel_loop3A_738, %parallel_loop3A_739 : i32
        %parallel_loop3A_741 = arith.index_cast %parallel_loop3A_740 : i32 to index
        %parallel_loop3A_742 = arith.constant 0 : index
        %parallel_loop3A_743 = tpu.vector_load %arg9[%parallel_loop3A_741, %parallel_loop3A_742] {strides = array<i32>} : memref<640x32xf32, #tpu.memory_space<vmem>>, vector<16xf32>,
        tpu.vector_store %arg9[%parallel_loop3A_741, %parallel_loop3A_742], %parallel_loop3A_664 {strides = array<i32>} : memref<640x32xf32, #tpu.memory_space<vmem>>, vector<16xf32>,
        %parallel_loop3A_744 = arith.constant 32 : i32
        %parallel_loop3A_745 = arith.muli %parallel_loop3A_372, %parallel_loop3A_744 : i32
        %parallel_loop3A_746 = arith.constant 8 : i32
        %parallel_loop3A_747 = arith.addi %parallel_loop3A_745, %parallel_loop3A_746 : i32
        %parallel_loop3A_748 = arith.index_cast %parallel_loop3A_747 : i32 to index
        %parallel_loop3A_749 = arith.constant 16 : index
        %parallel_loop3A_750 = tpu.vector_load %arg9[%parallel_loop3A_748, %parallel_loop3A_749] {strides = array<i32>} : memref<640x32xf32, #tpu.memory_space<vmem>>, vector<16xf32>,
        tpu.vector_store %arg9[%parallel_loop3A_748, %parallel_loop3A_749], %parallel_loop3A_673 {strides = array<i32>} : memref<640x32xf32, #tpu.memory_space<vmem>>, vector<16xf32>,
        %parallel_loop3A_751 = arith.constant 32 : i32
        %parallel_loop3A_752 = arith.muli %parallel_loop3A_372, %parallel_loop3A_751 : i32
        %parallel_loop3A_753 = arith.constant 9 : i32
        %parallel_loop3A_754 = arith.addi %parallel_loop3A_752, %parallel_loop3A_753 : i32
        %parallel_loop3A_755 = arith.index_cast %parallel_loop3A_754 : i32 to index
        %parallel_loop3A_756 = arith.constant 0 : index
        %parallel_loop3A_757 = tpu.vector_load %arg9[%parallel_loop3A_755, %parallel_loop3A_756] {strides = array<i32>} : memref<640x32xf32, #tpu.memory_space<vmem>>, vector<16xf32>,
        tpu.vector_store %arg9[%parallel_loop3A_755, %parallel_loop3A_756], %parallel_loop3A_685 {strides = array<i32>} : memref<640x32xf32, #tpu.memory_space<vmem>>, vector<16xf32>,
        %parallel_loop3A_758 = arith.constant 32 : i32
        %parallel_loop3A_759 = arith.muli %parallel_loop3A_372, %parallel_loop3A_758 : i32
        %parallel_loop3A_760 = arith.constant 9 : i32
        %parallel_loop3A_761 = arith.addi %parallel_loop3A_759, %parallel_loop3A_760 : i32
        %parallel_loop3A_762 = arith.index_cast %parallel_loop3A_761 : i32 to index
        %parallel_loop3A_763 = arith.constant 16 : index
        %parallel_loop3A_764 = tpu.vector_load %arg9[%parallel_loop3A_762, %parallel_loop3A_763] {strides = array<i32>} : memref<640x32xf32, #tpu.memory_space<vmem>>, vector<16xf32>,
        tpu.vector_store %arg9[%parallel_loop3A_762, %parallel_loop3A_763], %parallel_loop3A_694 {strides = array<i32>} : memref<640x32xf32, #tpu.memory_space<vmem>>, vector<16xf32>,
        %parallel_loop3A_765 = arith.constant 32 : i32
        %parallel_loop3A_766 = arith.muli %parallel_loop3A_372, %parallel_loop3A_765 : i32
        %parallel_loop3A_767 = arith.constant 10 : i32
        %parallel_loop3A_768 = arith.addi %parallel_loop3A_766, %parallel_loop3A_767 : i32
        %parallel_loop3A_769 = arith.index_cast %parallel_loop3A_768 : i32 to index
        %parallel_loop3A_770 = arith.constant 0 : index
        %parallel_loop3A_771 = tpu.vector_load %arg9[%parallel_loop3A_769, %parallel_loop3A_770] {strides = array<i32>} : memref<640x32xf32, #tpu.memory_space<vmem>>, vector<16xf32>,
        tpu.vector_store %arg9[%parallel_loop3A_769, %parallel_loop3A_770], %parallel_loop3A_706 {strides = array<i32>} : memref<640x32xf32, #tpu.memory_space<vmem>>, vector<16xf32>,
        %parallel_loop3A_772 = arith.constant 32 : i32
        %parallel_loop3A_773 = arith.muli %parallel_loop3A_372, %parallel_loop3A_772 : i32
        %parallel_loop3A_774 = arith.constant 10 : i32
        %parallel_loop3A_775 = arith.addi %parallel_loop3A_773, %parallel_loop3A_774 : i32
        %parallel_loop3A_776 = arith.index_cast %parallel_loop3A_775 : i32 to index
        %parallel_loop3A_777 = arith.constant 16 : index
        %parallel_loop3A_778 = tpu.vector_load %arg9[%parallel_loop3A_776, %parallel_loop3A_777] {strides = array<i32>} : memref<640x32xf32, #tpu.memory_space<vmem>>, vector<16xf32>,
        tpu.vector_store %arg9[%parallel_loop3A_776, %parallel_loop3A_777], %parallel_loop3A_715 {strides = array<i32>} : memref<640x32xf32, #tpu.memory_space<vmem>>, vector<16xf32>,
        %parallel_loop3A_779 = arith.constant 32 : i32
        %parallel_loop3A_780 = arith.muli %parallel_loop3A_372, %parallel_loop3A_779 : i32
        %parallel_loop3A_781 = arith.constant 11 : i32
        %parallel_loop3A_782 = arith.addi %parallel_loop3A_780, %parallel_loop3A_781 : i32
        %parallel_loop3A_783 = arith.index_cast %parallel_loop3A_782 : i32 to index
        %parallel_loop3A_784 = arith.constant 0 : index
        %parallel_loop3A_785 = tpu.vector_load %arg9[%parallel_loop3A_783, %parallel_loop3A_784] {strides = array<i32>} : memref<640x32xf32, #tpu.memory_space<vmem>>, vector<16xf32>,
        tpu.vector_store %arg9[%parallel_loop3A_783, %parallel_loop3A_784], %parallel_loop3A_727 {strides = array<i32>} : memref<640x32xf32, #tpu.memory_space<vmem>>, vector<16xf32>,
        %parallel_loop3A_786 = arith.constant 32 : i32
        %parallel_loop3A_787 = arith.muli %parallel_loop3A_372, %parallel_loop3A_786 : i32
        %parallel_loop3A_788 = arith.constant 11 : i32
        %parallel_loop3A_789 = arith.addi %parallel_loop3A_787, %parallel_loop3A_788 : i32
        %parallel_loop3A_790 = arith.index_cast %parallel_loop3A_789 : i32 to index
        %parallel_loop3A_791 = arith.constant 16 : index
        %parallel_loop3A_792 = tpu.vector_load %arg9[%parallel_loop3A_790, %parallel_loop3A_791] {strides = array<i32>} : memref<640x32xf32, #tpu.memory_space<vmem>>, vector<16xf32>,
        tpu.vector_store %arg9[%parallel_loop3A_790, %parallel_loop3A_791], %parallel_loop3A_736 {strides = array<i32>} : memref<640x32xf32, #tpu.memory_space<vmem>>, vector<16xf32>,
        %parallel_loop3A_793 = arith.constant 12 : i32
        %parallel_loop3A_794 = vector.broadcast %parallel_loop3A_793 : i32 to vector<16xi32>
        %parallel_loop3A_795 = arith.addi %mul3A_10, %parallel_loop3A_794 : vector<16xi32>
        %parallel_loop3A_796 = arith.constant 0 : i32
        %parallel_loop3A_797 = vector.broadcast %parallel_loop3A_796 : i32 to vector<16xi32>
        %parallel_loop3A_798 = arith.addi %shift_right_arithmetic3A_13, %parallel_loop3A_797 : vector<16xi32>
        %parallel_loop3A_799 = arith.constant 0 : i32
        %parallel_loop3A_800 = arith.constant 0 : i32
        %parallel_loop3A_801 = arith.constant 0 : i32
        %parallel_loop3A_802 = tpu.memref_slice %arg7[%parallel_loop3A_372, %parallel_loop3A_799, %parallel_loop3A_800, %parallel_loop3A_801] : memref<20x4x8x33xf32, #tpu.memory_space<vmem>> -> memref<1x4x8x33xf32, #tpu.memory_space<vmem>>
        %parallel_loop3A_803 = tpu.memref_squeeze %parallel_loop3A_802 : memref<1x4x8x33xf32, #tpu.memory_space<vmem>> -> memref<4x8x33xf32, #tpu.memory_space<vmem>>
        %parallel_loop3A_804 = tpu.vector_load_idx %parallel_loop3A_803[%parallel_loop3A_798, %and3A_16, %parallel_loop3A_795] : memref<4x8x33xf32, #tpu.memory_space<vmem>>[vector<16xi32>, vector<16xi32>, vector<16xi32>], vector<16xf32>,
        %parallel_loop3A_805 = arith.constant 2 : i32
        %parallel_loop3A_806 = vector.broadcast %parallel_loop3A_805 : i32 to vector<16xi32>
        %parallel_loop3A_807 = arith.addi %shift_right_arithmetic3A_13, %parallel_loop3A_806 : vector<16xi32>
        %parallel_loop3A_808 = arith.constant 0 : i32
        %parallel_loop3A_809 = arith.constant 0 : i32
        %parallel_loop3A_810 = arith.constant 0 : i32
        %parallel_loop3A_811 = tpu.memref_slice %arg7[%parallel_loop3A_372, %parallel_loop3A_808, %parallel_loop3A_809, %parallel_loop3A_810] : memref<20x4x8x33xf32, #tpu.memory_space<vmem>> -> memref<1x4x8x33xf32, #tpu.memory_space<vmem>>
        %parallel_loop3A_812 = tpu.memref_squeeze %parallel_loop3A_811 : memref<1x4x8x33xf32, #tpu.memory_space<vmem>> -> memref<4x8x33xf32, #tpu.memory_space<vmem>>
        %parallel_loop3A_813 = tpu.vector_load_idx %parallel_loop3A_812[%parallel_loop3A_807, %and3A_16, %parallel_loop3A_795] : memref<4x8x33xf32, #tpu.memory_space<vmem>>[vector<16xi32>, vector<16xi32>, vector<16xi32>], vector<16xf32>,
        %parallel_loop3A_814 = arith.constant 13 : i32
        %parallel_loop3A_815 = vector.broadcast %parallel_loop3A_814 : i32 to vector<16xi32>
        %parallel_loop3A_816 = arith.addi %mul3A_10, %parallel_loop3A_815 : vector<16xi32>
        %parallel_loop3A_817 = arith.constant 0 : i32
        %parallel_loop3A_818 = vector.broadcast %parallel_loop3A_817 : i32 to vector<16xi32>
        %parallel_loop3A_819 = arith.addi %shift_right_arithmetic3A_13, %parallel_loop3A_818 : vector<16xi32>
        %parallel_loop3A_820 = arith.constant 0 : i32
        %parallel_loop3A_821 = arith.constant 0 : i32
        %parallel_loop3A_822 = arith.constant 0 : i32
        %parallel_loop3A_823 = tpu.memref_slice %arg7[%parallel_loop3A_372, %parallel_loop3A_820, %parallel_loop3A_821, %parallel_loop3A_822] : memref<20x4x8x33xf32, #tpu.memory_space<vmem>> -> memref<1x4x8x33xf32, #tpu.memory_space<vmem>>
        %parallel_loop3A_824 = tpu.memref_squeeze %parallel_loop3A_823 : memref<1x4x8x33xf32, #tpu.memory_space<vmem>> -> memref<4x8x33xf32, #tpu.memory_space<vmem>>
        %parallel_loop3A_825 = tpu.vector_load_idx %parallel_loop3A_824[%parallel_loop3A_819, %and3A_16, %parallel_loop3A_816] : memref<4x8x33xf32, #tpu.memory_space<vmem>>[vector<16xi32>, vector<16xi32>, vector<16xi32>], vector<16xf32>,
        %parallel_loop3A_826 = arith.constant 2 : i32
        %parallel_loop3A_827 = vector.broadcast %parallel_loop3A_826 : i32 to vector<16xi32>
        %parallel_loop3A_828 = arith.addi %shift_right_arithmetic3A_13, %parallel_loop3A_827 : vector<16xi32>
        %parallel_loop3A_829 = arith.constant 0 : i32
        %parallel_loop3A_830 = arith.constant 0 : i32
        %parallel_loop3A_831 = arith.constant 0 : i32
        %parallel_loop3A_832 = tpu.memref_slice %arg7[%parallel_loop3A_372, %parallel_loop3A_829, %parallel_loop3A_830, %parallel_loop3A_831] : memref<20x4x8x33xf32, #tpu.memory_space<vmem>> -> memref<1x4x8x33xf32, #tpu.memory_space<vmem>>
        %parallel_loop3A_833 = tpu.memref_squeeze %parallel_loop3A_832 : memref<1x4x8x33xf32, #tpu.memory_space<vmem>> -> memref<4x8x33xf32, #tpu.memory_space<vmem>>
        %parallel_loop3A_834 = tpu.vector_load_idx %parallel_loop3A_833[%parallel_loop3A_828, %and3A_16, %parallel_loop3A_816] : memref<4x8x33xf32, #tpu.memory_space<vmem>>[vector<16xi32>, vector<16xi32>, vector<16xi32>], vector<16xf32>,
        %parallel_loop3A_835 = arith.constant 14 : i32
        %parallel_loop3A_836 = vector.broadcast %parallel_loop3A_835 : i32 to vector<16xi32>
        %parallel_loop3A_837 = arith.addi %mul3A_10, %parallel_loop3A_836 : vector<16xi32>
        %parallel_loop3A_838 = arith.constant 0 : i32
        %parallel_loop3A_839 = vector.broadcast %parallel_loop3A_838 : i32 to vector<16xi32>
        %parallel_loop3A_840 = arith.addi %shift_right_arithmetic3A_13, %parallel_loop3A_839 : vector<16xi32>
        %parallel_loop3A_841 = arith.constant 0 : i32
        %parallel_loop3A_842 = arith.constant 0 : i32
        %parallel_loop3A_843 = arith.constant 0 : i32
        %parallel_loop3A_844 = tpu.memref_slice %arg7[%parallel_loop3A_372, %parallel_loop3A_841, %parallel_loop3A_842, %parallel_loop3A_843] : memref<20x4x8x33xf32, #tpu.memory_space<vmem>> -> memref<1x4x8x33xf32, #tpu.memory_space<vmem>>
        %parallel_loop3A_845 = tpu.memref_squeeze %parallel_loop3A_844 : memref<1x4x8x33xf32, #tpu.memory_space<vmem>> -> memref<4x8x33xf32, #tpu.memory_space<vmem>>
        %parallel_loop3A_846 = tpu.vector_load_idx %parallel_loop3A_845[%parallel_loop3A_840, %and3A_16, %parallel_loop3A_837] : memref<4x8x33xf32, #tpu.memory_space<vmem>>[vector<16xi32>, vector<16xi32>, vector<16xi32>], vector<16xf32>,
        %parallel_loop3A_847 = arith.constant 2 : i32
        %parallel_loop3A_848 = vector.broadcast %parallel_loop3A_847 : i32 to vector<16xi32>
        %parallel_loop3A_849 = arith.addi %shift_right_arithmetic3A_13, %parallel_loop3A_848 : vector<16xi32>
        %parallel_loop3A_850 = arith.constant 0 : i32
        %parallel_loop3A_851 = arith.constant 0 : i32
        %parallel_loop3A_852 = arith.constant 0 : i32
        %parallel_loop3A_853 = tpu.memref_slice %arg7[%parallel_loop3A_372, %parallel_loop3A_850, %parallel_loop3A_851, %parallel_loop3A_852] : memref<20x4x8x33xf32, #tpu.memory_space<vmem>> -> memref<1x4x8x33xf32, #tpu.memory_space<vmem>>
        %parallel_loop3A_854 = tpu.memref_squeeze %parallel_loop3A_853 : memref<1x4x8x33xf32, #tpu.memory_space<vmem>> -> memref<4x8x33xf32, #tpu.memory_space<vmem>>
        %parallel_loop3A_855 = tpu.vector_load_idx %parallel_loop3A_854[%parallel_loop3A_849, %and3A_16, %parallel_loop3A_837] : memref<4x8x33xf32, #tpu.memory_space<vmem>>[vector<16xi32>, vector<16xi32>, vector<16xi32>], vector<16xf32>,
        %parallel_loop3A_856 = arith.constant 15 : i32
        %parallel_loop3A_857 = vector.broadcast %parallel_loop3A_856 : i32 to vector<16xi32>
        %parallel_loop3A_858 = arith.addi %mul3A_10, %parallel_loop3A_857 : vector<16xi32>
        %parallel_loop3A_859 = arith.constant 0 : i32
        %parallel_loop3A_860 = vector.broadcast %parallel_loop3A_859 : i32 to vector<16xi32>
        %parallel_loop3A_861 = arith.addi %shift_right_arithmetic3A_13, %parallel_loop3A_860 : vector<16xi32>
        %parallel_loop3A_862 = arith.constant 0 : i32
        %parallel_loop3A_863 = arith.constant 0 : i32
        %parallel_loop3A_864 = arith.constant 0 : i32
        %parallel_loop3A_865 = tpu.memref_slice %arg7[%parallel_loop3A_372, %parallel_loop3A_862, %parallel_loop3A_863, %parallel_loop3A_864] : memref<20x4x8x33xf32, #tpu.memory_space<vmem>> -> memref<1x4x8x33xf32, #tpu.memory_space<vmem>>
        %parallel_loop3A_866 = tpu.memref_squeeze %parallel_loop3A_865 : memref<1x4x8x33xf32, #tpu.memory_space<vmem>> -> memref<4x8x33xf32, #tpu.memory_space<vmem>>
        %parallel_loop3A_867 = tpu.vector_load_idx %parallel_loop3A_866[%parallel_loop3A_861, %and3A_16, %parallel_loop3A_858] : memref<4x8x33xf32, #tpu.memory_space<vmem>>[vector<16xi32>, vector<16xi32>, vector<16xi32>], vector<16xf32>,
        %parallel_loop3A_868 = arith.constant 2 : i32
        %parallel_loop3A_869 = vector.broadcast %parallel_loop3A_868 : i32 to vector<16xi32>
        %parallel_loop3A_870 = arith.addi %shift_right_arithmetic3A_13, %parallel_loop3A_869 : vector<16xi32>
        %parallel_loop3A_871 = arith.constant 0 : i32
        %parallel_loop3A_872 = arith.constant 0 : i32
        %parallel_loop3A_873 = arith.constant 0 : i32
        %parallel_loop3A_874 = tpu.memref_slice %arg7[%parallel_loop3A_372, %parallel_loop3A_871, %parallel_loop3A_872, %parallel_loop3A_873] : memref<20x4x8x33xf32, #tpu.memory_space<vmem>> -> memref<1x4x8x33xf32, #tpu.memory_space<vmem>>
        %parallel_loop3A_875 = tpu.memref_squeeze %parallel_loop3A_874 : memref<1x4x8x33xf32, #tpu.memory_space<vmem>> -> memref<4x8x33xf32, #tpu.memory_space<vmem>>
        %parallel_loop3A_876 = tpu.vector_load_idx %parallel_loop3A_875[%parallel_loop3A_870, %and3A_16, %parallel_loop3A_858] : memref<4x8x33xf32, #tpu.memory_space<vmem>>[vector<16xi32>, vector<16xi32>, vector<16xi32>], vector<16xf32>,
        %parallel_loop3A_877 = arith.constant 32 : i32
        %parallel_loop3A_878 = arith.muli %parallel_loop3A_372, %parallel_loop3A_877 : i32
        %parallel_loop3A_879 = arith.constant 12 : i32
        %parallel_loop3A_880 = arith.addi %parallel_loop3A_878, %parallel_loop3A_879 : i32
        %parallel_loop3A_881 = arith.index_cast %parallel_loop3A_880 : i32 to index
        %parallel_loop3A_882 = arith.constant 0 : index
        %parallel_loop3A_883 = tpu.vector_load %arg9[%parallel_loop3A_881, %parallel_loop3A_882] {strides = array<i32>} : memref<640x32xf32, #tpu.memory_space<vmem>>, vector<16xf32>,
        tpu.vector_store %arg9[%parallel_loop3A_881, %parallel_loop3A_882], %parallel_loop3A_804 {strides = array<i32>} : memref<640x32xf32, #tpu.memory_space<vmem>>, vector<16xf32>,
        %parallel_loop3A_884 = arith.constant 32 : i32
        %parallel_loop3A_885 = arith.muli %parallel_loop3A_372, %parallel_loop3A_884 : i32
        %parallel_loop3A_886 = arith.constant 12 : i32
        %parallel_loop3A_887 = arith.addi %parallel_loop3A_885, %parallel_loop3A_886 : i32
        %parallel_loop3A_888 = arith.index_cast %parallel_loop3A_887 : i32 to index
        %parallel_loop3A_889 = arith.constant 16 : index
        %parallel_loop3A_890 = tpu.vector_load %arg9[%parallel_loop3A_888, %parallel_loop3A_889] {strides = array<i32>} : memref<640x32xf32, #tpu.memory_space<vmem>>, vector<16xf32>,
        tpu.vector_store %arg9[%parallel_loop3A_888, %parallel_loop3A_889], %parallel_loop3A_813 {strides = array<i32>} : memref<640x32xf32, #tpu.memory_space<vmem>>, vector<16xf32>,
        %parallel_loop3A_891 = arith.constant 32 : i32
        %parallel_loop3A_892 = arith.muli %parallel_loop3A_372, %parallel_loop3A_891 : i32
        %parallel_loop3A_893 = arith.constant 13 : i32
        %parallel_loop3A_894 = arith.addi %parallel_loop3A_892, %parallel_loop3A_893 : i32
        %parallel_loop3A_895 = arith.index_cast %parallel_loop3A_894 : i32 to index
        %parallel_loop3A_896 = arith.constant 0 : index
        %parallel_loop3A_897 = tpu.vector_load %arg9[%parallel_loop3A_895, %parallel_loop3A_896] {strides = array<i32>} : memref<640x32xf32, #tpu.memory_space<vmem>>, vector<16xf32>,
        tpu.vector_store %arg9[%parallel_loop3A_895, %parallel_loop3A_896], %parallel_loop3A_825 {strides = array<i32>} : memref<640x32xf32, #tpu.memory_space<vmem>>, vector<16xf32>,
        %parallel_loop3A_898 = arith.constant 32 : i32
        %parallel_loop3A_899 = arith.muli %parallel_loop3A_372, %parallel_loop3A_898 : i32
        %parallel_loop3A_900 = arith.constant 13 : i32
        %parallel_loop3A_901 = arith.addi %parallel_loop3A_899, %parallel_loop3A_900 : i32
        %parallel_loop3A_902 = arith.index_cast %parallel_loop3A_901 : i32 to index
        %parallel_loop3A_903 = arith.constant 16 : index
        %parallel_loop3A_904 = tpu.vector_load %arg9[%parallel_loop3A_902, %parallel_loop3A_903] {strides = array<i32>} : memref<640x32xf32, #tpu.memory_space<vmem>>, vector<16xf32>,
        tpu.vector_store %arg9[%parallel_loop3A_902, %parallel_loop3A_903], %parallel_loop3A_834 {strides = array<i32>} : memref<640x32xf32, #tpu.memory_space<vmem>>, vector<16xf32>,
        %parallel_loop3A_905 = arith.constant 32 : i32
        %parallel_loop3A_906 = arith.muli %parallel_loop3A_372, %parallel_loop3A_905 : i32
        %parallel_loop3A_907 = arith.constant 14 : i32
        %parallel_loop3A_908 = arith.addi %parallel_loop3A_906, %parallel_loop3A_907 : i32
        %parallel_loop3A_909 = arith.index_cast %parallel_loop3A_908 : i32 to index
        %parallel_loop3A_910 = arith.constant 0 : index
        %parallel_loop3A_911 = tpu.vector_load %arg9[%parallel_loop3A_909, %parallel_loop3A_910] {strides = array<i32>} : memref<640x32xf32, #tpu.memory_space<vmem>>, vector<16xf32>,
        tpu.vector_store %arg9[%parallel_loop3A_909, %parallel_loop3A_910], %parallel_loop3A_846 {strides = array<i32>} : memref<640x32xf32, #tpu.memory_space<vmem>>, vector<16xf32>,
        %parallel_loop3A_912 = arith.constant 32 : i32
        %parallel_loop3A_913 = arith.muli %parallel_loop3A_372, %parallel_loop3A_912 : i32
        %parallel_loop3A_914 = arith.constant 14 : i32
        %parallel_loop3A_915 = arith.addi %parallel_loop3A_913, %parallel_loop3A_914 : i32
        %parallel_loop3A_916 = arith.index_cast %parallel_loop3A_915 : i32 to index
        %parallel_loop3A_917 = arith.constant 16 : index
        %parallel_loop3A_918 = tpu.vector_load %arg9[%parallel_loop3A_916, %parallel_loop3A_917] {strides = array<i32>} : memref<640x32xf32, #tpu.memory_space<vmem>>, vector<16xf32>,
        tpu.vector_store %arg9[%parallel_loop3A_916, %parallel_loop3A_917], %parallel_loop3A_855 {strides = array<i32>} : memref<640x32xf32, #tpu.memory_space<vmem>>, vector<16xf32>,
        %parallel_loop3A_919 = arith.constant 32 : i32
        %parallel_loop3A_920 = arith.muli %parallel_loop3A_372, %parallel_loop3A_919 : i32
        %parallel_loop3A_921 = arith.constant 15 : i32
        %parallel_loop3A_922 = arith.addi %parallel_loop3A_920, %parallel_loop3A_921 : i32
        %parallel_loop3A_923 = arith.index_cast %parallel_loop3A_922 : i32 to index
        %parallel_loop3A_924 = arith.constant 0 : index
        %parallel_loop3A_925 = tpu.vector_load %arg9[%parallel_loop3A_923, %parallel_loop3A_924] {strides = array<i32>} : memref<640x32xf32, #tpu.memory_space<vmem>>, vector<16xf32>,
        tpu.vector_store %arg9[%parallel_loop3A_923, %parallel_loop3A_924], %parallel_loop3A_867 {strides = array<i32>} : memref<640x32xf32, #tpu.memory_space<vmem>>, vector<16xf32>,
        %parallel_loop3A_926 = arith.constant 32 : i32
        %parallel_loop3A_927 = arith.muli %parallel_loop3A_372, %parallel_loop3A_926 : i32
        %parallel_loop3A_928 = arith.constant 15 : i32
        %parallel_loop3A_929 = arith.addi %parallel_loop3A_927, %parallel_loop3A_928 : i32
        %parallel_loop3A_930 = arith.index_cast %parallel_loop3A_929 : i32 to index
        %parallel_loop3A_931 = arith.constant 16 : index
        %parallel_loop3A_932 = tpu.vector_load %arg9[%parallel_loop3A_930, %parallel_loop3A_931] {strides = array<i32>} : memref<640x32xf32, #tpu.memory_space<vmem>>, vector<16xf32>,
        tpu.vector_store %arg9[%parallel_loop3A_930, %parallel_loop3A_931], %parallel_loop3A_876 {strides = array<i32>} : memref<640x32xf32, #tpu.memory_space<vmem>>, vector<16xf32>,
        %parallel_loop3A_933 = arith.constant 16 : i32
        %parallel_loop3A_934 = vector.broadcast %parallel_loop3A_933 : i32 to vector<16xi32>
        %parallel_loop3A_935 = arith.addi %mul3A_10, %parallel_loop3A_934 : vector<16xi32>
        %parallel_loop3A_936 = arith.constant 0 : i32
        %parallel_loop3A_937 = vector.broadcast %parallel_loop3A_936 : i32 to vector<16xi32>
        %parallel_loop3A_938 = arith.addi %shift_right_arithmetic3A_13, %parallel_loop3A_937 : vector<16xi32>
        %parallel_loop3A_939 = arith.constant 0 : i32
        %parallel_loop3A_940 = arith.constant 0 : i32
        %parallel_loop3A_941 = arith.constant 0 : i32
        %parallel_loop3A_942 = tpu.memref_slice %arg7[%parallel_loop3A_372, %parallel_loop3A_939, %parallel_loop3A_940, %parallel_loop3A_941] : memref<20x4x8x33xf32, #tpu.memory_space<vmem>> -> memref<1x4x8x33xf32, #tpu.memory_space<vmem>>
        %parallel_loop3A_943 = tpu.memref_squeeze %parallel_loop3A_942 : memref<1x4x8x33xf32, #tpu.memory_space<vmem>> -> memref<4x8x33xf32, #tpu.memory_space<vmem>>
        %parallel_loop3A_944 = tpu.vector_load_idx %parallel_loop3A_943[%parallel_loop3A_938, %and3A_16, %parallel_loop3A_935] : memref<4x8x33xf32, #tpu.memory_space<vmem>>[vector<16xi32>, vector<16xi32>, vector<16xi32>], vector<16xf32>,
        %parallel_loop3A_945 = arith.constant 2 : i32
        %parallel_loop3A_946 = vector.broadcast %parallel_loop3A_945 : i32 to vector<16xi32>
        %parallel_loop3A_947 = arith.addi %shift_right_arithmetic3A_13, %parallel_loop3A_946 : vector<16xi32>
        %parallel_loop3A_948 = arith.constant 0 : i32
        %parallel_loop3A_949 = arith.constant 0 : i32
        %parallel_loop3A_950 = arith.constant 0 : i32
        %parallel_loop3A_951 = tpu.memref_slice %arg7[%parallel_loop3A_372, %parallel_loop3A_948, %parallel_loop3A_949, %parallel_loop3A_950] : memref<20x4x8x33xf32, #tpu.memory_space<vmem>> -> memref<1x4x8x33xf32, #tpu.memory_space<vmem>>
        %parallel_loop3A_952 = tpu.memref_squeeze %parallel_loop3A_951 : memref<1x4x8x33xf32, #tpu.memory_space<vmem>> -> memref<4x8x33xf32, #tpu.memory_space<vmem>>
        %parallel_loop3A_953 = tpu.vector_load_idx %parallel_loop3A_952[%parallel_loop3A_947, %and3A_16, %parallel_loop3A_935] : memref<4x8x33xf32, #tpu.memory_space<vmem>>[vector<16xi32>, vector<16xi32>, vector<16xi32>], vector<16xf32>,
        %parallel_loop3A_954 = arith.constant 17 : i32
        %parallel_loop3A_955 = vector.broadcast %parallel_loop3A_954 : i32 to vector<16xi32>
        %parallel_loop3A_956 = arith.addi %mul3A_10, %parallel_loop3A_955 : vector<16xi32>
        %parallel_loop3A_957 = arith.constant 0 : i32
        %parallel_loop3A_958 = vector.broadcast %parallel_loop3A_957 : i32 to vector<16xi32>
        %parallel_loop3A_959 = arith.addi %shift_right_arithmetic3A_13, %parallel_loop3A_958 : vector<16xi32>
        %parallel_loop3A_960 = arith.constant 0 : i32
        %parallel_loop3A_961 = arith.constant 0 : i32
        %parallel_loop3A_962 = arith.constant 0 : i32
        %parallel_loop3A_963 = tpu.memref_slice %arg7[%parallel_loop3A_372, %parallel_loop3A_960, %parallel_loop3A_961, %parallel_loop3A_962] : memref<20x4x8x33xf32, #tpu.memory_space<vmem>> -> memref<1x4x8x33xf32, #tpu.memory_space<vmem>>
        %parallel_loop3A_964 = tpu.memref_squeeze %parallel_loop3A_963 : memref<1x4x8x33xf32, #tpu.memory_space<vmem>> -> memref<4x8x33xf32, #tpu.memory_space<vmem>>
        %parallel_loop3A_965 = tpu.vector_load_idx %parallel_loop3A_964[%parallel_loop3A_959, %and3A_16, %parallel_loop3A_956] : memref<4x8x33xf32, #tpu.memory_space<vmem>>[vector<16xi32>, vector<16xi32>, vector<16xi32>], vector<16xf32>,
        %parallel_loop3A_966 = arith.constant 2 : i32
        %parallel_loop3A_967 = vector.broadcast %parallel_loop3A_966 : i32 to vector<16xi32>
        %parallel_loop3A_968 = arith.addi %shift_right_arithmetic3A_13, %parallel_loop3A_967 : vector<16xi32>
        %parallel_loop3A_969 = arith.constant 0 : i32
        %parallel_loop3A_970 = arith.constant 0 : i32
        %parallel_loop3A_971 = arith.constant 0 : i32
        %parallel_loop3A_972 = tpu.memref_slice %arg7[%parallel_loop3A_372, %parallel_loop3A_969, %parallel_loop3A_970, %parallel_loop3A_971] : memref<20x4x8x33xf32, #tpu.memory_space<vmem>> -> memref<1x4x8x33xf32, #tpu.memory_space<vmem>>
        %parallel_loop3A_973 = tpu.memref_squeeze %parallel_loop3A_972 : memref<1x4x8x33xf32, #tpu.memory_space<vmem>> -> memref<4x8x33xf32, #tpu.memory_space<vmem>>
        %parallel_loop3A_974 = tpu.vector_load_idx %parallel_loop3A_973[%parallel_loop3A_968, %and3A_16, %parallel_loop3A_956] : memref<4x8x33xf32, #tpu.memory_space<vmem>>[vector<16xi32>, vector<16xi32>, vector<16xi32>], vector<16xf32>,
        %parallel_loop3A_975 = arith.constant 18 : i32
        %parallel_loop3A_976 = vector.broadcast %parallel_loop3A_975 : i32 to vector<16xi32>
        %parallel_loop3A_977 = arith.addi %mul3A_10, %parallel_loop3A_976 : vector<16xi32>
        %parallel_loop3A_978 = arith.constant 0 : i32
        %parallel_loop3A_979 = vector.broadcast %parallel_loop3A_978 : i32 to vector<16xi32>
        %parallel_loop3A_980 = arith.addi %shift_right_arithmetic3A_13, %parallel_loop3A_979 : vector<16xi32>
        %parallel_loop3A_981 = arith.constant 0 : i32
        %parallel_loop3A_982 = arith.constant 0 : i32
        %parallel_loop3A_983 = arith.constant 0 : i32
        %parallel_loop3A_984 = tpu.memref_slice %arg7[%parallel_loop3A_372, %parallel_loop3A_981, %parallel_loop3A_982, %parallel_loop3A_983] : memref<20x4x8x33xf32, #tpu.memory_space<vmem>> -> memref<1x4x8x33xf32, #tpu.memory_space<vmem>>
        %parallel_loop3A_985 = tpu.memref_squeeze %parallel_loop3A_984 : memref<1x4x8x33xf32, #tpu.memory_space<vmem>> -> memref<4x8x33xf32, #tpu.memory_space<vmem>>
        %parallel_loop3A_986 = tpu.vector_load_idx %parallel_loop3A_985[%parallel_loop3A_980, %and3A_16, %parallel_loop3A_977] : memref<4x8x33xf32, #tpu.memory_space<vmem>>[vector<16xi32>, vector<16xi32>, vector<16xi32>], vector<16xf32>,
        %parallel_loop3A_987 = arith.constant 2 : i32
        %parallel_loop3A_988 = vector.broadcast %parallel_loop3A_987 : i32 to vector<16xi32>
        %parallel_loop3A_989 = arith.addi %shift_right_arithmetic3A_13, %parallel_loop3A_988 : vector<16xi32>
        %parallel_loop3A_990 = arith.constant 0 : i32
        %parallel_loop3A_991 = arith.constant 0 : i32
        %parallel_loop3A_992 = arith.constant 0 : i32
        %parallel_loop3A_993 = tpu.memref_slice %arg7[%parallel_loop3A_372, %parallel_loop3A_990, %parallel_loop3A_991, %parallel_loop3A_992] : memref<20x4x8x33xf32, #tpu.memory_space<vmem>> -> memref<1x4x8x33xf32, #tpu.memory_space<vmem>>
        %parallel_loop3A_994 = tpu.memref_squeeze %parallel_loop3A_993 : memref<1x4x8x33xf32, #tpu.memory_space<vmem>> -> memref<4x8x33xf32, #tpu.memory_space<vmem>>
        %parallel_loop3A_995 = tpu.vector_load_idx %parallel_loop3A_994[%parallel_loop3A_989, %and3A_16, %parallel_loop3A_977] : memref<4x8x33xf32, #tpu.memory_space<vmem>>[vector<16xi32>, vector<16xi32>, vector<16xi32>], vector<16xf32>,
        %parallel_loop3A_996 = arith.constant 19 : i32
        %parallel_loop3A_997 = vector.broadcast %parallel_loop3A_996 : i32 to vector<16xi32>
        %parallel_loop3A_998 = arith.addi %mul3A_10, %parallel_loop3A_997 : vector<16xi32>
        %parallel_loop3A_999 = arith.constant 0 : i32
        %parallel_loop3A_1000 = vector.broadcast %parallel_loop3A_999 : i32 to vector<16xi32>
        %parallel_loop3A_1001 = arith.addi %shift_right_arithmetic3A_13, %parallel_loop3A_1000 : vector<16xi32>
        %parallel_loop3A_1002 = arith.constant 0 : i32
        %parallel_loop3A_1003 = arith.constant 0 : i32
        %parallel_loop3A_1004 = arith.constant 0 : i32
        %parallel_loop3A_1005 = tpu.memref_slice %arg7[%parallel_loop3A_372, %parallel_loop3A_1002, %parallel_loop3A_1003, %parallel_loop3A_1004] : memref<20x4x8x33xf32, #tpu.memory_space<vmem>> -> memref<1x4x8x33xf32, #tpu.memory_space<vmem>>
        %parallel_loop3A_1006 = tpu.memref_squeeze %parallel_loop3A_1005 : memref<1x4x8x33xf32, #tpu.memory_space<vmem>> -> memref<4x8x33xf32, #tpu.memory_space<vmem>>
        %parallel_loop3A_1007 = tpu.vector_load_idx %parallel_loop3A_1006[%parallel_loop3A_1001, %and3A_16, %parallel_loop3A_998] : memref<4x8x33xf32, #tpu.memory_space<vmem>>[vector<16xi32>, vector<16xi32>, vector<16xi32>], vector<16xf32>,
        %parallel_loop3A_1008 = arith.constant 2 : i32
        %parallel_loop3A_1009 = vector.broadcast %parallel_loop3A_1008 : i32 to vector<16xi32>
        %parallel_loop3A_1010 = arith.addi %shift_right_arithmetic3A_13, %parallel_loop3A_1009 : vector<16xi32>
        %parallel_loop3A_1011 = arith.constant 0 : i32
        %parallel_loop3A_1012 = arith.constant 0 : i32
        %parallel_loop3A_1013 = arith.constant 0 : i32
        %parallel_loop3A_1014 = tpu.memref_slice %arg7[%parallel_loop3A_372, %parallel_loop3A_1011, %parallel_loop3A_1012, %parallel_loop3A_1013] : memref<20x4x8x33xf32, #tpu.memory_space<vmem>> -> memref<1x4x8x33xf32, #tpu.memory_space<vmem>>
        %parallel_loop3A_1015 = tpu.memref_squeeze %parallel_loop3A_1014 : memref<1x4x8x33xf32, #tpu.memory_space<vmem>> -> memref<4x8x33xf32, #tpu.memory_space<vmem>>
        %parallel_loop3A_1016 = tpu.vector_load_idx %parallel_loop3A_1015[%parallel_loop3A_1010, %and3A_16, %parallel_loop3A_998] : memref<4x8x33xf32, #tpu.memory_space<vmem>>[vector<16xi32>, vector<16xi32>, vector<16xi32>], vector<16xf32>,
        %parallel_loop3A_1017 = arith.constant 32 : i32
        %parallel_loop3A_1018 = arith.muli %parallel_loop3A_372, %parallel_loop3A_1017 : i32
        %parallel_loop3A_1019 = arith.constant 16 : i32
        %parallel_loop3A_1020 = arith.addi %parallel_loop3A_1018, %parallel_loop3A_1019 : i32
        %parallel_loop3A_1021 = arith.index_cast %parallel_loop3A_1020 : i32 to index
        %parallel_loop3A_1022 = arith.constant 0 : index
        %parallel_loop3A_1023 = tpu.vector_load %arg9[%parallel_loop3A_1021, %parallel_loop3A_1022] {strides = array<i32>} : memref<640x32xf32, #tpu.memory_space<vmem>>, vector<16xf32>,
        tpu.vector_store %arg9[%parallel_loop3A_1021, %parallel_loop3A_1022], %parallel_loop3A_944 {strides = array<i32>} : memref<640x32xf32, #tpu.memory_space<vmem>>, vector<16xf32>,
        %parallel_loop3A_1024 = arith.constant 32 : i32
        %parallel_loop3A_1025 = arith.muli %parallel_loop3A_372, %parallel_loop3A_1024 : i32
        %parallel_loop3A_1026 = arith.constant 16 : i32
        %parallel_loop3A_1027 = arith.addi %parallel_loop3A_1025, %parallel_loop3A_1026 : i32
        %parallel_loop3A_1028 = arith.index_cast %parallel_loop3A_1027 : i32 to index
        %parallel_loop3A_1029 = arith.constant 16 : index
        %parallel_loop3A_1030 = tpu.vector_load %arg9[%parallel_loop3A_1028, %parallel_loop3A_1029] {strides = array<i32>} : memref<640x32xf32, #tpu.memory_space<vmem>>, vector<16xf32>,
        tpu.vector_store %arg9[%parallel_loop3A_1028, %parallel_loop3A_1029], %parallel_loop3A_953 {strides = array<i32>} : memref<640x32xf32, #tpu.memory_space<vmem>>, vector<16xf32>,
        %parallel_loop3A_1031 = arith.constant 32 : i32
        %parallel_loop3A_1032 = arith.muli %parallel_loop3A_372, %parallel_loop3A_1031 : i32
        %parallel_loop3A_1033 = arith.constant 17 : i32
        %parallel_loop3A_1034 = arith.addi %parallel_loop3A_1032, %parallel_loop3A_1033 : i32
        %parallel_loop3A_1035 = arith.index_cast %parallel_loop3A_1034 : i32 to index
        %parallel_loop3A_1036 = arith.constant 0 : index
        %parallel_loop3A_1037 = tpu.vector_load %arg9[%parallel_loop3A_1035, %parallel_loop3A_1036] {strides = array<i32>} : memref<640x32xf32, #tpu.memory_space<vmem>>, vector<16xf32>,
        tpu.vector_store %arg9[%parallel_loop3A_1035, %parallel_loop3A_1036], %parallel_loop3A_965 {strides = array<i32>} : memref<640x32xf32, #tpu.memory_space<vmem>>, vector<16xf32>,
        %parallel_loop3A_1038 = arith.constant 32 : i32
        %parallel_loop3A_1039 = arith.muli %parallel_loop3A_372, %parallel_loop3A_1038 : i32
        %parallel_loop3A_1040 = arith.constant 17 : i32
        %parallel_loop3A_1041 = arith.addi %parallel_loop3A_1039, %parallel_loop3A_1040 : i32
        %parallel_loop3A_1042 = arith.index_cast %parallel_loop3A_1041 : i32 to index
        %parallel_loop3A_1043 = arith.constant 16 : index
        %parallel_loop3A_1044 = tpu.vector_load %arg9[%parallel_loop3A_1042, %parallel_loop3A_1043] {strides = array<i32>} : memref<640x32xf32, #tpu.memory_space<vmem>>, vector<16xf32>,
        tpu.vector_store %arg9[%parallel_loop3A_1042, %parallel_loop3A_1043], %parallel_loop3A_974 {strides = array<i32>} : memref<640x32xf32, #tpu.memory_space<vmem>>, vector<16xf32>,
        %parallel_loop3A_1045 = arith.constant 32 : i32
        %parallel_loop3A_1046 = arith.muli %parallel_loop3A_372, %parallel_loop3A_1045 : i32
        %parallel_loop3A_1047 = arith.constant 18 : i32
        %parallel_loop3A_1048 = arith.addi %parallel_loop3A_1046, %parallel_loop3A_1047 : i32
        %parallel_loop3A_1049 = arith.index_cast %parallel_loop3A_1048 : i32 to index
        %parallel_loop3A_1050 = arith.constant 0 : index
        %parallel_loop3A_1051 = tpu.vector_load %arg9[%parallel_loop3A_1049, %parallel_loop3A_1050] {strides = array<i32>} : memref<640x32xf32, #tpu.memory_space<vmem>>, vector<16xf32>,
        tpu.vector_store %arg9[%parallel_loop3A_1049, %parallel_loop3A_1050], %parallel_loop3A_986 {strides = array<i32>} : memref<640x32xf32, #tpu.memory_space<vmem>>, vector<16xf32>,
        %parallel_loop3A_1052 = arith.constant 32 : i32
        %parallel_loop3A_1053 = arith.muli %parallel_loop3A_372, %parallel_loop3A_1052 : i32
        %parallel_loop3A_1054 = arith.constant 18 : i32
        %parallel_loop3A_1055 = arith.addi %parallel_loop3A_1053, %parallel_loop3A_1054 : i32
        %parallel_loop3A_1056 = arith.index_cast %parallel_loop3A_1055 : i32 to index
        %parallel_loop3A_1057 = arith.constant 16 : index
        %parallel_loop3A_1058 = tpu.vector_load %arg9[%parallel_loop3A_1056, %parallel_loop3A_1057] {strides = array<i32>} : memref<640x32xf32, #tpu.memory_space<vmem>>, vector<16xf32>,
        tpu.vector_store %arg9[%parallel_loop3A_1056, %parallel_loop3A_1057], %parallel_loop3A_995 {strides = array<i32>} : memref<640x32xf32, #tpu.memory_space<vmem>>, vector<16xf32>,
        %parallel_loop3A_1059 = arith.constant 32 : i32
        %parallel_loop3A_1060 = arith.muli %parallel_loop3A_372, %parallel_loop3A_1059 : i32
        %parallel_loop3A_1061 = arith.constant 19 : i32
        %parallel_loop3A_1062 = arith.addi %parallel_loop3A_1060, %parallel_loop3A_1061 : i32
        %parallel_loop3A_1063 = arith.index_cast %parallel_loop3A_1062 : i32 to index
        %parallel_loop3A_1064 = arith.constant 0 : index
        %parallel_loop3A_1065 = tpu.vector_load %arg9[%parallel_loop3A_1063, %parallel_loop3A_1064] {strides = array<i32>} : memref<640x32xf32, #tpu.memory_space<vmem>>, vector<16xf32>,
        tpu.vector_store %arg9[%parallel_loop3A_1063, %parallel_loop3A_1064], %parallel_loop3A_1007 {strides = array<i32>} : memref<640x32xf32, #tpu.memory_space<vmem>>, vector<16xf32>,
        %parallel_loop3A_1066 = arith.constant 32 : i32
        %parallel_loop3A_1067 = arith.muli %parallel_loop3A_372, %parallel_loop3A_1066 : i32
        %parallel_loop3A_1068 = arith.constant 19 : i32
        %parallel_loop3A_1069 = arith.addi %parallel_loop3A_1067, %parallel_loop3A_1068 : i32
        %parallel_loop3A_1070 = arith.index_cast %parallel_loop3A_1069 : i32 to index
        %parallel_loop3A_1071 = arith.constant 16 : index
        %parallel_loop3A_1072 = tpu.vector_load %arg9[%parallel_loop3A_1070, %parallel_loop3A_1071] {strides = array<i32>} : memref<640x32xf32, #tpu.memory_space<vmem>>, vector<16xf32>,
        tpu.vector_store %arg9[%parallel_loop3A_1070, %parallel_loop3A_1071], %parallel_loop3A_1016 {strides = array<i32>} : memref<640x32xf32, #tpu.memory_space<vmem>>, vector<16xf32>,
        %parallel_loop3A_1073 = arith.constant 20 : i32
        %parallel_loop3A_1074 = vector.broadcast %parallel_loop3A_1073 : i32 to vector<16xi32>
        %parallel_loop3A_1075 = arith.addi %mul3A_10, %parallel_loop3A_1074 : vector<16xi32>
        %parallel_loop3A_1076 = arith.constant 0 : i32
        %parallel_loop3A_1077 = vector.broadcast %parallel_loop3A_1076 : i32 to vector<16xi32>
        %parallel_loop3A_1078 = arith.addi %shift_right_arithmetic3A_13, %parallel_loop3A_1077 : vector<16xi32>
        %parallel_loop3A_1079 = arith.constant 0 : i32
        %parallel_loop3A_1080 = arith.constant 0 : i32
        %parallel_loop3A_1081 = arith.constant 0 : i32
        %parallel_loop3A_1082 = tpu.memref_slice %arg7[%parallel_loop3A_372, %parallel_loop3A_1079, %parallel_loop3A_1080, %parallel_loop3A_1081] : memref<20x4x8x33xf32, #tpu.memory_space<vmem>> -> memref<1x4x8x33xf32, #tpu.memory_space<vmem>>
        %parallel_loop3A_1083 = tpu.memref_squeeze %parallel_loop3A_1082 : memref<1x4x8x33xf32, #tpu.memory_space<vmem>> -> memref<4x8x33xf32, #tpu.memory_space<vmem>>
        %parallel_loop3A_1084 = tpu.vector_load_idx %parallel_loop3A_1083[%parallel_loop3A_1078, %and3A_16, %parallel_loop3A_1075] : memref<4x8x33xf32, #tpu.memory_space<vmem>>[vector<16xi32>, vector<16xi32>, vector<16xi32>], vector<16xf32>,
        %parallel_loop3A_1085 = arith.constant 2 : i32
        %parallel_loop3A_1086 = vector.broadcast %parallel_loop3A_1085 : i32 to vector<16xi32>
        %parallel_loop3A_1087 = arith.addi %shift_right_arithmetic3A_13, %parallel_loop3A_1086 : vector<16xi32>
        %parallel_loop3A_1088 = arith.constant 0 : i32
        %parallel_loop3A_1089 = arith.constant 0 : i32
        %parallel_loop3A_1090 = arith.constant 0 : i32
        %parallel_loop3A_1091 = tpu.memref_slice %arg7[%parallel_loop3A_372, %parallel_loop3A_1088, %parallel_loop3A_1089, %parallel_loop3A_1090] : memref<20x4x8x33xf32, #tpu.memory_space<vmem>> -> memref<1x4x8x33xf32, #tpu.memory_space<vmem>>
        %parallel_loop3A_1092 = tpu.memref_squeeze %parallel_loop3A_1091 : memref<1x4x8x33xf32, #tpu.memory_space<vmem>> -> memref<4x8x33xf32, #tpu.memory_space<vmem>>
        %parallel_loop3A_1093 = tpu.vector_load_idx %parallel_loop3A_1092[%parallel_loop3A_1087, %and3A_16, %parallel_loop3A_1075] : memref<4x8x33xf32, #tpu.memory_space<vmem>>[vector<16xi32>, vector<16xi32>, vector<16xi32>], vector<16xf32>,
        %parallel_loop3A_1094 = arith.constant 21 : i32
        %parallel_loop3A_1095 = vector.broadcast %parallel_loop3A_1094 : i32 to vector<16xi32>
        %parallel_loop3A_1096 = arith.addi %mul3A_10, %parallel_loop3A_1095 : vector<16xi32>
        %parallel_loop3A_1097 = arith.constant 0 : i32
        %parallel_loop3A_1098 = vector.broadcast %parallel_loop3A_1097 : i32 to vector<16xi32>
        %parallel_loop3A_1099 = arith.addi %shift_right_arithmetic3A_13, %parallel_loop3A_1098 : vector<16xi32>
        %parallel_loop3A_1100 = arith.constant 0 : i32
        %parallel_loop3A_1101 = arith.constant 0 : i32
        %parallel_loop3A_1102 = arith.constant 0 : i32
        %parallel_loop3A_1103 = tpu.memref_slice %arg7[%parallel_loop3A_372, %parallel_loop3A_1100, %parallel_loop3A_1101, %parallel_loop3A_1102] : memref<20x4x8x33xf32, #tpu.memory_space<vmem>> -> memref<1x4x8x33xf32, #tpu.memory_space<vmem>>
        %parallel_loop3A_1104 = tpu.memref_squeeze %parallel_loop3A_1103 : memref<1x4x8x33xf32, #tpu.memory_space<vmem>> -> memref<4x8x33xf32, #tpu.memory_space<vmem>>
        %parallel_loop3A_1105 = tpu.vector_load_idx %parallel_loop3A_1104[%parallel_loop3A_1099, %and3A_16, %parallel_loop3A_1096] : memref<4x8x33xf32, #tpu.memory_space<vmem>>[vector<16xi32>, vector<16xi32>, vector<16xi32>], vector<16xf32>,
        %parallel_loop3A_1106 = arith.constant 2 : i32
        %parallel_loop3A_1107 = vector.broadcast %parallel_loop3A_1106 : i32 to vector<16xi32>
        %parallel_loop3A_1108 = arith.addi %shift_right_arithmetic3A_13, %parallel_loop3A_1107 : vector<16xi32>
        %parallel_loop3A_1109 = arith.constant 0 : i32
        %parallel_loop3A_1110 = arith.constant 0 : i32
        %parallel_loop3A_1111 = arith.constant 0 : i32
        %parallel_loop3A_1112 = tpu.memref_slice %arg7[%parallel_loop3A_372, %parallel_loop3A_1109, %parallel_loop3A_1110, %parallel_loop3A_1111] : memref<20x4x8x33xf32, #tpu.memory_space<vmem>> -> memref<1x4x8x33xf32, #tpu.memory_space<vmem>>
        %parallel_loop3A_1113 = tpu.memref_squeeze %parallel_loop3A_1112 : memref<1x4x8x33xf32, #tpu.memory_space<vmem>> -> memref<4x8x33xf32, #tpu.memory_space<vmem>>
        %parallel_loop3A_1114 = tpu.vector_load_idx %parallel_loop3A_1113[%parallel_loop3A_1108, %and3A_16, %parallel_loop3A_1096] : memref<4x8x33xf32, #tpu.memory_space<vmem>>[vector<16xi32>, vector<16xi32>, vector<16xi32>], vector<16xf32>,
        %parallel_loop3A_1115 = arith.constant 22 : i32
        %parallel_loop3A_1116 = vector.broadcast %parallel_loop3A_1115 : i32 to vector<16xi32>
        %parallel_loop3A_1117 = arith.addi %mul3A_10, %parallel_loop3A_1116 : vector<16xi32>
        %parallel_loop3A_1118 = arith.constant 0 : i32
        %parallel_loop3A_1119 = vector.broadcast %parallel_loop3A_1118 : i32 to vector<16xi32>
        %parallel_loop3A_1120 = arith.addi %shift_right_arithmetic3A_13, %parallel_loop3A_1119 : vector<16xi32>
        %parallel_loop3A_1121 = arith.constant 0 : i32
        %parallel_loop3A_1122 = arith.constant 0 : i32
        %parallel_loop3A_1123 = arith.constant 0 : i32
        %parallel_loop3A_1124 = tpu.memref_slice %arg7[%parallel_loop3A_372, %parallel_loop3A_1121, %parallel_loop3A_1122, %parallel_loop3A_1123] : memref<20x4x8x33xf32, #tpu.memory_space<vmem>> -> memref<1x4x8x33xf32, #tpu.memory_space<vmem>>
        %parallel_loop3A_1125 = tpu.memref_squeeze %parallel_loop3A_1124 : memref<1x4x8x33xf32, #tpu.memory_space<vmem>> -> memref<4x8x33xf32, #tpu.memory_space<vmem>>
        %parallel_loop3A_1126 = tpu.vector_load_idx %parallel_loop3A_1125[%parallel_loop3A_1120, %and3A_16, %parallel_loop3A_1117] : memref<4x8x33xf32, #tpu.memory_space<vmem>>[vector<16xi32>, vector<16xi32>, vector<16xi32>], vector<16xf32>,
        %parallel_loop3A_1127 = arith.constant 2 : i32
        %parallel_loop3A_1128 = vector.broadcast %parallel_loop3A_1127 : i32 to vector<16xi32>
        %parallel_loop3A_1129 = arith.addi %shift_right_arithmetic3A_13, %parallel_loop3A_1128 : vector<16xi32>
        %parallel_loop3A_1130 = arith.constant 0 : i32
        %parallel_loop3A_1131 = arith.constant 0 : i32
        %parallel_loop3A_1132 = arith.constant 0 : i32
        %parallel_loop3A_1133 = tpu.memref_slice %arg7[%parallel_loop3A_372, %parallel_loop3A_1130, %parallel_loop3A_1131, %parallel_loop3A_1132] : memref<20x4x8x33xf32, #tpu.memory_space<vmem>> -> memref<1x4x8x33xf32, #tpu.memory_space<vmem>>
        %parallel_loop3A_1134 = tpu.memref_squeeze %parallel_loop3A_1133 : memref<1x4x8x33xf32, #tpu.memory_space<vmem>> -> memref<4x8x33xf32, #tpu.memory_space<vmem>>
        %parallel_loop3A_1135 = tpu.vector_load_idx %parallel_loop3A_1134[%parallel_loop3A_1129, %and3A_16, %parallel_loop3A_1117] : memref<4x8x33xf32, #tpu.memory_space<vmem>>[vector<16xi32>, vector<16xi32>, vector<16xi32>], vector<16xf32>,
        %parallel_loop3A_1136 = arith.constant 23 : i32
        %parallel_loop3A_1137 = vector.broadcast %parallel_loop3A_1136 : i32 to vector<16xi32>
        %parallel_loop3A_1138 = arith.addi %mul3A_10, %parallel_loop3A_1137 : vector<16xi32>
        %parallel_loop3A_1139 = arith.constant 0 : i32
        %parallel_loop3A_1140 = vector.broadcast %parallel_loop3A_1139 : i32 to vector<16xi32>
        %parallel_loop3A_1141 = arith.addi %shift_right_arithmetic3A_13, %parallel_loop3A_1140 : vector<16xi32>
        %parallel_loop3A_1142 = arith.constant 0 : i32
        %parallel_loop3A_1143 = arith.constant 0 : i32
        %parallel_loop3A_1144 = arith.constant 0 : i32
        %parallel_loop3A_1145 = tpu.memref_slice %arg7[%parallel_loop3A_372, %parallel_loop3A_1142, %parallel_loop3A_1143, %parallel_loop3A_1144] : memref<20x4x8x33xf32, #tpu.memory_space<vmem>> -> memref<1x4x8x33xf32, #tpu.memory_space<vmem>>
        %parallel_loop3A_1146 = tpu.memref_squeeze %parallel_loop3A_1145 : memref<1x4x8x33xf32, #tpu.memory_space<vmem>> -> memref<4x8x33xf32, #tpu.memory_space<vmem>>
        %parallel_loop3A_1147 = tpu.vector_load_idx %parallel_loop3A_1146[%parallel_loop3A_1141, %and3A_16, %parallel_loop3A_1138] : memref<4x8x33xf32, #tpu.memory_space<vmem>>[vector<16xi32>, vector<16xi32>, vector<16xi32>], vector<16xf32>,
        %parallel_loop3A_1148 = arith.constant 2 : i32
        %parallel_loop3A_1149 = vector.broadcast %parallel_loop3A_1148 : i32 to vector<16xi32>
        %parallel_loop3A_1150 = arith.addi %shift_right_arithmetic3A_13, %parallel_loop3A_1149 : vector<16xi32>
        %parallel_loop3A_1151 = arith.constant 0 : i32
        %parallel_loop3A_1152 = arith.constant 0 : i32
        %parallel_loop3A_1153 = arith.constant 0 : i32
        %parallel_loop3A_1154 = tpu.memref_slice %arg7[%parallel_loop3A_372, %parallel_loop3A_1151, %parallel_loop3A_1152, %parallel_loop3A_1153] : memref<20x4x8x33xf32, #tpu.memory_space<vmem>> -> memref<1x4x8x33xf32, #tpu.memory_space<vmem>>
        %parallel_loop3A_1155 = tpu.memref_squeeze %parallel_loop3A_1154 : memref<1x4x8x33xf32, #tpu.memory_space<vmem>> -> memref<4x8x33xf32, #tpu.memory_space<vmem>>
        %parallel_loop3A_1156 = tpu.vector_load_idx %parallel_loop3A_1155[%parallel_loop3A_1150, %and3A_16, %parallel_loop3A_1138] : memref<4x8x33xf32, #tpu.memory_space<vmem>>[vector<16xi32>, vector<16xi32>, vector<16xi32>], vector<16xf32>,
        %parallel_loop3A_1157 = arith.constant 32 : i32
        %parallel_loop3A_1158 = arith.muli %parallel_loop3A_372, %parallel_loop3A_1157 : i32
        %parallel_loop3A_1159 = arith.constant 20 : i32
        %parallel_loop3A_1160 = arith.addi %parallel_loop3A_1158, %parallel_loop3A_1159 : i32
        %parallel_loop3A_1161 = arith.index_cast %parallel_loop3A_1160 : i32 to index
        %parallel_loop3A_1162 = arith.constant 0 : index
        %parallel_loop3A_1163 = tpu.vector_load %arg9[%parallel_loop3A_1161, %parallel_loop3A_1162] {strides = array<i32>} : memref<640x32xf32, #tpu.memory_space<vmem>>, vector<16xf32>,
        tpu.vector_store %arg9[%parallel_loop3A_1161, %parallel_loop3A_1162], %parallel_loop3A_1084 {strides = array<i32>} : memref<640x32xf32, #tpu.memory_space<vmem>>, vector<16xf32>,
        %parallel_loop3A_1164 = arith.constant 32 : i32
        %parallel_loop3A_1165 = arith.muli %parallel_loop3A_372, %parallel_loop3A_1164 : i32
        %parallel_loop3A_1166 = arith.constant 20 : i32
        %parallel_loop3A_1167 = arith.addi %parallel_loop3A_1165, %parallel_loop3A_1166 : i32
        %parallel_loop3A_1168 = arith.index_cast %parallel_loop3A_1167 : i32 to index
        %parallel_loop3A_1169 = arith.constant 16 : index
        %parallel_loop3A_1170 = tpu.vector_load %arg9[%parallel_loop3A_1168, %parallel_loop3A_1169] {strides = array<i32>} : memref<640x32xf32, #tpu.memory_space<vmem>>, vector<16xf32>,
        tpu.vector_store %arg9[%parallel_loop3A_1168, %parallel_loop3A_1169], %parallel_loop3A_1093 {strides = array<i32>} : memref<640x32xf32, #tpu.memory_space<vmem>>, vector<16xf32>,
        %parallel_loop3A_1171 = arith.constant 32 : i32
        %parallel_loop3A_1172 = arith.muli %parallel_loop3A_372, %parallel_loop3A_1171 : i32
        %parallel_loop3A_1173 = arith.constant 21 : i32
        %parallel_loop3A_1174 = arith.addi %parallel_loop3A_1172, %parallel_loop3A_1173 : i32
        %parallel_loop3A_1175 = arith.index_cast %parallel_loop3A_1174 : i32 to index
        %parallel_loop3A_1176 = arith.constant 0 : index
        %parallel_loop3A_1177 = tpu.vector_load %arg9[%parallel_loop3A_1175, %parallel_loop3A_1176] {strides = array<i32>} : memref<640x32xf32, #tpu.memory_space<vmem>>, vector<16xf32>,
        tpu.vector_store %arg9[%parallel_loop3A_1175, %parallel_loop3A_1176], %parallel_loop3A_1105 {strides = array<i32>} : memref<640x32xf32, #tpu.memory_space<vmem>>, vector<16xf32>,
        %parallel_loop3A_1178 = arith.constant 32 : i32
        %parallel_loop3A_1179 = arith.muli %parallel_loop3A_372, %parallel_loop3A_1178 : i32
        %parallel_loop3A_1180 = arith.constant 21 : i32
        %parallel_loop3A_1181 = arith.addi %parallel_loop3A_1179, %parallel_loop3A_1180 : i32
        %parallel_loop3A_1182 = arith.index_cast %parallel_loop3A_1181 : i32 to index
        %parallel_loop3A_1183 = arith.constant 16 : index
        %parallel_loop3A_1184 = tpu.vector_load %arg9[%parallel_loop3A_1182, %parallel_loop3A_1183] {strides = array<i32>} : memref<640x32xf32, #tpu.memory_space<vmem>>, vector<16xf32>,
        tpu.vector_store %arg9[%parallel_loop3A_1182, %parallel_loop3A_1183], %parallel_loop3A_1114 {strides = array<i32>} : memref<640x32xf32, #tpu.memory_space<vmem>>, vector<16xf32>,
        %parallel_loop3A_1185 = arith.constant 32 : i32
        %parallel_loop3A_1186 = arith.muli %parallel_loop3A_372, %parallel_loop3A_1185 : i32
        %parallel_loop3A_1187 = arith.constant 22 : i32
        %parallel_loop3A_1188 = arith.addi %parallel_loop3A_1186, %parallel_loop3A_1187 : i32
        %parallel_loop3A_1189 = arith.index_cast %parallel_loop3A_1188 : i32 to index
        %parallel_loop3A_1190 = arith.constant 0 : index
        %parallel_loop3A_1191 = tpu.vector_load %arg9[%parallel_loop3A_1189, %parallel_loop3A_1190] {strides = array<i32>} : memref<640x32xf32, #tpu.memory_space<vmem>>, vector<16xf32>,
        tpu.vector_store %arg9[%parallel_loop3A_1189, %parallel_loop3A_1190], %parallel_loop3A_1126 {strides = array<i32>} : memref<640x32xf32, #tpu.memory_space<vmem>>, vector<16xf32>,
        %parallel_loop3A_1192 = arith.constant 32 : i32
        %parallel_loop3A_1193 = arith.muli %parallel_loop3A_372, %parallel_loop3A_1192 : i32
        %parallel_loop3A_1194 = arith.constant 22 : i32
        %parallel_loop3A_1195 = arith.addi %parallel_loop3A_1193, %parallel_loop3A_1194 : i32
        %parallel_loop3A_1196 = arith.index_cast %parallel_loop3A_1195 : i32 to index
        %parallel_loop3A_1197 = arith.constant 16 : index
        %parallel_loop3A_1198 = tpu.vector_load %arg9[%parallel_loop3A_1196, %parallel_loop3A_1197] {strides = array<i32>} : memref<640x32xf32, #tpu.memory_space<vmem>>, vector<16xf32>,
        tpu.vector_store %arg9[%parallel_loop3A_1196, %parallel_loop3A_1197], %parallel_loop3A_1135 {strides = array<i32>} : memref<640x32xf32, #tpu.memory_space<vmem>>, vector<16xf32>,
        %parallel_loop3A_1199 = arith.constant 32 : i32
        %parallel_loop3A_1200 = arith.muli %parallel_loop3A_372, %parallel_loop3A_1199 : i32
        %parallel_loop3A_1201 = arith.constant 23 : i32
        %parallel_loop3A_1202 = arith.addi %parallel_loop3A_1200, %parallel_loop3A_1201 : i32
        %parallel_loop3A_1203 = arith.index_cast %parallel_loop3A_1202 : i32 to index
        %parallel_loop3A_1204 = arith.constant 0 : index
        %parallel_loop3A_1205 = tpu.vector_load %arg9[%parallel_loop3A_1203, %parallel_loop3A_1204] {strides = array<i32>} : memref<640x32xf32, #tpu.memory_space<vmem>>, vector<16xf32>,
        tpu.vector_store %arg9[%parallel_loop3A_1203, %parallel_loop3A_1204], %parallel_loop3A_1147 {strides = array<i32>} : memref<640x32xf32, #tpu.memory_space<vmem>>, vector<16xf32>,
        %parallel_loop3A_1206 = arith.constant 32 : i32
        %parallel_loop3A_1207 = arith.muli %parallel_loop3A_372, %parallel_loop3A_1206 : i32
        %parallel_loop3A_1208 = arith.constant 23 : i32
        %parallel_loop3A_1209 = arith.addi %parallel_loop3A_1207, %parallel_loop3A_1208 : i32
        %parallel_loop3A_1210 = arith.index_cast %parallel_loop3A_1209 : i32 to index
        %parallel_loop3A_1211 = arith.constant 16 : index
        %parallel_loop3A_1212 = tpu.vector_load %arg9[%parallel_loop3A_1210, %parallel_loop3A_1211] {strides = array<i32>} : memref<640x32xf32, #tpu.memory_space<vmem>>, vector<16xf32>,
        tpu.vector_store %arg9[%parallel_loop3A_1210, %parallel_loop3A_1211], %parallel_loop3A_1156 {strides = array<i32>} : memref<640x32xf32, #tpu.memory_space<vmem>>, vector<16xf32>,
        %parallel_loop3A_1213 = arith.constant 24 : i32
        %parallel_loop3A_1214 = vector.broadcast %parallel_loop3A_1213 : i32 to vector<16xi32>
        %parallel_loop3A_1215 = arith.addi %mul3A_10, %parallel_loop3A_1214 : vector<16xi32>
        %parallel_loop3A_1216 = arith.constant 0 : i32
        %parallel_loop3A_1217 = vector.broadcast %parallel_loop3A_1216 : i32 to vector<16xi32>
        %parallel_loop3A_1218 = arith.addi %shift_right_arithmetic3A_13, %parallel_loop3A_1217 : vector<16xi32>
        %parallel_loop3A_1219 = arith.constant 0 : i32
        %parallel_loop3A_1220 = arith.constant 0 : i32
        %parallel_loop3A_1221 = arith.constant 0 : i32
        %parallel_loop3A_1222 = tpu.memref_slice %arg7[%parallel_loop3A_372, %parallel_loop3A_1219, %parallel_loop3A_1220, %parallel_loop3A_1221] : memref<20x4x8x33xf32, #tpu.memory_space<vmem>> -> memref<1x4x8x33xf32, #tpu.memory_space<vmem>>
        %parallel_loop3A_1223 = tpu.memref_squeeze %parallel_loop3A_1222 : memref<1x4x8x33xf32, #tpu.memory_space<vmem>> -> memref<4x8x33xf32, #tpu.memory_space<vmem>>
        %parallel_loop3A_1224 = tpu.vector_load_idx %parallel_loop3A_1223[%parallel_loop3A_1218, %and3A_16, %parallel_loop3A_1215] : memref<4x8x33xf32, #tpu.memory_space<vmem>>[vector<16xi32>, vector<16xi32>, vector<16xi32>], vector<16xf32>,
        %parallel_loop3A_1225 = arith.constant 2 : i32
        %parallel_loop3A_1226 = vector.broadcast %parallel_loop3A_1225 : i32 to vector<16xi32>
        %parallel_loop3A_1227 = arith.addi %shift_right_arithmetic3A_13, %parallel_loop3A_1226 : vector<16xi32>
        %parallel_loop3A_1228 = arith.constant 0 : i32
        %parallel_loop3A_1229 = arith.constant 0 : i32
        %parallel_loop3A_1230 = arith.constant 0 : i32
        %parallel_loop3A_1231 = tpu.memref_slice %arg7[%parallel_loop3A_372, %parallel_loop3A_1228, %parallel_loop3A_1229, %parallel_loop3A_1230] : memref<20x4x8x33xf32, #tpu.memory_space<vmem>> -> memref<1x4x8x33xf32, #tpu.memory_space<vmem>>
        %parallel_loop3A_1232 = tpu.memref_squeeze %parallel_loop3A_1231 : memref<1x4x8x33xf32, #tpu.memory_space<vmem>> -> memref<4x8x33xf32, #tpu.memory_space<vmem>>
        %parallel_loop3A_1233 = tpu.vector_load_idx %parallel_loop3A_1232[%parallel_loop3A_1227, %and3A_16, %parallel_loop3A_1215] : memref<4x8x33xf32, #tpu.memory_space<vmem>>[vector<16xi32>, vector<16xi32>, vector<16xi32>], vector<16xf32>,
        %parallel_loop3A_1234 = arith.constant 25 : i32
        %parallel_loop3A_1235 = vector.broadcast %parallel_loop3A_1234 : i32 to vector<16xi32>
        %parallel_loop3A_1236 = arith.addi %mul3A_10, %parallel_loop3A_1235 : vector<16xi32>
        %parallel_loop3A_1237 = arith.constant 0 : i32
        %parallel_loop3A_1238 = vector.broadcast %parallel_loop3A_1237 : i32 to vector<16xi32>
        %parallel_loop3A_1239 = arith.addi %shift_right_arithmetic3A_13, %parallel_loop3A_1238 : vector<16xi32>
        %parallel_loop3A_1240 = arith.constant 0 : i32
        %parallel_loop3A_1241 = arith.constant 0 : i32
        %parallel_loop3A_1242 = arith.constant 0 : i32
        %parallel_loop3A_1243 = tpu.memref_slice %arg7[%parallel_loop3A_372, %parallel_loop3A_1240, %parallel_loop3A_1241, %parallel_loop3A_1242] : memref<20x4x8x33xf32, #tpu.memory_space<vmem>> -> memref<1x4x8x33xf32, #tpu.memory_space<vmem>>
        %parallel_loop3A_1244 = tpu.memref_squeeze %parallel_loop3A_1243 : memref<1x4x8x33xf32, #tpu.memory_space<vmem>> -> memref<4x8x33xf32, #tpu.memory_space<vmem>>
        %parallel_loop3A_1245 = tpu.vector_load_idx %parallel_loop3A_1244[%parallel_loop3A_1239, %and3A_16, %parallel_loop3A_1236] : memref<4x8x33xf32, #tpu.memory_space<vmem>>[vector<16xi32>, vector<16xi32>, vector<16xi32>], vector<16xf32>,
        %parallel_loop3A_1246 = arith.constant 2 : i32
        %parallel_loop3A_1247 = vector.broadcast %parallel_loop3A_1246 : i32 to vector<16xi32>
        %parallel_loop3A_1248 = arith.addi %shift_right_arithmetic3A_13, %parallel_loop3A_1247 : vector<16xi32>
        %parallel_loop3A_1249 = arith.constant 0 : i32
        %parallel_loop3A_1250 = arith.constant 0 : i32
        %parallel_loop3A_1251 = arith.constant 0 : i32
        %parallel_loop3A_1252 = tpu.memref_slice %arg7[%parallel_loop3A_372, %parallel_loop3A_1249, %parallel_loop3A_1250, %parallel_loop3A_1251] : memref<20x4x8x33xf32, #tpu.memory_space<vmem>> -> memref<1x4x8x33xf32, #tpu.memory_space<vmem>>
        %parallel_loop3A_1253 = tpu.memref_squeeze %parallel_loop3A_1252 : memref<1x4x8x33xf32, #tpu.memory_space<vmem>> -> memref<4x8x33xf32, #tpu.memory_space<vmem>>
        %parallel_loop3A_1254 = tpu.vector_load_idx %parallel_loop3A_1253[%parallel_loop3A_1248, %and3A_16, %parallel_loop3A_1236] : memref<4x8x33xf32, #tpu.memory_space<vmem>>[vector<16xi32>, vector<16xi32>, vector<16xi32>], vector<16xf32>,
        %parallel_loop3A_1255 = arith.constant 26 : i32
        %parallel_loop3A_1256 = vector.broadcast %parallel_loop3A_1255 : i32 to vector<16xi32>
        %parallel_loop3A_1257 = arith.addi %mul3A_10, %parallel_loop3A_1256 : vector<16xi32>
        %parallel_loop3A_1258 = arith.constant 0 : i32
        %parallel_loop3A_1259 = vector.broadcast %parallel_loop3A_1258 : i32 to vector<16xi32>
        %parallel_loop3A_1260 = arith.addi %shift_right_arithmetic3A_13, %parallel_loop3A_1259 : vector<16xi32>
        %parallel_loop3A_1261 = arith.constant 0 : i32
        %parallel_loop3A_1262 = arith.constant 0 : i32
        %parallel_loop3A_1263 = arith.constant 0 : i32
        %parallel_loop3A_1264 = tpu.memref_slice %arg7[%parallel_loop3A_372, %parallel_loop3A_1261, %parallel_loop3A_1262, %parallel_loop3A_1263] : memref<20x4x8x33xf32, #tpu.memory_space<vmem>> -> memref<1x4x8x33xf32, #tpu.memory_space<vmem>>
        %parallel_loop3A_1265 = tpu.memref_squeeze %parallel_loop3A_1264 : memref<1x4x8x33xf32, #tpu.memory_space<vmem>> -> memref<4x8x33xf32, #tpu.memory_space<vmem>>
        %parallel_loop3A_1266 = tpu.vector_load_idx %parallel_loop3A_1265[%parallel_loop3A_1260, %and3A_16, %parallel_loop3A_1257] : memref<4x8x33xf32, #tpu.memory_space<vmem>>[vector<16xi32>, vector<16xi32>, vector<16xi32>], vector<16xf32>,
        %parallel_loop3A_1267 = arith.constant 2 : i32
        %parallel_loop3A_1268 = vector.broadcast %parallel_loop3A_1267 : i32 to vector<16xi32>
        %parallel_loop3A_1269 = arith.addi %shift_right_arithmetic3A_13, %parallel_loop3A_1268 : vector<16xi32>
        %parallel_loop3A_1270 = arith.constant 0 : i32
        %parallel_loop3A_1271 = arith.constant 0 : i32
        %parallel_loop3A_1272 = arith.constant 0 : i32
        %parallel_loop3A_1273 = tpu.memref_slice %arg7[%parallel_loop3A_372, %parallel_loop3A_1270, %parallel_loop3A_1271, %parallel_loop3A_1272] : memref<20x4x8x33xf32, #tpu.memory_space<vmem>> -> memref<1x4x8x33xf32, #tpu.memory_space<vmem>>
        %parallel_loop3A_1274 = tpu.memref_squeeze %parallel_loop3A_1273 : memref<1x4x8x33xf32, #tpu.memory_space<vmem>> -> memref<4x8x33xf32, #tpu.memory_space<vmem>>
        %parallel_loop3A_1275 = tpu.vector_load_idx %parallel_loop3A_1274[%parallel_loop3A_1269, %and3A_16, %parallel_loop3A_1257] : memref<4x8x33xf32, #tpu.memory_space<vmem>>[vector<16xi32>, vector<16xi32>, vector<16xi32>], vector<16xf32>,
        %parallel_loop3A_1276 = arith.constant 27 : i32
        %parallel_loop3A_1277 = vector.broadcast %parallel_loop3A_1276 : i32 to vector<16xi32>
        %parallel_loop3A_1278 = arith.addi %mul3A_10, %parallel_loop3A_1277 : vector<16xi32>
        %parallel_loop3A_1279 = arith.constant 0 : i32
        %parallel_loop3A_1280 = vector.broadcast %parallel_loop3A_1279 : i32 to vector<16xi32>
        %parallel_loop3A_1281 = arith.addi %shift_right_arithmetic3A_13, %parallel_loop3A_1280 : vector<16xi32>
        %parallel_loop3A_1282 = arith.constant 0 : i32
        %parallel_loop3A_1283 = arith.constant 0 : i32
        %parallel_loop3A_1284 = arith.constant 0 : i32
        %parallel_loop3A_1285 = tpu.memref_slice %arg7[%parallel_loop3A_372, %parallel_loop3A_1282, %parallel_loop3A_1283, %parallel_loop3A_1284] : memref<20x4x8x33xf32, #tpu.memory_space<vmem>> -> memref<1x4x8x33xf32, #tpu.memory_space<vmem>>
        %parallel_loop3A_1286 = tpu.memref_squeeze %parallel_loop3A_1285 : memref<1x4x8x33xf32, #tpu.memory_space<vmem>> -> memref<4x8x33xf32, #tpu.memory_space<vmem>>
        %parallel_loop3A_1287 = tpu.vector_load_idx %parallel_loop3A_1286[%parallel_loop3A_1281, %and3A_16, %parallel_loop3A_1278] : memref<4x8x33xf32, #tpu.memory_space<vmem>>[vector<16xi32>, vector<16xi32>, vector<16xi32>], vector<16xf32>,
        %parallel_loop3A_1288 = arith.constant 2 : i32
        %parallel_loop3A_1289 = vector.broadcast %parallel_loop3A_1288 : i32 to vector<16xi32>
        %parallel_loop3A_1290 = arith.addi %shift_right_arithmetic3A_13, %parallel_loop3A_1289 : vector<16xi32>
        %parallel_loop3A_1291 = arith.constant 0 : i32
        %parallel_loop3A_1292 = arith.constant 0 : i32
        %parallel_loop3A_1293 = arith.constant 0 : i32
        %parallel_loop3A_1294 = tpu.memref_slice %arg7[%parallel_loop3A_372, %parallel_loop3A_1291, %parallel_loop3A_1292, %parallel_loop3A_1293] : memref<20x4x8x33xf32, #tpu.memory_space<vmem>> -> memref<1x4x8x33xf32, #tpu.memory_space<vmem>>
        %parallel_loop3A_1295 = tpu.memref_squeeze %parallel_loop3A_1294 : memref<1x4x8x33xf32, #tpu.memory_space<vmem>> -> memref<4x8x33xf32, #tpu.memory_space<vmem>>
        %parallel_loop3A_1296 = tpu.vector_load_idx %parallel_loop3A_1295[%parallel_loop3A_1290, %and3A_16, %parallel_loop3A_1278] : memref<4x8x33xf32, #tpu.memory_space<vmem>>[vector<16xi32>, vector<16xi32>, vector<16xi32>], vector<16xf32>,
        %parallel_loop3A_1297 = arith.constant 32 : i32
        %parallel_loop3A_1298 = arith.muli %parallel_loop3A_372, %parallel_loop3A_1297 : i32
        %parallel_loop3A_1299 = arith.constant 24 : i32
        %parallel_loop3A_1300 = arith.addi %parallel_loop3A_1298, %parallel_loop3A_1299 : i32
        %parallel_loop3A_1301 = arith.index_cast %parallel_loop3A_1300 : i32 to index
        %parallel_loop3A_1302 = arith.constant 0 : index
        %parallel_loop3A_1303 = tpu.vector_load %arg9[%parallel_loop3A_1301, %parallel_loop3A_1302] {strides = array<i32>} : memref<640x32xf32, #tpu.memory_space<vmem>>, vector<16xf32>,
        tpu.vector_store %arg9[%parallel_loop3A_1301, %parallel_loop3A_1302], %parallel_loop3A_1224 {strides = array<i32>} : memref<640x32xf32, #tpu.memory_space<vmem>>, vector<16xf32>,
        %parallel_loop3A_1304 = arith.constant 32 : i32
        %parallel_loop3A_1305 = arith.muli %parallel_loop3A_372, %parallel_loop3A_1304 : i32
        %parallel_loop3A_1306 = arith.constant 24 : i32
        %parallel_loop3A_1307 = arith.addi %parallel_loop3A_1305, %parallel_loop3A_1306 : i32
        %parallel_loop3A_1308 = arith.index_cast %parallel_loop3A_1307 : i32 to index
        %parallel_loop3A_1309 = arith.constant 16 : index
        %parallel_loop3A_1310 = tpu.vector_load %arg9[%parallel_loop3A_1308, %parallel_loop3A_1309] {strides = array<i32>} : memref<640x32xf32, #tpu.memory_space<vmem>>, vector<16xf32>,
        tpu.vector_store %arg9[%parallel_loop3A_1308, %parallel_loop3A_1309], %parallel_loop3A_1233 {strides = array<i32>} : memref<640x32xf32, #tpu.memory_space<vmem>>, vector<16xf32>,
        %parallel_loop3A_1311 = arith.constant 32 : i32
        %parallel_loop3A_1312 = arith.muli %parallel_loop3A_372, %parallel_loop3A_1311 : i32
        %parallel_loop3A_1313 = arith.constant 25 : i32
        %parallel_loop3A_1314 = arith.addi %parallel_loop3A_1312, %parallel_loop3A_1313 : i32
        %parallel_loop3A_1315 = arith.index_cast %parallel_loop3A_1314 : i32 to index
        %parallel_loop3A_1316 = arith.constant 0 : index
        %parallel_loop3A_1317 = tpu.vector_load %arg9[%parallel_loop3A_1315, %parallel_loop3A_1316] {strides = array<i32>} : memref<640x32xf32, #tpu.memory_space<vmem>>, vector<16xf32>,
        tpu.vector_store %arg9[%parallel_loop3A_1315, %parallel_loop3A_1316], %parallel_loop3A_1245 {strides = array<i32>} : memref<640x32xf32, #tpu.memory_space<vmem>>, vector<16xf32>,
        %parallel_loop3A_1318 = arith.constant 32 : i32
        %parallel_loop3A_1319 = arith.muli %parallel_loop3A_372, %parallel_loop3A_1318 : i32
        %parallel_loop3A_1320 = arith.constant 25 : i32
        %parallel_loop3A_1321 = arith.addi %parallel_loop3A_1319, %parallel_loop3A_1320 : i32
        %parallel_loop3A_1322 = arith.index_cast %parallel_loop3A_1321 : i32 to index
        %parallel_loop3A_1323 = arith.constant 16 : index
        %parallel_loop3A_1324 = tpu.vector_load %arg9[%parallel_loop3A_1322, %parallel_loop3A_1323] {strides = array<i32>} : memref<640x32xf32, #tpu.memory_space<vmem>>, vector<16xf32>,
        tpu.vector_store %arg9[%parallel_loop3A_1322, %parallel_loop3A_1323], %parallel_loop3A_1254 {strides = array<i32>} : memref<640x32xf32, #tpu.memory_space<vmem>>, vector<16xf32>,
        %parallel_loop3A_1325 = arith.constant 32 : i32
        %parallel_loop3A_1326 = arith.muli %parallel_loop3A_372, %parallel_loop3A_1325 : i32
        %parallel_loop3A_1327 = arith.constant 26 : i32
        %parallel_loop3A_1328 = arith.addi %parallel_loop3A_1326, %parallel_loop3A_1327 : i32
        %parallel_loop3A_1329 = arith.index_cast %parallel_loop3A_1328 : i32 to index
        %parallel_loop3A_1330 = arith.constant 0 : index
        %parallel_loop3A_1331 = tpu.vector_load %arg9[%parallel_loop3A_1329, %parallel_loop3A_1330] {strides = array<i32>} : memref<640x32xf32, #tpu.memory_space<vmem>>, vector<16xf32>,
        tpu.vector_store %arg9[%parallel_loop3A_1329, %parallel_loop3A_1330], %parallel_loop3A_1266 {strides = array<i32>} : memref<640x32xf32, #tpu.memory_space<vmem>>, vector<16xf32>,
        %parallel_loop3A_1332 = arith.constant 32 : i32
        %parallel_loop3A_1333 = arith.muli %parallel_loop3A_372, %parallel_loop3A_1332 : i32
        %parallel_loop3A_1334 = arith.constant 26 : i32
        %parallel_loop3A_1335 = arith.addi %parallel_loop3A_1333, %parallel_loop3A_1334 : i32
        %parallel_loop3A_1336 = arith.index_cast %parallel_loop3A_1335 : i32 to index
        %parallel_loop3A_1337 = arith.constant 16 : index
        %parallel_loop3A_1338 = tpu.vector_load %arg9[%parallel_loop3A_1336, %parallel_loop3A_1337] {strides = array<i32>} : memref<640x32xf32, #tpu.memory_space<vmem>>, vector<16xf32>,
        tpu.vector_store %arg9[%parallel_loop3A_1336, %parallel_loop3A_1337], %parallel_loop3A_1275 {strides = array<i32>} : memref<640x32xf32, #tpu.memory_space<vmem>>, vector<16xf32>,
        %parallel_loop3A_1339 = arith.constant 32 : i32
        %parallel_loop3A_1340 = arith.muli %parallel_loop3A_372, %parallel_loop3A_1339 : i32
        %parallel_loop3A_1341 = arith.constant 27 : i32
        %parallel_loop3A_1342 = arith.addi %parallel_loop3A_1340, %parallel_loop3A_1341 : i32
        %parallel_loop3A_1343 = arith.index_cast %parallel_loop3A_1342 : i32 to index
        %parallel_loop3A_1344 = arith.constant 0 : index
        %parallel_loop3A_1345 = tpu.vector_load %arg9[%parallel_loop3A_1343, %parallel_loop3A_1344] {strides = array<i32>} : memref<640x32xf32, #tpu.memory_space<vmem>>, vector<16xf32>,
        tpu.vector_store %arg9[%parallel_loop3A_1343, %parallel_loop3A_1344], %parallel_loop3A_1287 {strides = array<i32>} : memref<640x32xf32, #tpu.memory_space<vmem>>, vector<16xf32>,
        %parallel_loop3A_1346 = arith.constant 32 : i32
        %parallel_loop3A_1347 = arith.muli %parallel_loop3A_372, %parallel_loop3A_1346 : i32
        %parallel_loop3A_1348 = arith.constant 27 : i32
        %parallel_loop3A_1349 = arith.addi %parallel_loop3A_1347, %parallel_loop3A_1348 : i32
        %parallel_loop3A_1350 = arith.index_cast %parallel_loop3A_1349 : i32 to index
        %parallel_loop3A_1351 = arith.constant 16 : index
        %parallel_loop3A_1352 = tpu.vector_load %arg9[%parallel_loop3A_1350, %parallel_loop3A_1351] {strides = array<i32>} : memref<640x32xf32, #tpu.memory_space<vmem>>, vector<16xf32>,
        tpu.vector_store %arg9[%parallel_loop3A_1350, %parallel_loop3A_1351], %parallel_loop3A_1296 {strides = array<i32>} : memref<640x32xf32, #tpu.memory_space<vmem>>, vector<16xf32>,
        %parallel_loop3A_1353 = arith.constant 28 : i32
        %parallel_loop3A_1354 = vector.broadcast %parallel_loop3A_1353 : i32 to vector<16xi32>
        %parallel_loop3A_1355 = arith.addi %mul3A_10, %parallel_loop3A_1354 : vector<16xi32>
        %parallel_loop3A_1356 = arith.constant 0 : i32
        %parallel_loop3A_1357 = vector.broadcast %parallel_loop3A_1356 : i32 to vector<16xi32>
        %parallel_loop3A_1358 = arith.addi %shift_right_arithmetic3A_13, %parallel_loop3A_1357 : vector<16xi32>
        %parallel_loop3A_1359 = arith.constant 0 : i32
        %parallel_loop3A_1360 = arith.constant 0 : i32
        %parallel_loop3A_1361 = arith.constant 0 : i32
        %parallel_loop3A_1362 = tpu.memref_slice %arg7[%parallel_loop3A_372, %parallel_loop3A_1359, %parallel_loop3A_1360, %parallel_loop3A_1361] : memref<20x4x8x33xf32, #tpu.memory_space<vmem>> -> memref<1x4x8x33xf32, #tpu.memory_space<vmem>>
        %parallel_loop3A_1363 = tpu.memref_squeeze %parallel_loop3A_1362 : memref<1x4x8x33xf32, #tpu.memory_space<vmem>> -> memref<4x8x33xf32, #tpu.memory_space<vmem>>
        %parallel_loop3A_1364 = tpu.vector_load_idx %parallel_loop3A_1363[%parallel_loop3A_1358, %and3A_16, %parallel_loop3A_1355] : memref<4x8x33xf32, #tpu.memory_space<vmem>>[vector<16xi32>, vector<16xi32>, vector<16xi32>], vector<16xf32>,
        %parallel_loop3A_1365 = arith.constant 2 : i32
        %parallel_loop3A_1366 = vector.broadcast %parallel_loop3A_1365 : i32 to vector<16xi32>
        %parallel_loop3A_1367 = arith.addi %shift_right_arithmetic3A_13, %parallel_loop3A_1366 : vector<16xi32>
        %parallel_loop3A_1368 = arith.constant 0 : i32
        %parallel_loop3A_1369 = arith.constant 0 : i32
        %parallel_loop3A_1370 = arith.constant 0 : i32
        %parallel_loop3A_1371 = tpu.memref_slice %arg7[%parallel_loop3A_372, %parallel_loop3A_1368, %parallel_loop3A_1369, %parallel_loop3A_1370] : memref<20x4x8x33xf32, #tpu.memory_space<vmem>> -> memref<1x4x8x33xf32, #tpu.memory_space<vmem>>
        %parallel_loop3A_1372 = tpu.memref_squeeze %parallel_loop3A_1371 : memref<1x4x8x33xf32, #tpu.memory_space<vmem>> -> memref<4x8x33xf32, #tpu.memory_space<vmem>>
        %parallel_loop3A_1373 = tpu.vector_load_idx %parallel_loop3A_1372[%parallel_loop3A_1367, %and3A_16, %parallel_loop3A_1355] : memref<4x8x33xf32, #tpu.memory_space<vmem>>[vector<16xi32>, vector<16xi32>, vector<16xi32>], vector<16xf32>,
        %parallel_loop3A_1374 = arith.constant 29 : i32
        %parallel_loop3A_1375 = vector.broadcast %parallel_loop3A_1374 : i32 to vector<16xi32>
        %parallel_loop3A_1376 = arith.addi %mul3A_10, %parallel_loop3A_1375 : vector<16xi32>
        %parallel_loop3A_1377 = arith.constant 0 : i32
        %parallel_loop3A_1378 = vector.broadcast %parallel_loop3A_1377 : i32 to vector<16xi32>
        %parallel_loop3A_1379 = arith.addi %shift_right_arithmetic3A_13, %parallel_loop3A_1378 : vector<16xi32>
        %parallel_loop3A_1380 = arith.constant 0 : i32
        %parallel_loop3A_1381 = arith.constant 0 : i32
        %parallel_loop3A_1382 = arith.constant 0 : i32
        %parallel_loop3A_1383 = tpu.memref_slice %arg7[%parallel_loop3A_372, %parallel_loop3A_1380, %parallel_loop3A_1381, %parallel_loop3A_1382] : memref<20x4x8x33xf32, #tpu.memory_space<vmem>> -> memref<1x4x8x33xf32, #tpu.memory_space<vmem>>
        %parallel_loop3A_1384 = tpu.memref_squeeze %parallel_loop3A_1383 : memref<1x4x8x33xf32, #tpu.memory_space<vmem>> -> memref<4x8x33xf32, #tpu.memory_space<vmem>>
        %parallel_loop3A_1385 = tpu.vector_load_idx %parallel_loop3A_1384[%parallel_loop3A_1379, %and3A_16, %parallel_loop3A_1376] : memref<4x8x33xf32, #tpu.memory_space<vmem>>[vector<16xi32>, vector<16xi32>, vector<16xi32>], vector<16xf32>,
        %parallel_loop3A_1386 = arith.constant 2 : i32
        %parallel_loop3A_1387 = vector.broadcast %parallel_loop3A_1386 : i32 to vector<16xi32>
        %parallel_loop3A_1388 = arith.addi %shift_right_arithmetic3A_13, %parallel_loop3A_1387 : vector<16xi32>
        %parallel_loop3A_1389 = arith.constant 0 : i32
        %parallel_loop3A_1390 = arith.constant 0 : i32
        %parallel_loop3A_1391 = arith.constant 0 : i32
        %parallel_loop3A_1392 = tpu.memref_slice %arg7[%parallel_loop3A_372, %parallel_loop3A_1389, %parallel_loop3A_1390, %parallel_loop3A_1391] : memref<20x4x8x33xf32, #tpu.memory_space<vmem>> -> memref<1x4x8x33xf32, #tpu.memory_space<vmem>>
        %parallel_loop3A_1393 = tpu.memref_squeeze %parallel_loop3A_1392 : memref<1x4x8x33xf32, #tpu.memory_space<vmem>> -> memref<4x8x33xf32, #tpu.memory_space<vmem>>
        %parallel_loop3A_1394 = tpu.vector_load_idx %parallel_loop3A_1393[%parallel_loop3A_1388, %and3A_16, %parallel_loop3A_1376] : memref<4x8x33xf32, #tpu.memory_space<vmem>>[vector<16xi32>, vector<16xi32>, vector<16xi32>], vector<16xf32>,
        %parallel_loop3A_1395 = arith.constant 30 : i32
        %parallel_loop3A_1396 = vector.broadcast %parallel_loop3A_1395 : i32 to vector<16xi32>
        %parallel_loop3A_1397 = arith.addi %mul3A_10, %parallel_loop3A_1396 : vector<16xi32>
        %parallel_loop3A_1398 = arith.constant 0 : i32
        %parallel_loop3A_1399 = vector.broadcast %parallel_loop3A_1398 : i32 to vector<16xi32>
        %parallel_loop3A_1400 = arith.addi %shift_right_arithmetic3A_13, %parallel_loop3A_1399 : vector<16xi32>
        %parallel_loop3A_1401 = arith.constant 0 : i32
        %parallel_loop3A_1402 = arith.constant 0 : i32
        %parallel_loop3A_1403 = arith.constant 0 : i32
        %parallel_loop3A_1404 = tpu.memref_slice %arg7[%parallel_loop3A_372, %parallel_loop3A_1401, %parallel_loop3A_1402, %parallel_loop3A_1403] : memref<20x4x8x33xf32, #tpu.memory_space<vmem>> -> memref<1x4x8x33xf32, #tpu.memory_space<vmem>>
        %parallel_loop3A_1405 = tpu.memref_squeeze %parallel_loop3A_1404 : memref<1x4x8x33xf32, #tpu.memory_space<vmem>> -> memref<4x8x33xf32, #tpu.memory_space<vmem>>
        %parallel_loop3A_1406 = tpu.vector_load_idx %parallel_loop3A_1405[%parallel_loop3A_1400, %and3A_16, %parallel_loop3A_1397] : memref<4x8x33xf32, #tpu.memory_space<vmem>>[vector<16xi32>, vector<16xi32>, vector<16xi32>], vector<16xf32>,
        %parallel_loop3A_1407 = arith.constant 2 : i32
        %parallel_loop3A_1408 = vector.broadcast %parallel_loop3A_1407 : i32 to vector<16xi32>
        %parallel_loop3A_1409 = arith.addi %shift_right_arithmetic3A_13, %parallel_loop3A_1408 : vector<16xi32>
        %parallel_loop3A_1410 = arith.constant 0 : i32
        %parallel_loop3A_1411 = arith.constant 0 : i32
        %parallel_loop3A_1412 = arith.constant 0 : i32
        %parallel_loop3A_1413 = tpu.memref_slice %arg7[%parallel_loop3A_372, %parallel_loop3A_1410, %parallel_loop3A_1411, %parallel_loop3A_1412] : memref<20x4x8x33xf32, #tpu.memory_space<vmem>> -> memref<1x4x8x33xf32, #tpu.memory_space<vmem>>
        %parallel_loop3A_1414 = tpu.memref_squeeze %parallel_loop3A_1413 : memref<1x4x8x33xf32, #tpu.memory_space<vmem>> -> memref<4x8x33xf32, #tpu.memory_space<vmem>>
        %parallel_loop3A_1415 = tpu.vector_load_idx %parallel_loop3A_1414[%parallel_loop3A_1409, %and3A_16, %parallel_loop3A_1397] : memref<4x8x33xf32, #tpu.memory_space<vmem>>[vector<16xi32>, vector<16xi32>, vector<16xi32>], vector<16xf32>,
        %parallel_loop3A_1416 = arith.constant 31 : i32
        %parallel_loop3A_1417 = vector.broadcast %parallel_loop3A_1416 : i32 to vector<16xi32>
        %parallel_loop3A_1418 = arith.addi %mul3A_10, %parallel_loop3A_1417 : vector<16xi32>
        %parallel_loop3A_1419 = arith.constant 0 : i32
        %parallel_loop3A_1420 = vector.broadcast %parallel_loop3A_1419 : i32 to vector<16xi32>
        %parallel_loop3A_1421 = arith.addi %shift_right_arithmetic3A_13, %parallel_loop3A_1420 : vector<16xi32>
        %parallel_loop3A_1422 = arith.constant 0 : i32
        %parallel_loop3A_1423 = arith.constant 0 : i32
        %parallel_loop3A_1424 = arith.constant 0 : i32
        %parallel_loop3A_1425 = tpu.memref_slice %arg7[%parallel_loop3A_372, %parallel_loop3A_1422, %parallel_loop3A_1423, %parallel_loop3A_1424] : memref<20x4x8x33xf32, #tpu.memory_space<vmem>> -> memref<1x4x8x33xf32, #tpu.memory_space<vmem>>
        %parallel_loop3A_1426 = tpu.memref_squeeze %parallel_loop3A_1425 : memref<1x4x8x33xf32, #tpu.memory_space<vmem>> -> memref<4x8x33xf32, #tpu.memory_space<vmem>>
        %parallel_loop3A_1427 = tpu.vector_load_idx %parallel_loop3A_1426[%parallel_loop3A_1421, %and3A_16, %parallel_loop3A_1418] : memref<4x8x33xf32, #tpu.memory_space<vmem>>[vector<16xi32>, vector<16xi32>, vector<16xi32>], vector<16xf32>,
        %parallel_loop3A_1428 = arith.constant 2 : i32
        %parallel_loop3A_1429 = vector.broadcast %parallel_loop3A_1428 : i32 to vector<16xi32>
        %parallel_loop3A_1430 = arith.addi %shift_right_arithmetic3A_13, %parallel_loop3A_1429 : vector<16xi32>
        %parallel_loop3A_1431 = arith.constant 0 : i32
        %parallel_loop3A_1432 = arith.constant 0 : i32
        %parallel_loop3A_1433 = arith.constant 0 : i32
        %parallel_loop3A_1434 = tpu.memref_slice %arg7[%parallel_loop3A_372, %parallel_loop3A_1431, %parallel_loop3A_1432, %parallel_loop3A_1433] : memref<20x4x8x33xf32, #tpu.memory_space<vmem>> -> memref<1x4x8x33xf32, #tpu.memory_space<vmem>>
        %parallel_loop3A_1435 = tpu.memref_squeeze %parallel_loop3A_1434 : memref<1x4x8x33xf32, #tpu.memory_space<vmem>> -> memref<4x8x33xf32, #tpu.memory_space<vmem>>
        %parallel_loop3A_1436 = tpu.vector_load_idx %parallel_loop3A_1435[%parallel_loop3A_1430, %and3A_16, %parallel_loop3A_1418] : memref<4x8x33xf32, #tpu.memory_space<vmem>>[vector<16xi32>, vector<16xi32>, vector<16xi32>], vector<16xf32>,
        %parallel_loop3A_1437 = arith.constant 32 : i32
        %parallel_loop3A_1438 = arith.muli %parallel_loop3A_372, %parallel_loop3A_1437 : i32
        %parallel_loop3A_1439 = arith.constant 28 : i32
        %parallel_loop3A_1440 = arith.addi %parallel_loop3A_1438, %parallel_loop3A_1439 : i32
        %parallel_loop3A_1441 = arith.index_cast %parallel_loop3A_1440 : i32 to index
        %parallel_loop3A_1442 = arith.constant 0 : index
        %parallel_loop3A_1443 = tpu.vector_load %arg9[%parallel_loop3A_1441, %parallel_loop3A_1442] {strides = array<i32>} : memref<640x32xf32, #tpu.memory_space<vmem>>, vector<16xf32>,
        tpu.vector_store %arg9[%parallel_loop3A_1441, %parallel_loop3A_1442], %parallel_loop3A_1364 {strides = array<i32>} : memref<640x32xf32, #tpu.memory_space<vmem>>, vector<16xf32>,
        %parallel_loop3A_1444 = arith.constant 32 : i32
        %parallel_loop3A_1445 = arith.muli %parallel_loop3A_372, %parallel_loop3A_1444 : i32
        %parallel_loop3A_1446 = arith.constant 28 : i32
        %parallel_loop3A_1447 = arith.addi %parallel_loop3A_1445, %parallel_loop3A_1446 : i32
        %parallel_loop3A_1448 = arith.index_cast %parallel_loop3A_1447 : i32 to index
        %parallel_loop3A_1449 = arith.constant 16 : index
        %parallel_loop3A_1450 = tpu.vector_load %arg9[%parallel_loop3A_1448, %parallel_loop3A_1449] {strides = array<i32>} : memref<640x32xf32, #tpu.memory_space<vmem>>, vector<16xf32>,
        tpu.vector_store %arg9[%parallel_loop3A_1448, %parallel_loop3A_1449], %parallel_loop3A_1373 {strides = array<i32>} : memref<640x32xf32, #tpu.memory_space<vmem>>, vector<16xf32>,
        %parallel_loop3A_1451 = arith.constant 32 : i32
        %parallel_loop3A_1452 = arith.muli %parallel_loop3A_372, %parallel_loop3A_1451 : i32
        %parallel_loop3A_1453 = arith.constant 29 : i32
        %parallel_loop3A_1454 = arith.addi %parallel_loop3A_1452, %parallel_loop3A_1453 : i32
        %parallel_loop3A_1455 = arith.index_cast %parallel_loop3A_1454 : i32 to index
        %parallel_loop3A_1456 = arith.constant 0 : index
        %parallel_loop3A_1457 = tpu.vector_load %arg9[%parallel_loop3A_1455, %parallel_loop3A_1456] {strides = array<i32>} : memref<640x32xf32, #tpu.memory_space<vmem>>, vector<16xf32>,
        tpu.vector_store %arg9[%parallel_loop3A_1455, %parallel_loop3A_1456], %parallel_loop3A_1385 {strides = array<i32>} : memref<640x32xf32, #tpu.memory_space<vmem>>, vector<16xf32>,
        %parallel_loop3A_1458 = arith.constant 32 : i32
        %parallel_loop3A_1459 = arith.muli %parallel_loop3A_372, %parallel_loop3A_1458 : i32
        %parallel_loop3A_1460 = arith.constant 29 : i32
        %parallel_loop3A_1461 = arith.addi %parallel_loop3A_1459, %parallel_loop3A_1460 : i32
        %parallel_loop3A_1462 = arith.index_cast %parallel_loop3A_1461 : i32 to index
        %parallel_loop3A_1463 = arith.constant 16 : index
        %parallel_loop3A_1464 = tpu.vector_load %arg9[%parallel_loop3A_1462, %parallel_loop3A_1463] {strides = array<i32>} : memref<640x32xf32, #tpu.memory_space<vmem>>, vector<16xf32>,
        tpu.vector_store %arg9[%parallel_loop3A_1462, %parallel_loop3A_1463], %parallel_loop3A_1394 {strides = array<i32>} : memref<640x32xf32, #tpu.memory_space<vmem>>, vector<16xf32>,
        %parallel_loop3A_1465 = arith.constant 32 : i32
        %parallel_loop3A_1466 = arith.muli %parallel_loop3A_372, %parallel_loop3A_1465 : i32
        %parallel_loop3A_1467 = arith.constant 30 : i32
        %parallel_loop3A_1468 = arith.addi %parallel_loop3A_1466, %parallel_loop3A_1467 : i32
        %parallel_loop3A_1469 = arith.index_cast %parallel_loop3A_1468 : i32 to index
        %parallel_loop3A_1470 = arith.constant 0 : index
        %parallel_loop3A_1471 = tpu.vector_load %arg9[%parallel_loop3A_1469, %parallel_loop3A_1470] {strides = array<i32>} : memref<640x32xf32, #tpu.memory_space<vmem>>, vector<16xf32>,
        tpu.vector_store %arg9[%parallel_loop3A_1469, %parallel_loop3A_1470], %parallel_loop3A_1406 {strides = array<i32>} : memref<640x32xf32, #tpu.memory_space<vmem>>, vector<16xf32>,
        %parallel_loop3A_1472 = arith.constant 32 : i32
        %parallel_loop3A_1473 = arith.muli %parallel_loop3A_372, %parallel_loop3A_1472 : i32
        %parallel_loop3A_1474 = arith.constant 30 : i32
        %parallel_loop3A_1475 = arith.addi %parallel_loop3A_1473, %parallel_loop3A_1474 : i32
        %parallel_loop3A_1476 = arith.index_cast %parallel_loop3A_1475 : i32 to index
        %parallel_loop3A_1477 = arith.constant 16 : index
        %parallel_loop3A_1478 = tpu.vector_load %arg9[%parallel_loop3A_1476, %parallel_loop3A_1477] {strides = array<i32>} : memref<640x32xf32, #tpu.memory_space<vmem>>, vector<16xf32>,
        tpu.vector_store %arg9[%parallel_loop3A_1476, %parallel_loop3A_1477], %parallel_loop3A_1415 {strides = array<i32>} : memref<640x32xf32, #tpu.memory_space<vmem>>, vector<16xf32>,
        %parallel_loop3A_1479 = arith.constant 32 : i32
        %parallel_loop3A_1480 = arith.muli %parallel_loop3A_372, %parallel_loop3A_1479 : i32
        %parallel_loop3A_1481 = arith.constant 31 : i32
        %parallel_loop3A_1482 = arith.addi %parallel_loop3A_1480, %parallel_loop3A_1481 : i32
        %parallel_loop3A_1483 = arith.index_cast %parallel_loop3A_1482 : i32 to index
        %parallel_loop3A_1484 = arith.constant 0 : index
        %parallel_loop3A_1485 = tpu.vector_load %arg9[%parallel_loop3A_1483, %parallel_loop3A_1484] {strides = array<i32>} : memref<640x32xf32, #tpu.memory_space<vmem>>, vector<16xf32>,
        tpu.vector_store %arg9[%parallel_loop3A_1483, %parallel_loop3A_1484], %parallel_loop3A_1427 {strides = array<i32>} : memref<640x32xf32, #tpu.memory_space<vmem>>, vector<16xf32>,
        %parallel_loop3A_1486 = arith.constant 32 : i32
        %parallel_loop3A_1487 = arith.muli %parallel_loop3A_372, %parallel_loop3A_1486 : i32
        %parallel_loop3A_1488 = arith.constant 31 : i32
        %parallel_loop3A_1489 = arith.addi %parallel_loop3A_1487, %parallel_loop3A_1488 : i32
        %parallel_loop3A_1490 = arith.index_cast %parallel_loop3A_1489 : i32 to index
        %parallel_loop3A_1491 = arith.constant 16 : index
        %parallel_loop3A_1492 = tpu.vector_load %arg9[%parallel_loop3A_1490, %parallel_loop3A_1491] {strides = array<i32>} : memref<640x32xf32, #tpu.memory_space<vmem>>, vector<16xf32>,
        tpu.vector_store %arg9[%parallel_loop3A_1490, %parallel_loop3A_1491], %parallel_loop3A_1436 {strides = array<i32>} : memref<640x32xf32, #tpu.memory_space<vmem>>, vector<16xf32>,
        %parallel_loop3A_1493 = arith.constant 32 : i32
        %parallel_loop3A_1494 = arith.muli %parallel_loop3A_372, %parallel_loop3A_1493 : i32
        %parallel_loop3A_1495 = arith.addi %add3A_318, %parallel_loop3A_372 : i32
        %parallel_loop3A_1496 = vector.broadcast %parallel_loop3A_1495 : i32 to vector<16xi32>
        %parallel_loop3A_1497 = arith.addi %mul3A_21, %parallel_loop3A_1496 : vector<16xi32>
        %parallel_loop3A_1498 = arith.constant 7 : i32
        %parallel_loop3A_1499 = arith.shrsi %parallel_loop3A_1494, %parallel_loop3A_1498 : i32
        %parallel_loop3A_1500 = arith.constant 127 : i32
        %parallel_loop3A_1501 = arith.andi %parallel_loop3A_1494, %parallel_loop3A_1500 : i32
        %parallel_loop3A_1502 = arith.index_cast %parallel_loop3A_1499 : i32 to index
        %parallel_loop3A_1503 = arith.index_cast %parallel_loop3A_1501 : i32 to index
        %parallel_loop3A_1504 = tpu.vector_load %arg11[%parallel_loop3A_1502, %parallel_loop3A_1503] {strides = array<i32>} : memref<5x128xi32, #tpu.memory_space<vmem>>, vector<16xi32>,
        tpu.vector_store %arg11[%parallel_loop3A_1502, %parallel_loop3A_1503], %parallel_loop3A_1497 {strides = array<i32>} : memref<5x128xi32, #tpu.memory_space<vmem>>, vector<16xi32>,
        %parallel_loop3A_1505 = arith.constant 16 : i32
        %parallel_loop3A_1506 = arith.addi %parallel_loop3A_1494, %parallel_loop3A_1505 : i32
        %parallel_loop3A_1507 = arith.addi %add3A_318, %parallel_loop3A_372 : i32
        %parallel_loop3A_1508 = vector.broadcast %parallel_loop3A_1507 : i32 to vector<16xi32>
        %parallel_loop3A_1509 = arith.addi %mul3A_28, %parallel_loop3A_1508 : vector<16xi32>
        %parallel_loop3A_1510 = arith.constant 7 : i32
        %parallel_loop3A_1511 = arith.shrsi %parallel_loop3A_1506, %parallel_loop3A_1510 : i32
        %parallel_loop3A_1512 = arith.constant 127 : i32
        %parallel_loop3A_1513 = arith.andi %parallel_loop3A_1506, %parallel_loop3A_1512 : i32
        %parallel_loop3A_1514 = arith.index_cast %parallel_loop3A_1511 : i32 to index
        %parallel_loop3A_1515 = arith.index_cast %parallel_loop3A_1513 : i32 to index
        %parallel_loop3A_1516 = tpu.vector_load %arg11[%parallel_loop3A_1514, %parallel_loop3A_1515] {strides = array<i32>} : memref<5x128xi32, #tpu.memory_space<vmem>>, vector<16xi32>,
        tpu.vector_store %arg11[%parallel_loop3A_1514, %parallel_loop3A_1515], %parallel_loop3A_1509 {strides = array<i32>} : memref<5x128xi32, #tpu.memory_space<vmem>>, vector<16xi32>,
      } {sc.loop_unroll_factor = 2 : i64, sc.parallel_access}
      %dma_start3A_322 = arith.constant 0 : i32
      %dma_start3A_323 = arith.constant 0 : i32
      %dma_start3A_324 = arith.constant 0 : i32
      %dma_start3A_325 = tpu.memref_slice %arg9[%dma_start3A_323, %dma_start3A_324] : memref<640x32xf32, #tpu.memory_space<vmem>> -> memref<128x32xf32, #tpu.memory_space<vmem>>
      %dma_start3A_326 = arith.constant 0 : i32
      %dma_start3A_327 = tpu.memref_slice %arg11[%dma_start3A_322, %dma_start3A_326] : memref<5x128xi32, #tpu.memory_space<vmem>> -> memref<1x128xi32, #tpu.memory_space<vmem>>
      %dma_start3A_328 = tpu.memref_squeeze %dma_start3A_327 : memref<1x128xi32, #tpu.memory_space<vmem>> -> memref<128xi32, #tpu.memory_space<vmem>>
      %dma_start3A_329 = arith.constant 0 : i32
      %dma_start3A_330 = arith.constant 0 : i32
      %dma_start3A_331 = tpu.memref_slice %arg5[%dma_start3A_329, %dma_start3A_330] : memref<1024000x32xf32, #tpu.memory_space<hbm>> -> memref<1024000x32xf32, #tpu.memory_space<hbm>>
      tpu.enqueue_indirect_dma source(%dma_start3A_325 : memref<128x32xf32, #tpu.memory_space<vmem>>) target(%dma_start3A_331 : memref<1024000x32xf32, #tpu.memory_space<hbm>>) offsets(%dma_start3A_328 : memref<128xi32, #tpu.memory_space<vmem>>) semaphore(%arg20 : memref<!tpu.dma_semaphore, #tpu.memory_space<semaphore_mem>>)
      %dma_start3A_332 = arith.constant 1 : i32
      %dma_start3A_333 = arith.constant 128 : i32
      %dma_start3A_334 = arith.constant 0 : i32
      %dma_start3A_335 = tpu.memref_slice %arg9[%dma_start3A_333, %dma_start3A_334] : memref<640x32xf32, #tpu.memory_space<vmem>> -> memref<128x32xf32, #tpu.memory_space<vmem>>
      %dma_start3A_336 = arith.constant 0 : i32
      %dma_start3A_337 = tpu.memref_slice %arg11[%dma_start3A_332, %dma_start3A_336] : memref<5x128xi32, #tpu.memory_space<vmem>> -> memref<1x128xi32, #tpu.memory_space<vmem>>
      %dma_start3A_338 = tpu.memref_squeeze %dma_start3A_337 : memref<1x128xi32, #tpu.memory_space<vmem>> -> memref<128xi32, #tpu.memory_space<vmem>>
      %dma_start3A_339 = arith.constant 0 : i32
      %dma_start3A_340 = arith.constant 0 : i32
      %dma_start3A_341 = tpu.memref_slice %arg5[%dma_start3A_339, %dma_start3A_340] : memref<1024000x32xf32, #tpu.memory_space<hbm>> -> memref<1024000x32xf32, #tpu.memory_space<hbm>>
      tpu.enqueue_indirect_dma source(%dma_start3A_335 : memref<128x32xf32, #tpu.memory_space<vmem>>) target(%dma_start3A_341 : memref<1024000x32xf32, #tpu.memory_space<hbm>>) offsets(%dma_start3A_338 : memref<128xi32, #tpu.memory_space<vmem>>) semaphore(%arg20 : memref<!tpu.dma_semaphore, #tpu.memory_space<semaphore_mem>>)
      %dma_start3A_342 = arith.constant 2 : i32
      %dma_start3A_343 = arith.constant 256 : i32
      %dma_start3A_344 = arith.constant 0 : i32
      %dma_start3A_345 = tpu.memref_slice %arg9[%dma_start3A_343, %dma_start3A_344] : memref<640x32xf32, #tpu.memory_space<vmem>> -> memref<128x32xf32, #tpu.memory_space<vmem>>
      %dma_start3A_346 = arith.constant 0 : i32
      %dma_start3A_347 = tpu.memref_slice %arg11[%dma_start3A_342, %dma_start3A_346] : memref<5x128xi32, #tpu.memory_space<vmem>> -> memref<1x128xi32, #tpu.memory_space<vmem>>
      %dma_start3A_348 = tpu.memref_squeeze %dma_start3A_347 : memref<1x128xi32, #tpu.memory_space<vmem>> -> memref<128xi32, #tpu.memory_space<vmem>>
      %dma_start3A_349 = arith.constant 0 : i32
      %dma_start3A_350 = arith.constant 0 : i32
      %dma_start3A_351 = tpu.memref_slice %arg5[%dma_start3A_349, %dma_start3A_350] : memref<1024000x32xf32, #tpu.memory_space<hbm>> -> memref<1024000x32xf32, #tpu.memory_space<hbm>>
      tpu.enqueue_indirect_dma source(%dma_start3A_345 : memref<128x32xf32, #tpu.memory_space<vmem>>) target(%dma_start3A_351 : memref<1024000x32xf32, #tpu.memory_space<hbm>>) offsets(%dma_start3A_348 : memref<128xi32, #tpu.memory_space<vmem>>) semaphore(%arg20 : memref<!tpu.dma_semaphore, #tpu.memory_space<semaphore_mem>>)
      %dma_start3A_352 = arith.constant 3 : i32
      %dma_start3A_353 = arith.constant 384 : i32
      %dma_start3A_354 = arith.constant 0 : i32
      %dma_start3A_355 = tpu.memref_slice %arg9[%dma_start3A_353, %dma_start3A_354] : memref<640x32xf32, #tpu.memory_space<vmem>> -> memref<128x32xf32, #tpu.memory_space<vmem>>
      %dma_start3A_356 = arith.constant 0 : i32
      %dma_start3A_357 = tpu.memref_slice %arg11[%dma_start3A_352, %dma_start3A_356] : memref<5x128xi32, #tpu.memory_space<vmem>> -> memref<1x128xi32, #tpu.memory_space<vmem>>
      %dma_start3A_358 = tpu.memref_squeeze %dma_start3A_357 : memref<1x128xi32, #tpu.memory_space<vmem>> -> memref<128xi32, #tpu.memory_space<vmem>>
      %dma_start3A_359 = arith.constant 0 : i32
      %dma_start3A_360 = arith.constant 0 : i32
      %dma_start3A_361 = tpu.memref_slice %arg5[%dma_start3A_359, %dma_start3A_360] : memref<1024000x32xf32, #tpu.memory_space<hbm>> -> memref<1024000x32xf32, #tpu.memory_space<hbm>>
      tpu.enqueue_indirect_dma source(%dma_start3A_355 : memref<128x32xf32, #tpu.memory_space<vmem>>) target(%dma_start3A_361 : memref<1024000x32xf32, #tpu.memory_space<hbm>>) offsets(%dma_start3A_358 : memref<128xi32, #tpu.memory_space<vmem>>) semaphore(%arg20 : memref<!tpu.dma_semaphore, #tpu.memory_space<semaphore_mem>>)
      %dma_start3A_362 = arith.constant 4 : i32
      %dma_start3A_363 = arith.constant 512 : i32
      %dma_start3A_364 = arith.constant 0 : i32
      %dma_start3A_365 = tpu.memref_slice %arg9[%dma_start3A_363, %dma_start3A_364] : memref<640x32xf32, #tpu.memory_space<vmem>> -> memref<128x32xf32, #tpu.memory_space<vmem>>
      %dma_start3A_366 = arith.constant 0 : i32
      %dma_start3A_367 = tpu.memref_slice %arg11[%dma_start3A_362, %dma_start3A_366] : memref<5x128xi32, #tpu.memory_space<vmem>> -> memref<1x128xi32, #tpu.memory_space<vmem>>
      %dma_start3A_368 = tpu.memref_squeeze %dma_start3A_367 : memref<1x128xi32, #tpu.memory_space<vmem>> -> memref<128xi32, #tpu.memory_space<vmem>>
      %dma_start3A_369 = arith.constant 0 : i32
      %dma_start3A_370 = arith.constant 0 : i32
      %dma_start3A_371 = tpu.memref_slice %arg5[%dma_start3A_369, %dma_start3A_370] : memref<1024000x32xf32, #tpu.memory_space<hbm>> -> memref<1024000x32xf32, #tpu.memory_space<hbm>>
      tpu.enqueue_indirect_dma source(%dma_start3A_365 : memref<128x32xf32, #tpu.memory_space<vmem>>) target(%dma_start3A_371 : memref<1024000x32xf32, #tpu.memory_space<hbm>>) offsets(%dma_start3A_368 : memref<128xi32, #tpu.memory_space<vmem>>) semaphore(%arg20 : memref<!tpu.dma_semaphore, #tpu.memory_space<semaphore_mem>>)
    }
    %scan3A_52 = arith.constant 25 : i32
    %dma_wait3A = arith.constant 0 : i32
    %dma_wait3A_53 = arith.constant 0 : i32
    %dma_wait3A_54 = arith.constant 0 : i32
    %dma_wait3A_55 = tpu.memref_slice %arg8[%dma_wait3A_53, %dma_wait3A_54] : memref<640x32xf32, #tpu.memory_space<vmem>> -> memref<128x32xf32, #tpu.memory_space<vmem>>
    %dma_wait3A_56 = arith.constant 0 : i32
    %dma_wait3A_57 = tpu.memref_slice %arg10[%dma_wait3A, %dma_wait3A_56] : memref<5x128xi32, #tpu.memory_space<vmem>> -> memref<1x128xi32, #tpu.memory_space<vmem>>
    %dma_wait3A_58 = tpu.memref_squeeze %dma_wait3A_57 : memref<1x128xi32, #tpu.memory_space<vmem>> -> memref<128xi32, #tpu.memory_space<vmem>>
    %dma_wait3A_59 = arith.constant 0 : i32
    %dma_wait3A_60 = arith.constant 0 : i32
    %dma_wait3A_61 = tpu.memref_slice %arg5[%dma_wait3A_59, %dma_wait3A_60] : memref<1024000x32xf32, #tpu.memory_space<hbm>> -> memref<1024000x32xf32, #tpu.memory_space<hbm>>
    tpu.wait_indirect_dma semaphore(%arg19 : memref<!tpu.dma_semaphore, #tpu.memory_space<semaphore_mem>>) src(%dma_wait3A_55 : memref<128x32xf32, #tpu.memory_space<vmem>>) dst(%dma_wait3A_61 : memref<1024000x32xf32, #tpu.memory_space<hbm>>)
    %dma_wait3A_62 = arith.constant 1 : i32
    %dma_wait3A_63 = arith.constant 128 : i32
    %dma_wait3A_64 = arith.constant 0 : i32
    %dma_wait3A_65 = tpu.memref_slice %arg8[%dma_wait3A_63, %dma_wait3A_64] : memref<640x32xf32, #tpu.memory_space<vmem>> -> memref<128x32xf32, #tpu.memory_space<vmem>>
    %dma_wait3A_66 = arith.constant 0 : i32
    %dma_wait3A_67 = tpu.memref_slice %arg10[%dma_wait3A_62, %dma_wait3A_66] : memref<5x128xi32, #tpu.memory_space<vmem>> -> memref<1x128xi32, #tpu.memory_space<vmem>>
    %dma_wait3A_68 = tpu.memref_squeeze %dma_wait3A_67 : memref<1x128xi32, #tpu.memory_space<vmem>> -> memref<128xi32, #tpu.memory_space<vmem>>
    %dma_wait3A_69 = arith.constant 0 : i32
    %dma_wait3A_70 = arith.constant 0 : i32
    %dma_wait3A_71 = tpu.memref_slice %arg5[%dma_wait3A_69, %dma_wait3A_70] : memref<1024000x32xf32, #tpu.memory_space<hbm>> -> memref<1024000x32xf32, #tpu.memory_space<hbm>>
    tpu.wait_indirect_dma semaphore(%arg19 : memref<!tpu.dma_semaphore, #tpu.memory_space<semaphore_mem>>) src(%dma_wait3A_65 : memref<128x32xf32, #tpu.memory_space<vmem>>) dst(%dma_wait3A_71 : memref<1024000x32xf32, #tpu.memory_space<hbm>>)
    %dma_wait3A_72 = arith.constant 2 : i32
    %dma_wait3A_73 = arith.constant 256 : i32
    %dma_wait3A_74 = arith.constant 0 : i32
    %dma_wait3A_75 = tpu.memref_slice %arg8[%dma_wait3A_73, %dma_wait3A_74] : memref<640x32xf32, #tpu.memory_space<vmem>> -> memref<128x32xf32, #tpu.memory_space<vmem>>
    %dma_wait3A_76 = arith.constant 0 : i32
    %dma_wait3A_77 = tpu.memref_slice %arg10[%dma_wait3A_72, %dma_wait3A_76] : memref<5x128xi32, #tpu.memory_space<vmem>> -> memref<1x128xi32, #tpu.memory_space<vmem>>
    %dma_wait3A_78 = tpu.memref_squeeze %dma_wait3A_77 : memref<1x128xi32, #tpu.memory_space<vmem>> -> memref<128xi32, #tpu.memory_space<vmem>>
    %dma_wait3A_79 = arith.constant 0 : i32
    %dma_wait3A_80 = arith.constant 0 : i32
    %dma_wait3A_81 = tpu.memref_slice %arg5[%dma_wait3A_79, %dma_wait3A_80] : memref<1024000x32xf32, #tpu.memory_space<hbm>> -> memref<1024000x32xf32, #tpu.memory_space<hbm>>
    tpu.wait_indirect_dma semaphore(%arg19 : memref<!tpu.dma_semaphore, #tpu.memory_space<semaphore_mem>>) src(%dma_wait3A_75 : memref<128x32xf32, #tpu.memory_space<vmem>>) dst(%dma_wait3A_81 : memref<1024000x32xf32, #tpu.memory_space<hbm>>)
    %dma_wait3A_82 = arith.constant 3 : i32
    %dma_wait3A_83 = arith.constant 384 : i32
    %dma_wait3A_84 = arith.constant 0 : i32
    %dma_wait3A_85 = tpu.memref_slice %arg8[%dma_wait3A_83, %dma_wait3A_84] : memref<640x32xf32, #tpu.memory_space<vmem>> -> memref<128x32xf32, #tpu.memory_space<vmem>>
    %dma_wait3A_86 = arith.constant 0 : i32
    %dma_wait3A_87 = tpu.memref_slice %arg10[%dma_wait3A_82, %dma_wait3A_86] : memref<5x128xi32, #tpu.memory_space<vmem>> -> memref<1x128xi32, #tpu.memory_space<vmem>>
    %dma_wait3A_88 = tpu.memref_squeeze %dma_wait3A_87 : memref<1x128xi32, #tpu.memory_space<vmem>> -> memref<128xi32, #tpu.memory_space<vmem>>
    %dma_wait3A_89 = arith.constant 0 : i32
    %dma_wait3A_90 = arith.constant 0 : i32
    %dma_wait3A_91 = tpu.memref_slice %arg5[%dma_wait3A_89, %dma_wait3A_90] : memref<1024000x32xf32, #tpu.memory_space<hbm>> -> memref<1024000x32xf32, #tpu.memory_space<hbm>>
    tpu.wait_indirect_dma semaphore(%arg19 : memref<!tpu.dma_semaphore, #tpu.memory_space<semaphore_mem>>) src(%dma_wait3A_85 : memref<128x32xf32, #tpu.memory_space<vmem>>) dst(%dma_wait3A_91 : memref<1024000x32xf32, #tpu.memory_space<hbm>>)
    %dma_wait3A_92 = arith.constant 4 : i32
    %dma_wait3A_93 = arith.constant 512 : i32
    %dma_wait3A_94 = arith.constant 0 : i32
    %dma_wait3A_95 = tpu.memref_slice %arg8[%dma_wait3A_93, %dma_wait3A_94] : memref<640x32xf32, #tpu.memory_space<vmem>> -> memref<128x32xf32, #tpu.memory_space<vmem>>
    %dma_wait3A_96 = arith.constant 0 : i32
    %dma_wait3A_97 = tpu.memref_slice %arg10[%dma_wait3A_92, %dma_wait3A_96] : memref<5x128xi32, #tpu.memory_space<vmem>> -> memref<1x128xi32, #tpu.memory_space<vmem>>
    %dma_wait3A_98 = tpu.memref_squeeze %dma_wait3A_97 : memref<1x128xi32, #tpu.memory_space<vmem>> -> memref<128xi32, #tpu.memory_space<vmem>>
    %dma_wait3A_99 = arith.constant 0 : i32
    %dma_wait3A_100 = arith.constant 0 : i32
    %dma_wait3A_101 = tpu.memref_slice %arg5[%dma_wait3A_99, %dma_wait3A_100] : memref<1024000x32xf32, #tpu.memory_space<hbm>> -> memref<1024000x32xf32, #tpu.memory_space<hbm>>
    tpu.wait_indirect_dma semaphore(%arg19 : memref<!tpu.dma_semaphore, #tpu.memory_space<semaphore_mem>>) src(%dma_wait3A_95 : memref<128x32xf32, #tpu.memory_space<vmem>>) dst(%dma_wait3A_101 : memref<1024000x32xf32, #tpu.memory_space<hbm>>)
    %dma_wait3A_102 = arith.constant 0 : i32
    %dma_wait3A_103 = arith.constant 0 : i32
    %dma_wait3A_104 = arith.constant 0 : i32
    %dma_wait3A_105 = tpu.memref_slice %arg9[%dma_wait3A_103, %dma_wait3A_104] : memref<640x32xf32, #tpu.memory_space<vmem>> -> memref<128x32xf32, #tpu.memory_space<vmem>>
    %dma_wait3A_106 = arith.constant 0 : i32
    %dma_wait3A_107 = tpu.memref_slice %arg11[%dma_wait3A_102, %dma_wait3A_106] : memref<5x128xi32, #tpu.memory_space<vmem>> -> memref<1x128xi32, #tpu.memory_space<vmem>>
    %dma_wait3A_108 = tpu.memref_squeeze %dma_wait3A_107 : memref<1x128xi32, #tpu.memory_space<vmem>> -> memref<128xi32, #tpu.memory_space<vmem>>
    %dma_wait3A_109 = arith.constant 0 : i32
    %dma_wait3A_110 = arith.constant 0 : i32
    %dma_wait3A_111 = tpu.memref_slice %arg5[%dma_wait3A_109, %dma_wait3A_110] : memref<1024000x32xf32, #tpu.memory_space<hbm>> -> memref<1024000x32xf32, #tpu.memory_space<hbm>>
    tpu.wait_indirect_dma semaphore(%arg20 : memref<!tpu.dma_semaphore, #tpu.memory_space<semaphore_mem>>) src(%dma_wait3A_105 : memref<128x32xf32, #tpu.memory_space<vmem>>) dst(%dma_wait3A_111 : memref<1024000x32xf32, #tpu.memory_space<hbm>>)
    %dma_wait3A_112 = arith.constant 1 : i32
    %dma_wait3A_113 = arith.constant 128 : i32
    %dma_wait3A_114 = arith.constant 0 : i32
    %dma_wait3A_115 = tpu.memref_slice %arg9[%dma_wait3A_113, %dma_wait3A_114] : memref<640x32xf32, #tpu.memory_space<vmem>> -> memref<128x32xf32, #tpu.memory_space<vmem>>
    %dma_wait3A_116 = arith.constant 0 : i32
    %dma_wait3A_117 = tpu.memref_slice %arg11[%dma_wait3A_112, %dma_wait3A_116] : memref<5x128xi32, #tpu.memory_space<vmem>> -> memref<1x128xi32, #tpu.memory_space<vmem>>
    %dma_wait3A_118 = tpu.memref_squeeze %dma_wait3A_117 : memref<1x128xi32, #tpu.memory_space<vmem>> -> memref<128xi32, #tpu.memory_space<vmem>>
    %dma_wait3A_119 = arith.constant 0 : i32
    %dma_wait3A_120 = arith.constant 0 : i32
    %dma_wait3A_121 = tpu.memref_slice %arg5[%dma_wait3A_119, %dma_wait3A_120] : memref<1024000x32xf32, #tpu.memory_space<hbm>> -> memref<1024000x32xf32, #tpu.memory_space<hbm>>
    tpu.wait_indirect_dma semaphore(%arg20 : memref<!tpu.dma_semaphore, #tpu.memory_space<semaphore_mem>>) src(%dma_wait3A_115 : memref<128x32xf32, #tpu.memory_space<vmem>>) dst(%dma_wait3A_121 : memref<1024000x32xf32, #tpu.memory_space<hbm>>)
    %dma_wait3A_122 = arith.constant 2 : i32
    %dma_wait3A_123 = arith.constant 256 : i32
    %dma_wait3A_124 = arith.constant 0 : i32
    %dma_wait3A_125 = tpu.memref_slice %arg9[%dma_wait3A_123, %dma_wait3A_124] : memref<640x32xf32, #tpu.memory_space<vmem>> -> memref<128x32xf32, #tpu.memory_space<vmem>>
    %dma_wait3A_126 = arith.constant 0 : i32
    %dma_wait3A_127 = tpu.memref_slice %arg11[%dma_wait3A_122, %dma_wait3A_126] : memref<5x128xi32, #tpu.memory_space<vmem>> -> memref<1x128xi32, #tpu.memory_space<vmem>>
    %dma_wait3A_128 = tpu.memref_squeeze %dma_wait3A_127 : memref<1x128xi32, #tpu.memory_space<vmem>> -> memref<128xi32, #tpu.memory_space<vmem>>
    %dma_wait3A_129 = arith.constant 0 : i32
    %dma_wait3A_130 = arith.constant 0 : i32
    %dma_wait3A_131 = tpu.memref_slice %arg5[%dma_wait3A_129, %dma_wait3A_130] : memref<1024000x32xf32, #tpu.memory_space<hbm>> -> memref<1024000x32xf32, #tpu.memory_space<hbm>>
    tpu.wait_indirect_dma semaphore(%arg20 : memref<!tpu.dma_semaphore, #tpu.memory_space<semaphore_mem>>) src(%dma_wait3A_125 : memref<128x32xf32, #tpu.memory_space<vmem>>) dst(%dma_wait3A_131 : memref<1024000x32xf32, #tpu.memory_space<hbm>>)
    %dma_wait3A_132 = arith.constant 3 : i32
    %dma_wait3A_133 = arith.constant 384 : i32
    %dma_wait3A_134 = arith.constant 0 : i32
    %dma_wait3A_135 = tpu.memref_slice %arg9[%dma_wait3A_133, %dma_wait3A_134] : memref<640x32xf32, #tpu.memory_space<vmem>> -> memref<128x32xf32, #tpu.memory_space<vmem>>
    %dma_wait3A_136 = arith.constant 0 : i32
    %dma_wait3A_137 = tpu.memref_slice %arg11[%dma_wait3A_132, %dma_wait3A_136] : memref<5x128xi32, #tpu.memory_space<vmem>> -> memref<1x128xi32, #tpu.memory_space<vmem>>
    %dma_wait3A_138 = tpu.memref_squeeze %dma_wait3A_137 : memref<1x128xi32, #tpu.memory_space<vmem>> -> memref<128xi32, #tpu.memory_space<vmem>>
    %dma_wait3A_139 = arith.constant 0 : i32
    %dma_wait3A_140 = arith.constant 0 : i32
    %dma_wait3A_141 = tpu.memref_slice %arg5[%dma_wait3A_139, %dma_wait3A_140] : memref<1024000x32xf32, #tpu.memory_space<hbm>> -> memref<1024000x32xf32, #tpu.memory_space<hbm>>
    tpu.wait_indirect_dma semaphore(%arg20 : memref<!tpu.dma_semaphore, #tpu.memory_space<semaphore_mem>>) src(%dma_wait3A_135 : memref<128x32xf32, #tpu.memory_space<vmem>>) dst(%dma_wait3A_141 : memref<1024000x32xf32, #tpu.memory_space<hbm>>)
    %dma_wait3A_142 = arith.constant 4 : i32
    %dma_wait3A_143 = arith.constant 512 : i32
    %dma_wait3A_144 = arith.constant 0 : i32
    %dma_wait3A_145 = tpu.memref_slice %arg9[%dma_wait3A_143, %dma_wait3A_144] : memref<640x32xf32, #tpu.memory_space<vmem>> -> memref<128x32xf32, #tpu.memory_space<vmem>>
    %dma_wait3A_146 = arith.constant 0 : i32
    %dma_wait3A_147 = tpu.memref_slice %arg11[%dma_wait3A_142, %dma_wait3A_146] : memref<5x128xi32, #tpu.memory_space<vmem>> -> memref<1x128xi32, #tpu.memory_space<vmem>>
    %dma_wait3A_148 = tpu.memref_squeeze %dma_wait3A_147 : memref<1x128xi32, #tpu.memory_space<vmem>> -> memref<128xi32, #tpu.memory_space<vmem>>
    %dma_wait3A_149 = arith.constant 0 : i32
    %dma_wait3A_150 = arith.constant 0 : i32
    %dma_wait3A_151 = tpu.memref_slice %arg5[%dma_wait3A_149, %dma_wait3A_150] : memref<1024000x32xf32, #tpu.memory_space<hbm>> -> memref<1024000x32xf32, #tpu.memory_space<hbm>>
    tpu.wait_indirect_dma semaphore(%arg20 : memref<!tpu.dma_semaphore, #tpu.memory_space<semaphore_mem>>) src(%dma_wait3A_145 : memref<128x32xf32, #tpu.memory_space<vmem>>) dst(%dma_wait3A_151 : memref<1024000x32xf32, #tpu.memory_space<hbm>>)
    "tpu.region"() ({
      %run_scoped3A = tpu.sem_alloc : memref<!tpu.dma_semaphore, #tpu.memory_space<semaphore_mem>>
      %dma_start3A_190 = arith.constant 0 : i32
      %dma_start3A_191 = tpu.memref_slice %arg3[%dma_start3A_190, %add3A_7] : memref<200x1024xi32, #tpu.memory_space<hbm>> -> memref<200x32xi32, #tpu.memory_space<hbm>>
      %dma_start3A_192 = arith.constant 0 : i32
      %dma_start3A_193 = tpu.memref_slice %arg3[%dma_start3A_192, %add3A_7] : memref<200x1024xi32, #tpu.memory_space<hbm>> -> memref<200x32xi32, #tpu.memory_space<hbm>>
      tpu.enqueue_dma source(%dma_start3A_193 : memref<200x32xi32, #tpu.memory_space<hbm>>) target(%arg12 : memref<200x32xi32, #tpu.memory_space<vmem>>) target_semaphore(%run_scoped3A : memref<!tpu.dma_semaphore, #tpu.memory_space<semaphore_mem>>)
      %dma_wait3A_194 = arith.constant 0 : i32
      %dma_wait3A_195 = tpu.memref_slice %arg3[%dma_wait3A_194, %add3A_7] : memref<200x1024xi32, #tpu.memory_space<hbm>> -> memref<200x32xi32, #tpu.memory_space<hbm>>
      %dma_wait3A_196 = arith.constant 0 : i32
      %dma_wait3A_197 = tpu.memref_slice %arg3[%dma_wait3A_196, %add3A_7] : memref<200x1024xi32, #tpu.memory_space<hbm>> -> memref<200x32xi32, #tpu.memory_space<hbm>>
      tpu.wait_dma2 semaphore(%run_scoped3A : memref<!tpu.dma_semaphore, #tpu.memory_space<semaphore_mem>>) src(%dma_wait3A_197 : memref<200x32xi32, #tpu.memory_space<hbm>>) dst(%arg12 : memref<200x32xi32, #tpu.memory_space<vmem>>)
      tpu.yield
    }) : () -> ()
    %parallel_loop3A = arith.constant 0 : i32
    %parallel_loop3A_152 = arith.constant 200 : i32
    %parallel_loop3A_153 = arith.constant 1 : i32
    scf.for %parallel_loop3A_190 = %parallel_loop3A to %parallel_loop3A_152 step %parallel_loop3A_153  : i32 {
      %parallel_loop3A_191 = arith.constant 0 : i32
      %parallel_loop3A_192 = arith.addi %add3A_7, %parallel_loop3A_191 : i32
      %parallel_loop3A_193 = vector.broadcast %parallel_loop3A_192 : i32 to vector<16xi32>
      %parallel_loop3A_194 = arith.addi %parallel_loop3A_193, %iota3A : vector<16xi32>
      %parallel_loop3A_195 = arith.constant 1000 : i32
      %parallel_loop3A_196 = vector.broadcast %parallel_loop3A_195 : i32 to vector<16xi32>
      %parallel_loop3A_197 = arith.muli %parallel_loop3A_194, %parallel_loop3A_196 : vector<16xi32>
      %parallel_loop3A_198 = arith.index_cast %parallel_loop3A_190 : i32 to index
      %parallel_loop3A_199 = arith.constant 0 : index
      %parallel_loop3A_200 = tpu.vector_load %arg12[%parallel_loop3A_198, %parallel_loop3A_199] {strides = array<i32>} : memref<200x32xi32, #tpu.memory_space<vmem>>, vector<16xi32>,
      %parallel_loop3A_201 = arith.constant 32 : i32
      %parallel_loop3A_202 = arith.muli %parallel_loop3A_190, %parallel_loop3A_201 : i32
      %parallel_loop3A_203 = arith.constant 0 : i32
      %parallel_loop3A_204 = arith.addi %parallel_loop3A_202, %parallel_loop3A_203 : i32
      %parallel_loop3A_205 = arith.addi %parallel_loop3A_200, %parallel_loop3A_197 : vector<16xi32>
      %parallel_loop3A_206 = arith.constant 7 : i32
      %parallel_loop3A_207 = arith.shrsi %parallel_loop3A_204, %parallel_loop3A_206 : i32
      %parallel_loop3A_208 = arith.constant 127 : i32
      %parallel_loop3A_209 = arith.andi %parallel_loop3A_204, %parallel_loop3A_208 : i32
      %parallel_loop3A_210 = arith.index_cast %parallel_loop3A_207 : i32 to index
      %parallel_loop3A_211 = arith.index_cast %parallel_loop3A_209 : i32 to index
      %parallel_loop3A_212 = tpu.vector_load %arg13[%parallel_loop3A_210, %parallel_loop3A_211] {strides = array<i32>} : memref<100x128xi32, #tpu.memory_space<vmem>>, vector<16xi32>,
      tpu.vector_store %arg13[%parallel_loop3A_210, %parallel_loop3A_211], %parallel_loop3A_205 {strides = array<i32>} : memref<100x128xi32, #tpu.memory_space<vmem>>, vector<16xi32>,
      %parallel_loop3A_213 = arith.constant 16 : i32
      %parallel_loop3A_214 = arith.addi %add3A_7, %parallel_loop3A_213 : i32
      %parallel_loop3A_215 = vector.broadcast %parallel_loop3A_214 : i32 to vector<16xi32>
      %parallel_loop3A_216 = arith.addi %parallel_loop3A_215, %iota3A : vector<16xi32>
      %parallel_loop3A_217 = arith.constant 1000 : i32
      %parallel_loop3A_218 = vector.broadcast %parallel_loop3A_217 : i32 to vector<16xi32>
      %parallel_loop3A_219 = arith.muli %parallel_loop3A_216, %parallel_loop3A_218 : vector<16xi32>
      %parallel_loop3A_220 = arith.index_cast %parallel_loop3A_190 : i32 to index
      %parallel_loop3A_221 = arith.constant 16 : index
      %parallel_loop3A_222 = tpu.vector_load %arg12[%parallel_loop3A_220, %parallel_loop3A_221] {strides = array<i32>} : memref<200x32xi32, #tpu.memory_space<vmem>>, vector<16xi32>,
      %parallel_loop3A_223 = arith.constant 32 : i32
      %parallel_loop3A_224 = arith.muli %parallel_loop3A_190, %parallel_loop3A_223 : i32
      %parallel_loop3A_225 = arith.constant 16 : i32
      %parallel_loop3A_226 = arith.addi %parallel_loop3A_224, %parallel_loop3A_225 : i32
      %parallel_loop3A_227 = arith.addi %parallel_loop3A_222, %parallel_loop3A_219 : vector<16xi32>
      %parallel_loop3A_228 = arith.constant 7 : i32
      %parallel_loop3A_229 = arith.shrsi %parallel_loop3A_226, %parallel_loop3A_228 : i32
      %parallel_loop3A_230 = arith.constant 127 : i32
      %parallel_loop3A_231 = arith.andi %parallel_loop3A_226, %parallel_loop3A_230 : i32
      %parallel_loop3A_232 = arith.index_cast %parallel_loop3A_229 : i32 to index
      %parallel_loop3A_233 = arith.index_cast %parallel_loop3A_231 : i32 to index
      %parallel_loop3A_234 = tpu.vector_load %arg13[%parallel_loop3A_232, %parallel_loop3A_233] {strides = array<i32>} : memref<100x128xi32, #tpu.memory_space<vmem>>, vector<16xi32>,
      tpu.vector_store %arg13[%parallel_loop3A_232, %parallel_loop3A_233], %parallel_loop3A_227 {strides = array<i32>} : memref<100x128xi32, #tpu.memory_space<vmem>>, vector<16xi32>,
    } {sc.loop_unroll_factor = 2 : i64, sc.parallel_access}
    %dma_start3A_154 = arith.constant 0 : i32
    %dma_start3A_155 = arith.constant 0 : i32
    %dma_start3A_156 = arith.constant 0 : i32
    %dma_start3A_157 = tpu.memref_slice %arg14[%dma_start3A_155, %dma_start3A_156] : memref<256x32xf32, #tpu.memory_space<vmem>> -> memref<128x32xf32, #tpu.memory_space<vmem>>
    %dma_start3A_158 = arith.constant 0 : i32
    %dma_start3A_159 = tpu.memref_slice %arg13[%dma_start3A_154, %dma_start3A_158] : memref<100x128xi32, #tpu.memory_space<vmem>> -> memref<1x128xi32, #tpu.memory_space<vmem>>
    %dma_start3A_160 = tpu.memref_squeeze %dma_start3A_159 : memref<1x128xi32, #tpu.memory_space<vmem>> -> memref<128xi32, #tpu.memory_space<vmem>>
    %dma_start3A_161 = arith.constant 0 : i32
    %dma_start3A_162 = arith.constant 0 : i32
    %dma_start3A_163 = tpu.memref_slice %arg5[%dma_start3A_161, %dma_start3A_162] : memref<1024000x32xf32, #tpu.memory_space<hbm>> -> memref<1024000x32xf32, #tpu.memory_space<hbm>>
    tpu.enqueue_indirect_dma source(%dma_start3A_163 : memref<1024000x32xf32, #tpu.memory_space<hbm>>) target(%dma_start3A_157 : memref<128x32xf32, #tpu.memory_space<vmem>>) offsets(%dma_start3A_160 : memref<128xi32, #tpu.memory_space<vmem>>) semaphore(%arg16 : memref<!tpu.dma_semaphore, #tpu.memory_space<semaphore_mem>>)
    %scan3A_164 = arith.constant 0 : i32
    %scan3A_165 = arith.constant 0 : i32
    %scan3A_166 = arith.constant 50 : i32
    %scan3A_167 = arith.addi %scan3A_165, %scan3A_166 : i32
    %scan3A_168 = arith.constant 1 : i32
    scf.for %scan3A_190 = %scan3A_165 to %scan3A_167 step %scan3A_168  : i32 {
      %and3A_191 = arith.constant 1 : i32
      %and3A_192 = arith.andi %scan3A_190, %and3A_191 : i32
      %add3A_193 = arith.constant 1 : i32
      %add3A_194 = arith.addi %scan3A_190, %add3A_193 : i32
      %lt3A = arith.constant 50 : i32
      %lt3A_195 = arith.cmpi slt, %add3A_194, %lt3A : i32
      %convert_element_type3A = arith.extui %lt3A_195 : i1 to i32
      %cond3A = arith.constant 0 : i32
      %cond3A_196 = arith.cmpi ne, %convert_element_type3A, %cond3A : i32
      scf.if %cond3A_196 {
        %add3A_235 = arith.constant 1 : i32
        %add3A_236 = arith.addi %scan3A_190, %add3A_235 : i32
        %sub3A = arith.constant 1 : i32
        %sub3A_237 = arith.subi %sub3A, %and3A_192 : i32
        %mul3A_238 = arith.constant 128 : i32
        %mul3A_239 = arith.muli %sub3A_237, %mul3A_238 : i32
        %dma_start3A_240 = arith.constant 0 : i32
        %dma_start3A_241 = tpu.memref_slice %arg14[%mul3A_239, %dma_start3A_240] : memref<256x32xf32, #tpu.memory_space<vmem>> -> memref<128x32xf32, #tpu.memory_space<vmem>>
        %dma_start3A_242 = arith.constant 0 : i32
        %dma_start3A_243 = tpu.memref_slice %arg13[%add3A_236, %dma_start3A_242] : memref<100x128xi32, #tpu.memory_space<vmem>> -> memref<1x128xi32, #tpu.memory_space<vmem>>
        %dma_start3A_244 = tpu.memref_squeeze %dma_start3A_243 : memref<1x128xi32, #tpu.memory_space<vmem>> -> memref<128xi32, #tpu.memory_space<vmem>>
        %dma_start3A_245 = arith.constant 0 : i32
        %dma_start3A_246 = arith.constant 0 : i32
        %dma_start3A_247 = tpu.memref_slice %arg5[%dma_start3A_245, %dma_start3A_246] : memref<1024000x32xf32, #tpu.memory_space<hbm>> -> memref<1024000x32xf32, #tpu.memory_space<hbm>>
        tpu.enqueue_indirect_dma source(%dma_start3A_247 : memref<1024000x32xf32, #tpu.memory_space<hbm>>) target(%dma_start3A_241 : memref<128x32xf32, #tpu.memory_space<vmem>>) offsets(%dma_start3A_244 : memref<128xi32, #tpu.memory_space<vmem>>) semaphore(%arg16 : memref<!tpu.dma_semaphore, #tpu.memory_space<semaphore_mem>>)
      } else {
      }
      %mul3A_197 = arith.constant 128 : i32
      %mul3A_198 = arith.muli %and3A_192, %mul3A_197 : i32
      %dma_wait3A_199 = arith.constant 0 : i32
      %dma_wait3A_200 = arith.constant 0 : i32
      %dma_wait3A_201 = tpu.memref_slice %arg14[%mul3A_198, %dma_wait3A_200] : memref<256x32xf32, #tpu.memory_space<vmem>> -> memref<128x32xf32, #tpu.memory_space<vmem>>
      %dma_wait3A_202 = arith.constant 0 : i32
      %dma_wait3A_203 = tpu.memref_slice %arg13[%dma_wait3A_199, %dma_wait3A_202] : memref<100x128xi32, #tpu.memory_space<vmem>> -> memref<1x128xi32, #tpu.memory_space<vmem>>
      %dma_wait3A_204 = tpu.memref_squeeze %dma_wait3A_203 : memref<1x128xi32, #tpu.memory_space<vmem>> -> memref<128xi32, #tpu.memory_space<vmem>>
      %dma_wait3A_205 = arith.constant 0 : i32
      %dma_wait3A_206 = arith.constant 0 : i32
      %dma_wait3A_207 = tpu.memref_slice %arg5[%dma_wait3A_205, %dma_wait3A_206] : memref<1024000x32xf32, #tpu.memory_space<hbm>> -> memref<1024000x32xf32, #tpu.memory_space<hbm>>
      tpu.wait_indirect_dma semaphore(%arg16 : memref<!tpu.dma_semaphore, #tpu.memory_space<semaphore_mem>>) src(%dma_wait3A_207 : memref<1024000x32xf32, #tpu.memory_space<hbm>>) dst(%dma_wait3A_201 : memref<128x32xf32, #tpu.memory_space<vmem>>)
      %ge3A = arith.constant 1 : i32
      %ge3A_208 = arith.cmpi sge, %scan3A_190, %ge3A : i32
      %convert_element_type3A_209 = arith.extui %ge3A_208 : i1 to i32
      %cond3A_210 = arith.constant 0 : i32
      %cond3A_211 = arith.cmpi ne, %convert_element_type3A_209, %cond3A_210 : i32
      scf.if %cond3A_211 {
        %sub3A = arith.constant 1 : i32
        %sub3A_235 = arith.subi %scan3A_190, %sub3A : i32
        %mul3A_236 = arith.constant 4 : i32
        %mul3A_237 = arith.muli %sub3A_235, %mul3A_236 : i32
        %dma_wait3A_238 = arith.constant 0 : i32
        %dma_wait3A_239 = arith.constant 0 : i32
        %dma_wait3A_240 = arith.constant 0 : i32
        %dma_wait3A_241 = arith.constant 0 : i32
        %dma_wait3A_242 = tpu.memref_slice %arg15[%dma_wait3A_238, %dma_wait3A_239, %dma_wait3A_240, %dma_wait3A_241] : memref<4x4x8x33xf32, #tpu.memory_space<vmem>> -> memref<4x4x8x32xf32, #tpu.memory_space<vmem>>
        %dma_wait3A_243 = arith.constant 0 : i32
        %dma_wait3A_244 = arith.constant 0 : i32
        %dma_wait3A_245 = tpu.memref_slice %arg4[%mul3A_237, %dma_wait3A_243, %shift_right_arithmetic3A_1, %dma_wait3A_244, %mul3A_4] : memref<200x4x8x8x128xf32, #tpu.memory_space<hbm>> -> memref<4x4x1x8x32xf32, #tpu.memory_space<hbm>>
        %dma_wait3A_246 = tpu.memref_squeeze %dma_wait3A_245 : memref<4x4x1x8x32xf32, #tpu.memory_space<hbm>> -> memref<4x4x8x32xf32, #tpu.memory_space<hbm>>
        %dma_wait3A_247 = arith.constant 0 : i32
        %dma_wait3A_248 = arith.constant 0 : i32
        %dma_wait3A_249 = tpu.memref_slice %arg4[%mul3A_237, %dma_wait3A_247, %shift_right_arithmetic3A_1, %dma_wait3A_248, %mul3A_4] : memref<200x4x8x8x128xf32, #tpu.memory_space<hbm>> -> memref<4x4x1x8x32xf32, #tpu.memory_space<hbm>>
        %dma_wait3A_250 = tpu.memref_squeeze %dma_wait3A_249 : memref<4x4x1x8x32xf32, #tpu.memory_space<hbm>> -> memref<4x4x8x32xf32, #tpu.memory_space<hbm>>
        %dma_wait3A_251 = arith.constant 0 : i32
        %dma_wait3A_252 = arith.constant 0 : i32
        %dma_wait3A_253 = arith.constant 0 : i32
        %dma_wait3A_254 = arith.constant 0 : i32
        %dma_wait3A_255 = tpu.memref_slice %arg15[%dma_wait3A_251, %dma_wait3A_252, %dma_wait3A_253, %dma_wait3A_254] : memref<4x4x8x33xf32, #tpu.memory_space<vmem>> -> memref<4x4x8x32xf32, #tpu.memory_space<vmem>>
        tpu.wait_dma2 semaphore(%arg21 : memref<!tpu.dma_semaphore, #tpu.memory_space<semaphore_mem>>) src(%dma_wait3A_255 : memref<4x4x8x32xf32, #tpu.memory_space<vmem>>) dst(%dma_wait3A_250 : memref<4x4x8x32xf32, #tpu.memory_space<hbm>>)
      } else {
      }
      %parallel_loop3A_212 = arith.constant 0 : i32
      %parallel_loop3A_213 = arith.constant 4 : i32
      %parallel_loop3A_214 = arith.constant 1 : i32
      scf.for %parallel_loop3A_235 = %parallel_loop3A_212 to %parallel_loop3A_213 step %parallel_loop3A_214  : i32 {
        %parallel_loop3A_236 = vector.broadcast %parallel_loop3A_235 : i32 to vector<16xi32>
        %parallel_loop3A_237 = arith.addi %mul3A_10, %parallel_loop3A_236 : vector<16xi32>
        %parallel_loop3A_238 = arith.constant 128 : i32
        %parallel_loop3A_239 = arith.muli %and3A_192, %parallel_loop3A_238 : i32
        %parallel_loop3A_240 = arith.constant 32 : i32
        %parallel_loop3A_241 = arith.muli %parallel_loop3A_235, %parallel_loop3A_240 : i32
        %parallel_loop3A_242 = arith.addi %parallel_loop3A_239, %parallel_loop3A_241 : i32
        %parallel_loop3A_243 = arith.constant 0 : i32
        %parallel_loop3A_244 = arith.addi %parallel_loop3A_242, %parallel_loop3A_243 : i32
        %parallel_loop3A_245 = arith.index_cast %parallel_loop3A_244 : i32 to index
        %parallel_loop3A_246 = arith.constant 0 : index
        %parallel_loop3A_247 = tpu.vector_load %arg14[%parallel_loop3A_245, %parallel_loop3A_246] {strides = array<i32>} : memref<256x32xf32, #tpu.memory_space<vmem>>, vector<16xf32>,
        %parallel_loop3A_248 = arith.constant 128 : i32
        %parallel_loop3A_249 = arith.muli %and3A_192, %parallel_loop3A_248 : i32
        %parallel_loop3A_250 = arith.constant 32 : i32
        %parallel_loop3A_251 = arith.muli %parallel_loop3A_235, %parallel_loop3A_250 : i32
        %parallel_loop3A_252 = arith.addi %parallel_loop3A_249, %parallel_loop3A_251 : i32
        %parallel_loop3A_253 = arith.constant 0 : i32
        %parallel_loop3A_254 = arith.addi %parallel_loop3A_252, %parallel_loop3A_253 : i32
        %parallel_loop3A_255 = arith.index_cast %parallel_loop3A_254 : i32 to index
        %parallel_loop3A_256 = arith.constant 16 : index
        %parallel_loop3A_257 = tpu.vector_load %arg14[%parallel_loop3A_255, %parallel_loop3A_256] {strides = array<i32>} : memref<256x32xf32, #tpu.memory_space<vmem>>, vector<16xf32>,
        %parallel_loop3A_258 = arith.constant 128 : i32
        %parallel_loop3A_259 = arith.muli %and3A_192, %parallel_loop3A_258 : i32
        %parallel_loop3A_260 = arith.constant 32 : i32
        %parallel_loop3A_261 = arith.muli %parallel_loop3A_235, %parallel_loop3A_260 : i32
        %parallel_loop3A_262 = arith.addi %parallel_loop3A_259, %parallel_loop3A_261 : i32
        %parallel_loop3A_263 = arith.constant 1 : i32
        %parallel_loop3A_264 = arith.addi %parallel_loop3A_262, %parallel_loop3A_263 : i32
        %parallel_loop3A_265 = arith.index_cast %parallel_loop3A_264 : i32 to index
        %parallel_loop3A_266 = arith.constant 0 : index
        %parallel_loop3A_267 = tpu.vector_load %arg14[%parallel_loop3A_265, %parallel_loop3A_266] {strides = array<i32>} : memref<256x32xf32, #tpu.memory_space<vmem>>, vector<16xf32>,
        %parallel_loop3A_268 = arith.constant 128 : i32
        %parallel_loop3A_269 = arith.muli %and3A_192, %parallel_loop3A_268 : i32
        %parallel_loop3A_270 = arith.constant 32 : i32
        %parallel_loop3A_271 = arith.muli %parallel_loop3A_235, %parallel_loop3A_270 : i32
        %parallel_loop3A_272 = arith.addi %parallel_loop3A_269, %parallel_loop3A_271 : i32
        %parallel_loop3A_273 = arith.constant 1 : i32
        %parallel_loop3A_274 = arith.addi %parallel_loop3A_272, %parallel_loop3A_273 : i32
        %parallel_loop3A_275 = arith.index_cast %parallel_loop3A_274 : i32 to index
        %parallel_loop3A_276 = arith.constant 16 : index
        %parallel_loop3A_277 = tpu.vector_load %arg14[%parallel_loop3A_275, %parallel_loop3A_276] {strides = array<i32>} : memref<256x32xf32, #tpu.memory_space<vmem>>, vector<16xf32>,
        %parallel_loop3A_278 = arith.constant 128 : i32
        %parallel_loop3A_279 = arith.muli %and3A_192, %parallel_loop3A_278 : i32
        %parallel_loop3A_280 = arith.constant 32 : i32
        %parallel_loop3A_281 = arith.muli %parallel_loop3A_235, %parallel_loop3A_280 : i32
        %parallel_loop3A_282 = arith.addi %parallel_loop3A_279, %parallel_loop3A_281 : i32
        %parallel_loop3A_283 = arith.constant 2 : i32
        %parallel_loop3A_284 = arith.addi %parallel_loop3A_282, %parallel_loop3A_283 : i32
        %parallel_loop3A_285 = arith.index_cast %parallel_loop3A_284 : i32 to index
        %parallel_loop3A_286 = arith.constant 0 : index
        %parallel_loop3A_287 = tpu.vector_load %arg14[%parallel_loop3A_285, %parallel_loop3A_286] {strides = array<i32>} : memref<256x32xf32, #tpu.memory_space<vmem>>, vector<16xf32>,
        %parallel_loop3A_288 = arith.constant 128 : i32
        %parallel_loop3A_289 = arith.muli %and3A_192, %parallel_loop3A_288 : i32
        %parallel_loop3A_290 = arith.constant 32 : i32
        %parallel_loop3A_291 = arith.muli %parallel_loop3A_235, %parallel_loop3A_290 : i32
        %parallel_loop3A_292 = arith.addi %parallel_loop3A_289, %parallel_loop3A_291 : i32
        %parallel_loop3A_293 = arith.constant 2 : i32
        %parallel_loop3A_294 = arith.addi %parallel_loop3A_292, %parallel_loop3A_293 : i32
        %parallel_loop3A_295 = arith.index_cast %parallel_loop3A_294 : i32 to index
        %parallel_loop3A_296 = arith.constant 16 : index
        %parallel_loop3A_297 = tpu.vector_load %arg14[%parallel_loop3A_295, %parallel_loop3A_296] {strides = array<i32>} : memref<256x32xf32, #tpu.memory_space<vmem>>, vector<16xf32>,
        %parallel_loop3A_298 = arith.constant 128 : i32
        %parallel_loop3A_299 = arith.muli %and3A_192, %parallel_loop3A_298 : i32
        %parallel_loop3A_300 = arith.constant 32 : i32
        %parallel_loop3A_301 = arith.muli %parallel_loop3A_235, %parallel_loop3A_300 : i32
        %parallel_loop3A_302 = arith.addi %parallel_loop3A_299, %parallel_loop3A_301 : i32
        %parallel_loop3A_303 = arith.constant 3 : i32
        %parallel_loop3A_304 = arith.addi %parallel_loop3A_302, %parallel_loop3A_303 : i32
        %parallel_loop3A_305 = arith.index_cast %parallel_loop3A_304 : i32 to index
        %parallel_loop3A_306 = arith.constant 0 : index
        %parallel_loop3A_307 = tpu.vector_load %arg14[%parallel_loop3A_305, %parallel_loop3A_306] {strides = array<i32>} : memref<256x32xf32, #tpu.memory_space<vmem>>, vector<16xf32>,
        %parallel_loop3A_308 = arith.constant 128 : i32
        %parallel_loop3A_309 = arith.muli %and3A_192, %parallel_loop3A_308 : i32
        %parallel_loop3A_310 = arith.constant 32 : i32
        %parallel_loop3A_311 = arith.muli %parallel_loop3A_235, %parallel_loop3A_310 : i32
        %parallel_loop3A_312 = arith.addi %parallel_loop3A_309, %parallel_loop3A_311 : i32
        %parallel_loop3A_313 = arith.constant 3 : i32
        %parallel_loop3A_314 = arith.addi %parallel_loop3A_312, %parallel_loop3A_313 : i32
        %parallel_loop3A_315 = arith.index_cast %parallel_loop3A_314 : i32 to index
        %parallel_loop3A_316 = arith.constant 16 : index
        %parallel_loop3A_317 = tpu.vector_load %arg14[%parallel_loop3A_315, %parallel_loop3A_316] {strides = array<i32>} : memref<256x32xf32, #tpu.memory_space<vmem>>, vector<16xf32>,
        %parallel_loop3A_318 = arith.constant 0 : i32
        %parallel_loop3A_319 = vector.broadcast %parallel_loop3A_318 : i32 to vector<16xi32>
        %parallel_loop3A_320 = arith.addi %mul3A_10, %parallel_loop3A_319 : vector<16xi32>
        %parallel_loop3A_321 = arith.constant 0 : i32
        %parallel_loop3A_322 = vector.broadcast %parallel_loop3A_321 : i32 to vector<16xi32>
        %parallel_loop3A_323 = arith.addi %shift_right_arithmetic3A_13, %parallel_loop3A_322 : vector<16xi32>
        tpu.vector_store_idx %arg15[%parallel_loop3A_237, %parallel_loop3A_323, %and3A_16, %parallel_loop3A_320], %parallel_loop3A_247 : memref<4x4x8x33xf32, #tpu.memory_space<vmem>>[vector<16xi32>, vector<16xi32>, vector<16xi32>, vector<16xi32>], vector<16xf32>,
        %parallel_loop3A_324 = arith.constant 2 : i32
        %parallel_loop3A_325 = vector.broadcast %parallel_loop3A_324 : i32 to vector<16xi32>
        %parallel_loop3A_326 = arith.addi %shift_right_arithmetic3A_13, %parallel_loop3A_325 : vector<16xi32>
        tpu.vector_store_idx %arg15[%parallel_loop3A_237, %parallel_loop3A_326, %and3A_16, %parallel_loop3A_320], %parallel_loop3A_257 : memref<4x4x8x33xf32, #tpu.memory_space<vmem>>[vector<16xi32>, vector<16xi32>, vector<16xi32>, vector<16xi32>], vector<16xf32>,
        %parallel_loop3A_327 = arith.constant 1 : i32
        %parallel_loop3A_328 = vector.broadcast %parallel_loop3A_327 : i32 to vector<16xi32>
        %parallel_loop3A_329 = arith.addi %mul3A_10, %parallel_loop3A_328 : vector<16xi32>
        %parallel_loop3A_330 = arith.constant 0 : i32
        %parallel_loop3A_331 = vector.broadcast %parallel_loop3A_330 : i32 to vector<16xi32>
        %parallel_loop3A_332 = arith.addi %shift_right_arithmetic3A_13, %parallel_loop3A_331 : vector<16xi32>
        tpu.vector_store_idx %arg15[%parallel_loop3A_237, %parallel_loop3A_332, %and3A_16, %parallel_loop3A_329], %parallel_loop3A_267 : memref<4x4x8x33xf32, #tpu.memory_space<vmem>>[vector<16xi32>, vector<16xi32>, vector<16xi32>, vector<16xi32>], vector<16xf32>,
        %parallel_loop3A_333 = arith.constant 2 : i32
        %parallel_loop3A_334 = vector.broadcast %parallel_loop3A_333 : i32 to vector<16xi32>
        %parallel_loop3A_335 = arith.addi %shift_right_arithmetic3A_13, %parallel_loop3A_334 : vector<16xi32>
        tpu.vector_store_idx %arg15[%parallel_loop3A_237, %parallel_loop3A_335, %and3A_16, %parallel_loop3A_329], %parallel_loop3A_277 : memref<4x4x8x33xf32, #tpu.memory_space<vmem>>[vector<16xi32>, vector<16xi32>, vector<16xi32>, vector<16xi32>], vector<16xf32>,
        %parallel_loop3A_336 = arith.constant 2 : i32
        %parallel_loop3A_337 = vector.broadcast %parallel_loop3A_336 : i32 to vector<16xi32>
        %parallel_loop3A_338 = arith.addi %mul3A_10, %parallel_loop3A_337 : vector<16xi32>
        %parallel_loop3A_339 = arith.constant 0 : i32
        %parallel_loop3A_340 = vector.broadcast %parallel_loop3A_339 : i32 to vector<16xi32>
        %parallel_loop3A_341 = arith.addi %shift_right_arithmetic3A_13, %parallel_loop3A_340 : vector<16xi32>
        tpu.vector_store_idx %arg15[%parallel_loop3A_237, %parallel_loop3A_341, %and3A_16, %parallel_loop3A_338], %parallel_loop3A_287 : memref<4x4x8x33xf32, #tpu.memory_space<vmem>>[vector<16xi32>, vector<16xi32>, vector<16xi32>, vector<16xi32>], vector<16xf32>,
        %parallel_loop3A_342 = arith.constant 2 : i32
        %parallel_loop3A_343 = vector.broadcast %parallel_loop3A_342 : i32 to vector<16xi32>
        %parallel_loop3A_344 = arith.addi %shift_right_arithmetic3A_13, %parallel_loop3A_343 : vector<16xi32>
        tpu.vector_store_idx %arg15[%parallel_loop3A_237, %parallel_loop3A_344, %and3A_16, %parallel_loop3A_338], %parallel_loop3A_297 : memref<4x4x8x33xf32, #tpu.memory_space<vmem>>[vector<16xi32>, vector<16xi32>, vector<16xi32>, vector<16xi32>], vector<16xf32>,
        %parallel_loop3A_345 = arith.constant 3 : i32
        %parallel_loop3A_346 = vector.broadcast %parallel_loop3A_345 : i32 to vector<16xi32>
        %parallel_loop3A_347 = arith.addi %mul3A_10, %parallel_loop3A_346 : vector<16xi32>
        %parallel_loop3A_348 = arith.constant 0 : i32
        %parallel_loop3A_349 = vector.broadcast %parallel_loop3A_348 : i32 to vector<16xi32>
        %parallel_loop3A_350 = arith.addi %shift_right_arithmetic3A_13, %parallel_loop3A_349 : vector<16xi32>
        tpu.vector_store_idx %arg15[%parallel_loop3A_237, %parallel_loop3A_350, %and3A_16, %parallel_loop3A_347], %parallel_loop3A_307 : memref<4x4x8x33xf32, #tpu.memory_space<vmem>>[vector<16xi32>, vector<16xi32>, vector<16xi32>, vector<16xi32>], vector<16xf32>,
        %parallel_loop3A_351 = arith.constant 2 : i32
        %parallel_loop3A_352 = vector.broadcast %parallel_loop3A_351 : i32 to vector<16xi32>
        %parallel_loop3A_353 = arith.addi %shift_right_arithmetic3A_13, %parallel_loop3A_352 : vector<16xi32>
        tpu.vector_store_idx %arg15[%parallel_loop3A_237, %parallel_loop3A_353, %and3A_16, %parallel_loop3A_347], %parallel_loop3A_317 : memref<4x4x8x33xf32, #tpu.memory_space<vmem>>[vector<16xi32>, vector<16xi32>, vector<16xi32>, vector<16xi32>], vector<16xf32>,
        %parallel_loop3A_354 = arith.constant 128 : i32
        %parallel_loop3A_355 = arith.muli %and3A_192, %parallel_loop3A_354 : i32
        %parallel_loop3A_356 = arith.constant 32 : i32
        %parallel_loop3A_357 = arith.muli %parallel_loop3A_235, %parallel_loop3A_356 : i32
        %parallel_loop3A_358 = arith.addi %parallel_loop3A_355, %parallel_loop3A_357 : i32
        %parallel_loop3A_359 = arith.constant 4 : i32
        %parallel_loop3A_360 = arith.addi %parallel_loop3A_358, %parallel_loop3A_359 : i32
        %parallel_loop3A_361 = arith.index_cast %parallel_loop3A_360 : i32 to index
        %parallel_loop3A_362 = arith.constant 0 : index
        %parallel_loop3A_363 = tpu.vector_load %arg14[%parallel_loop3A_361, %parallel_loop3A_362] {strides = array<i32>} : memref<256x32xf32, #tpu.memory_space<vmem>>, vector<16xf32>,
        %parallel_loop3A_364 = arith.constant 128 : i32
        %parallel_loop3A_365 = arith.muli %and3A_192, %parallel_loop3A_364 : i32
        %parallel_loop3A_366 = arith.constant 32 : i32
        %parallel_loop3A_367 = arith.muli %parallel_loop3A_235, %parallel_loop3A_366 : i32
        %parallel_loop3A_368 = arith.addi %parallel_loop3A_365, %parallel_loop3A_367 : i32
        %parallel_loop3A_369 = arith.constant 4 : i32
        %parallel_loop3A_370 = arith.addi %parallel_loop3A_368, %parallel_loop3A_369 : i32
        %parallel_loop3A_371 = arith.index_cast %parallel_loop3A_370 : i32 to index
        %parallel_loop3A_372 = arith.constant 16 : index
        %parallel_loop3A_373 = tpu.vector_load %arg14[%parallel_loop3A_371, %parallel_loop3A_372] {strides = array<i32>} : memref<256x32xf32, #tpu.memory_space<vmem>>, vector<16xf32>,
        %parallel_loop3A_374 = arith.constant 128 : i32
        %parallel_loop3A_375 = arith.muli %and3A_192, %parallel_loop3A_374 : i32
        %parallel_loop3A_376 = arith.constant 32 : i32
        %parallel_loop3A_377 = arith.muli %parallel_loop3A_235, %parallel_loop3A_376 : i32
        %parallel_loop3A_378 = arith.addi %parallel_loop3A_375, %parallel_loop3A_377 : i32
        %parallel_loop3A_379 = arith.constant 5 : i32
        %parallel_loop3A_380 = arith.addi %parallel_loop3A_378, %parallel_loop3A_379 : i32
        %parallel_loop3A_381 = arith.index_cast %parallel_loop3A_380 : i32 to index
        %parallel_loop3A_382 = arith.constant 0 : index
        %parallel_loop3A_383 = tpu.vector_load %arg14[%parallel_loop3A_381, %parallel_loop3A_382] {strides = array<i32>} : memref<256x32xf32, #tpu.memory_space<vmem>>, vector<16xf32>,
        %parallel_loop3A_384 = arith.constant 128 : i32
        %parallel_loop3A_385 = arith.muli %and3A_192, %parallel_loop3A_384 : i32
        %parallel_loop3A_386 = arith.constant 32 : i32
        %parallel_loop3A_387 = arith.muli %parallel_loop3A_235, %parallel_loop3A_386 : i32
        %parallel_loop3A_388 = arith.addi %parallel_loop3A_385, %parallel_loop3A_387 : i32
        %parallel_loop3A_389 = arith.constant 5 : i32
        %parallel_loop3A_390 = arith.addi %parallel_loop3A_388, %parallel_loop3A_389 : i32
        %parallel_loop3A_391 = arith.index_cast %parallel_loop3A_390 : i32 to index
        %parallel_loop3A_392 = arith.constant 16 : index
        %parallel_loop3A_393 = tpu.vector_load %arg14[%parallel_loop3A_391, %parallel_loop3A_392] {strides = array<i32>} : memref<256x32xf32, #tpu.memory_space<vmem>>, vector<16xf32>,
        %parallel_loop3A_394 = arith.constant 128 : i32
        %parallel_loop3A_395 = arith.muli %and3A_192, %parallel_loop3A_394 : i32
        %parallel_loop3A_396 = arith.constant 32 : i32
        %parallel_loop3A_397 = arith.muli %parallel_loop3A_235, %parallel_loop3A_396 : i32
        %parallel_loop3A_398 = arith.addi %parallel_loop3A_395, %parallel_loop3A_397 : i32
        %parallel_loop3A_399 = arith.constant 6 : i32
        %parallel_loop3A_400 = arith.addi %parallel_loop3A_398, %parallel_loop3A_399 : i32
        %parallel_loop3A_401 = arith.index_cast %parallel_loop3A_400 : i32 to index
        %parallel_loop3A_402 = arith.constant 0 : index
        %parallel_loop3A_403 = tpu.vector_load %arg14[%parallel_loop3A_401, %parallel_loop3A_402] {strides = array<i32>} : memref<256x32xf32, #tpu.memory_space<vmem>>, vector<16xf32>,
        %parallel_loop3A_404 = arith.constant 128 : i32
        %parallel_loop3A_405 = arith.muli %and3A_192, %parallel_loop3A_404 : i32
        %parallel_loop3A_406 = arith.constant 32 : i32
        %parallel_loop3A_407 = arith.muli %parallel_loop3A_235, %parallel_loop3A_406 : i32
        %parallel_loop3A_408 = arith.addi %parallel_loop3A_405, %parallel_loop3A_407 : i32
        %parallel_loop3A_409 = arith.constant 6 : i32
        %parallel_loop3A_410 = arith.addi %parallel_loop3A_408, %parallel_loop3A_409 : i32
        %parallel_loop3A_411 = arith.index_cast %parallel_loop3A_410 : i32 to index
        %parallel_loop3A_412 = arith.constant 16 : index
        %parallel_loop3A_413 = tpu.vector_load %arg14[%parallel_loop3A_411, %parallel_loop3A_412] {strides = array<i32>} : memref<256x32xf32, #tpu.memory_space<vmem>>, vector<16xf32>,
        %parallel_loop3A_414 = arith.constant 128 : i32
        %parallel_loop3A_415 = arith.muli %and3A_192, %parallel_loop3A_414 : i32
        %parallel_loop3A_416 = arith.constant 32 : i32
        %parallel_loop3A_417 = arith.muli %parallel_loop3A_235, %parallel_loop3A_416 : i32
        %parallel_loop3A_418 = arith.addi %parallel_loop3A_415, %parallel_loop3A_417 : i32
        %parallel_loop3A_419 = arith.constant 7 : i32
        %parallel_loop3A_420 = arith.addi %parallel_loop3A_418, %parallel_loop3A_419 : i32
        %parallel_loop3A_421 = arith.index_cast %parallel_loop3A_420 : i32 to index
        %parallel_loop3A_422 = arith.constant 0 : index
        %parallel_loop3A_423 = tpu.vector_load %arg14[%parallel_loop3A_421, %parallel_loop3A_422] {strides = array<i32>} : memref<256x32xf32, #tpu.memory_space<vmem>>, vector<16xf32>,
        %parallel_loop3A_424 = arith.constant 128 : i32
        %parallel_loop3A_425 = arith.muli %and3A_192, %parallel_loop3A_424 : i32
        %parallel_loop3A_426 = arith.constant 32 : i32
        %parallel_loop3A_427 = arith.muli %parallel_loop3A_235, %parallel_loop3A_426 : i32
        %parallel_loop3A_428 = arith.addi %parallel_loop3A_425, %parallel_loop3A_427 : i32
        %parallel_loop3A_429 = arith.constant 7 : i32
        %parallel_loop3A_430 = arith.addi %parallel_loop3A_428, %parallel_loop3A_429 : i32
        %parallel_loop3A_431 = arith.index_cast %parallel_loop3A_430 : i32 to index
        %parallel_loop3A_432 = arith.constant 16 : index
        %parallel_loop3A_433 = tpu.vector_load %arg14[%parallel_loop3A_431, %parallel_loop3A_432] {strides = array<i32>} : memref<256x32xf32, #tpu.memory_space<vmem>>, vector<16xf32>,
        %parallel_loop3A_434 = arith.constant 4 : i32
        %parallel_loop3A_435 = vector.broadcast %parallel_loop3A_434 : i32 to vector<16xi32>
        %parallel_loop3A_436 = arith.addi %mul3A_10, %parallel_loop3A_435 : vector<16xi32>
        %parallel_loop3A_437 = arith.constant 0 : i32
        %parallel_loop3A_438 = vector.broadcast %parallel_loop3A_437 : i32 to vector<16xi32>
        %parallel_loop3A_439 = arith.addi %shift_right_arithmetic3A_13, %parallel_loop3A_438 : vector<16xi32>
        tpu.vector_store_idx %arg15[%parallel_loop3A_237, %parallel_loop3A_439, %and3A_16, %parallel_loop3A_436], %parallel_loop3A_363 : memref<4x4x8x33xf32, #tpu.memory_space<vmem>>[vector<16xi32>, vector<16xi32>, vector<16xi32>, vector<16xi32>], vector<16xf32>,
        %parallel_loop3A_440 = arith.constant 2 : i32
        %parallel_loop3A_441 = vector.broadcast %parallel_loop3A_440 : i32 to vector<16xi32>
        %parallel_loop3A_442 = arith.addi %shift_right_arithmetic3A_13, %parallel_loop3A_441 : vector<16xi32>
        tpu.vector_store_idx %arg15[%parallel_loop3A_237, %parallel_loop3A_442, %and3A_16, %parallel_loop3A_436], %parallel_loop3A_373 : memref<4x4x8x33xf32, #tpu.memory_space<vmem>>[vector<16xi32>, vector<16xi32>, vector<16xi32>, vector<16xi32>], vector<16xf32>,
        %parallel_loop3A_443 = arith.constant 5 : i32
        %parallel_loop3A_444 = vector.broadcast %parallel_loop3A_443 : i32 to vector<16xi32>
        %parallel_loop3A_445 = arith.addi %mul3A_10, %parallel_loop3A_444 : vector<16xi32>
        %parallel_loop3A_446 = arith.constant 0 : i32
        %parallel_loop3A_447 = vector.broadcast %parallel_loop3A_446 : i32 to vector<16xi32>
        %parallel_loop3A_448 = arith.addi %shift_right_arithmetic3A_13, %parallel_loop3A_447 : vector<16xi32>
        tpu.vector_store_idx %arg15[%parallel_loop3A_237, %parallel_loop3A_448, %and3A_16, %parallel_loop3A_445], %parallel_loop3A_383 : memref<4x4x8x33xf32, #tpu.memory_space<vmem>>[vector<16xi32>, vector<16xi32>, vector<16xi32>, vector<16xi32>], vector<16xf32>,
        %parallel_loop3A_449 = arith.constant 2 : i32
        %parallel_loop3A_450 = vector.broadcast %parallel_loop3A_449 : i32 to vector<16xi32>
        %parallel_loop3A_451 = arith.addi %shift_right_arithmetic3A_13, %parallel_loop3A_450 : vector<16xi32>
        tpu.vector_store_idx %arg15[%parallel_loop3A_237, %parallel_loop3A_451, %and3A_16, %parallel_loop3A_445], %parallel_loop3A_393 : memref<4x4x8x33xf32, #tpu.memory_space<vmem>>[vector<16xi32>, vector<16xi32>, vector<16xi32>, vector<16xi32>], vector<16xf32>,
        %parallel_loop3A_452 = arith.constant 6 : i32
        %parallel_loop3A_453 = vector.broadcast %parallel_loop3A_452 : i32 to vector<16xi32>
        %parallel_loop3A_454 = arith.addi %mul3A_10, %parallel_loop3A_453 : vector<16xi32>
        %parallel_loop3A_455 = arith.constant 0 : i32
        %parallel_loop3A_456 = vector.broadcast %parallel_loop3A_455 : i32 to vector<16xi32>
        %parallel_loop3A_457 = arith.addi %shift_right_arithmetic3A_13, %parallel_loop3A_456 : vector<16xi32>
        tpu.vector_store_idx %arg15[%parallel_loop3A_237, %parallel_loop3A_457, %and3A_16, %parallel_loop3A_454], %parallel_loop3A_403 : memref<4x4x8x33xf32, #tpu.memory_space<vmem>>[vector<16xi32>, vector<16xi32>, vector<16xi32>, vector<16xi32>], vector<16xf32>,
        %parallel_loop3A_458 = arith.constant 2 : i32
        %parallel_loop3A_459 = vector.broadcast %parallel_loop3A_458 : i32 to vector<16xi32>
        %parallel_loop3A_460 = arith.addi %shift_right_arithmetic3A_13, %parallel_loop3A_459 : vector<16xi32>
        tpu.vector_store_idx %arg15[%parallel_loop3A_237, %parallel_loop3A_460, %and3A_16, %parallel_loop3A_454], %parallel_loop3A_413 : memref<4x4x8x33xf32, #tpu.memory_space<vmem>>[vector<16xi32>, vector<16xi32>, vector<16xi32>, vector<16xi32>], vector<16xf32>,
        %parallel_loop3A_461 = arith.constant 7 : i32
        %parallel_loop3A_462 = vector.broadcast %parallel_loop3A_461 : i32 to vector<16xi32>
        %parallel_loop3A_463 = arith.addi %mul3A_10, %parallel_loop3A_462 : vector<16xi32>
        %parallel_loop3A_464 = arith.constant 0 : i32
        %parallel_loop3A_465 = vector.broadcast %parallel_loop3A_464 : i32 to vector<16xi32>
        %parallel_loop3A_466 = arith.addi %shift_right_arithmetic3A_13, %parallel_loop3A_465 : vector<16xi32>
        tpu.vector_store_idx %arg15[%parallel_loop3A_237, %parallel_loop3A_466, %and3A_16, %parallel_loop3A_463], %parallel_loop3A_423 : memref<4x4x8x33xf32, #tpu.memory_space<vmem>>[vector<16xi32>, vector<16xi32>, vector<16xi32>, vector<16xi32>], vector<16xf32>,
        %parallel_loop3A_467 = arith.constant 2 : i32
        %parallel_loop3A_468 = vector.broadcast %parallel_loop3A_467 : i32 to vector<16xi32>
        %parallel_loop3A_469 = arith.addi %shift_right_arithmetic3A_13, %parallel_loop3A_468 : vector<16xi32>
        tpu.vector_store_idx %arg15[%parallel_loop3A_237, %parallel_loop3A_469, %and3A_16, %parallel_loop3A_463], %parallel_loop3A_433 : memref<4x4x8x33xf32, #tpu.memory_space<vmem>>[vector<16xi32>, vector<16xi32>, vector<16xi32>, vector<16xi32>], vector<16xf32>,
        %parallel_loop3A_470 = arith.constant 128 : i32
        %parallel_loop3A_471 = arith.muli %and3A_192, %parallel_loop3A_470 : i32
        %parallel_loop3A_472 = arith.constant 32 : i32
        %parallel_loop3A_473 = arith.muli %parallel_loop3A_235, %parallel_loop3A_472 : i32
        %parallel_loop3A_474 = arith.addi %parallel_loop3A_471, %parallel_loop3A_473 : i32
        %parallel_loop3A_475 = arith.constant 8 : i32
        %parallel_loop3A_476 = arith.addi %parallel_loop3A_474, %parallel_loop3A_475 : i32
        %parallel_loop3A_477 = arith.index_cast %parallel_loop3A_476 : i32 to index
        %parallel_loop3A_478 = arith.constant 0 : index
        %parallel_loop3A_479 = tpu.vector_load %arg14[%parallel_loop3A_477, %parallel_loop3A_478] {strides = array<i32>} : memref<256x32xf32, #tpu.memory_space<vmem>>, vector<16xf32>,
        %parallel_loop3A_480 = arith.constant 128 : i32
        %parallel_loop3A_481 = arith.muli %and3A_192, %parallel_loop3A_480 : i32
        %parallel_loop3A_482 = arith.constant 32 : i32
        %parallel_loop3A_483 = arith.muli %parallel_loop3A_235, %parallel_loop3A_482 : i32
        %parallel_loop3A_484 = arith.addi %parallel_loop3A_481, %parallel_loop3A_483 : i32
        %parallel_loop3A_485 = arith.constant 8 : i32
        %parallel_loop3A_486 = arith.addi %parallel_loop3A_484, %parallel_loop3A_485 : i32
        %parallel_loop3A_487 = arith.index_cast %parallel_loop3A_486 : i32 to index
        %parallel_loop3A_488 = arith.constant 16 : index
        %parallel_loop3A_489 = tpu.vector_load %arg14[%parallel_loop3A_487, %parallel_loop3A_488] {strides = array<i32>} : memref<256x32xf32, #tpu.memory_space<vmem>>, vector<16xf32>,
        %parallel_loop3A_490 = arith.constant 128 : i32
        %parallel_loop3A_491 = arith.muli %and3A_192, %parallel_loop3A_490 : i32
        %parallel_loop3A_492 = arith.constant 32 : i32
        %parallel_loop3A_493 = arith.muli %parallel_loop3A_235, %parallel_loop3A_492 : i32
        %parallel_loop3A_494 = arith.addi %parallel_loop3A_491, %parallel_loop3A_493 : i32
        %parallel_loop3A_495 = arith.constant 9 : i32
        %parallel_loop3A_496 = arith.addi %parallel_loop3A_494, %parallel_loop3A_495 : i32
        %parallel_loop3A_497 = arith.index_cast %parallel_loop3A_496 : i32 to index
        %parallel_loop3A_498 = arith.constant 0 : index
        %parallel_loop3A_499 = tpu.vector_load %arg14[%parallel_loop3A_497, %parallel_loop3A_498] {strides = array<i32>} : memref<256x32xf32, #tpu.memory_space<vmem>>, vector<16xf32>,
        %parallel_loop3A_500 = arith.constant 128 : i32
        %parallel_loop3A_501 = arith.muli %and3A_192, %parallel_loop3A_500 : i32
        %parallel_loop3A_502 = arith.constant 32 : i32
        %parallel_loop3A_503 = arith.muli %parallel_loop3A_235, %parallel_loop3A_502 : i32
        %parallel_loop3A_504 = arith.addi %parallel_loop3A_501, %parallel_loop3A_503 : i32
        %parallel_loop3A_505 = arith.constant 9 : i32
        %parallel_loop3A_506 = arith.addi %parallel_loop3A_504, %parallel_loop3A_505 : i32
        %parallel_loop3A_507 = arith.index_cast %parallel_loop3A_506 : i32 to index
        %parallel_loop3A_508 = arith.constant 16 : index
        %parallel_loop3A_509 = tpu.vector_load %arg14[%parallel_loop3A_507, %parallel_loop3A_508] {strides = array<i32>} : memref<256x32xf32, #tpu.memory_space<vmem>>, vector<16xf32>,
        %parallel_loop3A_510 = arith.constant 128 : i32
        %parallel_loop3A_511 = arith.muli %and3A_192, %parallel_loop3A_510 : i32
        %parallel_loop3A_512 = arith.constant 32 : i32
        %parallel_loop3A_513 = arith.muli %parallel_loop3A_235, %parallel_loop3A_512 : i32
        %parallel_loop3A_514 = arith.addi %parallel_loop3A_511, %parallel_loop3A_513 : i32
        %parallel_loop3A_515 = arith.constant 10 : i32
        %parallel_loop3A_516 = arith.addi %parallel_loop3A_514, %parallel_loop3A_515 : i32
        %parallel_loop3A_517 = arith.index_cast %parallel_loop3A_516 : i32 to index
        %parallel_loop3A_518 = arith.constant 0 : index
        %parallel_loop3A_519 = tpu.vector_load %arg14[%parallel_loop3A_517, %parallel_loop3A_518] {strides = array<i32>} : memref<256x32xf32, #tpu.memory_space<vmem>>, vector<16xf32>,
        %parallel_loop3A_520 = arith.constant 128 : i32
        %parallel_loop3A_521 = arith.muli %and3A_192, %parallel_loop3A_520 : i32
        %parallel_loop3A_522 = arith.constant 32 : i32
        %parallel_loop3A_523 = arith.muli %parallel_loop3A_235, %parallel_loop3A_522 : i32
        %parallel_loop3A_524 = arith.addi %parallel_loop3A_521, %parallel_loop3A_523 : i32
        %parallel_loop3A_525 = arith.constant 10 : i32
        %parallel_loop3A_526 = arith.addi %parallel_loop3A_524, %parallel_loop3A_525 : i32
        %parallel_loop3A_527 = arith.index_cast %parallel_loop3A_526 : i32 to index
        %parallel_loop3A_528 = arith.constant 16 : index
        %parallel_loop3A_529 = tpu.vector_load %arg14[%parallel_loop3A_527, %parallel_loop3A_528] {strides = array<i32>} : memref<256x32xf32, #tpu.memory_space<vmem>>, vector<16xf32>,
        %parallel_loop3A_530 = arith.constant 128 : i32
        %parallel_loop3A_531 = arith.muli %and3A_192, %parallel_loop3A_530 : i32
        %parallel_loop3A_532 = arith.constant 32 : i32
        %parallel_loop3A_533 = arith.muli %parallel_loop3A_235, %parallel_loop3A_532 : i32
        %parallel_loop3A_534 = arith.addi %parallel_loop3A_531, %parallel_loop3A_533 : i32
        %parallel_loop3A_535 = arith.constant 11 : i32
        %parallel_loop3A_536 = arith.addi %parallel_loop3A_534, %parallel_loop3A_535 : i32
        %parallel_loop3A_537 = arith.index_cast %parallel_loop3A_536 : i32 to index
        %parallel_loop3A_538 = arith.constant 0 : index
        %parallel_loop3A_539 = tpu.vector_load %arg14[%parallel_loop3A_537, %parallel_loop3A_538] {strides = array<i32>} : memref<256x32xf32, #tpu.memory_space<vmem>>, vector<16xf32>,
        %parallel_loop3A_540 = arith.constant 128 : i32
        %parallel_loop3A_541 = arith.muli %and3A_192, %parallel_loop3A_540 : i32
        %parallel_loop3A_542 = arith.constant 32 : i32
        %parallel_loop3A_543 = arith.muli %parallel_loop3A_235, %parallel_loop3A_542 : i32
        %parallel_loop3A_544 = arith.addi %parallel_loop3A_541, %parallel_loop3A_543 : i32
        %parallel_loop3A_545 = arith.constant 11 : i32
        %parallel_loop3A_546 = arith.addi %parallel_loop3A_544, %parallel_loop3A_545 : i32
        %parallel_loop3A_547 = arith.index_cast %parallel_loop3A_546 : i32 to index
        %parallel_loop3A_548 = arith.constant 16 : index
        %parallel_loop3A_549 = tpu.vector_load %arg14[%parallel_loop3A_547, %parallel_loop3A_548] {strides = array<i32>} : memref<256x32xf32, #tpu.memory_space<vmem>>, vector<16xf32>,
        %parallel_loop3A_550 = arith.constant 8 : i32
        %parallel_loop3A_551 = vector.broadcast %parallel_loop3A_550 : i32 to vector<16xi32>
        %parallel_loop3A_552 = arith.addi %mul3A_10, %parallel_loop3A_551 : vector<16xi32>
        %parallel_loop3A_553 = arith.constant 0 : i32
        %parallel_loop3A_554 = vector.broadcast %parallel_loop3A_553 : i32 to vector<16xi32>
        %parallel_loop3A_555 = arith.addi %shift_right_arithmetic3A_13, %parallel_loop3A_554 : vector<16xi32>
        tpu.vector_store_idx %arg15[%parallel_loop3A_237, %parallel_loop3A_555, %and3A_16, %parallel_loop3A_552], %parallel_loop3A_479 : memref<4x4x8x33xf32, #tpu.memory_space<vmem>>[vector<16xi32>, vector<16xi32>, vector<16xi32>, vector<16xi32>], vector<16xf32>,
        %parallel_loop3A_556 = arith.constant 2 : i32
        %parallel_loop3A_557 = vector.broadcast %parallel_loop3A_556 : i32 to vector<16xi32>
        %parallel_loop3A_558 = arith.addi %shift_right_arithmetic3A_13, %parallel_loop3A_557 : vector<16xi32>
        tpu.vector_store_idx %arg15[%parallel_loop3A_237, %parallel_loop3A_558, %and3A_16, %parallel_loop3A_552], %parallel_loop3A_489 : memref<4x4x8x33xf32, #tpu.memory_space<vmem>>[vector<16xi32>, vector<16xi32>, vector<16xi32>, vector<16xi32>], vector<16xf32>,
        %parallel_loop3A_559 = arith.constant 9 : i32
        %parallel_loop3A_560 = vector.broadcast %parallel_loop3A_559 : i32 to vector<16xi32>
        %parallel_loop3A_561 = arith.addi %mul3A_10, %parallel_loop3A_560 : vector<16xi32>
        %parallel_loop3A_562 = arith.constant 0 : i32
        %parallel_loop3A_563 = vector.broadcast %parallel_loop3A_562 : i32 to vector<16xi32>
        %parallel_loop3A_564 = arith.addi %shift_right_arithmetic3A_13, %parallel_loop3A_563 : vector<16xi32>
        tpu.vector_store_idx %arg15[%parallel_loop3A_237, %parallel_loop3A_564, %and3A_16, %parallel_loop3A_561], %parallel_loop3A_499 : memref<4x4x8x33xf32, #tpu.memory_space<vmem>>[vector<16xi32>, vector<16xi32>, vector<16xi32>, vector<16xi32>], vector<16xf32>,
        %parallel_loop3A_565 = arith.constant 2 : i32
        %parallel_loop3A_566 = vector.broadcast %parallel_loop3A_565 : i32 to vector<16xi32>
        %parallel_loop3A_567 = arith.addi %shift_right_arithmetic3A_13, %parallel_loop3A_566 : vector<16xi32>
        tpu.vector_store_idx %arg15[%parallel_loop3A_237, %parallel_loop3A_567, %and3A_16, %parallel_loop3A_561], %parallel_loop3A_509 : memref<4x4x8x33xf32, #tpu.memory_space<vmem>>[vector<16xi32>, vector<16xi32>, vector<16xi32>, vector<16xi32>], vector<16xf32>,
        %parallel_loop3A_568 = arith.constant 10 : i32
        %parallel_loop3A_569 = vector.broadcast %parallel_loop3A_568 : i32 to vector<16xi32>
        %parallel_loop3A_570 = arith.addi %mul3A_10, %parallel_loop3A_569 : vector<16xi32>
        %parallel_loop3A_571 = arith.constant 0 : i32
        %parallel_loop3A_572 = vector.broadcast %parallel_loop3A_571 : i32 to vector<16xi32>
        %parallel_loop3A_573 = arith.addi %shift_right_arithmetic3A_13, %parallel_loop3A_572 : vector<16xi32>
        tpu.vector_store_idx %arg15[%parallel_loop3A_237, %parallel_loop3A_573, %and3A_16, %parallel_loop3A_570], %parallel_loop3A_519 : memref<4x4x8x33xf32, #tpu.memory_space<vmem>>[vector<16xi32>, vector<16xi32>, vector<16xi32>, vector<16xi32>], vector<16xf32>,
        %parallel_loop3A_574 = arith.constant 2 : i32
        %parallel_loop3A_575 = vector.broadcast %parallel_loop3A_574 : i32 to vector<16xi32>
        %parallel_loop3A_576 = arith.addi %shift_right_arithmetic3A_13, %parallel_loop3A_575 : vector<16xi32>
        tpu.vector_store_idx %arg15[%parallel_loop3A_237, %parallel_loop3A_576, %and3A_16, %parallel_loop3A_570], %parallel_loop3A_529 : memref<4x4x8x33xf32, #tpu.memory_space<vmem>>[vector<16xi32>, vector<16xi32>, vector<16xi32>, vector<16xi32>], vector<16xf32>,
        %parallel_loop3A_577 = arith.constant 11 : i32
        %parallel_loop3A_578 = vector.broadcast %parallel_loop3A_577 : i32 to vector<16xi32>
        %parallel_loop3A_579 = arith.addi %mul3A_10, %parallel_loop3A_578 : vector<16xi32>
        %parallel_loop3A_580 = arith.constant 0 : i32
        %parallel_loop3A_581 = vector.broadcast %parallel_loop3A_580 : i32 to vector<16xi32>
        %parallel_loop3A_582 = arith.addi %shift_right_arithmetic3A_13, %parallel_loop3A_581 : vector<16xi32>
        tpu.vector_store_idx %arg15[%parallel_loop3A_237, %parallel_loop3A_582, %and3A_16, %parallel_loop3A_579], %parallel_loop3A_539 : memref<4x4x8x33xf32, #tpu.memory_space<vmem>>[vector<16xi32>, vector<16xi32>, vector<16xi32>, vector<16xi32>], vector<16xf32>,
        %parallel_loop3A_583 = arith.constant 2 : i32
        %parallel_loop3A_584 = vector.broadcast %parallel_loop3A_583 : i32 to vector<16xi32>
        %parallel_loop3A_585 = arith.addi %shift_right_arithmetic3A_13, %parallel_loop3A_584 : vector<16xi32>
        tpu.vector_store_idx %arg15[%parallel_loop3A_237, %parallel_loop3A_585, %and3A_16, %parallel_loop3A_579], %parallel_loop3A_549 : memref<4x4x8x33xf32, #tpu.memory_space<vmem>>[vector<16xi32>, vector<16xi32>, vector<16xi32>, vector<16xi32>], vector<16xf32>,
        %parallel_loop3A_586 = arith.constant 128 : i32
        %parallel_loop3A_587 = arith.muli %and3A_192, %parallel_loop3A_586 : i32
        %parallel_loop3A_588 = arith.constant 32 : i32
        %parallel_loop3A_589 = arith.muli %parallel_loop3A_235, %parallel_loop3A_588 : i32
        %parallel_loop3A_590 = arith.addi %parallel_loop3A_587, %parallel_loop3A_589 : i32
        %parallel_loop3A_591 = arith.constant 12 : i32
        %parallel_loop3A_592 = arith.addi %parallel_loop3A_590, %parallel_loop3A_591 : i32
        %parallel_loop3A_593 = arith.index_cast %parallel_loop3A_592 : i32 to index
        %parallel_loop3A_594 = arith.constant 0 : index
        %parallel_loop3A_595 = tpu.vector_load %arg14[%parallel_loop3A_593, %parallel_loop3A_594] {strides = array<i32>} : memref<256x32xf32, #tpu.memory_space<vmem>>, vector<16xf32>,
        %parallel_loop3A_596 = arith.constant 128 : i32
        %parallel_loop3A_597 = arith.muli %and3A_192, %parallel_loop3A_596 : i32
        %parallel_loop3A_598 = arith.constant 32 : i32
        %parallel_loop3A_599 = arith.muli %parallel_loop3A_235, %parallel_loop3A_598 : i32
        %parallel_loop3A_600 = arith.addi %parallel_loop3A_597, %parallel_loop3A_599 : i32
        %parallel_loop3A_601 = arith.constant 12 : i32
        %parallel_loop3A_602 = arith.addi %parallel_loop3A_600, %parallel_loop3A_601 : i32
        %parallel_loop3A_603 = arith.index_cast %parallel_loop3A_602 : i32 to index
        %parallel_loop3A_604 = arith.constant 16 : index
        %parallel_loop3A_605 = tpu.vector_load %arg14[%parallel_loop3A_603, %parallel_loop3A_604] {strides = array<i32>} : memref<256x32xf32, #tpu.memory_space<vmem>>, vector<16xf32>,
        %parallel_loop3A_606 = arith.constant 128 : i32
        %parallel_loop3A_607 = arith.muli %and3A_192, %parallel_loop3A_606 : i32
        %parallel_loop3A_608 = arith.constant 32 : i32
        %parallel_loop3A_609 = arith.muli %parallel_loop3A_235, %parallel_loop3A_608 : i32
        %parallel_loop3A_610 = arith.addi %parallel_loop3A_607, %parallel_loop3A_609 : i32
        %parallel_loop3A_611 = arith.constant 13 : i32
        %parallel_loop3A_612 = arith.addi %parallel_loop3A_610, %parallel_loop3A_611 : i32
        %parallel_loop3A_613 = arith.index_cast %parallel_loop3A_612 : i32 to index
        %parallel_loop3A_614 = arith.constant 0 : index
        %parallel_loop3A_615 = tpu.vector_load %arg14[%parallel_loop3A_613, %parallel_loop3A_614] {strides = array<i32>} : memref<256x32xf32, #tpu.memory_space<vmem>>, vector<16xf32>,
        %parallel_loop3A_616 = arith.constant 128 : i32
        %parallel_loop3A_617 = arith.muli %and3A_192, %parallel_loop3A_616 : i32
        %parallel_loop3A_618 = arith.constant 32 : i32
        %parallel_loop3A_619 = arith.muli %parallel_loop3A_235, %parallel_loop3A_618 : i32
        %parallel_loop3A_620 = arith.addi %parallel_loop3A_617, %parallel_loop3A_619 : i32
        %parallel_loop3A_621 = arith.constant 13 : i32
        %parallel_loop3A_622 = arith.addi %parallel_loop3A_620, %parallel_loop3A_621 : i32
        %parallel_loop3A_623 = arith.index_cast %parallel_loop3A_622 : i32 to index
        %parallel_loop3A_624 = arith.constant 16 : index
        %parallel_loop3A_625 = tpu.vector_load %arg14[%parallel_loop3A_623, %parallel_loop3A_624] {strides = array<i32>} : memref<256x32xf32, #tpu.memory_space<vmem>>, vector<16xf32>,
        %parallel_loop3A_626 = arith.constant 128 : i32
        %parallel_loop3A_627 = arith.muli %and3A_192, %parallel_loop3A_626 : i32
        %parallel_loop3A_628 = arith.constant 32 : i32
        %parallel_loop3A_629 = arith.muli %parallel_loop3A_235, %parallel_loop3A_628 : i32
        %parallel_loop3A_630 = arith.addi %parallel_loop3A_627, %parallel_loop3A_629 : i32
        %parallel_loop3A_631 = arith.constant 14 : i32
        %parallel_loop3A_632 = arith.addi %parallel_loop3A_630, %parallel_loop3A_631 : i32
        %parallel_loop3A_633 = arith.index_cast %parallel_loop3A_632 : i32 to index
        %parallel_loop3A_634 = arith.constant 0 : index
        %parallel_loop3A_635 = tpu.vector_load %arg14[%parallel_loop3A_633, %parallel_loop3A_634] {strides = array<i32>} : memref<256x32xf32, #tpu.memory_space<vmem>>, vector<16xf32>,
        %parallel_loop3A_636 = arith.constant 128 : i32
        %parallel_loop3A_637 = arith.muli %and3A_192, %parallel_loop3A_636 : i32
        %parallel_loop3A_638 = arith.constant 32 : i32
        %parallel_loop3A_639 = arith.muli %parallel_loop3A_235, %parallel_loop3A_638 : i32
        %parallel_loop3A_640 = arith.addi %parallel_loop3A_637, %parallel_loop3A_639 : i32
        %parallel_loop3A_641 = arith.constant 14 : i32
        %parallel_loop3A_642 = arith.addi %parallel_loop3A_640, %parallel_loop3A_641 : i32
        %parallel_loop3A_643 = arith.index_cast %parallel_loop3A_642 : i32 to index
        %parallel_loop3A_644 = arith.constant 16 : index
        %parallel_loop3A_645 = tpu.vector_load %arg14[%parallel_loop3A_643, %parallel_loop3A_644] {strides = array<i32>} : memref<256x32xf32, #tpu.memory_space<vmem>>, vector<16xf32>,
        %parallel_loop3A_646 = arith.constant 128 : i32
        %parallel_loop3A_647 = arith.muli %and3A_192, %parallel_loop3A_646 : i32
        %parallel_loop3A_648 = arith.constant 32 : i32
        %parallel_loop3A_649 = arith.muli %parallel_loop3A_235, %parallel_loop3A_648 : i32
        %parallel_loop3A_650 = arith.addi %parallel_loop3A_647, %parallel_loop3A_649 : i32
        %parallel_loop3A_651 = arith.constant 15 : i32
        %parallel_loop3A_652 = arith.addi %parallel_loop3A_650, %parallel_loop3A_651 : i32
        %parallel_loop3A_653 = arith.index_cast %parallel_loop3A_652 : i32 to index
        %parallel_loop3A_654 = arith.constant 0 : index
        %parallel_loop3A_655 = tpu.vector_load %arg14[%parallel_loop3A_653, %parallel_loop3A_654] {strides = array<i32>} : memref<256x32xf32, #tpu.memory_space<vmem>>, vector<16xf32>,
        %parallel_loop3A_656 = arith.constant 128 : i32
        %parallel_loop3A_657 = arith.muli %and3A_192, %parallel_loop3A_656 : i32
        %parallel_loop3A_658 = arith.constant 32 : i32
        %parallel_loop3A_659 = arith.muli %parallel_loop3A_235, %parallel_loop3A_658 : i32
        %parallel_loop3A_660 = arith.addi %parallel_loop3A_657, %parallel_loop3A_659 : i32
        %parallel_loop3A_661 = arith.constant 15 : i32
        %parallel_loop3A_662 = arith.addi %parallel_loop3A_660, %parallel_loop3A_661 : i32
        %parallel_loop3A_663 = arith.index_cast %parallel_loop3A_662 : i32 to index
        %parallel_loop3A_664 = arith.constant 16 : index
        %parallel_loop3A_665 = tpu.vector_load %arg14[%parallel_loop3A_663, %parallel_loop3A_664] {strides = array<i32>} : memref<256x32xf32, #tpu.memory_space<vmem>>, vector<16xf32>,
        %parallel_loop3A_666 = arith.constant 12 : i32
        %parallel_loop3A_667 = vector.broadcast %parallel_loop3A_666 : i32 to vector<16xi32>
        %parallel_loop3A_668 = arith.addi %mul3A_10, %parallel_loop3A_667 : vector<16xi32>
        %parallel_loop3A_669 = arith.constant 0 : i32
        %parallel_loop3A_670 = vector.broadcast %parallel_loop3A_669 : i32 to vector<16xi32>
        %parallel_loop3A_671 = arith.addi %shift_right_arithmetic3A_13, %parallel_loop3A_670 : vector<16xi32>
        tpu.vector_store_idx %arg15[%parallel_loop3A_237, %parallel_loop3A_671, %and3A_16, %parallel_loop3A_668], %parallel_loop3A_595 : memref<4x4x8x33xf32, #tpu.memory_space<vmem>>[vector<16xi32>, vector<16xi32>, vector<16xi32>, vector<16xi32>], vector<16xf32>,
        %parallel_loop3A_672 = arith.constant 2 : i32
        %parallel_loop3A_673 = vector.broadcast %parallel_loop3A_672 : i32 to vector<16xi32>
        %parallel_loop3A_674 = arith.addi %shift_right_arithmetic3A_13, %parallel_loop3A_673 : vector<16xi32>
        tpu.vector_store_idx %arg15[%parallel_loop3A_237, %parallel_loop3A_674, %and3A_16, %parallel_loop3A_668], %parallel_loop3A_605 : memref<4x4x8x33xf32, #tpu.memory_space<vmem>>[vector<16xi32>, vector<16xi32>, vector<16xi32>, vector<16xi32>], vector<16xf32>,
        %parallel_loop3A_675 = arith.constant 13 : i32
        %parallel_loop3A_676 = vector.broadcast %parallel_loop3A_675 : i32 to vector<16xi32>
        %parallel_loop3A_677 = arith.addi %mul3A_10, %parallel_loop3A_676 : vector<16xi32>
        %parallel_loop3A_678 = arith.constant 0 : i32
        %parallel_loop3A_679 = vector.broadcast %parallel_loop3A_678 : i32 to vector<16xi32>
        %parallel_loop3A_680 = arith.addi %shift_right_arithmetic3A_13, %parallel_loop3A_679 : vector<16xi32>
        tpu.vector_store_idx %arg15[%parallel_loop3A_237, %parallel_loop3A_680, %and3A_16, %parallel_loop3A_677], %parallel_loop3A_615 : memref<4x4x8x33xf32, #tpu.memory_space<vmem>>[vector<16xi32>, vector<16xi32>, vector<16xi32>, vector<16xi32>], vector<16xf32>,
        %parallel_loop3A_681 = arith.constant 2 : i32
        %parallel_loop3A_682 = vector.broadcast %parallel_loop3A_681 : i32 to vector<16xi32>
        %parallel_loop3A_683 = arith.addi %shift_right_arithmetic3A_13, %parallel_loop3A_682 : vector<16xi32>
        tpu.vector_store_idx %arg15[%parallel_loop3A_237, %parallel_loop3A_683, %and3A_16, %parallel_loop3A_677], %parallel_loop3A_625 : memref<4x4x8x33xf32, #tpu.memory_space<vmem>>[vector<16xi32>, vector<16xi32>, vector<16xi32>, vector<16xi32>], vector<16xf32>,
        %parallel_loop3A_684 = arith.constant 14 : i32
        %parallel_loop3A_685 = vector.broadcast %parallel_loop3A_684 : i32 to vector<16xi32>
        %parallel_loop3A_686 = arith.addi %mul3A_10, %parallel_loop3A_685 : vector<16xi32>
        %parallel_loop3A_687 = arith.constant 0 : i32
        %parallel_loop3A_688 = vector.broadcast %parallel_loop3A_687 : i32 to vector<16xi32>
        %parallel_loop3A_689 = arith.addi %shift_right_arithmetic3A_13, %parallel_loop3A_688 : vector<16xi32>
        tpu.vector_store_idx %arg15[%parallel_loop3A_237, %parallel_loop3A_689, %and3A_16, %parallel_loop3A_686], %parallel_loop3A_635 : memref<4x4x8x33xf32, #tpu.memory_space<vmem>>[vector<16xi32>, vector<16xi32>, vector<16xi32>, vector<16xi32>], vector<16xf32>,
        %parallel_loop3A_690 = arith.constant 2 : i32
        %parallel_loop3A_691 = vector.broadcast %parallel_loop3A_690 : i32 to vector<16xi32>
        %parallel_loop3A_692 = arith.addi %shift_right_arithmetic3A_13, %parallel_loop3A_691 : vector<16xi32>
        tpu.vector_store_idx %arg15[%parallel_loop3A_237, %parallel_loop3A_692, %and3A_16, %parallel_loop3A_686], %parallel_loop3A_645 : memref<4x4x8x33xf32, #tpu.memory_space<vmem>>[vector<16xi32>, vector<16xi32>, vector<16xi32>, vector<16xi32>], vector<16xf32>,
        %parallel_loop3A_693 = arith.constant 15 : i32
        %parallel_loop3A_694 = vector.broadcast %parallel_loop3A_693 : i32 to vector<16xi32>
        %parallel_loop3A_695 = arith.addi %mul3A_10, %parallel_loop3A_694 : vector<16xi32>
        %parallel_loop3A_696 = arith.constant 0 : i32
        %parallel_loop3A_697 = vector.broadcast %parallel_loop3A_696 : i32 to vector<16xi32>
        %parallel_loop3A_698 = arith.addi %shift_right_arithmetic3A_13, %parallel_loop3A_697 : vector<16xi32>
        tpu.vector_store_idx %arg15[%parallel_loop3A_237, %parallel_loop3A_698, %and3A_16, %parallel_loop3A_695], %parallel_loop3A_655 : memref<4x4x8x33xf32, #tpu.memory_space<vmem>>[vector<16xi32>, vector<16xi32>, vector<16xi32>, vector<16xi32>], vector<16xf32>,
        %parallel_loop3A_699 = arith.constant 2 : i32
        %parallel_loop3A_700 = vector.broadcast %parallel_loop3A_699 : i32 to vector<16xi32>
        %parallel_loop3A_701 = arith.addi %shift_right_arithmetic3A_13, %parallel_loop3A_700 : vector<16xi32>
        tpu.vector_store_idx %arg15[%parallel_loop3A_237, %parallel_loop3A_701, %and3A_16, %parallel_loop3A_695], %parallel_loop3A_665 : memref<4x4x8x33xf32, #tpu.memory_space<vmem>>[vector<16xi32>, vector<16xi32>, vector<16xi32>, vector<16xi32>], vector<16xf32>,
        %parallel_loop3A_702 = arith.constant 128 : i32
        %parallel_loop3A_703 = arith.muli %and3A_192, %parallel_loop3A_702 : i32
        %parallel_loop3A_704 = arith.constant 32 : i32
        %parallel_loop3A_705 = arith.muli %parallel_loop3A_235, %parallel_loop3A_704 : i32
        %parallel_loop3A_706 = arith.addi %parallel_loop3A_703, %parallel_loop3A_705 : i32
        %parallel_loop3A_707 = arith.constant 16 : i32
        %parallel_loop3A_708 = arith.addi %parallel_loop3A_706, %parallel_loop3A_707 : i32
        %parallel_loop3A_709 = arith.index_cast %parallel_loop3A_708 : i32 to index
        %parallel_loop3A_710 = arith.constant 0 : index
        %parallel_loop3A_711 = tpu.vector_load %arg14[%parallel_loop3A_709, %parallel_loop3A_710] {strides = array<i32>} : memref<256x32xf32, #tpu.memory_space<vmem>>, vector<16xf32>,
        %parallel_loop3A_712 = arith.constant 128 : i32
        %parallel_loop3A_713 = arith.muli %and3A_192, %parallel_loop3A_712 : i32
        %parallel_loop3A_714 = arith.constant 32 : i32
        %parallel_loop3A_715 = arith.muli %parallel_loop3A_235, %parallel_loop3A_714 : i32
        %parallel_loop3A_716 = arith.addi %parallel_loop3A_713, %parallel_loop3A_715 : i32
        %parallel_loop3A_717 = arith.constant 16 : i32
        %parallel_loop3A_718 = arith.addi %parallel_loop3A_716, %parallel_loop3A_717 : i32
        %parallel_loop3A_719 = arith.index_cast %parallel_loop3A_718 : i32 to index
        %parallel_loop3A_720 = arith.constant 16 : index
        %parallel_loop3A_721 = tpu.vector_load %arg14[%parallel_loop3A_719, %parallel_loop3A_720] {strides = array<i32>} : memref<256x32xf32, #tpu.memory_space<vmem>>, vector<16xf32>,
        %parallel_loop3A_722 = arith.constant 128 : i32
        %parallel_loop3A_723 = arith.muli %and3A_192, %parallel_loop3A_722 : i32
        %parallel_loop3A_724 = arith.constant 32 : i32
        %parallel_loop3A_725 = arith.muli %parallel_loop3A_235, %parallel_loop3A_724 : i32
        %parallel_loop3A_726 = arith.addi %parallel_loop3A_723, %parallel_loop3A_725 : i32
        %parallel_loop3A_727 = arith.constant 17 : i32
        %parallel_loop3A_728 = arith.addi %parallel_loop3A_726, %parallel_loop3A_727 : i32
        %parallel_loop3A_729 = arith.index_cast %parallel_loop3A_728 : i32 to index
        %parallel_loop3A_730 = arith.constant 0 : index
        %parallel_loop3A_731 = tpu.vector_load %arg14[%parallel_loop3A_729, %parallel_loop3A_730] {strides = array<i32>} : memref<256x32xf32, #tpu.memory_space<vmem>>, vector<16xf32>,
        %parallel_loop3A_732 = arith.constant 128 : i32
        %parallel_loop3A_733 = arith.muli %and3A_192, %parallel_loop3A_732 : i32
        %parallel_loop3A_734 = arith.constant 32 : i32
        %parallel_loop3A_735 = arith.muli %parallel_loop3A_235, %parallel_loop3A_734 : i32
        %parallel_loop3A_736 = arith.addi %parallel_loop3A_733, %parallel_loop3A_735 : i32
        %parallel_loop3A_737 = arith.constant 17 : i32
        %parallel_loop3A_738 = arith.addi %parallel_loop3A_736, %parallel_loop3A_737 : i32
        %parallel_loop3A_739 = arith.index_cast %parallel_loop3A_738 : i32 to index
        %parallel_loop3A_740 = arith.constant 16 : index
        %parallel_loop3A_741 = tpu.vector_load %arg14[%parallel_loop3A_739, %parallel_loop3A_740] {strides = array<i32>} : memref<256x32xf32, #tpu.memory_space<vmem>>, vector<16xf32>,
        %parallel_loop3A_742 = arith.constant 128 : i32
        %parallel_loop3A_743 = arith.muli %and3A_192, %parallel_loop3A_742 : i32
        %parallel_loop3A_744 = arith.constant 32 : i32
        %parallel_loop3A_745 = arith.muli %parallel_loop3A_235, %parallel_loop3A_744 : i32
        %parallel_loop3A_746 = arith.addi %parallel_loop3A_743, %parallel_loop3A_745 : i32
        %parallel_loop3A_747 = arith.constant 18 : i32
        %parallel_loop3A_748 = arith.addi %parallel_loop3A_746, %parallel_loop3A_747 : i32
        %parallel_loop3A_749 = arith.index_cast %parallel_loop3A_748 : i32 to index
        %parallel_loop3A_750 = arith.constant 0 : index
        %parallel_loop3A_751 = tpu.vector_load %arg14[%parallel_loop3A_749, %parallel_loop3A_750] {strides = array<i32>} : memref<256x32xf32, #tpu.memory_space<vmem>>, vector<16xf32>,
        %parallel_loop3A_752 = arith.constant 128 : i32
        %parallel_loop3A_753 = arith.muli %and3A_192, %parallel_loop3A_752 : i32
        %parallel_loop3A_754 = arith.constant 32 : i32
        %parallel_loop3A_755 = arith.muli %parallel_loop3A_235, %parallel_loop3A_754 : i32
        %parallel_loop3A_756 = arith.addi %parallel_loop3A_753, %parallel_loop3A_755 : i32
        %parallel_loop3A_757 = arith.constant 18 : i32
        %parallel_loop3A_758 = arith.addi %parallel_loop3A_756, %parallel_loop3A_757 : i32
        %parallel_loop3A_759 = arith.index_cast %parallel_loop3A_758 : i32 to index
        %parallel_loop3A_760 = arith.constant 16 : index
        %parallel_loop3A_761 = tpu.vector_load %arg14[%parallel_loop3A_759, %parallel_loop3A_760] {strides = array<i32>} : memref<256x32xf32, #tpu.memory_space<vmem>>, vector<16xf32>,
        %parallel_loop3A_762 = arith.constant 128 : i32
        %parallel_loop3A_763 = arith.muli %and3A_192, %parallel_loop3A_762 : i32
        %parallel_loop3A_764 = arith.constant 32 : i32
        %parallel_loop3A_765 = arith.muli %parallel_loop3A_235, %parallel_loop3A_764 : i32
        %parallel_loop3A_766 = arith.addi %parallel_loop3A_763, %parallel_loop3A_765 : i32
        %parallel_loop3A_767 = arith.constant 19 : i32
        %parallel_loop3A_768 = arith.addi %parallel_loop3A_766, %parallel_loop3A_767 : i32
        %parallel_loop3A_769 = arith.index_cast %parallel_loop3A_768 : i32 to index
        %parallel_loop3A_770 = arith.constant 0 : index
        %parallel_loop3A_771 = tpu.vector_load %arg14[%parallel_loop3A_769, %parallel_loop3A_770] {strides = array<i32>} : memref<256x32xf32, #tpu.memory_space<vmem>>, vector<16xf32>,
        %parallel_loop3A_772 = arith.constant 128 : i32
        %parallel_loop3A_773 = arith.muli %and3A_192, %parallel_loop3A_772 : i32
        %parallel_loop3A_774 = arith.constant 32 : i32
        %parallel_loop3A_775 = arith.muli %parallel_loop3A_235, %parallel_loop3A_774 : i32
        %parallel_loop3A_776 = arith.addi %parallel_loop3A_773, %parallel_loop3A_775 : i32
        %parallel_loop3A_777 = arith.constant 19 : i32
        %parallel_loop3A_778 = arith.addi %parallel_loop3A_776, %parallel_loop3A_777 : i32
        %parallel_loop3A_779 = arith.index_cast %parallel_loop3A_778 : i32 to index
        %parallel_loop3A_780 = arith.constant 16 : index
        %parallel_loop3A_781 = tpu.vector_load %arg14[%parallel_loop3A_779, %parallel_loop3A_780] {strides = array<i32>} : memref<256x32xf32, #tpu.memory_space<vmem>>, vector<16xf32>,
        %parallel_loop3A_782 = arith.constant 16 : i32
        %parallel_loop3A_783 = vector.broadcast %parallel_loop3A_782 : i32 to vector<16xi32>
        %parallel_loop3A_784 = arith.addi %mul3A_10, %parallel_loop3A_783 : vector<16xi32>
        %parallel_loop3A_785 = arith.constant 0 : i32
        %parallel_loop3A_786 = vector.broadcast %parallel_loop3A_785 : i32 to vector<16xi32>
        %parallel_loop3A_787 = arith.addi %shift_right_arithmetic3A_13, %parallel_loop3A_786 : vector<16xi32>
        tpu.vector_store_idx %arg15[%parallel_loop3A_237, %parallel_loop3A_787, %and3A_16, %parallel_loop3A_784], %parallel_loop3A_711 : memref<4x4x8x33xf32, #tpu.memory_space<vmem>>[vector<16xi32>, vector<16xi32>, vector<16xi32>, vector<16xi32>], vector<16xf32>,
        %parallel_loop3A_788 = arith.constant 2 : i32
        %parallel_loop3A_789 = vector.broadcast %parallel_loop3A_788 : i32 to vector<16xi32>
        %parallel_loop3A_790 = arith.addi %shift_right_arithmetic3A_13, %parallel_loop3A_789 : vector<16xi32>
        tpu.vector_store_idx %arg15[%parallel_loop3A_237, %parallel_loop3A_790, %and3A_16, %parallel_loop3A_784], %parallel_loop3A_721 : memref<4x4x8x33xf32, #tpu.memory_space<vmem>>[vector<16xi32>, vector<16xi32>, vector<16xi32>, vector<16xi32>], vector<16xf32>,
        %parallel_loop3A_791 = arith.constant 17 : i32
        %parallel_loop3A_792 = vector.broadcast %parallel_loop3A_791 : i32 to vector<16xi32>
        %parallel_loop3A_793 = arith.addi %mul3A_10, %parallel_loop3A_792 : vector<16xi32>
        %parallel_loop3A_794 = arith.constant 0 : i32
        %parallel_loop3A_795 = vector.broadcast %parallel_loop3A_794 : i32 to vector<16xi32>
        %parallel_loop3A_796 = arith.addi %shift_right_arithmetic3A_13, %parallel_loop3A_795 : vector<16xi32>
        tpu.vector_store_idx %arg15[%parallel_loop3A_237, %parallel_loop3A_796, %and3A_16, %parallel_loop3A_793], %parallel_loop3A_731 : memref<4x4x8x33xf32, #tpu.memory_space<vmem>>[vector<16xi32>, vector<16xi32>, vector<16xi32>, vector<16xi32>], vector<16xf32>,
        %parallel_loop3A_797 = arith.constant 2 : i32
        %parallel_loop3A_798 = vector.broadcast %parallel_loop3A_797 : i32 to vector<16xi32>
        %parallel_loop3A_799 = arith.addi %shift_right_arithmetic3A_13, %parallel_loop3A_798 : vector<16xi32>
        tpu.vector_store_idx %arg15[%parallel_loop3A_237, %parallel_loop3A_799, %and3A_16, %parallel_loop3A_793], %parallel_loop3A_741 : memref<4x4x8x33xf32, #tpu.memory_space<vmem>>[vector<16xi32>, vector<16xi32>, vector<16xi32>, vector<16xi32>], vector<16xf32>,
        %parallel_loop3A_800 = arith.constant 18 : i32
        %parallel_loop3A_801 = vector.broadcast %parallel_loop3A_800 : i32 to vector<16xi32>
        %parallel_loop3A_802 = arith.addi %mul3A_10, %parallel_loop3A_801 : vector<16xi32>
        %parallel_loop3A_803 = arith.constant 0 : i32
        %parallel_loop3A_804 = vector.broadcast %parallel_loop3A_803 : i32 to vector<16xi32>
        %parallel_loop3A_805 = arith.addi %shift_right_arithmetic3A_13, %parallel_loop3A_804 : vector<16xi32>
        tpu.vector_store_idx %arg15[%parallel_loop3A_237, %parallel_loop3A_805, %and3A_16, %parallel_loop3A_802], %parallel_loop3A_751 : memref<4x4x8x33xf32, #tpu.memory_space<vmem>>[vector<16xi32>, vector<16xi32>, vector<16xi32>, vector<16xi32>], vector<16xf32>,
        %parallel_loop3A_806 = arith.constant 2 : i32
        %parallel_loop3A_807 = vector.broadcast %parallel_loop3A_806 : i32 to vector<16xi32>
        %parallel_loop3A_808 = arith.addi %shift_right_arithmetic3A_13, %parallel_loop3A_807 : vector<16xi32>
        tpu.vector_store_idx %arg15[%parallel_loop3A_237, %parallel_loop3A_808, %and3A_16, %parallel_loop3A_802], %parallel_loop3A_761 : memref<4x4x8x33xf32, #tpu.memory_space<vmem>>[vector<16xi32>, vector<16xi32>, vector<16xi32>, vector<16xi32>], vector<16xf32>,
        %parallel_loop3A_809 = arith.constant 19 : i32
        %parallel_loop3A_810 = vector.broadcast %parallel_loop3A_809 : i32 to vector<16xi32>
        %parallel_loop3A_811 = arith.addi %mul3A_10, %parallel_loop3A_810 : vector<16xi32>
        %parallel_loop3A_812 = arith.constant 0 : i32
        %parallel_loop3A_813 = vector.broadcast %parallel_loop3A_812 : i32 to vector<16xi32>
        %parallel_loop3A_814 = arith.addi %shift_right_arithmetic3A_13, %parallel_loop3A_813 : vector<16xi32>
        tpu.vector_store_idx %arg15[%parallel_loop3A_237, %parallel_loop3A_814, %and3A_16, %parallel_loop3A_811], %parallel_loop3A_771 : memref<4x4x8x33xf32, #tpu.memory_space<vmem>>[vector<16xi32>, vector<16xi32>, vector<16xi32>, vector<16xi32>], vector<16xf32>,
        %parallel_loop3A_815 = arith.constant 2 : i32
        %parallel_loop3A_816 = vector.broadcast %parallel_loop3A_815 : i32 to vector<16xi32>
        %parallel_loop3A_817 = arith.addi %shift_right_arithmetic3A_13, %parallel_loop3A_816 : vector<16xi32>
        tpu.vector_store_idx %arg15[%parallel_loop3A_237, %parallel_loop3A_817, %and3A_16, %parallel_loop3A_811], %parallel_loop3A_781 : memref<4x4x8x33xf32, #tpu.memory_space<vmem>>[vector<16xi32>, vector<16xi32>, vector<16xi32>, vector<16xi32>], vector<16xf32>,
        %parallel_loop3A_818 = arith.constant 128 : i32
        %parallel_loop3A_819 = arith.muli %and3A_192, %parallel_loop3A_818 : i32
        %parallel_loop3A_820 = arith.constant 32 : i32
        %parallel_loop3A_821 = arith.muli %parallel_loop3A_235, %parallel_loop3A_820 : i32
        %parallel_loop3A_822 = arith.addi %parallel_loop3A_819, %parallel_loop3A_821 : i32
        %parallel_loop3A_823 = arith.constant 20 : i32
        %parallel_loop3A_824 = arith.addi %parallel_loop3A_822, %parallel_loop3A_823 : i32
        %parallel_loop3A_825 = arith.index_cast %parallel_loop3A_824 : i32 to index
        %parallel_loop3A_826 = arith.constant 0 : index
        %parallel_loop3A_827 = tpu.vector_load %arg14[%parallel_loop3A_825, %parallel_loop3A_826] {strides = array<i32>} : memref<256x32xf32, #tpu.memory_space<vmem>>, vector<16xf32>,
        %parallel_loop3A_828 = arith.constant 128 : i32
        %parallel_loop3A_829 = arith.muli %and3A_192, %parallel_loop3A_828 : i32
        %parallel_loop3A_830 = arith.constant 32 : i32
        %parallel_loop3A_831 = arith.muli %parallel_loop3A_235, %parallel_loop3A_830 : i32
        %parallel_loop3A_832 = arith.addi %parallel_loop3A_829, %parallel_loop3A_831 : i32
        %parallel_loop3A_833 = arith.constant 20 : i32
        %parallel_loop3A_834 = arith.addi %parallel_loop3A_832, %parallel_loop3A_833 : i32
        %parallel_loop3A_835 = arith.index_cast %parallel_loop3A_834 : i32 to index
        %parallel_loop3A_836 = arith.constant 16 : index
        %parallel_loop3A_837 = tpu.vector_load %arg14[%parallel_loop3A_835, %parallel_loop3A_836] {strides = array<i32>} : memref<256x32xf32, #tpu.memory_space<vmem>>, vector<16xf32>,
        %parallel_loop3A_838 = arith.constant 128 : i32
        %parallel_loop3A_839 = arith.muli %and3A_192, %parallel_loop3A_838 : i32
        %parallel_loop3A_840 = arith.constant 32 : i32
        %parallel_loop3A_841 = arith.muli %parallel_loop3A_235, %parallel_loop3A_840 : i32
        %parallel_loop3A_842 = arith.addi %parallel_loop3A_839, %parallel_loop3A_841 : i32
        %parallel_loop3A_843 = arith.constant 21 : i32
        %parallel_loop3A_844 = arith.addi %parallel_loop3A_842, %parallel_loop3A_843 : i32
        %parallel_loop3A_845 = arith.index_cast %parallel_loop3A_844 : i32 to index
        %parallel_loop3A_846 = arith.constant 0 : index
        %parallel_loop3A_847 = tpu.vector_load %arg14[%parallel_loop3A_845, %parallel_loop3A_846] {strides = array<i32>} : memref<256x32xf32, #tpu.memory_space<vmem>>, vector<16xf32>,
        %parallel_loop3A_848 = arith.constant 128 : i32
        %parallel_loop3A_849 = arith.muli %and3A_192, %parallel_loop3A_848 : i32
        %parallel_loop3A_850 = arith.constant 32 : i32
        %parallel_loop3A_851 = arith.muli %parallel_loop3A_235, %parallel_loop3A_850 : i32
        %parallel_loop3A_852 = arith.addi %parallel_loop3A_849, %parallel_loop3A_851 : i32
        %parallel_loop3A_853 = arith.constant 21 : i32
        %parallel_loop3A_854 = arith.addi %parallel_loop3A_852, %parallel_loop3A_853 : i32
        %parallel_loop3A_855 = arith.index_cast %parallel_loop3A_854 : i32 to index
        %parallel_loop3A_856 = arith.constant 16 : index
        %parallel_loop3A_857 = tpu.vector_load %arg14[%parallel_loop3A_855, %parallel_loop3A_856] {strides = array<i32>} : memref<256x32xf32, #tpu.memory_space<vmem>>, vector<16xf32>,
        %parallel_loop3A_858 = arith.constant 128 : i32
        %parallel_loop3A_859 = arith.muli %and3A_192, %parallel_loop3A_858 : i32
        %parallel_loop3A_860 = arith.constant 32 : i32
        %parallel_loop3A_861 = arith.muli %parallel_loop3A_235, %parallel_loop3A_860 : i32
        %parallel_loop3A_862 = arith.addi %parallel_loop3A_859, %parallel_loop3A_861 : i32
        %parallel_loop3A_863 = arith.constant 22 : i32
        %parallel_loop3A_864 = arith.addi %parallel_loop3A_862, %parallel_loop3A_863 : i32
        %parallel_loop3A_865 = arith.index_cast %parallel_loop3A_864 : i32 to index
        %parallel_loop3A_866 = arith.constant 0 : index
        %parallel_loop3A_867 = tpu.vector_load %arg14[%parallel_loop3A_865, %parallel_loop3A_866] {strides = array<i32>} : memref<256x32xf32, #tpu.memory_space<vmem>>, vector<16xf32>,
        %parallel_loop3A_868 = arith.constant 128 : i32
        %parallel_loop3A_869 = arith.muli %and3A_192, %parallel_loop3A_868 : i32
        %parallel_loop3A_870 = arith.constant 32 : i32
        %parallel_loop3A_871 = arith.muli %parallel_loop3A_235, %parallel_loop3A_870 : i32
        %parallel_loop3A_872 = arith.addi %parallel_loop3A_869, %parallel_loop3A_871 : i32
        %parallel_loop3A_873 = arith.constant 22 : i32
        %parallel_loop3A_874 = arith.addi %parallel_loop3A_872, %parallel_loop3A_873 : i32
        %parallel_loop3A_875 = arith.index_cast %parallel_loop3A_874 : i32 to index
        %parallel_loop3A_876 = arith.constant 16 : index
        %parallel_loop3A_877 = tpu.vector_load %arg14[%parallel_loop3A_875, %parallel_loop3A_876] {strides = array<i32>} : memref<256x32xf32, #tpu.memory_space<vmem>>, vector<16xf32>,
        %parallel_loop3A_878 = arith.constant 128 : i32
        %parallel_loop3A_879 = arith.muli %and3A_192, %parallel_loop3A_878 : i32
        %parallel_loop3A_880 = arith.constant 32 : i32
        %parallel_loop3A_881 = arith.muli %parallel_loop3A_235, %parallel_loop3A_880 : i32
        %parallel_loop3A_882 = arith.addi %parallel_loop3A_879, %parallel_loop3A_881 : i32
        %parallel_loop3A_883 = arith.constant 23 : i32
        %parallel_loop3A_884 = arith.addi %parallel_loop3A_882, %parallel_loop3A_883 : i32
        %parallel_loop3A_885 = arith.index_cast %parallel_loop3A_884 : i32 to index
        %parallel_loop3A_886 = arith.constant 0 : index
        %parallel_loop3A_887 = tpu.vector_load %arg14[%parallel_loop3A_885, %parallel_loop3A_886] {strides = array<i32>} : memref<256x32xf32, #tpu.memory_space<vmem>>, vector<16xf32>,
        %parallel_loop3A_888 = arith.constant 128 : i32
        %parallel_loop3A_889 = arith.muli %and3A_192, %parallel_loop3A_888 : i32
        %parallel_loop3A_890 = arith.constant 32 : i32
        %parallel_loop3A_891 = arith.muli %parallel_loop3A_235, %parallel_loop3A_890 : i32
        %parallel_loop3A_892 = arith.addi %parallel_loop3A_889, %parallel_loop3A_891 : i32
        %parallel_loop3A_893 = arith.constant 23 : i32
        %parallel_loop3A_894 = arith.addi %parallel_loop3A_892, %parallel_loop3A_893 : i32
        %parallel_loop3A_895 = arith.index_cast %parallel_loop3A_894 : i32 to index
        %parallel_loop3A_896 = arith.constant 16 : index
        %parallel_loop3A_897 = tpu.vector_load %arg14[%parallel_loop3A_895, %parallel_loop3A_896] {strides = array<i32>} : memref<256x32xf32, #tpu.memory_space<vmem>>, vector<16xf32>,
        %parallel_loop3A_898 = arith.constant 20 : i32
        %parallel_loop3A_899 = vector.broadcast %parallel_loop3A_898 : i32 to vector<16xi32>
        %parallel_loop3A_900 = arith.addi %mul3A_10, %parallel_loop3A_899 : vector<16xi32>
        %parallel_loop3A_901 = arith.constant 0 : i32
        %parallel_loop3A_902 = vector.broadcast %parallel_loop3A_901 : i32 to vector<16xi32>
        %parallel_loop3A_903 = arith.addi %shift_right_arithmetic3A_13, %parallel_loop3A_902 : vector<16xi32>
        tpu.vector_store_idx %arg15[%parallel_loop3A_237, %parallel_loop3A_903, %and3A_16, %parallel_loop3A_900], %parallel_loop3A_827 : memref<4x4x8x33xf32, #tpu.memory_space<vmem>>[vector<16xi32>, vector<16xi32>, vector<16xi32>, vector<16xi32>], vector<16xf32>,
        %parallel_loop3A_904 = arith.constant 2 : i32
        %parallel_loop3A_905 = vector.broadcast %parallel_loop3A_904 : i32 to vector<16xi32>
        %parallel_loop3A_906 = arith.addi %shift_right_arithmetic3A_13, %parallel_loop3A_905 : vector<16xi32>
        tpu.vector_store_idx %arg15[%parallel_loop3A_237, %parallel_loop3A_906, %and3A_16, %parallel_loop3A_900], %parallel_loop3A_837 : memref<4x4x8x33xf32, #tpu.memory_space<vmem>>[vector<16xi32>, vector<16xi32>, vector<16xi32>, vector<16xi32>], vector<16xf32>,
        %parallel_loop3A_907 = arith.constant 21 : i32
        %parallel_loop3A_908 = vector.broadcast %parallel_loop3A_907 : i32 to vector<16xi32>
        %parallel_loop3A_909 = arith.addi %mul3A_10, %parallel_loop3A_908 : vector<16xi32>
        %parallel_loop3A_910 = arith.constant 0 : i32
        %parallel_loop3A_911 = vector.broadcast %parallel_loop3A_910 : i32 to vector<16xi32>
        %parallel_loop3A_912 = arith.addi %shift_right_arithmetic3A_13, %parallel_loop3A_911 : vector<16xi32>
        tpu.vector_store_idx %arg15[%parallel_loop3A_237, %parallel_loop3A_912, %and3A_16, %parallel_loop3A_909], %parallel_loop3A_847 : memref<4x4x8x33xf32, #tpu.memory_space<vmem>>[vector<16xi32>, vector<16xi32>, vector<16xi32>, vector<16xi32>], vector<16xf32>,
        %parallel_loop3A_913 = arith.constant 2 : i32
        %parallel_loop3A_914 = vector.broadcast %parallel_loop3A_913 : i32 to vector<16xi32>
        %parallel_loop3A_915 = arith.addi %shift_right_arithmetic3A_13, %parallel_loop3A_914 : vector<16xi32>
        tpu.vector_store_idx %arg15[%parallel_loop3A_237, %parallel_loop3A_915, %and3A_16, %parallel_loop3A_909], %parallel_loop3A_857 : memref<4x4x8x33xf32, #tpu.memory_space<vmem>>[vector<16xi32>, vector<16xi32>, vector<16xi32>, vector<16xi32>], vector<16xf32>,
        %parallel_loop3A_916 = arith.constant 22 : i32
        %parallel_loop3A_917 = vector.broadcast %parallel_loop3A_916 : i32 to vector<16xi32>
        %parallel_loop3A_918 = arith.addi %mul3A_10, %parallel_loop3A_917 : vector<16xi32>
        %parallel_loop3A_919 = arith.constant 0 : i32
        %parallel_loop3A_920 = vector.broadcast %parallel_loop3A_919 : i32 to vector<16xi32>
        %parallel_loop3A_921 = arith.addi %shift_right_arithmetic3A_13, %parallel_loop3A_920 : vector<16xi32>
        tpu.vector_store_idx %arg15[%parallel_loop3A_237, %parallel_loop3A_921, %and3A_16, %parallel_loop3A_918], %parallel_loop3A_867 : memref<4x4x8x33xf32, #tpu.memory_space<vmem>>[vector<16xi32>, vector<16xi32>, vector<16xi32>, vector<16xi32>], vector<16xf32>,
        %parallel_loop3A_922 = arith.constant 2 : i32
        %parallel_loop3A_923 = vector.broadcast %parallel_loop3A_922 : i32 to vector<16xi32>
        %parallel_loop3A_924 = arith.addi %shift_right_arithmetic3A_13, %parallel_loop3A_923 : vector<16xi32>
        tpu.vector_store_idx %arg15[%parallel_loop3A_237, %parallel_loop3A_924, %and3A_16, %parallel_loop3A_918], %parallel_loop3A_877 : memref<4x4x8x33xf32, #tpu.memory_space<vmem>>[vector<16xi32>, vector<16xi32>, vector<16xi32>, vector<16xi32>], vector<16xf32>,
        %parallel_loop3A_925 = arith.constant 23 : i32
        %parallel_loop3A_926 = vector.broadcast %parallel_loop3A_925 : i32 to vector<16xi32>
        %parallel_loop3A_927 = arith.addi %mul3A_10, %parallel_loop3A_926 : vector<16xi32>
        %parallel_loop3A_928 = arith.constant 0 : i32
        %parallel_loop3A_929 = vector.broadcast %parallel_loop3A_928 : i32 to vector<16xi32>
        %parallel_loop3A_930 = arith.addi %shift_right_arithmetic3A_13, %parallel_loop3A_929 : vector<16xi32>
        tpu.vector_store_idx %arg15[%parallel_loop3A_237, %parallel_loop3A_930, %and3A_16, %parallel_loop3A_927], %parallel_loop3A_887 : memref<4x4x8x33xf32, #tpu.memory_space<vmem>>[vector<16xi32>, vector<16xi32>, vector<16xi32>, vector<16xi32>], vector<16xf32>,
        %parallel_loop3A_931 = arith.constant 2 : i32
        %parallel_loop3A_932 = vector.broadcast %parallel_loop3A_931 : i32 to vector<16xi32>
        %parallel_loop3A_933 = arith.addi %shift_right_arithmetic3A_13, %parallel_loop3A_932 : vector<16xi32>
        tpu.vector_store_idx %arg15[%parallel_loop3A_237, %parallel_loop3A_933, %and3A_16, %parallel_loop3A_927], %parallel_loop3A_897 : memref<4x4x8x33xf32, #tpu.memory_space<vmem>>[vector<16xi32>, vector<16xi32>, vector<16xi32>, vector<16xi32>], vector<16xf32>,
        %parallel_loop3A_934 = arith.constant 128 : i32
        %parallel_loop3A_935 = arith.muli %and3A_192, %parallel_loop3A_934 : i32
        %parallel_loop3A_936 = arith.constant 32 : i32
        %parallel_loop3A_937 = arith.muli %parallel_loop3A_235, %parallel_loop3A_936 : i32
        %parallel_loop3A_938 = arith.addi %parallel_loop3A_935, %parallel_loop3A_937 : i32
        %parallel_loop3A_939 = arith.constant 24 : i32
        %parallel_loop3A_940 = arith.addi %parallel_loop3A_938, %parallel_loop3A_939 : i32
        %parallel_loop3A_941 = arith.index_cast %parallel_loop3A_940 : i32 to index
        %parallel_loop3A_942 = arith.constant 0 : index
        %parallel_loop3A_943 = tpu.vector_load %arg14[%parallel_loop3A_941, %parallel_loop3A_942] {strides = array<i32>} : memref<256x32xf32, #tpu.memory_space<vmem>>, vector<16xf32>,
        %parallel_loop3A_944 = arith.constant 128 : i32
        %parallel_loop3A_945 = arith.muli %and3A_192, %parallel_loop3A_944 : i32
        %parallel_loop3A_946 = arith.constant 32 : i32
        %parallel_loop3A_947 = arith.muli %parallel_loop3A_235, %parallel_loop3A_946 : i32
        %parallel_loop3A_948 = arith.addi %parallel_loop3A_945, %parallel_loop3A_947 : i32
        %parallel_loop3A_949 = arith.constant 24 : i32
        %parallel_loop3A_950 = arith.addi %parallel_loop3A_948, %parallel_loop3A_949 : i32
        %parallel_loop3A_951 = arith.index_cast %parallel_loop3A_950 : i32 to index
        %parallel_loop3A_952 = arith.constant 16 : index
        %parallel_loop3A_953 = tpu.vector_load %arg14[%parallel_loop3A_951, %parallel_loop3A_952] {strides = array<i32>} : memref<256x32xf32, #tpu.memory_space<vmem>>, vector<16xf32>,
        %parallel_loop3A_954 = arith.constant 128 : i32
        %parallel_loop3A_955 = arith.muli %and3A_192, %parallel_loop3A_954 : i32
        %parallel_loop3A_956 = arith.constant 32 : i32
        %parallel_loop3A_957 = arith.muli %parallel_loop3A_235, %parallel_loop3A_956 : i32
        %parallel_loop3A_958 = arith.addi %parallel_loop3A_955, %parallel_loop3A_957 : i32
        %parallel_loop3A_959 = arith.constant 25 : i32
        %parallel_loop3A_960 = arith.addi %parallel_loop3A_958, %parallel_loop3A_959 : i32
        %parallel_loop3A_961 = arith.index_cast %parallel_loop3A_960 : i32 to index
        %parallel_loop3A_962 = arith.constant 0 : index
        %parallel_loop3A_963 = tpu.vector_load %arg14[%parallel_loop3A_961, %parallel_loop3A_962] {strides = array<i32>} : memref<256x32xf32, #tpu.memory_space<vmem>>, vector<16xf32>,
        %parallel_loop3A_964 = arith.constant 128 : i32
        %parallel_loop3A_965 = arith.muli %and3A_192, %parallel_loop3A_964 : i32
        %parallel_loop3A_966 = arith.constant 32 : i32
        %parallel_loop3A_967 = arith.muli %parallel_loop3A_235, %parallel_loop3A_966 : i32
        %parallel_loop3A_968 = arith.addi %parallel_loop3A_965, %parallel_loop3A_967 : i32
        %parallel_loop3A_969 = arith.constant 25 : i32
        %parallel_loop3A_970 = arith.addi %parallel_loop3A_968, %parallel_loop3A_969 : i32
        %parallel_loop3A_971 = arith.index_cast %parallel_loop3A_970 : i32 to index
        %parallel_loop3A_972 = arith.constant 16 : index
        %parallel_loop3A_973 = tpu.vector_load %arg14[%parallel_loop3A_971, %parallel_loop3A_972] {strides = array<i32>} : memref<256x32xf32, #tpu.memory_space<vmem>>, vector<16xf32>,
        %parallel_loop3A_974 = arith.constant 128 : i32
        %parallel_loop3A_975 = arith.muli %and3A_192, %parallel_loop3A_974 : i32
        %parallel_loop3A_976 = arith.constant 32 : i32
        %parallel_loop3A_977 = arith.muli %parallel_loop3A_235, %parallel_loop3A_976 : i32
        %parallel_loop3A_978 = arith.addi %parallel_loop3A_975, %parallel_loop3A_977 : i32
        %parallel_loop3A_979 = arith.constant 26 : i32
        %parallel_loop3A_980 = arith.addi %parallel_loop3A_978, %parallel_loop3A_979 : i32
        %parallel_loop3A_981 = arith.index_cast %parallel_loop3A_980 : i32 to index
        %parallel_loop3A_982 = arith.constant 0 : index
        %parallel_loop3A_983 = tpu.vector_load %arg14[%parallel_loop3A_981, %parallel_loop3A_982] {strides = array<i32>} : memref<256x32xf32, #tpu.memory_space<vmem>>, vector<16xf32>,
        %parallel_loop3A_984 = arith.constant 128 : i32
        %parallel_loop3A_985 = arith.muli %and3A_192, %parallel_loop3A_984 : i32
        %parallel_loop3A_986 = arith.constant 32 : i32
        %parallel_loop3A_987 = arith.muli %parallel_loop3A_235, %parallel_loop3A_986 : i32
        %parallel_loop3A_988 = arith.addi %parallel_loop3A_985, %parallel_loop3A_987 : i32
        %parallel_loop3A_989 = arith.constant 26 : i32
        %parallel_loop3A_990 = arith.addi %parallel_loop3A_988, %parallel_loop3A_989 : i32
        %parallel_loop3A_991 = arith.index_cast %parallel_loop3A_990 : i32 to index
        %parallel_loop3A_992 = arith.constant 16 : index
        %parallel_loop3A_993 = tpu.vector_load %arg14[%parallel_loop3A_991, %parallel_loop3A_992] {strides = array<i32>} : memref<256x32xf32, #tpu.memory_space<vmem>>, vector<16xf32>,
        %parallel_loop3A_994 = arith.constant 128 : i32
        %parallel_loop3A_995 = arith.muli %and3A_192, %parallel_loop3A_994 : i32
        %parallel_loop3A_996 = arith.constant 32 : i32
        %parallel_loop3A_997 = arith.muli %parallel_loop3A_235, %parallel_loop3A_996 : i32
        %parallel_loop3A_998 = arith.addi %parallel_loop3A_995, %parallel_loop3A_997 : i32
        %parallel_loop3A_999 = arith.constant 27 : i32
        %parallel_loop3A_1000 = arith.addi %parallel_loop3A_998, %parallel_loop3A_999 : i32
        %parallel_loop3A_1001 = arith.index_cast %parallel_loop3A_1000 : i32 to index
        %parallel_loop3A_1002 = arith.constant 0 : index
        %parallel_loop3A_1003 = tpu.vector_load %arg14[%parallel_loop3A_1001, %parallel_loop3A_1002] {strides = array<i32>} : memref<256x32xf32, #tpu.memory_space<vmem>>, vector<16xf32>,
        %parallel_loop3A_1004 = arith.constant 128 : i32
        %parallel_loop3A_1005 = arith.muli %and3A_192, %parallel_loop3A_1004 : i32
        %parallel_loop3A_1006 = arith.constant 32 : i32
        %parallel_loop3A_1007 = arith.muli %parallel_loop3A_235, %parallel_loop3A_1006 : i32
        %parallel_loop3A_1008 = arith.addi %parallel_loop3A_1005, %parallel_loop3A_1007 : i32
        %parallel_loop3A_1009 = arith.constant 27 : i32
        %parallel_loop3A_1010 = arith.addi %parallel_loop3A_1008, %parallel_loop3A_1009 : i32
        %parallel_loop3A_1011 = arith.index_cast %parallel_loop3A_1010 : i32 to index
        %parallel_loop3A_1012 = arith.constant 16 : index
        %parallel_loop3A_1013 = tpu.vector_load %arg14[%parallel_loop3A_1011, %parallel_loop3A_1012] {strides = array<i32>} : memref<256x32xf32, #tpu.memory_space<vmem>>, vector<16xf32>,
        %parallel_loop3A_1014 = arith.constant 24 : i32
        %parallel_loop3A_1015 = vector.broadcast %parallel_loop3A_1014 : i32 to vector<16xi32>
        %parallel_loop3A_1016 = arith.addi %mul3A_10, %parallel_loop3A_1015 : vector<16xi32>
        %parallel_loop3A_1017 = arith.constant 0 : i32
        %parallel_loop3A_1018 = vector.broadcast %parallel_loop3A_1017 : i32 to vector<16xi32>
        %parallel_loop3A_1019 = arith.addi %shift_right_arithmetic3A_13, %parallel_loop3A_1018 : vector<16xi32>
        tpu.vector_store_idx %arg15[%parallel_loop3A_237, %parallel_loop3A_1019, %and3A_16, %parallel_loop3A_1016], %parallel_loop3A_943 : memref<4x4x8x33xf32, #tpu.memory_space<vmem>>[vector<16xi32>, vector<16xi32>, vector<16xi32>, vector<16xi32>], vector<16xf32>,
        %parallel_loop3A_1020 = arith.constant 2 : i32
        %parallel_loop3A_1021 = vector.broadcast %parallel_loop3A_1020 : i32 to vector<16xi32>
        %parallel_loop3A_1022 = arith.addi %shift_right_arithmetic3A_13, %parallel_loop3A_1021 : vector<16xi32>
        tpu.vector_store_idx %arg15[%parallel_loop3A_237, %parallel_loop3A_1022, %and3A_16, %parallel_loop3A_1016], %parallel_loop3A_953 : memref<4x4x8x33xf32, #tpu.memory_space<vmem>>[vector<16xi32>, vector<16xi32>, vector<16xi32>, vector<16xi32>], vector<16xf32>,
        %parallel_loop3A_1023 = arith.constant 25 : i32
        %parallel_loop3A_1024 = vector.broadcast %parallel_loop3A_1023 : i32 to vector<16xi32>
        %parallel_loop3A_1025 = arith.addi %mul3A_10, %parallel_loop3A_1024 : vector<16xi32>
        %parallel_loop3A_1026 = arith.constant 0 : i32
        %parallel_loop3A_1027 = vector.broadcast %parallel_loop3A_1026 : i32 to vector<16xi32>
        %parallel_loop3A_1028 = arith.addi %shift_right_arithmetic3A_13, %parallel_loop3A_1027 : vector<16xi32>
        tpu.vector_store_idx %arg15[%parallel_loop3A_237, %parallel_loop3A_1028, %and3A_16, %parallel_loop3A_1025], %parallel_loop3A_963 : memref<4x4x8x33xf32, #tpu.memory_space<vmem>>[vector<16xi32>, vector<16xi32>, vector<16xi32>, vector<16xi32>], vector<16xf32>,
        %parallel_loop3A_1029 = arith.constant 2 : i32
        %parallel_loop3A_1030 = vector.broadcast %parallel_loop3A_1029 : i32 to vector<16xi32>
        %parallel_loop3A_1031 = arith.addi %shift_right_arithmetic3A_13, %parallel_loop3A_1030 : vector<16xi32>
        tpu.vector_store_idx %arg15[%parallel_loop3A_237, %parallel_loop3A_1031, %and3A_16, %parallel_loop3A_1025], %parallel_loop3A_973 : memref<4x4x8x33xf32, #tpu.memory_space<vmem>>[vector<16xi32>, vector<16xi32>, vector<16xi32>, vector<16xi32>], vector<16xf32>,
        %parallel_loop3A_1032 = arith.constant 26 : i32
        %parallel_loop3A_1033 = vector.broadcast %parallel_loop3A_1032 : i32 to vector<16xi32>
        %parallel_loop3A_1034 = arith.addi %mul3A_10, %parallel_loop3A_1033 : vector<16xi32>
        %parallel_loop3A_1035 = arith.constant 0 : i32
        %parallel_loop3A_1036 = vector.broadcast %parallel_loop3A_1035 : i32 to vector<16xi32>
        %parallel_loop3A_1037 = arith.addi %shift_right_arithmetic3A_13, %parallel_loop3A_1036 : vector<16xi32>
        tpu.vector_store_idx %arg15[%parallel_loop3A_237, %parallel_loop3A_1037, %and3A_16, %parallel_loop3A_1034], %parallel_loop3A_983 : memref<4x4x8x33xf32, #tpu.memory_space<vmem>>[vector<16xi32>, vector<16xi32>, vector<16xi32>, vector<16xi32>], vector<16xf32>,
        %parallel_loop3A_1038 = arith.constant 2 : i32
        %parallel_loop3A_1039 = vector.broadcast %parallel_loop3A_1038 : i32 to vector<16xi32>
        %parallel_loop3A_1040 = arith.addi %shift_right_arithmetic3A_13, %parallel_loop3A_1039 : vector<16xi32>
        tpu.vector_store_idx %arg15[%parallel_loop3A_237, %parallel_loop3A_1040, %and3A_16, %parallel_loop3A_1034], %parallel_loop3A_993 : memref<4x4x8x33xf32, #tpu.memory_space<vmem>>[vector<16xi32>, vector<16xi32>, vector<16xi32>, vector<16xi32>], vector<16xf32>,
        %parallel_loop3A_1041 = arith.constant 27 : i32
        %parallel_loop3A_1042 = vector.broadcast %parallel_loop3A_1041 : i32 to vector<16xi32>
        %parallel_loop3A_1043 = arith.addi %mul3A_10, %parallel_loop3A_1042 : vector<16xi32>
        %parallel_loop3A_1044 = arith.constant 0 : i32
        %parallel_loop3A_1045 = vector.broadcast %parallel_loop3A_1044 : i32 to vector<16xi32>
        %parallel_loop3A_1046 = arith.addi %shift_right_arithmetic3A_13, %parallel_loop3A_1045 : vector<16xi32>
        tpu.vector_store_idx %arg15[%parallel_loop3A_237, %parallel_loop3A_1046, %and3A_16, %parallel_loop3A_1043], %parallel_loop3A_1003 : memref<4x4x8x33xf32, #tpu.memory_space<vmem>>[vector<16xi32>, vector<16xi32>, vector<16xi32>, vector<16xi32>], vector<16xf32>,
        %parallel_loop3A_1047 = arith.constant 2 : i32
        %parallel_loop3A_1048 = vector.broadcast %parallel_loop3A_1047 : i32 to vector<16xi32>
        %parallel_loop3A_1049 = arith.addi %shift_right_arithmetic3A_13, %parallel_loop3A_1048 : vector<16xi32>
        tpu.vector_store_idx %arg15[%parallel_loop3A_237, %parallel_loop3A_1049, %and3A_16, %parallel_loop3A_1043], %parallel_loop3A_1013 : memref<4x4x8x33xf32, #tpu.memory_space<vmem>>[vector<16xi32>, vector<16xi32>, vector<16xi32>, vector<16xi32>], vector<16xf32>,
        %parallel_loop3A_1050 = arith.constant 128 : i32
        %parallel_loop3A_1051 = arith.muli %and3A_192, %parallel_loop3A_1050 : i32
        %parallel_loop3A_1052 = arith.constant 32 : i32
        %parallel_loop3A_1053 = arith.muli %parallel_loop3A_235, %parallel_loop3A_1052 : i32
        %parallel_loop3A_1054 = arith.addi %parallel_loop3A_1051, %parallel_loop3A_1053 : i32
        %parallel_loop3A_1055 = arith.constant 28 : i32
        %parallel_loop3A_1056 = arith.addi %parallel_loop3A_1054, %parallel_loop3A_1055 : i32
        %parallel_loop3A_1057 = arith.index_cast %parallel_loop3A_1056 : i32 to index
        %parallel_loop3A_1058 = arith.constant 0 : index
        %parallel_loop3A_1059 = tpu.vector_load %arg14[%parallel_loop3A_1057, %parallel_loop3A_1058] {strides = array<i32>} : memref<256x32xf32, #tpu.memory_space<vmem>>, vector<16xf32>,
        %parallel_loop3A_1060 = arith.constant 128 : i32
        %parallel_loop3A_1061 = arith.muli %and3A_192, %parallel_loop3A_1060 : i32
        %parallel_loop3A_1062 = arith.constant 32 : i32
        %parallel_loop3A_1063 = arith.muli %parallel_loop3A_235, %parallel_loop3A_1062 : i32
        %parallel_loop3A_1064 = arith.addi %parallel_loop3A_1061, %parallel_loop3A_1063 : i32
        %parallel_loop3A_1065 = arith.constant 28 : i32
        %parallel_loop3A_1066 = arith.addi %parallel_loop3A_1064, %parallel_loop3A_1065 : i32
        %parallel_loop3A_1067 = arith.index_cast %parallel_loop3A_1066 : i32 to index
        %parallel_loop3A_1068 = arith.constant 16 : index
        %parallel_loop3A_1069 = tpu.vector_load %arg14[%parallel_loop3A_1067, %parallel_loop3A_1068] {strides = array<i32>} : memref<256x32xf32, #tpu.memory_space<vmem>>, vector<16xf32>,
        %parallel_loop3A_1070 = arith.constant 128 : i32
        %parallel_loop3A_1071 = arith.muli %and3A_192, %parallel_loop3A_1070 : i32
        %parallel_loop3A_1072 = arith.constant 32 : i32
        %parallel_loop3A_1073 = arith.muli %parallel_loop3A_235, %parallel_loop3A_1072 : i32
        %parallel_loop3A_1074 = arith.addi %parallel_loop3A_1071, %parallel_loop3A_1073 : i32
        %parallel_loop3A_1075 = arith.constant 29 : i32
        %parallel_loop3A_1076 = arith.addi %parallel_loop3A_1074, %parallel_loop3A_1075 : i32
        %parallel_loop3A_1077 = arith.index_cast %parallel_loop3A_1076 : i32 to index
        %parallel_loop3A_1078 = arith.constant 0 : index
        %parallel_loop3A_1079 = tpu.vector_load %arg14[%parallel_loop3A_1077, %parallel_loop3A_1078] {strides = array<i32>} : memref<256x32xf32, #tpu.memory_space<vmem>>, vector<16xf32>,
        %parallel_loop3A_1080 = arith.constant 128 : i32
        %parallel_loop3A_1081 = arith.muli %and3A_192, %parallel_loop3A_1080 : i32
        %parallel_loop3A_1082 = arith.constant 32 : i32
        %parallel_loop3A_1083 = arith.muli %parallel_loop3A_235, %parallel_loop3A_1082 : i32
        %parallel_loop3A_1084 = arith.addi %parallel_loop3A_1081, %parallel_loop3A_1083 : i32
        %parallel_loop3A_1085 = arith.constant 29 : i32
        %parallel_loop3A_1086 = arith.addi %parallel_loop3A_1084, %parallel_loop3A_1085 : i32
        %parallel_loop3A_1087 = arith.index_cast %parallel_loop3A_1086 : i32 to index
        %parallel_loop3A_1088 = arith.constant 16 : index
        %parallel_loop3A_1089 = tpu.vector_load %arg14[%parallel_loop3A_1087, %parallel_loop3A_1088] {strides = array<i32>} : memref<256x32xf32, #tpu.memory_space<vmem>>, vector<16xf32>,
        %parallel_loop3A_1090 = arith.constant 128 : i32
        %parallel_loop3A_1091 = arith.muli %and3A_192, %parallel_loop3A_1090 : i32
        %parallel_loop3A_1092 = arith.constant 32 : i32
        %parallel_loop3A_1093 = arith.muli %parallel_loop3A_235, %parallel_loop3A_1092 : i32
        %parallel_loop3A_1094 = arith.addi %parallel_loop3A_1091, %parallel_loop3A_1093 : i32
        %parallel_loop3A_1095 = arith.constant 30 : i32
        %parallel_loop3A_1096 = arith.addi %parallel_loop3A_1094, %parallel_loop3A_1095 : i32
        %parallel_loop3A_1097 = arith.index_cast %parallel_loop3A_1096 : i32 to index
        %parallel_loop3A_1098 = arith.constant 0 : index
        %parallel_loop3A_1099 = tpu.vector_load %arg14[%parallel_loop3A_1097, %parallel_loop3A_1098] {strides = array<i32>} : memref<256x32xf32, #tpu.memory_space<vmem>>, vector<16xf32>,
        %parallel_loop3A_1100 = arith.constant 128 : i32
        %parallel_loop3A_1101 = arith.muli %and3A_192, %parallel_loop3A_1100 : i32
        %parallel_loop3A_1102 = arith.constant 32 : i32
        %parallel_loop3A_1103 = arith.muli %parallel_loop3A_235, %parallel_loop3A_1102 : i32
        %parallel_loop3A_1104 = arith.addi %parallel_loop3A_1101, %parallel_loop3A_1103 : i32
        %parallel_loop3A_1105 = arith.constant 30 : i32
        %parallel_loop3A_1106 = arith.addi %parallel_loop3A_1104, %parallel_loop3A_1105 : i32
        %parallel_loop3A_1107 = arith.index_cast %parallel_loop3A_1106 : i32 to index
        %parallel_loop3A_1108 = arith.constant 16 : index
        %parallel_loop3A_1109 = tpu.vector_load %arg14[%parallel_loop3A_1107, %parallel_loop3A_1108] {strides = array<i32>} : memref<256x32xf32, #tpu.memory_space<vmem>>, vector<16xf32>,
        %parallel_loop3A_1110 = arith.constant 128 : i32
        %parallel_loop3A_1111 = arith.muli %and3A_192, %parallel_loop3A_1110 : i32
        %parallel_loop3A_1112 = arith.constant 32 : i32
        %parallel_loop3A_1113 = arith.muli %parallel_loop3A_235, %parallel_loop3A_1112 : i32
        %parallel_loop3A_1114 = arith.addi %parallel_loop3A_1111, %parallel_loop3A_1113 : i32
        %parallel_loop3A_1115 = arith.constant 31 : i32
        %parallel_loop3A_1116 = arith.addi %parallel_loop3A_1114, %parallel_loop3A_1115 : i32
        %parallel_loop3A_1117 = arith.index_cast %parallel_loop3A_1116 : i32 to index
        %parallel_loop3A_1118 = arith.constant 0 : index
        %parallel_loop3A_1119 = tpu.vector_load %arg14[%parallel_loop3A_1117, %parallel_loop3A_1118] {strides = array<i32>} : memref<256x32xf32, #tpu.memory_space<vmem>>, vector<16xf32>,
        %parallel_loop3A_1120 = arith.constant 128 : i32
        %parallel_loop3A_1121 = arith.muli %and3A_192, %parallel_loop3A_1120 : i32
        %parallel_loop3A_1122 = arith.constant 32 : i32
        %parallel_loop3A_1123 = arith.muli %parallel_loop3A_235, %parallel_loop3A_1122 : i32
        %parallel_loop3A_1124 = arith.addi %parallel_loop3A_1121, %parallel_loop3A_1123 : i32
        %parallel_loop3A_1125 = arith.constant 31 : i32
        %parallel_loop3A_1126 = arith.addi %parallel_loop3A_1124, %parallel_loop3A_1125 : i32
        %parallel_loop3A_1127 = arith.index_cast %parallel_loop3A_1126 : i32 to index
        %parallel_loop3A_1128 = arith.constant 16 : index
        %parallel_loop3A_1129 = tpu.vector_load %arg14[%parallel_loop3A_1127, %parallel_loop3A_1128] {strides = array<i32>} : memref<256x32xf32, #tpu.memory_space<vmem>>, vector<16xf32>,
        %parallel_loop3A_1130 = arith.constant 28 : i32
        %parallel_loop3A_1131 = vector.broadcast %parallel_loop3A_1130 : i32 to vector<16xi32>
        %parallel_loop3A_1132 = arith.addi %mul3A_10, %parallel_loop3A_1131 : vector<16xi32>
        %parallel_loop3A_1133 = arith.constant 0 : i32
        %parallel_loop3A_1134 = vector.broadcast %parallel_loop3A_1133 : i32 to vector<16xi32>
        %parallel_loop3A_1135 = arith.addi %shift_right_arithmetic3A_13, %parallel_loop3A_1134 : vector<16xi32>
        tpu.vector_store_idx %arg15[%parallel_loop3A_237, %parallel_loop3A_1135, %and3A_16, %parallel_loop3A_1132], %parallel_loop3A_1059 : memref<4x4x8x33xf32, #tpu.memory_space<vmem>>[vector<16xi32>, vector<16xi32>, vector<16xi32>, vector<16xi32>], vector<16xf32>,
        %parallel_loop3A_1136 = arith.constant 2 : i32
        %parallel_loop3A_1137 = vector.broadcast %parallel_loop3A_1136 : i32 to vector<16xi32>
        %parallel_loop3A_1138 = arith.addi %shift_right_arithmetic3A_13, %parallel_loop3A_1137 : vector<16xi32>
        tpu.vector_store_idx %arg15[%parallel_loop3A_237, %parallel_loop3A_1138, %and3A_16, %parallel_loop3A_1132], %parallel_loop3A_1069 : memref<4x4x8x33xf32, #tpu.memory_space<vmem>>[vector<16xi32>, vector<16xi32>, vector<16xi32>, vector<16xi32>], vector<16xf32>,
        %parallel_loop3A_1139 = arith.constant 29 : i32
        %parallel_loop3A_1140 = vector.broadcast %parallel_loop3A_1139 : i32 to vector<16xi32>
        %parallel_loop3A_1141 = arith.addi %mul3A_10, %parallel_loop3A_1140 : vector<16xi32>
        %parallel_loop3A_1142 = arith.constant 0 : i32
        %parallel_loop3A_1143 = vector.broadcast %parallel_loop3A_1142 : i32 to vector<16xi32>
        %parallel_loop3A_1144 = arith.addi %shift_right_arithmetic3A_13, %parallel_loop3A_1143 : vector<16xi32>
        tpu.vector_store_idx %arg15[%parallel_loop3A_237, %parallel_loop3A_1144, %and3A_16, %parallel_loop3A_1141], %parallel_loop3A_1079 : memref<4x4x8x33xf32, #tpu.memory_space<vmem>>[vector<16xi32>, vector<16xi32>, vector<16xi32>, vector<16xi32>], vector<16xf32>,
        %parallel_loop3A_1145 = arith.constant 2 : i32
        %parallel_loop3A_1146 = vector.broadcast %parallel_loop3A_1145 : i32 to vector<16xi32>
        %parallel_loop3A_1147 = arith.addi %shift_right_arithmetic3A_13, %parallel_loop3A_1146 : vector<16xi32>
        tpu.vector_store_idx %arg15[%parallel_loop3A_237, %parallel_loop3A_1147, %and3A_16, %parallel_loop3A_1141], %parallel_loop3A_1089 : memref<4x4x8x33xf32, #tpu.memory_space<vmem>>[vector<16xi32>, vector<16xi32>, vector<16xi32>, vector<16xi32>], vector<16xf32>,
        %parallel_loop3A_1148 = arith.constant 30 : i32
        %parallel_loop3A_1149 = vector.broadcast %parallel_loop3A_1148 : i32 to vector<16xi32>
        %parallel_loop3A_1150 = arith.addi %mul3A_10, %parallel_loop3A_1149 : vector<16xi32>
        %parallel_loop3A_1151 = arith.constant 0 : i32
        %parallel_loop3A_1152 = vector.broadcast %parallel_loop3A_1151 : i32 to vector<16xi32>
        %parallel_loop3A_1153 = arith.addi %shift_right_arithmetic3A_13, %parallel_loop3A_1152 : vector<16xi32>
        tpu.vector_store_idx %arg15[%parallel_loop3A_237, %parallel_loop3A_1153, %and3A_16, %parallel_loop3A_1150], %parallel_loop3A_1099 : memref<4x4x8x33xf32, #tpu.memory_space<vmem>>[vector<16xi32>, vector<16xi32>, vector<16xi32>, vector<16xi32>], vector<16xf32>,
        %parallel_loop3A_1154 = arith.constant 2 : i32
        %parallel_loop3A_1155 = vector.broadcast %parallel_loop3A_1154 : i32 to vector<16xi32>
        %parallel_loop3A_1156 = arith.addi %shift_right_arithmetic3A_13, %parallel_loop3A_1155 : vector<16xi32>
        tpu.vector_store_idx %arg15[%parallel_loop3A_237, %parallel_loop3A_1156, %and3A_16, %parallel_loop3A_1150], %parallel_loop3A_1109 : memref<4x4x8x33xf32, #tpu.memory_space<vmem>>[vector<16xi32>, vector<16xi32>, vector<16xi32>, vector<16xi32>], vector<16xf32>,
        %parallel_loop3A_1157 = arith.constant 31 : i32
        %parallel_loop3A_1158 = vector.broadcast %parallel_loop3A_1157 : i32 to vector<16xi32>
        %parallel_loop3A_1159 = arith.addi %mul3A_10, %parallel_loop3A_1158 : vector<16xi32>
        %parallel_loop3A_1160 = arith.constant 0 : i32
        %parallel_loop3A_1161 = vector.broadcast %parallel_loop3A_1160 : i32 to vector<16xi32>
        %parallel_loop3A_1162 = arith.addi %shift_right_arithmetic3A_13, %parallel_loop3A_1161 : vector<16xi32>
        tpu.vector_store_idx %arg15[%parallel_loop3A_237, %parallel_loop3A_1162, %and3A_16, %parallel_loop3A_1159], %parallel_loop3A_1119 : memref<4x4x8x33xf32, #tpu.memory_space<vmem>>[vector<16xi32>, vector<16xi32>, vector<16xi32>, vector<16xi32>], vector<16xf32>,
        %parallel_loop3A_1163 = arith.constant 2 : i32
        %parallel_loop3A_1164 = vector.broadcast %parallel_loop3A_1163 : i32 to vector<16xi32>
        %parallel_loop3A_1165 = arith.addi %shift_right_arithmetic3A_13, %parallel_loop3A_1164 : vector<16xi32>
        tpu.vector_store_idx %arg15[%parallel_loop3A_237, %parallel_loop3A_1165, %and3A_16, %parallel_loop3A_1159], %parallel_loop3A_1129 : memref<4x4x8x33xf32, #tpu.memory_space<vmem>>[vector<16xi32>, vector<16xi32>, vector<16xi32>, vector<16xi32>], vector<16xf32>,
      } {sc.loop_unroll_factor = 2 : i64, sc.parallel_access}
      %mul3A_215 = arith.constant 4 : i32
      %mul3A_216 = arith.muli %scan3A_190, %mul3A_215 : i32
      %dma_start3A_217 = arith.constant 0 : i32
      %dma_start3A_218 = arith.constant 0 : i32
      %dma_start3A_219 = arith.constant 0 : i32
      %dma_start3A_220 = arith.constant 0 : i32
      %dma_start3A_221 = tpu.memref_slice %arg15[%dma_start3A_217, %dma_start3A_218, %dma_start3A_219, %dma_start3A_220] : memref<4x4x8x33xf32, #tpu.memory_space<vmem>> -> memref<4x4x8x32xf32, #tpu.memory_space<vmem>>
      %dma_start3A_222 = arith.constant 0 : i32
      %dma_start3A_223 = arith.constant 0 : i32
      %dma_start3A_224 = tpu.memref_slice %arg4[%mul3A_216, %dma_start3A_222, %shift_right_arithmetic3A_1, %dma_start3A_223, %mul3A_4] : memref<200x4x8x8x128xf32, #tpu.memory_space<hbm>> -> memref<4x4x1x8x32xf32, #tpu.memory_space<hbm>>
      %dma_start3A_225 = tpu.memref_squeeze %dma_start3A_224 : memref<4x4x1x8x32xf32, #tpu.memory_space<hbm>> -> memref<4x4x8x32xf32, #tpu.memory_space<hbm>>
      %dma_start3A_226 = arith.constant 0 : i32
      %dma_start3A_227 = arith.constant 0 : i32
      %dma_start3A_228 = tpu.memref_slice %arg4[%mul3A_216, %dma_start3A_226, %shift_right_arithmetic3A_1, %dma_start3A_227, %mul3A_4] : memref<200x4x8x8x128xf32, #tpu.memory_space<hbm>> -> memref<4x4x1x8x32xf32, #tpu.memory_space<hbm>>
      %dma_start3A_229 = tpu.memref_squeeze %dma_start3A_228 : memref<4x4x1x8x32xf32, #tpu.memory_space<hbm>> -> memref<4x4x8x32xf32, #tpu.memory_space<hbm>>
      %dma_start3A_230 = arith.constant 0 : i32
      %dma_start3A_231 = arith.constant 0 : i32
      %dma_start3A_232 = arith.constant 0 : i32
      %dma_start3A_233 = arith.constant 0 : i32
      %dma_start3A_234 = tpu.memref_slice %arg15[%dma_start3A_230, %dma_start3A_231, %dma_start3A_232, %dma_start3A_233] : memref<4x4x8x33xf32, #tpu.memory_space<vmem>> -> memref<4x4x8x32xf32, #tpu.memory_space<vmem>>
      tpu.enqueue_dma source(%dma_start3A_234 : memref<4x4x8x32xf32, #tpu.memory_space<vmem>>) target(%dma_start3A_229 : memref<4x4x8x32xf32, #tpu.memory_space<hbm>>) target_semaphore(%arg21 : memref<!tpu.dma_semaphore, #tpu.memory_space<semaphore_mem>>)
    }
    %scan3A_169 = arith.constant 50 : i32
    %dma_wait3A_170 = arith.constant 0 : i32
    %dma_wait3A_171 = arith.constant 0 : i32
    %dma_wait3A_172 = arith.constant 0 : i32
    %dma_wait3A_173 = arith.constant 0 : i32
    %dma_wait3A_174 = tpu.memref_slice %arg15[%dma_wait3A_170, %dma_wait3A_171, %dma_wait3A_172, %dma_wait3A_173] : memref<4x4x8x33xf32, #tpu.memory_space<vmem>> -> memref<4x4x8x32xf32, #tpu.memory_space<vmem>>
    %dma_wait3A_175 = arith.constant 196 : i32
    %dma_wait3A_176 = arith.constant 0 : i32
    %dma_wait3A_177 = arith.constant 0 : i32
    %dma_wait3A_178 = tpu.memref_slice %arg4[%dma_wait3A_175, %dma_wait3A_176, %shift_right_arithmetic3A_1, %dma_wait3A_177, %mul3A_4] : memref<200x4x8x8x128xf32, #tpu.memory_space<hbm>> -> memref<4x4x1x8x32xf32, #tpu.memory_space<hbm>>
    %dma_wait3A_179 = tpu.memref_squeeze %dma_wait3A_178 : memref<4x4x1x8x32xf32, #tpu.memory_space<hbm>> -> memref<4x4x8x32xf32, #tpu.memory_space<hbm>>
    %dma_wait3A_180 = arith.constant 196 : i32
    %dma_wait3A_181 = arith.constant 0 : i32
    %dma_wait3A_182 = arith.constant 0 : i32
    %dma_wait3A_183 = tpu.memref_slice %arg4[%dma_wait3A_180, %dma_wait3A_181, %shift_right_arithmetic3A_1, %dma_wait3A_182, %mul3A_4] : memref<200x4x8x8x128xf32, #tpu.memory_space<hbm>> -> memref<4x4x1x8x32xf32, #tpu.memory_space<hbm>>
    %dma_wait3A_184 = tpu.memref_squeeze %dma_wait3A_183 : memref<4x4x1x8x32xf32, #tpu.memory_space<hbm>> -> memref<4x4x8x32xf32, #tpu.memory_space<hbm>>
    %dma_wait3A_185 = arith.constant 0 : i32
    %dma_wait3A_186 = arith.constant 0 : i32
    %dma_wait3A_187 = arith.constant 0 : i32
    %dma_wait3A_188 = arith.constant 0 : i32
    %dma_wait3A_189 = tpu.memref_slice %arg15[%dma_wait3A_185, %dma_wait3A_186, %dma_wait3A_187, %dma_wait3A_188] : memref<4x4x8x33xf32, #tpu.memory_space<vmem>> -> memref<4x4x8x32xf32, #tpu.memory_space<vmem>>
    tpu.wait_dma2 semaphore(%arg21 : memref<!tpu.dma_semaphore, #tpu.memory_space<semaphore_mem>>) src(%dma_wait3A_189 : memref<4x4x8x32xf32, #tpu.memory_space<vmem>>) dst(%dma_wait3A_184 : memref<4x4x8x32xf32, #tpu.memory_space<hbm>>)
    return
  }
}

</mosaic_0001>

<sc_bundles>
// kernel: _run.3.cloned.1.call-start
scs
__scs_entry_jumppad:
0x0: {  	(pc) =	sbr.rel $0x88, $3  }
0x1: {  	(tag) =	ssettag $0x0;
	lr =	simm.s32 $0x1  }
0x2: {  	[smem:$0x3F9F] =	sst lr;
	_ =	strace $0xD0000000  }
0x3: {  	_ = 	snop  }
0x4: {  	_ = 	snop  }
0x5: {  	_ = 	snop  }
0x6: {  	_ = 	snop  }
0x7: {  	_ = 	snop  }
__scs_overlays_trampoline_lowered:
0x8: {  	[smem:$0x3FAE] =	sst s0  }
0x9: {  	[smem:$0x3FAF] =	sst s1  }
0xa: {  	[smem:$0x3FB0] =	sst s2  }
0xb: {  	[smem:$0x3FB1] =	sst s3  }
0xc: {  	[smem:$0x3FB2] =	sst s4  }
0xd: {  	[smem:$0x3FB3] =	sst s5  }
0xe: {  	[smem:$0x3FB4] =	sst s6  }
0xf: {  	[smem:$0x3FB5] =	sst s7  }
0x10: {  	[smem:$0x3FB6] =	sst s8  }
0x11: {  	[smem:$0x3FB7] =	sst s9;
	s0 =	simm.s32 @!p0 $0x0  }
0x12: {  	s1 =	sld [smem:$0x3F9D];
	s0 =	simm.s32 @p0 $0x1  }
0x13: {  	[smem:$0x3FB8] =	sst s0;
	s0 =	simm.s32 @!p1 $0x0  }
0x14: {  	s2 =	sld [smem:$0x3F9C];
	s0 =	simm.s32 @p1 $0x1  }
0x15: {  	[smem:$0x3FB9] =	sst s0;
	s0 =	simm.s32 @!p2 $0x0  }
0x16: {  	s3 =	sld [smem:$0x3FDB];
	s0 =	simm.s32 @p2 $0x1  }
0x17: {  	s4 =	simm.s32 $0x1BF5;
	[smem:$0x3FBB] =	sst s0  }
0x18: {  	s0 =	sld [smem:$0x3F9E];
	_ =	swait.ge [sflag:s4], $0x0  }
0x19: {  	s7 =	sld [smem:$0x3F9F]  }
0x1a: {  	s8 =	sadd.s32 $0xFFFFE003, lr  }
0x1b: {  	s9 =	sadd.s32 $0xFFFFFEF7, lr;
	s5 =	simm.s32 $0xFFFFFFFF;
	p2 =	slt.u32 s8, $0xFFFFF086  }
0x1c: {  	p1 =	slt.u32 s9, $0xF7A;
	s5 =	simm.s32 @!p2 $0x0  }
0x1d: {  	s5 =	simm.s32 @p1 $0x1;
	p0 =	seq.s32 s7, s2  }
0x1e: {  	s7 =	smul.u32 @!p0 $0xF7A, s2;
	p2 =	seq.s32 @!p0 s5, $0x0  }
0x1f: {  	s9 =	smul.u32 $0xF7A, s1;
	s8 =	simm.s32 @!p0 $0x1BF5;
	p2 =	por !p2, p0  }
0x20: {  	[sflag:s8] =	ssyncset.s32 @!p0 $0xFFFFF086;
	s6 =	sadd.s32 @!p0 s3, s7;
	s7 =	simm.s32 @!p0 $0x108  }
0x21: {  	s3 =	sadd.s32 s3, s9;
	s6 =	sadd.s32 @!p0 $0x88, s6;
	s7 =	simm.s32 @p2 $0x1082  }
0x22: {  	[simem:s7], [sflag:s8] =	dma.local @!p0 [hbm:s6], $0xF7A  }
0x23: {  	s9 =	sor.u32 $0xD0000000, s2;
	s6 =	simm.s32 $0x108;
	_ =	swait.ge @!p0 [sflag:s8], $0x0  }
0x24: {  	s3 =	sadd.s32 $0x88, s3;
	s6 =	simm.s32 @!p1 $0x1082;
	[sflag:s4] =	ssyncset.s32 $0xFFFFF086  }
0x25: {  	[simem:s6], [sflag:s4] =	dma.local [hbm:s3], $0xF7A  }
0x26: {  	[smem:$0x3F9F] =	sst s1;
	(tag) =	ssettag s2;
	_ =	strace s9  }
0x27: {  	s1 =	sld [smem:$0x3FAF]  }
0x28: {  	s2 =	sld [smem:$0x3FB0]  }
0x29: {  	s4 =	sld [smem:$0x3FB2]  }
0x2a: {  	p0 =	seq.s32 s5, $0x0;
	s5 =	sld [smem:$0x3FB3]  }
0x2b: {  	s6 =	sld [smem:$0x3FB4]  }
0x2c: {  	s7 =	sld [smem:$0x3FB5]  }
0x2d: {  	s3 =	simm.s32 $0x108;
	s8 =	sld [smem:$0x3FB6]  }
0x2e: {  	s3 =	simm.s32 @!p0 $0x1082;
	s9 =	sld [smem:$0x3FB7]  }
0x2f: {  	lr =	sadd.s32 s0, s3;
	s0 =	sld [smem:$0x3FAE]  }
0x30: {  	s3 =	sld [smem:$0x3FB1]  }
0x31: {  	[smem:$0x3FBA] =	sst s10  }
0x32: {  	s10 =	sld [smem:$0x3FB8];
	_ =	sdelay $0x3  }
0x33: {  	p0 =	seq.s32 s10, $0x1;
	s10 =	sld [smem:$0x3FBA];
	_ =	sdelay $0x3  }
0x34: {  	[smem:$0x3FBA] =	sst s10  }
0x35: {  	s10 =	sld [smem:$0x3FB9];
	_ =	sdelay $0x3  }
0x36: {  	p1 =	seq.s32 s10, $0x1;
	s10 =	sld [smem:$0x3FBA];
	_ =	sdelay $0x3  }
0x37: {  	[smem:$0x3FBA] =	sst s10  }
0x38: {  	s10 =	sld [smem:$0x3FBB]  }
0x39: {  	_ = 	snop;
	(pc) =	sbr.ind lr, $3  }
0x3a: {  	_ = 	snop  }
0x3b: {  	_ = 	snop  }
0x3c: {  	p2 =	seq.s32 s10, $0x1;
	s10 =	sld [smem:$0x3FBA]  }
0x3d: {  	_ =	shalt  }
0x3e: {  	_ =	shalt  }
0x3f: {  	_ =	shalt  }
0x40: {  	_ =	shalt  }
0x41: {  	_ =	shalt  }
0x42: {  	_ =	shalt  }
0x43: {  	_ =	shalt  }
0x44: {  	_ =	shalt  }
0x45: {  	_ =	shalt  }
0x46: {  	_ =	shalt  }
0x47: {  	_ =	shalt  }
0x48: {  	_ =	shalt  }
0x49: {  	_ =	shalt  }
0x4a: {  	_ =	shalt  }
0x4b: {  	_ =	shalt  }
0x4c: {  	_ =	shalt  }
0x4d: {  	_ =	shalt  }
0x4e: {  	_ =	shalt  }
0x4f: {  	_ =	shalt  }
0x50: {  	_ =	shalt  }
0x51: {  	_ =	shalt  }
0x52: {  	_ =	shalt  }
0x53: {  	_ =	shalt  }
0x54: {  	_ =	shalt  }
0x55: {  	_ =	shalt  }
0x56: {  	_ =	shalt  }
0x57: {  	_ =	shalt  }
0x58: {  	_ =	shalt  }
0x59: {  	_ =	shalt  }
0x5a: {  	_ =	shalt  }
0x5b: {  	_ =	shalt  }
0x5c: {  	_ =	shalt  }
0x5d: {  	_ =	shalt  }
0x5e: {  	_ =	shalt  }
0x5f: {  	_ =	shalt  }
0x60: {  	_ =	shalt  }
0x61: {  	_ =	shalt  }
0x62: {  	_ =	shalt  }
0x63: {  	_ =	shalt  }
0x64: {  	_ =	shalt  }
0x65: {  	_ =	shalt  }
0x66: {  	_ =	shalt  }
0x67: {  	_ =	shalt  }
0x68: {  	_ =	shalt  }
0x69: {  	_ =	shalt  }
0x6a: {  	_ =	shalt  }
0x6b: {  	_ =	shalt  }
0x6c: {  	_ =	shalt  }
0x6d: {  	_ =	shalt  }
0x6e: {  	_ =	shalt  }
0x6f: {  	_ =	shalt  }
0x70: {  	_ =	shalt  }
0x71: {  	_ =	shalt  }
0x72: {  	_ =	shalt  }
0x73: {  	_ =	shalt  }
0x74: {  	_ =	shalt  }
0x75: {  	_ =	shalt  }
0x76: {  	_ =	shalt  }
0x77: {  	_ =	shalt  }
0x78: {  	_ =	shalt  }
0x79: {  	_ =	shalt  }
0x7a: {  	_ =	shalt  }
0x7b: {  	_ =	shalt  }
0x7c: {  	_ =	shalt  }
0x7d: {  	_ =	shalt  }
0x7e: {  	_ =	shalt  }
0x7f: {  	_ =	shalt  }
0x80: {  	_ =	shalt  }
0x81: {  	_ =	shalt  }
0x82: {  	_ =	shalt  }
0x83: {  	_ =	shalt  }
0x84: {  	_ =	shalt  }
0x85: {  	_ =	shalt  }
0x86: {  	_ =	shalt  }
0x87: {  	_ =	shalt  }
.Lfunc_end0:
.L_simem_size_0:
called_computation.1_lowered:
.L_overlay_start_0:
0x88: {  	s2 =	sld [smem:$0x3FD9]  }
0x89: {  	s3 =	sld [smem:$0x3FFE];
	_ =	sdelay $0x1  }
0x8a: {  	s1 =	srdreg.scid  }
0x8b: {  	s0 =	sand.u32 $0x1, s1  }
0x8c: {  	s14 =	sshll.u32 s0, $0xA;
	s2 =	sadd.s32 s3, s2  }
0x8d: {  	s2 =	sadd.s32 s2, s14  }
0x8e: {  	[smem:$0x3FC6] =	sst s2  }
0x8f: {  	_ = 	snop  }
0x90: {  	s2 =	sld [smem:$0x3FD0];
	_ =	sdelay $0x2  }
0x91: {  	s4 =	simm.s32 $0xA;
	s5 =	simm.s32 $0x10;
	s15 =	sld [smem:$0x3FC9]  }
0x92: {  	[smem:s5], [sflag:s4] =	dma.local [hbm:s2], $0x1  }
0x93: {  	_ =	swait.eq [sflag:s4], $0x1  }
0x94: {  	[sflag:s4] =	ssyncset.done $0x0  }
0x95: {  	s16 =	sld [smem:$0x10];
	[sflag:s4] =	ssyncadd.s32 $0xFFFFFFFF  }
0x96: {  	s17 =	sld [smem:$0x11];
	(tm) =	ssettm $0x1  }
0x97: {  	s18 =	sld [smem:$0x3FFB];
	_ =	sdelay $0x3  }
0x98: {  	_ =	strace s18  }
0x99: {  	s5 =	sld [smem:$0x3FFC];
	_ =	sdelay $0x3  }
0x9a: {  	_ =	strace s5  }
0x9b: {  	s5 =	sld [smem:$0x3FFD];
	_ =	sdelay $0x3  }
0x9c: {  	_ =	strace s5  }
0x9d: {  	_ =	strace $0x8FFFFFFF  }
0x9e: {  	s19 =	sld [smem:$0x3FDB];
	_ =	sdelay $0x1  }
0x9f: {  	s6 =	simm.s32 $_scs_section_size  }
0xa0: {  	s7 =	simm.s32 $_size__tile_overlayer_lowered;
	s8 =	simm.s32 $_tile_overlayer_lowered  }
0xa1: {  	s22 =	simm.s32 $0x1BFF;
	s21 =	sshll.u32 s8, $0x1;
	s5 =	sadd.s32 s6, s19  }
0xa2: {  	s9 =	simm.s32 $0x0;
	s20 =	sshll.u32 s7, $0x1;
	s7 =	sadd.s32 s21, s5  }
0xa3: {  	[timem:s9], [sflag:s22] =	dma.local [hbm:s7], s20  }
0xa4: {  	_ =	swait.ge [sflag:s22], s20  }
0xa5: {  	s6 =	ssub.s32 $0x0, s20;
	[sflag:s22] =	ssyncset.done $0x0  }
0xa6: {  	[sflag:s22] =	ssyncadd.s32 s6;
	_ =	sdelay $0x1  }
0xa7: {  	s23 =	simm.s32 $0x1B8B  }
0xa8: {  	_ =	swait.ge [sflag:s23], $0x1  }
0xa9: {  	[sflag:s23] =	ssyncset.done $0x0  }
0xaa: {  	s25 =	simm.s32 $0x1B8E;
	s24 =	sld [smem:$0x3FFE];
	[sflag:s23] =	ssyncadd.s32 $0xFFFFFFFF  }
0xab: {  	s26 =	simm.s32 $execute0_lowered;
	[smem:$0x3FD2] =	sst s25  }
0xac: {  	s7 =	sshll.u32 s26, $0x1;
	_ =	strace $0x80000046;
	[dreg:$0x1] =	wrdreg $0xFFFFFFFF  }
0xad: {  	s28 =	simm.s32 $_size_execute0_lowered;
	s5 =	sadd.s32 s5, s7;
	[dreg:$0x0] =	wrdreg $0x0  }
0xae: {  	s7 =	sshll.u32 s28, $0x1;
	[dreg:$0x2] =	wrdreg s5  }
0xaf: {  	[dreg:$0x3] =	wrdreg s7  }
0xb0: {  	[dreg:$0x4] =	wrdreg $0xC0  }
0xb1: {  	_ =	task [dreg:s9], $0x5FFFF  }
0xb2: {  	[dreg:$0x1] =	wrdreg $0xFFFFFFFF  }
0xb3: {  	[dreg:$0x0] =	wrdreg $0x60  }
0xb4: {  	[dreg:$0x2] =	wrdreg s15  }
0xb5: {  	[dreg:$0x3] =	wrdreg s24  }
0xb6: {  	[dreg:$0x4] =	wrdreg s16  }
0xb7: {  	[dreg:$0x5] =	wrdreg s17  }
0xb8: {  	[dreg:$0x6] =	wrdreg $0x9  }
0xb9: {  	_ =	task.clear_ibuf [dreg:s9], $0x7FFFF;
	_ =	strace $0x90000046  }
0xba: {  	s29 =	simm.s32 $0x9;
	_ =	strace $0x80000048  }
0xbb: {  	_ =	swait.ge [sflag:s29], $0x1  }
0xbc: {  	[sflag:s29] =	ssyncadd.s32 $0xFFFFFFFF  }
0xbd: {  	_ =	strace $0x90000048  }
0xbe: {  	_ =	sfence  }
0xbf: {  	s30 =	sld [smem:$0x0];
	_ =	sdelay $0x2  }
0xc0: {  	s31 =	sshll.u32 s1, $0xD;
	s1 =	sshrl.u32 s1, $0x2  }
0xc1: {  	s3 =	sand.u32 $0x4000, s31;
	s1 =	sadd.s32 s1, s30  }
0xc2: {  	s0 =	sor.u32 s3, s0;
	s1 =	sshll.u32 s1, $0x11  }
0xc3: {  	s0 =	sor.u32 s1, s0  }
0xc4: {  	s0 =	sadd.s32 $0x8F2B, s0  }
0xc5: {  	[sflag:s0] =	ssyncadd.remote.s32 $0x1  }
0xc6: {  	_ =	sfence.sel $0xFFFF  }
0xc7: {  	[dreg:$0x0] =	wrdreg $0xFFFFFFFF;
	(pc) =	sbr.abs _section_cstart, $3  }
0xc8: {  	[dreg:$0x1] =	wrdreg $0xFFFFFFFF  }
0xc9: {  	_ =	task.clear_ibuf [dreg:s9], $0x2FFFF;
	_ =	strace $0x9FFFFFFF  }
0xca: {  	(tm) =	ssettm $0x7FFFFFFF  }
0xcb: {  	_ =	shalt  }
tec
execute0_lowered:
.L_overlay_start_1:
0x0: {  	(tag) =	ssettag $0x1  }
0x1: {  	s0 =	srdreg.scid;
	s2 =	stileid.u32  }
0x2: {  	s0 =	sand.u32 $0x1, s0;
	s1 =	sshll.u32 s2, $0x6  }
0x3: {  	s2 =	sshrl.u32 s2, $0x1;
	s3 =	sshll.u32 s0, $0x5;
	s1 =	sand.u32 $0x40, s1  }
0x4: {  	s24 =	sshll.u32 s2, $0x7;
	s3 =	sor.u32 s3, s1  }
0x5: {  	s6 =	sor.u32 s24, s3  }
0x6: {  	s1 =	sor.u32 $0x10, s6  }
0x7: {  	v0 =	vmov s6;
	v1 =	vmov s1  }
0x8: {  	v2 =	vlaneseq.u32;
	v0 =	vmul.u32 $0x3E8, v0;
	v1 =	vmul.u32 $0x3E8, v1  }
0x9: {  	v4 =	vmul.u32 $0x3E8, v2  }
0xa: {  	v3 =	vbroadcast v0, $0x0;
	v0 =	vmul.u32 $0x28, v2;
	v1 =	vbroadcast v1, $0x0;
	_ =	sdelay $0x1  }
0xb: {  	v39 =	vadd.s32 v4, v1;
	v1 =	vadd.s32 $0x280, v0  }
0xc: {  	[tilespmem:$0x1FD60] =	vst v1;
	v1 =	vor.u32 $0x1, v0  }
0xd: {  	[tilespmem:$0x1FD70] =	vst v1;
	v1 =	vadd.s32 $0x281, v0  }
0xe: {  	[tilespmem:$0x1FD80] =	vst v1;
	v1 =	vor.u32 $0x2, v0  }
0xf: {  	[tilespmem:$0x1FD90] =	vst v1;
	v1 =	vadd.s32 $0x282, v0  }
0x10: {  	[tilespmem:$0x1FDA0] =	vst v1;
	v1 =	vor.u32 $0x3, v0  }
0x11: {  	[tilespmem:$0x1FDB0] =	vst v1;
	v1 =	vadd.s32 $0x283, v0  }
0x12: {  	[tilespmem:$0x1FDC0] =	vst v1;
	v1 =	vor.u32 $0x4, v0  }
0x13: {  	[tilespmem:$0x1FDD0] =	vst v1;
	v1 =	vadd.s32 $0x284, v0  }
0x14: {  	[tilespmem:$0x1FDE0] =	vst v1;
	v1 =	vor.u32 $0x5, v0  }
0x15: {  	s7 =	rddreg [dreg:$0x1];
	[tilespmem:$0x1FDF0] =	vst v1;
	v1 =	vadd.s32 $0x285, v0  }
0x16: {  	s4 =	rddreg [dreg:$0x3];
	s5 =	simm.s32 $0x0;
	[tilespmem:$0x1FE00] =	vst v1;
	v1 =	vor.u32 $0x6, v0  }
0x17: {  	[smem:$0x7FF] =	sst s5;
	[tilespmem:$0x1FE10] =	vst v1;
	v1 =	vadd.s32 $0x286, v0  }
0x18: {  	s1 =	rddreg [dreg:$0x0];
	v34 =	vadd.s32 $0x29C, v0;
	_ =	strace $0x80000047;
	[tilespmem:$0x1FE20] =	vst v1  }
0x19: {  	v35 =	vadd.s32 $0x1D, v0;
	[tilespmem:$0x1FEE0] =	vst v34  }
0x1a: {  	v36 =	vadd.s32 $0x29D, v0;
	[tilespmem:$0x1FEF0] =	vst v35  }
0x1b: {  	v37 =	vadd.s32 $0x1E, v0;
	[tilespmem:$0x1FF00] =	vst v36  }
0x1c: {  	v38 =	vadd.s32 v4, v3;
	[tilespmem:$0x1FF10] =	vst v37  }
0x1d: {  	[tilespmem:$0x1FF20] =	vst v38  }
0x1e: {  	v63 =	vadd.s32 $0x296, v0;
	[tilespmem:$0x1FF30] =	vst v39  }
0x1f: {  	v2 =	vadd.s32 $0x297, v0;
	[tilespmem:$0x1FF40] =	vst v63  }
0x20: {  	v3 =	vadd.s32 $0x18, v0;
	[tilespmem:$0x1FF60] =	vst v2  }
0x21: {  	v42 =	vadd.s32 $0x298, v0;
	[tilespmem:$0x1FF70] =	vst v3  }
0x22: {  	v5 =	vadd.s32 $0x19, v0;
	[tilespmem:$0x1FF80] =	vst v42  }
0x23: {  	v6 =	vadd.s32 $0x299, v0;
	[tilespmem:$0x1FF90] =	vst v5  }
0x24: {  	v7 =	vadd.s32 $0x1A, v0;
	[tilespmem:$0x1FFA0] =	vst v6  }
0x25: {  	v8 =	vadd.s32 $0x29A, v0;
	[tilespmem:$0x1FFB0] =	vst v7  }
0x26: {  	v19 =	vadd.s32 $0x1B, v0;
	[tilespmem:$0x1FFC0] =	vst v8  }
0x27: {  	v32 =	vadd.s32 $0x29B, v0;
	[tilespmem:$0x1FFD0] =	vst v19  }
0x28: {  	v33 =	vadd.s32 $0x1C, v0;
	[tilespmem:$0x1FFE0] =	vst v32  }
0x29: {  	v1 =	vor.u32 $0x7, v0;
	[tilespmem:$0x1FFF0] =	vst v33  }
0x2a: {  	[tilespmem:$0x1FE30] =	vst v1;
	v1 =	vadd.s32 $0x287, v0  }
0x2b: {  	s11 =	simm.s32 $0x2;
	s28 =	simm.s32 $0x16B00;
	s29 =	simm.s32 $0x12800;
	[tilespmem:$0x1FE40] =	vst v1;
	v1 =	vadd.s32 $0x8, v0  }
0x2c: {  	s12 =	simm.s32 $0x80;
	s30 =	simm.s32 $0x16B80;
	s31 =	simm.s32 $0x13800;
	v43 =	vadd.s32 $0x28C, v0;
	v44 =	vadd.s32 $0xD, v0;
	[tilespmem:$0x1FE50] =	vst v1;
	v1 =	vadd.s32 $0x288, v0  }
0x2d: {  	s23 =	simm.s32 $0x3;
	s10 =	simm.s32 $0x15800;
	s2 =	sshll.u32 s2, $0xA;
	v45 =	vadd.s32 $0x28D, v0;
	v46 =	vadd.s32 $0xE, v0;
	[tilespmem:$0x1FE60] =	vst v1;
	v1 =	vadd.s32 $0x9, v0  }
0x2e: {  	s0 =	ssub.s32 $0x2, s0;
	s8 =	sshrl.u32 s6, $0x3;
	s6 =	sor.u32 s2, s3;
	v47 =	vadd.s32 $0x28E, v0;
	v48 =	vadd.s32 $0xF, v0;
	[tilespmem:$0x1FE70] =	vst v1;
	v1 =	vadd.s32 $0x289, v0  }
0x2f: {  	s14 =	simm.s32 $0x0;
	s9 =	sshrl.u32 s0, $0x1;
	s3 =	sshrl.u32 s6, $0x3;
	v49 =	vadd.s32 $0x28F, v0;
	v50 =	vadd.s32 $0x10, v0;
	[tilespmem:$0x1FE80] =	vst v1;
	v1 =	vadd.s32 $0xA, v0  }
0x30: {  	s0 =	ssub.s32 s0, s9;
	s24 =	simm.s32 $0x5;
	s3 =	sadd.s32 s1, s3;
	v51 =	vadd.s32 $0x290, v0;
	v52 =	vadd.s32 $0x11, v0;
	[tilespmem:$0x1FE90] =	vst v1;
	v1 =	vadd.s32 $0x28A, v0  }
0x31: {  	s25 =	sadd.s32 s8, s7;
	s26 =	sor.u32 $0x140000, s6;
	v53 =	vadd.s32 $0x291, v0;
	v54 =	vadd.s32 $0x12, v0;
	[dreg:$0x5] =	wrdreg s3;
	[tilespmem:$0x1FEA0] =	vst v1;
	v1 =	vadd.s32 $0xB, v0  }
0x32: {  	s9 =	simm.s32 $0x16C80;
	s2 =	sadd.s32 $0xC00, s25;
	v55 =	vadd.s32 $0x292, v0;
	v56 =	vadd.s32 $0x13, v0;
	[dreg:$0x6] =	wrdreg s26;
	[tilespmem:$0x1FEB0] =	vst v1;
	v1 =	vadd.s32 $0x28B, v0  }
0x33: {  	s0 =	smax.u32 s0, $0x1;
	s7 =	simm.s32 $0x1;
	v57 =	vadd.s32 $0x293, v0;
	v58 =	vadd.s32 $0x14, v0;
	[dreg:$0x7] =	wrdreg s2;
	[tilespmem:$0x1FEC0] =	vst v1;
	v1 =	vadd.s32 $0xC, v0  }
0x34: {  	s25 =	simm.s32 $0x16A80;
	v59 =	vadd.s32 $0x294, v0;
	v60 =	vadd.s32 $0x15, v0;
	[dreg:$0x8] =	wrdreg s0;
	s26 =	simm.s32 $0x11800;
	[tilespmem:$0x1FED0] =	vst v1;
	v1 =	vadd.s32 $0x17, v0  }
0x35: {  	v61 =	vadd.s32 $0x295, v0;
	v62 =	vadd.s32 $0x16, v0;
	s3 =	simm.s32 $0x16C00;
	s0 =	simm.s32 $0x14800;
	s2 =	simm.s32 $0x1D800;
	[tilespmem:$0x1FF50] =	vst v1  }
.LBB2_1:
0x36: {  	[dreg:$0x9] =	wrdreg s14  }
0x37: {  	s8 =	simm.s32 $0x0;
	s14 =	rddreg [dreg:$0x5]  }
0x38: {  	[tilespmem:s8], [sflag:$0x2] =	stream.linear.gather [hbm4b:s14+s5], $0x20, $0x38;
	[tilespmem:$0x1EC00] =	vst v63  }
0x39: {  	s13 =	simm.s32 $0x28;
	s20 =	sadd.s32 $0x10, s14  }
0x3a: {  	[tilespmem:s13], [sflag:$0x2] =	stream.linear.gather [hbm4b:s20+s5], $0x20, $0x38;
	[tilespmem:$0x1EC00] =	vst v63  }
0x3b: {  	s22 =	simm.s32 $0x50;
	s16 =	simm.s32 $0x78;
	s21 =	sadd.s32 $0x20, s14  }
0x3c: {  	[tilespmem:s22], [sflag:$0x2] =	stream.linear.gather [hbm4b:s21+s5], $0x20, $0x38;
	[tilespmem:$0x1EC00] =	vst v63  }
0x3d: {  	s18 =	simm.s32 $0xA0;
	s15 =	sadd.s32 $0x30, s14;
	s17 =	sadd.s32 $0x40, s14  }
0x3e: {  	[tilespmem:s16], [sflag:$0x2] =	stream.linear.gather [hbm4b:s15+s5], $0x20, $0x38;
	[tilespmem:$0x1EC00] =	vst v63  }
0x3f: {  	s19 =	sadd.s32 $0x50, s14;
	s8 =	simm.s32 $0x0;
	s20 =	simm.s32 $0xC8  }
0x40: {  	[tilespmem:s18], [sflag:$0x2] =	stream.linear.gather [hbm4b:s17+s5], $0x20, $0x38;
	[tilespmem:$0x1EC00] =	vst v63  }
0x41: {  	s13 =	simm.s32 $0x500;
	s21 =	sadd.s32 $0x60, s14;
	s22 =	simm.s32 $0xF0  }
0x42: {  	[tilespmem:s20], [sflag:$0x2] =	stream.linear.gather [hbm4b:s19+s5], $0x20, $0x38;
	[tilespmem:$0x1EC00] =	vst v63  }
0x43: {  	s15 =	sadd.s32 $0x70, s14;
	s16 =	simm.s32 $0x118;
	s14 =	sadd.s32 $0x400, s14  }
0x44: {  	[tilespmem:s22], [sflag:$0x2] =	stream.linear.gather [hbm4b:s21+s5], $0x20, $0x38;
	[tilespmem:$0x1EC00] =	vst v63  }
.LBB2_2:
0x45: {  	[tilespmem:s16], [sflag:$0x2] =	stream.linear.gather [hbm4b:s15+s8], $0x20, $0x38;
	[tilespmem:$0x1EC00] =	vst v63  }
0x46: {  	s16 =	sshra.s32 s13, $0x2;
	s8 =	simm.s32 $0x0;
	p0 =	sne.s32 s13, $0x18B00  }
0x47: {  	[tilespmem:s16], [sflag:$0x2] =	stream.linear.gather [hbm4b:s14+s8], $0x20, $0x38;
	[tilespmem:$0x1EC00] =	vst v63  }
0x48: {  	s15 =	sadd.s32 $0x10, s14;
	s13 =	sadd.s32 $0x500, s13;
	s17 =	sadd.s32 $0x28, s16  }
0x49: {  	[tilespmem:s17], [sflag:$0x2] =	stream.linear.gather [hbm4b:s15+s8], $0x20, $0x38;
	[tilespmem:$0x1EC00] =	vst v63  }
0x4a: {  	s15 =	sadd.s32 $0x20, s14;
	s17 =	sadd.s32 $0x50, s16  }
0x4b: {  	[tilespmem:s17], [sflag:$0x2] =	stream.linear.gather [hbm4b:s15+s8], $0x20, $0x38;
	[tilespmem:$0x1EC00] =	vst v63  }
0x4c: {  	s15 =	sadd.s32 $0x30, s14;
	s17 =	sadd.s32 $0x78, s16  }
0x4d: {  	[tilespmem:s17], [sflag:$0x2] =	stream.linear.gather [hbm4b:s15+s8], $0x20, $0x38;
	[tilespmem:$0x1EC00] =	vst v63  }
0x4e: {  	s15 =	sadd.s32 $0x40, s14;
	s17 =	sadd.s32 $0xA0, s16  }
0x4f: {  	[tilespmem:s17], [sflag:$0x2] =	stream.linear.gather [hbm4b:s15+s8], $0x20, $0x38;
	[tilespmem:$0x1EC00] =	vst v63  }
.Ltmp0:
0x50: {  	s15 =	sadd.s32 $0x50, s14;
	s17 =	sadd.s32 $0xC8, s16;
	(pc) =	sbr.rel @p0 .LBB2_2-.Ltmp0, $4  }
0x51: {  	[tilespmem:s17], [sflag:$0x2] =	stream.linear.gather [hbm4b:s15+s8], $0x20, $0x38;
	[tilespmem:$0x1EC00] =	vst v63  }
0x52: {  	s15 =	sadd.s32 $0x60, s14;
	s17 =	sadd.s32 $0xF0, s16  }
0x53: {  	[tilespmem:s17], [sflag:$0x2] =	stream.linear.gather [hbm4b:s15+s8], $0x20, $0x38;
	[tilespmem:$0x1EC00] =	vst v63  }
0x54: {  	s16 =	sadd.s32 $0x118, s16;
	s15 =	sadd.s32 $0x70, s14;
	s14 =	sadd.s32 $0x400, s14  }
0x55: {  	[tilespmem:s16], [sflag:$0x2] =	stream.linear.gather [hbm4b:s15+s8], $0x20, $0x38;
	[tilespmem:$0x1EC00] =	vst v63  }
.LBB2_4:
0x56: {  	s14 =	smul.u32 $0x28, s8;
	_ =	sdelay $0x1  }
0x57: {  	s13 =	sadd.s32 $0x14, s14  }
0x58: {  	s15 =	sshll.u32 s13, $0xF  }
0x59: {  	s15 =	sor.u32 s6, s15  }
0x5a: {  	s15 =	sshrl.u32 s15, $0x3  }
0x5b: {  	s17 =	simm.s32 $0x6400;
	s16 =	sadd.s32 s1, s15  }
0x5c: {  	[tilespmem:s17], [sflag:$0x3] =	stream.linear.gather [hbm4b:s16+s5], $0x20, $0x38;
	[tilespmem:$0x1EC00] =	vst v63  }
0x5d: {  	s18 =	sadd.s32 $0x10, s16;
	s17 =	simm.s32 $0x6428  }
0x5e: {  	[tilespmem:s17], [sflag:$0x3] =	stream.linear.gather [hbm4b:s18+s5], $0x20, $0x38;
	[tilespmem:$0x1EC00] =	vst v63  }
0x5f: {  	s20 =	simm.s32 $0x6450;
	s22 =	simm.s32 $0x6478;
	s19 =	sadd.s32 $0x20, s16  }
0x60: {  	[tilespmem:s20], [sflag:$0x3] =	stream.linear.gather [hbm4b:s19+s5], $0x20, $0x38;
	[tilespmem:$0x1EC00] =	vst v63  }
0x61: {  	s15 =	simm.s32 $0x140;
	s21 =	sadd.s32 $0x30, s16;
	s17 =	sadd.s32 $0x40, s16  }
0x62: {  	[tilespmem:s22], [sflag:$0x3] =	stream.linear.gather [hbm4b:s21+s5], $0x20, $0x38;
	[tilespmem:$0x1EC00] =	vst v63  }
0x63: {  	s18 =	simm.s32 $0x64A0;
	s19 =	sadd.s32 $0x50, s16;
	s20 =	simm.s32 $0x64C8  }
0x64: {  	[tilespmem:s18], [sflag:$0x3] =	stream.linear.gather [hbm4b:s17+s5], $0x20, $0x38;
	[tilespmem:$0x1EC00] =	vst v63  }
0x65: {  	s21 =	sadd.s32 $0x60, s16;
	s22 =	simm.s32 $0x64F0;
	s17 =	simm.s32 $0xA00  }
0x66: {  	[tilespmem:s20], [sflag:$0x3] =	stream.linear.gather [hbm4b:s19+s5], $0x20, $0x38;
	[tilespmem:$0x1EC00] =	vst v63  }
0x67: {  	s18 =	sadd.s32 $0x70, s16;
	s16 =	sadd.s32 $0x400, s16;
	s19 =	simm.s32 $0x6518  }
0x68: {  	[tilespmem:s22], [sflag:$0x3] =	stream.linear.gather [hbm4b:s21+s5], $0x20, $0x38;
	[tilespmem:$0x1EC00] =	vst v63  }
.LBB2_5:
0x69: {  	[tilespmem:s19], [sflag:$0x3] =	stream.linear.gather [hbm4b:s18+s5], $0x20, $0x38;
	[tilespmem:$0x1EC00] =	vst v63  }
0x6a: {  	s19 =	smov.u32 s15;
	s15 =	smov.u32 s17  }
0x6b: {  	s20 =	sadd.s32 $0x500, s17;
	s15 =	sshra.s32 s15, $0x2;
	s18 =	sadd.s32 $0x6400, s19  }
0x6c: {  	[tilespmem:s18], [sflag:$0x3] =	stream.linear.gather [hbm4b:s16+s5], $0x20, $0x38;
	[tilespmem:$0x1EC00] =	vst v63  }
0x6d: {  	p0 =	sne.s32 s17, $0x18B00;
	s17 =	sadd.s32 $0x10, s16;
	s18 =	sadd.s32 $0x6428, s19  }
0x6e: {  	[tilespmem:s18], [sflag:$0x3] =	stream.linear.gather [hbm4b:s17+s5], $0x20, $0x38;
	[tilespmem:$0x1EC00] =	vst v63  }
0x6f: {  	s17 =	sadd.s32 $0x20, s16;
	s18 =	sadd.s32 $0x6450, s19  }
0x70: {  	[tilespmem:s18], [sflag:$0x3] =	stream.linear.gather [hbm4b:s17+s5], $0x20, $0x38;
	[tilespmem:$0x1EC00] =	vst v63  }
0x71: {  	s17 =	sadd.s32 $0x30, s16;
	s18 =	sadd.s32 $0x6478, s19  }
0x72: {  	[tilespmem:s18], [sflag:$0x3] =	stream.linear.gather [hbm4b:s17+s5], $0x20, $0x38;
	[tilespmem:$0x1EC00] =	vst v63  }
0x73: {  	s17 =	sadd.s32 $0x40, s16;
	s18 =	sadd.s32 $0x64A0, s19  }
0x74: {  	[tilespmem:s18], [sflag:$0x3] =	stream.linear.gather [hbm4b:s17+s5], $0x20, $0x38;
	[tilespmem:$0x1EC00] =	vst v63  }
.Ltmp1:
0x75: {  	s17 =	sadd.s32 $0x50, s16;
	s18 =	sadd.s32 $0x64C8, s19;
	(pc) =	sbr.rel @p0 .LBB2_5-.Ltmp1, $4  }
0x76: {  	[tilespmem:s18], [sflag:$0x3] =	stream.linear.gather [hbm4b:s17+s5], $0x20, $0x38;
	[tilespmem:$0x1EC00] =	vst v63  }
0x77: {  	s17 =	sadd.s32 $0x60, s16;
	s18 =	sadd.s32 $0x64F0, s19;
	s19 =	sadd.s32 $0x6518, s19  }
0x78: {  	[tilespmem:s18], [sflag:$0x3] =	stream.linear.gather [hbm4b:s17+s5], $0x20, $0x38;
	[tilespmem:$0x1EC00] =	vst v63  }
0x79: {  	s18 =	sadd.s32 $0x70, s16;
	s16 =	sadd.s32 $0x400, s16;
	s17 =	smov.u32 s20  }
0x7a: {  	[tilespmem:s19], [sflag:$0x3] =	stream.linear.gather [hbm4b:s18+s5], $0x20, $0x38;
	[tilespmem:$0x1EC00] =	vst v63  }
0x7b: {  	s17 =	sadd.s32 $0x6400, s15  }
0x7c: {  	[tilespmem:s17], [sflag:$0x3] =	stream.linear.gather [hbm4b:s16+s5], $0x20, $0x38;
	[tilespmem:$0x1EC00] =	vst v63  }
0x7d: {  	s21 =	sadd.s32 $0x10, s16;
	s22 =	sadd.s32 $0x6428, s15  }
0x7e: {  	[tilespmem:s22], [sflag:$0x3] =	stream.linear.gather [hbm4b:s21+s5], $0x20, $0x38;
	[tilespmem:$0x1EC00] =	vst v63  }
0x7f: {  	s19 =	sadd.s32 $0x20, s16;
	s20 =	sadd.s32 $0x6450, s15  }
0x80: {  	[tilespmem:s20], [sflag:$0x3] =	stream.linear.gather [hbm4b:s19+s5], $0x20, $0x38;
	[tilespmem:$0x1EC00] =	vst v63  }
0x81: {  	s21 =	sadd.s32 $0x30, s16;
	s22 =	sadd.s32 $0x6478, s15  }
0x82: {  	[tilespmem:s22], [sflag:$0x3] =	stream.linear.gather [hbm4b:s21+s5], $0x20, $0x38;
	[tilespmem:$0x1EC00] =	vst v63  }
0x83: {  	s19 =	sadd.s32 $0x40, s16;
	s20 =	sadd.s32 $0x64A0, s15  }
0x84: {  	[tilespmem:s20], [sflag:$0x3] =	stream.linear.gather [hbm4b:s19+s5], $0x20, $0x38;
	[tilespmem:$0x1EC00] =	vst v63  }
0x85: {  	s21 =	sadd.s32 $0x50, s16;
	s22 =	sadd.s32 $0x64C8, s15  }
0x86: {  	[tilespmem:s22], [sflag:$0x3] =	stream.linear.gather [hbm4b:s21+s5], $0x20, $0x38;
	[tilespmem:$0x1EC00] =	vst v63  }
0x87: {  	s19 =	sadd.s32 $0x60, s16;
	s20 =	sadd.s32 $0x64F0, s15  }
0x88: {  	[tilespmem:s20], [sflag:$0x3] =	stream.linear.gather [hbm4b:s19+s5], $0x20, $0x38;
	[tilespmem:$0x1EC00] =	vst v63  }
0x89: {  	s21 =	sadd.s32 $0x70, s16;
	s22 =	sadd.s32 $0x6518, s15  }
0x8a: {  	[tilespmem:s22], [sflag:$0x3] =	stream.linear.gather [hbm4b:s21+s5], $0x20, $0x38;
	[tilespmem:$0x1EC00] =	vst v63  }
0x8b: {  	_ =	swait.ge [sflag:s11], $0x5000  }
0x8c: {  	p0 =	seq.s32 s8, $0x0;
	[sflag:s11] =	ssyncset.done $0x0  }
0x8d: {  	s15 =	simm.s32 @!p0 $0x4;
	[sflag:s11] =	ssyncadd.s32 $0xFFFFB000  }
0x8e: {  	_ =	swait.ge @!p0 [sflag:s15], $0x1000  }
0x8f: {  	[sflag:s15] =	ssyncset.done @!p0 $0x0  }
0x90: {  	[sflag:s15] =	ssyncadd.s32 @!p0 $0xFFFFF000  }
0x91: {  	_ =	swait.ge @!p0 [sflag:s15], $0x1000  }
0x92: {  	[sflag:s15] =	ssyncset.done @!p0 $0x0  }
0x93: {  	[sflag:s15] =	ssyncadd.s32 @!p0 $0xFFFFF000  }
0x94: {  	_ =	swait.ge @!p0 [sflag:s15], $0x1000  }
0x95: {  	[sflag:s15] =	ssyncset.done @!p0 $0x0  }
0x96: {  	[sflag:s15] =	ssyncadd.s32 @!p0 $0xFFFFF000  }
0x97: {  	_ =	swait.ge @!p0 [sflag:s15], $0x1000  }
0x98: {  	[sflag:s15] =	ssyncset.done @!p0 $0x0  }
0x99: {  	[sflag:s15] =	ssyncadd.s32 @!p0 $0xFFFFF000  }
0x9a: {  	_ =	swait.ge @!p0 [sflag:s15], $0x1000  }
0x9b: {  	v23 =	vld [tilespmem:$0x1FF50]  }
0x9c: {  	v18 =	vld [tilespmem:$0x1FF60]  }
0x9d: {  	v17 =	vld [tilespmem:$0x1FF70]  }
0x9e: {  	v19 =	vld [tilespmem:$0x1FF80]  }
0x9f: {  	v20 =	vld [tilespmem:$0x1FF90]  }
0xa0: {  	v21 =	vld [tilespmem:$0x1FFA0]  }
0xa1: {  	v22 =	vld [tilespmem:$0x1FFB0]  }
0xa2: {  	[sflag:s15] =	ssyncset.done @!p0 $0x0;
	v24 =	vld [tilespmem:$0x1FFC0]  }
0xa3: {  	v25 =	vld [tilespmem:$0x1FFD0];
	[sflag:s15] =	ssyncadd.s32 @!p0 $0xFFFFF000;
	s15 =	simm.s32 $0x0  }
.LBB2_7:
0xa4: {  	v8 =	vld [tilespmem:$0x1FD60]  }
0xa5: {  	v9 =	vld [tilespmem:$0x1FD70]  }
0xa6: {  	v10 =	vld [tilespmem:$0x1FD80]  }
0xa7: {  	v11 =	vld [tilespmem:$0x1FD90]  }
0xa8: {  	v14 =	vld [tilespmem:$0x1FDA0]  }
0xa9: {  	v12 =	vld [tilespmem:$0x1FDB0]  }
0xaa: {  	v13 =	vld [tilespmem:$0x1FDC0]  }
0xab: {  	v15 =	vld [tilespmem:$0x1FDD0]  }
0xac: {  	v16 =	vld [tilespmem:$0x1FDE0]  }
0xad: {  	s16 =	smul.u32 $0x1400, s15;
	v26 =	vld [tilespmem:$0x1FDF0]  }
0xae: {  	v27 =	vld [tilespmem:$0x1FE00]  }
0xaf: {  	v28 =	vld [tilespmem:$0x1FE10];
	s20 =	sshra.s32 s16, $0x2  }
0xb0: {  	v1 =	vld.idx.msk [tilespmem:v0+s20+$0x0], $0xffff  }
0xb1: {  	v2 =	vld.idx.msk [tilespmem:v8+s20+$0x0], $0xffff  }
0xb2: {  	v3 =	vld.idx.msk [tilespmem:v9+s20+$0x0], $0xffff  }
0xb3: {  	v4 =	vld.idx.msk [tilespmem:v10+s20+$0x0], $0xffff  }
0xb4: {  	v5 =	vld.idx.msk [tilespmem:v11+s20+$0x0], $0xffff  }
0xb5: {  	s22 =	sshll.u32 s15, $0xA;
	v6 =	vld.idx.msk [tilespmem:v14+s20+$0x0], $0xffff  }
0xb6: {  	s17 =	sand.u32 $0x3FFFFC00, s22;
	v7 =	vld.idx.msk [tilespmem:v12+s20+$0x0], $0xffff  }
0xb7: {  	s16 =	sor.u32 $0x1, s15;
	v63 =	vld.idx.msk [tilespmem:v13+s20+$0x0], $0xffff;
	[tilespmem:s17+$0xC800] =	vst v1  }
0xb8: {  	v29 =	vld [tilespmem:$0x1FE20];
	s18 =	smul.u32 $0x1400, s16;
	[tilespmem:s17+$0xC810] =	vst v2  }
0xb9: {  	v30 =	vld [tilespmem:$0x1FE30];
	[tilespmem:s17+$0xC820] =	vst v3  }
0xba: {  	v31 =	vld [tilespmem:$0x1FE40];
	s18 =	sshra.s32 s18, $0x2;
	[tilespmem:s17+$0xC830] =	vst v4  }
0xbb: {  	v42 =	vld.idx.msk [tilespmem:v10+s18+$0x0], $0xffff;
	[tilespmem:s17+$0xC840] =	vst v5  }
0xbc: {  	v40 =	vld.idx.msk [tilespmem:v11+s18+$0x0], $0xffff;
	[tilespmem:s17+$0xC850] =	vst v6  }
0xbd: {  	v41 =	vld.idx.msk [tilespmem:v14+s18+$0x0], $0xffff;
	[tilespmem:s17+$0xC860] =	vst v7  }
0xbe: {  	v10 =	vld [tilespmem:$0x1FE60];
	[tilespmem:s17+$0xC870] =	vst v63  }
0xbf: {  	v1 =	vld.idx.msk [tilespmem:v15+s20+$0x0], $0xffff  }
0xc0: {  	v2 =	vld.idx.msk [tilespmem:v16+s20+$0x0], $0xffff  }
0xc1: {  	v3 =	vld.idx.msk [tilespmem:v26+s20+$0x0], $0xffff  }
0xc2: {  	v4 =	vld.idx.msk [tilespmem:v27+s20+$0x0], $0xffff  }
0xc3: {  	v5 =	vld.idx.msk [tilespmem:v28+s20+$0x0], $0xffff  }
0xc4: {  	v6 =	vld.idx.msk [tilespmem:v29+s20+$0x0], $0xffff  }
0xc5: {  	v7 =	vld.idx.msk [tilespmem:v30+s20+$0x0], $0xffff  }
0xc6: {  	v63 =	vld.idx.msk [tilespmem:v31+s20+$0x0], $0xffff;
	[tilespmem:s17+$0xC880] =	vst v1  }
0xc7: {  	v11 =	vld [tilespmem:$0x1FE70];
	[tilespmem:s17+$0xC890] =	vst v2  }
0xc8: {  	v14 =	vld [tilespmem:$0x1FEA0];
	[tilespmem:s17+$0xC8A0] =	vst v3  }
0xc9: {  	v1 =	vld.idx.msk [tilespmem:v0+s18+$0x0], $0xffff;
	[tilespmem:s17+$0xC8B0] =	vst v4  }
0xca: {  	v2 =	vld.idx.msk [tilespmem:v8+s18+$0x0], $0xffff;
	[tilespmem:s17+$0xC8C0] =	vst v5  }
0xcb: {  	v3 =	vld.idx.msk [tilespmem:v9+s18+$0x0], $0xffff;
	[tilespmem:s17+$0xC8D0] =	vst v6  }
0xcc: {  	s21 =	sshll.u32 s16, $0xA;
	[tilespmem:s17+$0xC8E0] =	vst v7;
	v7 =	vld.idx.msk [tilespmem:v12+s18+$0x0], $0xffff  }
0xcd: {  	s19 =	sand.u32 $0x3FFFFC00, s21;
	[tilespmem:s17+$0xC8F0] =	vst v63;
	v63 =	vld.idx.msk [tilespmem:v13+s18+$0x0], $0xffff  }
0xce: {  	v9 =	vld [tilespmem:$0x1FE50];
	[tilespmem:s19+$0xC830] =	vst v42  }
0xcf: {  	v12 =	vld [tilespmem:$0x1FE80];
	[tilespmem:s19+$0xC840] =	vst v40  }
0xd0: {  	v13 =	vld [tilespmem:$0x1FE90];
	[tilespmem:s19+$0xC850] =	vst v41  }
0xd1: {  	v40 =	vld [tilespmem:$0x1FEB0];
	[tilespmem:s19+$0xC800] =	vst v1  }
0xd2: {  	v41 =	vld [tilespmem:$0x1FEC0];
	[tilespmem:s19+$0xC810] =	vst v2  }
0xd3: {  	v5 =	vld.idx.msk [tilespmem:v14+s20+$0x0], $0xffff;
	[tilespmem:s19+$0xC820] =	vst v3  }
0xd4: {  	v1 =	vld.idx.msk [tilespmem:v10+s20+$0x0], $0xffff;
	[tilespmem:s19+$0xC860] =	vst v7  }
0xd5: {  	v2 =	vld.idx.msk [tilespmem:v11+s20+$0x0], $0xffff;
	[tilespmem:s19+$0xC870] =	vst v63  }
0xd6: {  	v42 =	vld.idx.msk [tilespmem:v15+s18+$0x0], $0xffff  }
0xd7: {  	v15 =	vld [tilespmem:$0x1FED0]  }
0xd8: {  	v8 =	vld.idx.msk [tilespmem:v9+s20+$0x0], $0xffff  }
0xd9: {  	v3 =	vld.idx.msk [tilespmem:v12+s20+$0x0], $0xffff  }
0xda: {  	v4 =	vld.idx.msk [tilespmem:v13+s20+$0x0], $0xffff  }
0xdb: {  	v6 =	vld.idx.msk [tilespmem:v40+s20+$0x0], $0xffff  }
0xdc: {  	v7 =	vld.idx.msk [tilespmem:v41+s20+$0x0], $0xffff;
	[tilespmem:s17+$0xC950] =	vst v5  }
0xdd: {  	v28 =	vld.idx.msk [tilespmem:v28+s18+$0x0], $0xffff;
	[tilespmem:s17+$0xC910] =	vst v1  }
0xde: {  	v29 =	vld.idx.msk [tilespmem:v29+s18+$0x0], $0xffff;
	[tilespmem:s17+$0xC920] =	vst v2  }
0xdf: {  	v30 =	vld.idx.msk [tilespmem:v30+s18+$0x0], $0xffff;
	[tilespmem:s17+$0xC900] =	vst v8  }
0xe0: {  	v1 =	vld.idx.msk [tilespmem:v16+s18+$0x0], $0xffff;
	[tilespmem:s17+$0xC930] =	vst v3  }
0xe1: {  	v2 =	vld.idx.msk [tilespmem:v26+s18+$0x0], $0xffff;
	[tilespmem:s17+$0xC940] =	vst v4  }
0xe2: {  	v3 =	vld.idx.msk [tilespmem:v27+s18+$0x0], $0xffff;
	[tilespmem:s17+$0xC960] =	vst v6  }
0xe3: {  	[tilespmem:s17+$0xC970] =	vst v7;
	v7 =	vld.idx.msk [tilespmem:v31+s18+$0x0], $0xffff  }
0xe4: {  	[tilespmem:s19+$0xC880] =	vst v42;
	v31 =	vld.idx.msk [tilespmem:v15+s20+$0x0], $0xffff  }
0xe5: {  	[tilespmem:s19+$0xC8C0] =	vst v28;
	v42 =	vld.idx.msk [tilespmem:v43+s20+$0x0], $0xffff  }
0xe6: {  	[tilespmem:s19+$0xC8D0] =	vst v29;
	v28 =	vld.idx.msk [tilespmem:v47+s20+$0x0], $0xffff  }
0xe7: {  	[tilespmem:s19+$0xC8E0] =	vst v30;
	v29 =	vld.idx.msk [tilespmem:v48+s20+$0x0], $0xffff  }
0xe8: {  	v30 =	vld.idx.msk [tilespmem:v49+s20+$0x0], $0xffff;
	[tilespmem:s19+$0xC890] =	vst v1  }
0xe9: {  	v1 =	vld.idx.msk [tilespmem:v44+s20+$0x0], $0xffff;
	[tilespmem:s19+$0xC8A0] =	vst v2  }
0xea: {  	v2 =	vld.idx.msk [tilespmem:v45+s20+$0x0], $0xffff;
	[tilespmem:s19+$0xC8B0] =	vst v3  }
0xeb: {  	v3 =	vld.idx.msk [tilespmem:v46+s20+$0x0], $0xffff;
	[tilespmem:s19+$0xC8F0] =	vst v7  }
0xec: {  	[tilespmem:s17+$0xC980] =	vst v31;
	v7 =	vld.idx.msk [tilespmem:v9+s18+$0x0], $0xffff  }
0xed: {  	[tilespmem:s17+$0xC990] =	vst v42;
	v31 =	vld.idx.msk [tilespmem:v10+s18+$0x0], $0xffff  }
0xee: {  	[tilespmem:s17+$0xC9D0] =	vst v28;
	v42 =	vld.idx.msk [tilespmem:v14+s18+$0x0], $0xffff  }
0xef: {  	[tilespmem:s17+$0xC9A0] =	vst v1;
	v1 =	vld.idx.msk [tilespmem:v11+s18+$0x0], $0xffff  }
0xf0: {  	[tilespmem:s17+$0xC9B0] =	vst v2;
	v2 =	vld.idx.msk [tilespmem:v12+s18+$0x0], $0xffff  }
0xf1: {  	[tilespmem:s17+$0xC9E0] =	vst v29;
	v12 =	vld.idx.msk [tilespmem:v40+s18+$0x0], $0xffff  }
0xf2: {  	[tilespmem:s17+$0xC9C0] =	vst v3;
	v3 =	vld.idx.msk [tilespmem:v13+s18+$0x0], $0xffff  }
0xf3: {  	[tilespmem:s17+$0xC9F0] =	vst v30;
	v13 =	vld.idx.msk [tilespmem:v41+s18+$0x0], $0xffff  }
0xf4: {  	v63 =	vld.idx.msk [tilespmem:v50+s20+$0x0], $0xffff;
	[tilespmem:s19+$0xC900] =	vst v7  }
0xf5: {  	v14 =	vld.idx.msk [tilespmem:v51+s20+$0x0], $0xffff;
	[tilespmem:s19+$0xC910] =	vst v31  }
0xf6: {  	v28 =	vld.idx.msk [tilespmem:v52+s20+$0x0], $0xffff;
	[tilespmem:s19+$0xC950] =	vst v42  }
0xf7: {  	v29 =	vld.idx.msk [tilespmem:v56+s20+$0x0], $0xffff;
	[tilespmem:s19+$0xC920] =	vst v1  }
0xf8: {  	v30 =	vld.idx.msk [tilespmem:v57+s20+$0x0], $0xffff;
	[tilespmem:s19+$0xC930] =	vst v2  }
0xf9: {  	v1 =	vld.idx.msk [tilespmem:v53+s20+$0x0], $0xffff;
	[tilespmem:s19+$0xC960] =	vst v12  }
0xfa: {  	s22 =	sor.u32 $0x200, s22;
	v2 =	vld.idx.msk [tilespmem:v54+s20+$0x0], $0xffff;
	[tilespmem:s19+$0xC940] =	vst v3  }
0xfb: {  	s22 =	sand.u32 $0x3FFFFE00, s22;
	v3 =	vld.idx.msk [tilespmem:v55+s20+$0x0], $0xffff;
	[tilespmem:s19+$0xC970] =	vst v13  }
0xfc: {  	[tilespmem:s22+$0xC800] =	vst v63;
	v6 =	vld.idx.msk [tilespmem:v15+s18+$0x0], $0xffff  }
0xfd: {  	[tilespmem:s22+$0xC810] =	vst v14;
	v31 =	vld.idx.msk [tilespmem:v43+s18+$0x0], $0xffff  }
0xfe: {  	v40 =	vld.idx.msk [tilespmem:v44+s18+$0x0], $0xffff;
	[tilespmem:s17+$0xCA20] =	vst v28  }
0xff: {  	v41 =	vld.idx.msk [tilespmem:v48+s18+$0x0], $0xffff;
	[tilespmem:s17+$0xCA30] =	vst v1  }
0x100: {  	[tilespmem:s17+$0xCA40] =	vst v2;
	v2 =	vld.idx.msk [tilespmem:v46+s18+$0x0], $0xffff  }
0x101: {  	v42 =	vld.idx.msk [tilespmem:v49+s18+$0x0], $0xffff;
	[tilespmem:s17+$0xCA60] =	vst v29  }
0x102: {  	v1 =	vld.idx.msk [tilespmem:v45+s18+$0x0], $0xffff;
	[tilespmem:s17+$0xCA70] =	vst v30  }
0x103: {  	[tilespmem:s17+$0xCA50] =	vst v3;
	v3 =	vld.idx.msk [tilespmem:v47+s18+$0x0], $0xffff  }
0x104: {  	v63 =	vld.idx.msk [tilespmem:v58+s20+$0x0], $0xffff;
	[tilespmem:s19+$0xC980] =	vst v6  }
0x105: {  	[tilespmem:s19+$0xC9C0] =	vst v2;
	v2 =	vld [tilespmem:$0x1FF40]  }
0x106: {  	v12 =	vld.idx.msk [tilespmem:v59+s20+$0x0], $0xffff;
	[tilespmem:s19+$0xC990] =	vst v31  }
0x107: {  	v13 =	vld.idx.msk [tilespmem:v60+s20+$0x0], $0xffff;
	[tilespmem:s19+$0xC9A0] =	vst v40  }
0x108: {  	v14 =	vld.idx.msk [tilespmem:v61+s20+$0x0], $0xffff;
	[tilespmem:s19+$0xC9E0] =	vst v41  }
0x109: {  	v28 =	vld.idx.msk [tilespmem:v18+s20+$0x0], $0xffff;
	[tilespmem:s19+$0xC9F0] =	vst v42  }
0x10a: {  	[tilespmem:s19+$0xC9B0] =	vst v1;
	v1 =	vld.idx.msk [tilespmem:v62+s20+$0x0], $0xffff  }
0x10b: {  	[tilespmem:s19+$0xC9D0] =	vst v3;
	v3 =	vld.idx.msk [tilespmem:v23+s20+$0x0], $0xffff  }
0x10c: {  	v5 =	vld.idx.msk [tilespmem:v50+s18+$0x0], $0xffff  }
0x10d: {  	v2 =	vld.idx.msk [tilespmem:v2+s20+$0x0], $0xffff;
	[tilespmem:s17+$0xCA80] =	vst v63  }
0x10e: {  	v29 =	vld.idx.msk [tilespmem:v51+s18+$0x0], $0xffff;
	[tilespmem:s17+$0xCA90] =	vst v12  }
0x10f: {  	v30 =	vld.idx.msk [tilespmem:v52+s18+$0x0], $0xffff;
	[tilespmem:s17+$0xCAA0] =	vst v13  }
0x110: {  	v31 =	vld.idx.msk [tilespmem:v53+s18+$0x0], $0xffff;
	[tilespmem:s17+$0xCAB0] =	vst v14  }
0x111: {  	v40 =	vld.idx.msk [tilespmem:v57+s18+$0x0], $0xffff;
	[tilespmem:s17+$0xCAC0] =	vst v1  }
0x112: {  	v1 =	vld.idx.msk [tilespmem:v54+s18+$0x0], $0xffff;
	[tilespmem:s17+$0xCAE0] =	vst v3  }
0x113: {  	s21 =	sor.u32 $0x200, s21;
	v3 =	vld.idx.msk [tilespmem:v56+s18+$0x0], $0xffff;
	[tilespmem:s17+$0xCAF0] =	vst v28  }
0x114: {  	s21 =	sand.u32 $0x3FFFFE00, s21;
	[tilespmem:s17+$0xCAD0] =	vst v2;
	v2 =	vld.idx.msk [tilespmem:v55+s18+$0x0], $0xffff  }
0x115: {  	[tilespmem:s21+$0xC800] =	vst v5;
	v63 =	vld.idx.msk [tilespmem:v17+s20+$0x0], $0xffff  }
0x116: {  	[tilespmem:s21+$0xC810] =	vst v29;
	v41 =	vld.idx.msk [tilespmem:v19+s20+$0x0], $0xffff  }
0x117: {  	v42 =	vld.idx.msk [tilespmem:v20+s20+$0x0], $0xffff;
	[tilespmem:s19+$0xCA20] =	vst v30  }
0x118: {  	v12 =	vld.idx.msk [tilespmem:v21+s20+$0x0], $0xffff;
	[tilespmem:s19+$0xCA30] =	vst v31  }
0x119: {  	v13 =	vld.idx.msk [tilespmem:v22+s20+$0x0], $0xffff;
	[tilespmem:s19+$0xCA40] =	vst v1  }
0x11a: {  	v1 =	vld.idx.msk [tilespmem:v24+s20+$0x0], $0xffff;
	[tilespmem:s19+$0xCA60] =	vst v3  }
0x11b: {  	v3 =	vld.idx.msk [tilespmem:v32+s20+$0x0], $0xffff;
	[tilespmem:s19+$0xCA70] =	vst v40  }
0x11c: {  	[tilespmem:s19+$0xCA50] =	vst v2;
	v2 =	vld.idx.msk [tilespmem:v25+s20+$0x0], $0xffff  }
0x11d: {  	[tilespmem:s17+$0xCB00] =	vst v63;
	v63 =	vld [tilespmem:$0x1FF40]  }
0x11e: {  	v4 =	vld.idx.msk [tilespmem:v58+s18+$0x0], $0xffff;
	[tilespmem:s17+$0xCB10] =	vst v41  }
0x11f: {  	v14 =	vld.idx.msk [tilespmem:v59+s18+$0x0], $0xffff;
	[tilespmem:s17+$0xCB20] =	vst v42  }
0x120: {  	v28 =	vld.idx.msk [tilespmem:v60+s18+$0x0], $0xffff;
	[tilespmem:s17+$0xCB30] =	vst v12  }
0x121: {  	v29 =	vld.idx.msk [tilespmem:v61+s18+$0x0], $0xffff;
	[tilespmem:s17+$0xCB40] =	vst v13  }
0x122: {  	v30 =	vld.idx.msk [tilespmem:v62+s18+$0x0], $0xffff;
	[tilespmem:s17+$0xCB50] =	vst v1  }
0x123: {  	v40 =	vld.idx.msk [tilespmem:v23+s18+$0x0], $0xffff;
	[tilespmem:s17+$0xCB70] =	vst v3  }
0x124: {  	v3 =	vld.idx.msk [tilespmem:v18+s18+$0x0], $0xffff;
	[tilespmem:s17+$0xCB60] =	vst v2  }
0x125: {  	v41 =	vld.idx.msk [tilespmem:v33+s20+$0x0], $0xffff  }
0x126: {  	v26 =	vadd.s32 $0x29E, v0;
	v31 =	vld.idx.msk [tilespmem:v63+s18+$0x0], $0xffff;
	[tilespmem:s19+$0xCA80] =	vst v4  }
0x127: {  	v1 =	vadd.s32 $0x1F, v0;
	v42 =	vld.idx.msk [tilespmem:v34+s20+$0x0], $0xffff;
	[tilespmem:s19+$0xCA90] =	vst v14  }
0x128: {  	v2 =	vadd.s32 $0x29F, v0;
	v5 =	vld.idx.msk [tilespmem:v35+s20+$0x0], $0xffff;
	[tilespmem:s19+$0xCAA0] =	vst v28  }
0x129: {  	v6 =	vld.idx.msk [tilespmem:v36+s20+$0x0], $0xffff;
	[tilespmem:s19+$0xCAB0] =	vst v29  }
0x12a: {  	v7 =	vld.idx.msk [tilespmem:v37+s20+$0x0], $0xffff;
	[tilespmem:s19+$0xCAC0] =	vst v30  }
0x12b: {  	v28 =	vld.idx.msk [tilespmem:v26+s20+$0x0], $0xffff;
	[tilespmem:s19+$0xCAE0] =	vst v40  }
0x12c: {  	v29 =	vld.idx.msk [tilespmem:v1+s20+$0x0], $0xffff;
	[tilespmem:s19+$0xCAF0] =	vst v3  }
0x12d: {  	v10 =	vld.idx.msk [tilespmem:v2+s20+$0x0], $0xffff;
	[tilespmem:s19+$0xCAD0] =	vst v31  }
0x12e: {  	v3 =	vld.idx.msk [tilespmem:v17+s18+$0x0], $0xffff  }
0x12f: {  	v30 =	vld.idx.msk [tilespmem:v19+s18+$0x0], $0xffff  }
0x130: {  	v31 =	vld.idx.msk [tilespmem:v20+s18+$0x0], $0xffff  }
0x131: {  	v40 =	vld.idx.msk [tilespmem:v21+s18+$0x0], $0xffff  }
0x132: {  	[tilespmem:s17+$0xCB80] =	vst v41;
	v15 =	vld.idx.msk [tilespmem:v22+s18+$0x0], $0xffff  }
0x133: {  	[tilespmem:s17+$0xCB90] =	vst v42;
	v16 =	vld.idx.msk [tilespmem:v24+s18+$0x0], $0xffff  }
0x134: {  	[tilespmem:s17+$0xCBA0] =	vst v5;
	v41 =	vld.idx.msk [tilespmem:v25+s18+$0x0], $0xffff  }
0x135: {  	v42 =	vld.idx.msk [tilespmem:v32+s18+$0x0], $0xffff;
	[tilespmem:s19+$0xCB00] =	vst v3  }
0x136: {  	[tilespmem:s19+$0xCB10] =	vst v30  }
0x137: {  	[tilespmem:s19+$0xCB20] =	vst v31  }
0x138: {  	[tilespmem:s19+$0xCB30] =	vst v40  }
0x139: {  	[tilespmem:s19+$0xCB40] =	vst v15  }
0x13a: {  	[tilespmem:s19+$0xCB50] =	vst v16  }
0x13b: {  	[tilespmem:s19+$0xCB60] =	vst v41  }
0x13c: {  	[tilespmem:s19+$0xCB70] =	vst v42  }
0x13d: {  	[tilespmem:s17+$0xCBB0] =	vst v6;
	v3 =	vld.idx.msk [tilespmem:v33+s18+$0x0], $0xffff  }
0x13e: {  	[tilespmem:s17+$0xCBC0] =	vst v7;
	v4 =	vld.idx.msk [tilespmem:v34+s18+$0x0], $0xffff  }
0x13f: {  	[tilespmem:s17+$0xCBD0] =	vst v28;
	v14 =	vld.idx.msk [tilespmem:v35+s18+$0x0], $0xffff  }
0x140: {  	s21 =	sadd.s32 s14, s15;
	[tilespmem:s17+$0xCBE0] =	vst v29;
	v28 =	vld.idx.msk [tilespmem:v36+s18+$0x0], $0xffff  }
0x141: {  	s22 =	sshll.u32 s15, $0x5;
	[tilespmem:s17+$0xCBF0] =	vst v10;
	v30 =	vadd.s32 s21, v38;
	v29 =	vld.idx.msk [tilespmem:v37+s18+$0x0], $0xffff  }
0x142: {  	v40 =	vadd.s32 s21, v39;
	v31 =	vld.idx.msk [tilespmem:v26+s18+$0x0], $0xffff;
	[tilespmem:s22+$0x16800] =	vst v30  }
0x143: {  	v41 =	vld.idx.msk [tilespmem:v1+s18+$0x0], $0xffff;
	[tilespmem:s22+$0x16810] =	vst v40  }
0x144: {  	v42 =	vld.idx.msk [tilespmem:v2+s18+$0x0], $0xffff;
	[tilespmem:s19+$0xCB80] =	vst v3  }
0x145: {  	[tilespmem:s19+$0xCB90] =	vst v4  }
0x146: {  	[tilespmem:s19+$0xCBA0] =	vst v14  }
0x147: {  	[tilespmem:s19+$0xCBB0] =	vst v28  }
0x148: {  	p1 =	slt.u32 s15, $0x12;
	[tilespmem:s19+$0xCBC0] =	vst v29  }
.Ltmp2:
0x149: {  	[tilespmem:s19+$0xCBD0] =	vst v31;
	(pc) =	sbr.rel @p1 .LBB2_7-.Ltmp2, $4  }
0x14a: {  	s21 =	sadd.s32 s14, s16;
	[tilespmem:s19+$0xCBE0] =	vst v41  }
0x14b: {  	s16 =	sshll.u32 s16, $0x5;
	[tilespmem:s19+$0xCBF0] =	vst v42;
	v3 =	vadd.s32 s21, v38  }
0x14c: {  	s22 =	sadd.s32 $0x2, s15;
	[tilespmem:s16+$0x16800] =	vst v3;
	v3 =	vadd.s32 s21, v39  }
0x14d: {  	s15 =	smov.u32 s22;
	[tilespmem:s16+$0x16810] =	vst v3  }
0x14e: {  	s14 =	simm.s32 $0x16800;
	s15 =	simm.s32 $0xC800  }
0x14f: {  	[hbm4b:s4+s12] =	stream.indirect.scatter [tilespmem:s15], [sflag:$0x4], $0x20, s14, s12, $0xb8;
	[tilespmem:$0x1EC00] =	vst v63  }
0x150: {  	s16 =	simm.s32 $0xD800;
	s15 =	simm.s32 $0x16880  }
0x151: {  	[hbm4b:s4+s12] =	stream.indirect.scatter [tilespmem:s16], [sflag:$0x4], $0x20, s15, s12, $0xb8;
	[tilespmem:$0x1EC00] =	vst v63  }
0x152: {  	s17 =	simm.s32 $0x16900;
	s18 =	simm.s32 $0xE800;
	p1 =	sne.s32 s8, $0x18  }
0x153: {  	[hbm4b:s4+s12] =	stream.indirect.scatter [tilespmem:s18], [sflag:$0x4], $0x20, s17, s12, $0xb8;
	[tilespmem:$0x1EC00] =	vst v63  }
.Ltmp3:
0x154: {  	_ = 	snop;
	(pc) =	sbr.rel @p1 .LBB2_10-.Ltmp3, $4  }
0x155: {  	s19 =	simm.s32 $0x16980;
	s20 =	simm.s32 $0xF800  }
0x156: {  	[hbm4b:s4+s12] =	stream.indirect.scatter [tilespmem:s20], [sflag:$0x4], $0x20, s19, s12, $0xb8;
	[tilespmem:$0x1EC00] =	vst v63  }
0x157: {  	s21 =	simm.s32 $0x16A00;
	s22 =	simm.s32 $0x10800  }
0x158: {  	[hbm4b:s4+s12] =	stream.indirect.scatter [tilespmem:s22], [sflag:$0x4], $0x20, s21, s12, $0xb8;
	[tilespmem:$0x1EC00] =	vst v63  }
.Ltmp4:
0x159: {  	(pc) =	sbr.rel .LBB2_13-.Ltmp4, $4  }
0x15a: {  	_ = 	snop  }
0x15b: {  	_ =	swait.ge [sflag:s23], $0x5000  }
0x15c: {  	[sflag:s23] =	ssyncset.done $0x0  }
0x15d: {  	[sflag:s23] =	ssyncadd.s32 $0xFFFFB000  }
.LBB2_10:
0x15e: {  	s14 =	smul.u32 $0x140000, s8  }
0x15f: {  	s15 =	rddreg [dreg:$0x6]  }
0x160: {  	s14 =	sadd.s32 s15, s14  }
0x161: {  	s14 =	sshrl.u32 s14, $0x3  }
0x162: {  	s17 =	simm.s32 $0x0;
	s15 =	sadd.s32 s1, s14  }
0x163: {  	[tilespmem:s17], [sflag:$0x2] =	stream.linear.gather [hbm4b:s15+s5], $0x20, $0x38;
	[tilespmem:$0x1EC00] =	vst v63  }
0x164: {  	s16 =	simm.s32 $0x28;
	s18 =	sadd.s32 $0x10, s15  }
0x165: {  	[tilespmem:s16], [sflag:$0x2] =	stream.linear.gather [hbm4b:s18+s5], $0x20, $0x38;
	[tilespmem:$0x1EC00] =	vst v63  }
0x166: {  	s20 =	simm.s32 $0x50;
	s19 =	sadd.s32 $0x20, s15  }
0x167: {  	[tilespmem:s20], [sflag:$0x2] =	stream.linear.gather [hbm4b:s19+s5], $0x20, $0x38;
	[tilespmem:$0x1EC00] =	vst v63  }
0x168: {  	s22 =	simm.s32 $0x78;
	s14 =	simm.s32 $0x500;
	s21 =	sadd.s32 $0x30, s15  }
0x169: {  	[tilespmem:s22], [sflag:$0x2] =	stream.linear.gather [hbm4b:s21+s5], $0x20, $0x38;
	[tilespmem:$0x1EC00] =	vst v63  }
0x16a: {  	s17 =	sadd.s32 $0x40, s15;
	s18 =	simm.s32 $0xA0;
	s16 =	sadd.s32 $0x70, s15  }
0x16b: {  	[tilespmem:s18], [sflag:$0x2] =	stream.linear.gather [hbm4b:s17+s5], $0x20, $0x38;
	[tilespmem:$0x1EC00] =	vst v63  }
0x16c: {  	s19 =	sadd.s32 $0x50, s15;
	s20 =	simm.s32 $0xC8;
	s21 =	sadd.s32 $0x60, s15  }
0x16d: {  	[tilespmem:s20], [sflag:$0x2] =	stream.linear.gather [hbm4b:s19+s5], $0x20, $0x38;
	[tilespmem:$0x1EC00] =	vst v63  }
0x16e: {  	s22 =	simm.s32 $0xF0;
	s15 =	sadd.s32 $0x400, s15;
	s17 =	simm.s32 $0x118  }
0x16f: {  	[tilespmem:s22], [sflag:$0x2] =	stream.linear.gather [hbm4b:s21+s5], $0x20, $0x38;
	[tilespmem:$0x1EC00] =	vst v63  }
.LBB2_11:
0x170: {  	[tilespmem:s17], [sflag:$0x2] =	stream.linear.gather [hbm4b:s16+s5], $0x20, $0x38;
	[tilespmem:$0x1EC00] =	vst v63  }
0x171: {  	s17 =	sshra.s32 s14, $0x2;
	p1 =	sne.s32 s14, $0x18B00;
	s14 =	sadd.s32 $0x500, s14  }
0x172: {  	[tilespmem:s17], [sflag:$0x2] =	stream.linear.gather [hbm4b:s15+s5], $0x20, $0x38;
	[tilespmem:$0x1EC00] =	vst v63  }
0x173: {  	s16 =	sadd.s32 $0x10, s15;
	s18 =	sadd.s32 $0x28, s17  }
0x174: {  	[tilespmem:s18], [sflag:$0x2] =	stream.linear.gather [hbm4b:s16+s5], $0x20, $0x38;
	[tilespmem:$0x1EC00] =	vst v63  }
0x175: {  	s16 =	sadd.s32 $0x20, s15;
	s18 =	sadd.s32 $0x50, s17  }
0x176: {  	[tilespmem:s18], [sflag:$0x2] =	stream.linear.gather [hbm4b:s16+s5], $0x20, $0x38;
	[tilespmem:$0x1EC00] =	vst v63  }
0x177: {  	s16 =	sadd.s32 $0x30, s15;
	s18 =	sadd.s32 $0x78, s17  }
0x178: {  	[tilespmem:s18], [sflag:$0x2] =	stream.linear.gather [hbm4b:s16+s5], $0x20, $0x38;
	[tilespmem:$0x1EC00] =	vst v63  }
0x179: {  	s16 =	sadd.s32 $0x40, s15;
	s18 =	sadd.s32 $0xA0, s17  }
0x17a: {  	[tilespmem:s18], [sflag:$0x2] =	stream.linear.gather [hbm4b:s16+s5], $0x20, $0x38;
	[tilespmem:$0x1EC00] =	vst v63  }
.Ltmp5:
0x17b: {  	s16 =	sadd.s32 $0x50, s15;
	s18 =	sadd.s32 $0xC8, s17;
	(pc) =	sbr.rel @p1 .LBB2_11-.Ltmp5, $4  }
0x17c: {  	[tilespmem:s18], [sflag:$0x2] =	stream.linear.gather [hbm4b:s16+s5], $0x20, $0x38;
	[tilespmem:$0x1EC00] =	vst v63  }
0x17d: {  	s16 =	sadd.s32 $0x60, s15;
	s18 =	sadd.s32 $0xF0, s17  }
0x17e: {  	[tilespmem:s18], [sflag:$0x2] =	stream.linear.gather [hbm4b:s16+s5], $0x20, $0x38;
	[tilespmem:$0x1EC00] =	vst v63  }
0x17f: {  	s17 =	sadd.s32 $0x118, s17;
	s16 =	sadd.s32 $0x70, s15;
	s15 =	sadd.s32 $0x400, s15  }
.Ltmp6:
0x180: {  	(pc) =	sbr.rel @p0 .LBB2_14-.Ltmp6, $4  }
0x181: {  	[tilespmem:s17], [sflag:$0x2] =	stream.linear.gather [hbm4b:s16+s5], $0x20, $0x38;
	[tilespmem:$0x1EC00] =	vst v63  }
0x182: {  	_ =	swait.ge [sflag:s23], $0x5000  }
0x183: {  	[sflag:s23] =	ssyncset.done $0x0  }
0x184: {  	[sflag:s23] =	ssyncadd.s32 $0xFFFFB000  }
.LBB2_13:
0x185: {  	_ =	swait.ge [sflag:s24], $0x1000  }
0x186: {  	[sflag:s24] =	ssyncset.done $0x0  }
0x187: {  	[sflag:s24] =	ssyncadd.s32 $0xFFFFF000  }
0x188: {  	_ =	swait.ge [sflag:s24], $0x1000  }
0x189: {  	[sflag:s24] =	ssyncset.done $0x0  }
0x18a: {  	[sflag:s24] =	ssyncadd.s32 $0xFFFFF000  }
0x18b: {  	_ =	swait.ge [sflag:s24], $0x1000  }
0x18c: {  	[sflag:s24] =	ssyncset.done $0x0  }
0x18d: {  	[sflag:s24] =	ssyncadd.s32 $0xFFFFF000  }
0x18e: {  	_ =	swait.ge [sflag:s24], $0x1000  }
0x18f: {  	[sflag:s24] =	ssyncset.done $0x0  }
0x190: {  	[sflag:s24] =	ssyncadd.s32 $0xFFFFF000  }
0x191: {  	_ =	swait.ge [sflag:s24], $0x1000  }
0x192: {  	[sflag:s24] =	ssyncset.done $0x0  }
0x193: {  	[sflag:s24] =	ssyncadd.s32 $0xFFFFF000  }
.LBB2_14:
0x194: {  	v42 =	vld [tilespmem:$0x1FF50]  }
0x195: {  	v18 =	vld [tilespmem:$0x1FF60]  }
0x196: {  	v19 =	vld [tilespmem:$0x1FF70]  }
0x197: {  	v20 =	vld [tilespmem:$0x1FF80]  }
0x198: {  	v21 =	vld [tilespmem:$0x1FF90]  }
0x199: {  	v22 =	vld [tilespmem:$0x1FFA0]  }
0x19a: {  	v24 =	vld [tilespmem:$0x1FFB0]  }
0x19b: {  	v25 =	vld [tilespmem:$0x1FFC0]  }
0x19c: {  	v23 =	vld [tilespmem:$0x1FFD0]  }
0x19d: {  	v34 =	vld [tilespmem:$0x1FEE0]  }
0x19e: {  	v35 =	vld [tilespmem:$0x1FEF0]  }
0x19f: {  	v36 =	vld [tilespmem:$0x1FF00]  }
0x1a0: {  	v37 =	vld [tilespmem:$0x1FF10]  }
0x1a1: {  	v38 =	vld [tilespmem:$0x1FF20]  }
0x1a2: {  	s8 =	sadd.s32 $0x1, s8;
	s14 =	simm.s32 $0x0;
	v39 =	vld [tilespmem:$0x1FF30];
	[tilespmem:$0x1FD50] =	vst v26  }
.LBB2_15:
0x1a3: {  	v11 =	vld [tilespmem:$0x1FD60]  }
0x1a4: {  	v12 =	vld [tilespmem:$0x1FD70]  }
0x1a5: {  	v13 =	vld [tilespmem:$0x1FD80]  }
0x1a6: {  	v14 =	vld [tilespmem:$0x1FD90]  }
0x1a7: {  	v17 =	vld [tilespmem:$0x1FDA0]  }
0x1a8: {  	v15 =	vld [tilespmem:$0x1FDB0]  }
0x1a9: {  	v16 =	vld [tilespmem:$0x1FDC0]  }
0x1aa: {  	v26 =	vld [tilespmem:$0x1FDD0]  }
0x1ab: {  	s15 =	smul.u32 $0x1400, s14;
	v27 =	vld [tilespmem:$0x1FDE0]  }
0x1ac: {  	v28 =	vld [tilespmem:$0x1FDF0]  }
0x1ad: {  	v29 =	vld [tilespmem:$0x1FE00];
	s19 =	sshra.s32 s15, $0x2  }
0x1ae: {  	v3 =	vld.idx.msk [tilespmem:v0+s19+$0x6400], $0xffff  }
0x1af: {  	v4 =	vld.idx.msk [tilespmem:v11+s19+$0x6400], $0xffff  }
0x1b0: {  	v5 =	vld.idx.msk [tilespmem:v12+s19+$0x6400], $0xffff  }
0x1b1: {  	v6 =	vld.idx.msk [tilespmem:v13+s19+$0x6400], $0xffff  }
0x1b2: {  	v7 =	vld.idx.msk [tilespmem:v14+s19+$0x6400], $0xffff  }
0x1b3: {  	s21 =	sshll.u32 s14, $0xA;
	v8 =	vld.idx.msk [tilespmem:v17+s19+$0x6400], $0xffff  }
0x1b4: {  	s16 =	sand.u32 $0x3FFFFC00, s21;
	v9 =	vld.idx.msk [tilespmem:v15+s19+$0x6400], $0xffff  }
0x1b5: {  	v10 =	vld.idx.msk [tilespmem:v16+s19+$0x6400], $0xffff;
	[tilespmem:s16+$0x11800] =	vst v3  }
0x1b6: {  	v30 =	vld [tilespmem:$0x1FE10];
	s15 =	sor.u32 $0x1, s14;
	[tilespmem:s16+$0x11810] =	vst v4  }
0x1b7: {  	v31 =	vld [tilespmem:$0x1FE20];
	s17 =	smul.u32 $0x1400, s15;
	[tilespmem:s16+$0x11820] =	vst v5  }
0x1b8: {  	v32 =	vld [tilespmem:$0x1FE30];
	[tilespmem:s16+$0x11830] =	vst v6  }
0x1b9: {  	v33 =	vld [tilespmem:$0x1FE40];
	s17 =	sshra.s32 s17, $0x2;
	[tilespmem:s16+$0x11840] =	vst v7  }
0x1ba: {  	v40 =	vld.idx.msk [tilespmem:v14+s17+$0x6400], $0xffff;
	[tilespmem:s16+$0x11850] =	vst v8  }
0x1bb: {  	v41 =	vld.idx.msk [tilespmem:v17+s17+$0x6400], $0xffff;
	[tilespmem:s16+$0x11860] =	vst v9  }
0x1bc: {  	v14 =	vld [tilespmem:$0x1FE70];
	[tilespmem:s16+$0x11870] =	vst v10  }
0x1bd: {  	v3 =	vld.idx.msk [tilespmem:v26+s19+$0x6400], $0xffff  }
0x1be: {  	v4 =	vld.idx.msk [tilespmem:v27+s19+$0x6400], $0xffff  }
0x1bf: {  	v5 =	vld.idx.msk [tilespmem:v28+s19+$0x6400], $0xffff  }
0x1c0: {  	v6 =	vld.idx.msk [tilespmem:v29+s19+$0x6400], $0xffff  }
0x1c1: {  	v7 =	vld.idx.msk [tilespmem:v30+s19+$0x6400], $0xffff  }
0x1c2: {  	v8 =	vld.idx.msk [tilespmem:v31+s19+$0x6400], $0xffff  }
0x1c3: {  	v9 =	vld.idx.msk [tilespmem:v32+s19+$0x6400], $0xffff  }
0x1c4: {  	v10 =	vld.idx.msk [tilespmem:v33+s19+$0x6400], $0xffff;
	[tilespmem:s16+$0x11880] =	vst v3  }
0x1c5: {  	v17 =	vld [tilespmem:$0x1FEA0];
	[tilespmem:s16+$0x11890] =	vst v4  }
0x1c6: {  	v3 =	vld.idx.msk [tilespmem:v0+s17+$0x6400], $0xffff;
	[tilespmem:s16+$0x118A0] =	vst v5  }
0x1c7: {  	v4 =	vld.idx.msk [tilespmem:v11+s17+$0x6400], $0xffff;
	[tilespmem:s16+$0x118B0] =	vst v6  }
0x1c8: {  	v5 =	vld.idx.msk [tilespmem:v12+s17+$0x6400], $0xffff;
	[tilespmem:s16+$0x118C0] =	vst v7  }
0x1c9: {  	v6 =	vld.idx.msk [tilespmem:v13+s17+$0x6400], $0xffff;
	[tilespmem:s16+$0x118D0] =	vst v8  }
0x1ca: {  	s20 =	sshll.u32 s15, $0xA;
	[tilespmem:s16+$0x118E0] =	vst v9;
	v9 =	vld.idx.msk [tilespmem:v15+s17+$0x6400], $0xffff  }
0x1cb: {  	s18 =	sand.u32 $0x3FFFFC00, s20;
	[tilespmem:s16+$0x118F0] =	vst v10;
	v10 =	vld.idx.msk [tilespmem:v16+s17+$0x6400], $0xffff  }
0x1cc: {  	v12 =	vld [tilespmem:$0x1FE50];
	[tilespmem:s18+$0x11840] =	vst v40  }
0x1cd: {  	v13 =	vld [tilespmem:$0x1FE60];
	[tilespmem:s18+$0x11850] =	vst v41  }
0x1ce: {  	v15 =	vld [tilespmem:$0x1FE80];
	[tilespmem:s18+$0x11800] =	vst v3  }
0x1cf: {  	v16 =	vld [tilespmem:$0x1FE90];
	[tilespmem:s18+$0x11810] =	vst v4  }
0x1d0: {  	v40 =	vld [tilespmem:$0x1FEB0];
	[tilespmem:s18+$0x11820] =	vst v5  }
0x1d1: {  	v41 =	vld [tilespmem:$0x1FEC0];
	[tilespmem:s18+$0x11830] =	vst v6  }
0x1d2: {  	v7 =	vld.idx.msk [tilespmem:v17+s19+$0x6400], $0xffff;
	[tilespmem:s18+$0x11860] =	vst v9  }
0x1d3: {  	v4 =	vld.idx.msk [tilespmem:v14+s19+$0x6400], $0xffff;
	[tilespmem:s18+$0x11870] =	vst v10  }
0x1d4: {  	v10 =	vld.idx.msk [tilespmem:v26+s17+$0x6400], $0xffff  }
0x1d5: {  	v26 =	vld [tilespmem:$0x1FED0]  }
0x1d6: {  	v11 =	vld.idx.msk [tilespmem:v12+s19+$0x6400], $0xffff  }
0x1d7: {  	v3 =	vld.idx.msk [tilespmem:v13+s19+$0x6400], $0xffff  }
0x1d8: {  	v5 =	vld.idx.msk [tilespmem:v15+s19+$0x6400], $0xffff  }
0x1d9: {  	v6 =	vld.idx.msk [tilespmem:v16+s19+$0x6400], $0xffff  }
0x1da: {  	v8 =	vld.idx.msk [tilespmem:v40+s19+$0x6400], $0xffff  }
0x1db: {  	v9 =	vld.idx.msk [tilespmem:v41+s19+$0x6400], $0xffff  }
0x1dc: {  	[tilespmem:s16+$0x11950] =	vst v7;
	v7 =	vld.idx.msk [tilespmem:v31+s17+$0x6400], $0xffff  }
0x1dd: {  	[tilespmem:s16+$0x11920] =	vst v4;
	v4 =	vld.idx.msk [tilespmem:v28+s17+$0x6400], $0xffff  }
0x1de: {  	v28 =	vld.idx.msk [tilespmem:v32+s17+$0x6400], $0xffff  }
0x1df: {  	v32 =	vld [tilespmem:$0x1FFE0];
	[tilespmem:s16+$0x11900] =	vst v11  }
0x1e0: {  	[tilespmem:s16+$0x11910] =	vst v3;
	v3 =	vld.idx.msk [tilespmem:v27+s17+$0x6400], $0xffff  }
0x1e1: {  	[tilespmem:s16+$0x11930] =	vst v5;
	v5 =	vld.idx.msk [tilespmem:v29+s17+$0x6400], $0xffff  }
0x1e2: {  	[tilespmem:s16+$0x11940] =	vst v6;
	v6 =	vld.idx.msk [tilespmem:v30+s17+$0x6400], $0xffff  }
0x1e3: {  	[tilespmem:s16+$0x11970] =	vst v9;
	v9 =	vld.idx.msk [tilespmem:v33+s17+$0x6400], $0xffff  }
0x1e4: {  	[tilespmem:s16+$0x11960] =	vst v8;
	v33 =	vld [tilespmem:$0x1FFF0]  }
0x1e5: {  	[tilespmem:s18+$0x11880] =	vst v10;
	v11 =	vld.idx.msk [tilespmem:v26+s19+$0x6400], $0xffff  }
0x1e6: {  	[tilespmem:s18+$0x118D0] =	vst v7;
	v29 =	vld.idx.msk [tilespmem:v43+s19+$0x6400], $0xffff  }
0x1e7: {  	v30 =	vld.idx.msk [tilespmem:v45+s19+$0x6400], $0xffff;
	[tilespmem:s18+$0x118A0] =	vst v4  }
0x1e8: {  	v31 =	vld.idx.msk [tilespmem:v46+s19+$0x6400], $0xffff;
	[tilespmem:s18+$0x118E0] =	vst v28  }
0x1e9: {  	v7 =	vld.idx.msk [tilespmem:v48+s19+$0x6400], $0xffff;
	[tilespmem:s18+$0x11890] =	vst v3  }
0x1ea: {  	v28 =	vld.idx.msk [tilespmem:v49+s19+$0x6400], $0xffff;
	[tilespmem:s18+$0x118B0] =	vst v5  }
0x1eb: {  	v3 =	vld.idx.msk [tilespmem:v44+s19+$0x6400], $0xffff;
	[tilespmem:s18+$0x118C0] =	vst v6  }
0x1ec: {  	v6 =	vld.idx.msk [tilespmem:v47+s19+$0x6400], $0xffff;
	[tilespmem:s18+$0x118F0] =	vst v9  }
0x1ed: {  	[tilespmem:s16+$0x11980] =	vst v11;
	v9 =	vld.idx.msk [tilespmem:v12+s17+$0x6400], $0xffff  }
0x1ee: {  	[tilespmem:s16+$0x11990] =	vst v29;
	v29 =	vld.idx.msk [tilespmem:v13+s17+$0x6400], $0xffff  }
0x1ef: {  	[tilespmem:s16+$0x119B0] =	vst v30;
	v30 =	vld.idx.msk [tilespmem:v15+s17+$0x6400], $0xffff  }
0x1f0: {  	[tilespmem:s16+$0x119C0] =	vst v31;
	v31 =	vld.idx.msk [tilespmem:v16+s17+$0x6400], $0xffff  }
0x1f1: {  	v12 =	vld.idx.msk [tilespmem:v17+s17+$0x6400], $0xffff;
	[tilespmem:s16+$0x119E0] =	vst v7  }
0x1f2: {  	v13 =	vld.idx.msk [tilespmem:v40+s17+$0x6400], $0xffff;
	[tilespmem:s16+$0x119F0] =	vst v28  }
0x1f3: {  	[tilespmem:s16+$0x119A0] =	vst v3;
	v3 =	vld.idx.msk [tilespmem:v14+s17+$0x6400], $0xffff  }
0x1f4: {  	[tilespmem:s16+$0x119D0] =	vst v6;
	v14 =	vld.idx.msk [tilespmem:v41+s17+$0x6400], $0xffff  }
0x1f5: {  	v11 =	vld.idx.msk [tilespmem:v50+s19+$0x6400], $0xffff;
	[tilespmem:s18+$0x11900] =	vst v9  }
0x1f6: {  	v15 =	vld.idx.msk [tilespmem:v51+s19+$0x6400], $0xffff;
	[tilespmem:s18+$0x11910] =	vst v29  }
0x1f7: {  	v28 =	vld.idx.msk [tilespmem:v52+s19+$0x6400], $0xffff;
	[tilespmem:s18+$0x11930] =	vst v30  }
0x1f8: {  	v29 =	vld.idx.msk [tilespmem:v54+s19+$0x6400], $0xffff;
	[tilespmem:s18+$0x11940] =	vst v31  }
0x1f9: {  	v30 =	vld.idx.msk [tilespmem:v55+s19+$0x6400], $0xffff;
	[tilespmem:s18+$0x11950] =	vst v12  }
0x1fa: {  	v31 =	vld.idx.msk [tilespmem:v56+s19+$0x6400], $0xffff;
	[tilespmem:s18+$0x11960] =	vst v13  }
0x1fb: {  	v40 =	vld.idx.msk [tilespmem:v57+s19+$0x6400], $0xffff;
	[tilespmem:s18+$0x11920] =	vst v3  }
0x1fc: {  	s21 =	sor.u32 $0x200, s21;
	v3 =	vld.idx.msk [tilespmem:v53+s19+$0x6400], $0xffff;
	[tilespmem:s18+$0x11970] =	vst v14  }
0x1fd: {  	s21 =	sand.u32 $0x3FFFFE00, s21;
	v8 =	vld.idx.msk [tilespmem:v26+s17+$0x6400], $0xffff  }
0x1fe: {  	[tilespmem:s21+$0x11800] =	vst v11;
	v26 =	vld [tilespmem:$0x1FD50]  }
0x1ff: {  	[tilespmem:s21+$0x11810] =	vst v15;
	v41 =	vld.idx.msk [tilespmem:v43+s17+$0x6400], $0xffff  }
0x200: {  	v12 =	vld.idx.msk [tilespmem:v44+s17+$0x6400], $0xffff;
	[tilespmem:s16+$0x11A20] =	vst v28  }
0x201: {  	v13 =	vld.idx.msk [tilespmem:v46+s17+$0x6400], $0xffff;
	[tilespmem:s16+$0x11A40] =	vst v29  }
0x202: {  	v14 =	vld.idx.msk [tilespmem:v47+s17+$0x6400], $0xffff;
	[tilespmem:s16+$0x11A50] =	vst v30  }
0x203: {  	v15 =	vld.idx.msk [tilespmem:v48+s17+$0x6400], $0xffff;
	[tilespmem:s16+$0x11A60] =	vst v31  }
0x204: {  	[tilespmem:s16+$0x11A70] =	vst v40;
	v28 =	vld.idx.msk [tilespmem:v49+s17+$0x6400], $0xffff  }
0x205: {  	[tilespmem:s16+$0x11A30] =	vst v3;
	v3 =	vld.idx.msk [tilespmem:v45+s17+$0x6400], $0xffff  }
0x206: {  	v11 =	vld.idx.msk [tilespmem:v58+s19+$0x6400], $0xffff;
	[tilespmem:s18+$0x11980] =	vst v8  }
0x207: {  	v29 =	vld.idx.msk [tilespmem:v59+s19+$0x6400], $0xffff;
	[tilespmem:s18+$0x11990] =	vst v41  }
0x208: {  	v30 =	vld.idx.msk [tilespmem:v60+s19+$0x6400], $0xffff;
	[tilespmem:s18+$0x119A0] =	vst v12  }
0x209: {  	v31 =	vld.idx.msk [tilespmem:v61+s19+$0x6400], $0xffff;
	[tilespmem:s18+$0x119C0] =	vst v13  }
0x20a: {  	v40 =	vld.idx.msk [tilespmem:v63+s19+$0x6400], $0xffff;
	[tilespmem:s18+$0x119D0] =	vst v14  }
0x20b: {  	v41 =	vld.idx.msk [tilespmem:v42+s19+$0x6400], $0xffff;
	[tilespmem:s18+$0x119E0] =	vst v15  }
0x20c: {  	v12 =	vld.idx.msk [tilespmem:v18+s19+$0x6400], $0xffff;
	[tilespmem:s18+$0x119F0] =	vst v28  }
0x20d: {  	[tilespmem:s18+$0x119B0] =	vst v3;
	v3 =	vld.idx.msk [tilespmem:v62+s19+$0x6400], $0xffff  }
0x20e: {  	[tilespmem:s16+$0x11A80] =	vst v11;
	v7 =	vld.idx.msk [tilespmem:v50+s17+$0x6400], $0xffff  }
0x20f: {  	[tilespmem:s16+$0x11A90] =	vst v29;
	v13 =	vld.idx.msk [tilespmem:v51+s17+$0x6400], $0xffff  }
0x210: {  	[tilespmem:s16+$0x11AA0] =	vst v30;
	v14 =	vld.idx.msk [tilespmem:v52+s17+$0x6400], $0xffff  }
0x211: {  	[tilespmem:s16+$0x11AB0] =	vst v31;
	v15 =	vld.idx.msk [tilespmem:v53+s17+$0x6400], $0xffff  }
0x212: {  	[tilespmem:s16+$0x11AD0] =	vst v40;
	v28 =	vld.idx.msk [tilespmem:v55+s17+$0x6400], $0xffff  }
0x213: {  	[tilespmem:s16+$0x11AE0] =	vst v41;
	v29 =	vld.idx.msk [tilespmem:v56+s17+$0x6400], $0xffff  }
0x214: {  	s20 =	sor.u32 $0x200, s20;
	[tilespmem:s16+$0x11AF0] =	vst v12;
	v30 =	vld.idx.msk [tilespmem:v57+s17+$0x6400], $0xffff  }
0x215: {  	s20 =	sand.u32 $0x3FFFFE00, s20;
	[tilespmem:s16+$0x11AC0] =	vst v3;
	v3 =	vld.idx.msk [tilespmem:v54+s17+$0x6400], $0xffff  }
0x216: {  	v11 =	vld.idx.msk [tilespmem:v19+s19+$0x6400], $0xffff;
	[tilespmem:s20+$0x11800] =	vst v7  }
0x217: {  	[tilespmem:s20+$0x11810] =	vst v13;
	v31 =	vld.idx.msk [tilespmem:v20+s19+$0x6400], $0xffff  }
0x218: {  	v40 =	vld.idx.msk [tilespmem:v21+s19+$0x6400], $0xffff;
	[tilespmem:s18+$0x11A20] =	vst v14  }
0x219: {  	v41 =	vld.idx.msk [tilespmem:v22+s19+$0x6400], $0xffff;
	[tilespmem:s18+$0x11A30] =	vst v15  }
0x21a: {  	v12 =	vld.idx.msk [tilespmem:v24+s19+$0x6400], $0xffff;
	[tilespmem:s18+$0x11A50] =	vst v28  }
0x21b: {  	v13 =	vld.idx.msk [tilespmem:v23+s19+$0x6400], $0xffff;
	[tilespmem:s18+$0x11A60] =	vst v29  }
0x21c: {  	v14 =	vld.idx.msk [tilespmem:v32+s19+$0x6400], $0xffff;
	[tilespmem:s18+$0x11A70] =	vst v30  }
0x21d: {  	[tilespmem:s18+$0x11A40] =	vst v3;
	v3 =	vld.idx.msk [tilespmem:v25+s19+$0x6400], $0xffff  }
0x21e: {  	[tilespmem:s16+$0x11B00] =	vst v11;
	v6 =	vld.idx.msk [tilespmem:v58+s17+$0x6400], $0xffff  }
0x21f: {  	[tilespmem:s16+$0x11B10] =	vst v31;
	v15 =	vld.idx.msk [tilespmem:v59+s17+$0x6400], $0xffff  }
0x220: {  	[tilespmem:s16+$0x11B20] =	vst v40;
	v28 =	vld.idx.msk [tilespmem:v60+s17+$0x6400], $0xffff  }
0x221: {  	[tilespmem:s16+$0x11B30] =	vst v41;
	v29 =	vld.idx.msk [tilespmem:v61+s17+$0x6400], $0xffff  }
0x222: {  	[tilespmem:s16+$0x11B40] =	vst v12;
	v30 =	vld.idx.msk [tilespmem:v62+s17+$0x6400], $0xffff  }
0x223: {  	[tilespmem:s16+$0x11B60] =	vst v13;
	v31 =	vld.idx.msk [tilespmem:v42+s17+$0x6400], $0xffff  }
0x224: {  	v40 =	vld.idx.msk [tilespmem:v18+s17+$0x6400], $0xffff;
	[tilespmem:s16+$0x11B70] =	vst v14  }
0x225: {  	[tilespmem:s16+$0x11B50] =	vst v3;
	v3 =	vld.idx.msk [tilespmem:v63+s17+$0x6400], $0xffff  }
0x226: {  	v11 =	vld.idx.msk [tilespmem:v33+s19+$0x6400], $0xffff;
	[tilespmem:s18+$0x11A80] =	vst v6  }
0x227: {  	v41 =	vld.idx.msk [tilespmem:v34+s19+$0x6400], $0xffff;
	[tilespmem:s18+$0x11A90] =	vst v15  }
0x228: {  	v7 =	vld.idx.msk [tilespmem:v35+s19+$0x6400], $0xffff;
	[tilespmem:s18+$0x11AA0] =	vst v28  }
0x229: {  	v8 =	vld.idx.msk [tilespmem:v36+s19+$0x6400], $0xffff;
	[tilespmem:s18+$0x11AB0] =	vst v29  }
0x22a: {  	v9 =	vld.idx.msk [tilespmem:v37+s19+$0x6400], $0xffff;
	[tilespmem:s18+$0x11AC0] =	vst v30  }
0x22b: {  	v10 =	vld.idx.msk [tilespmem:v26+s19+$0x6400], $0xffff;
	[tilespmem:s18+$0x11AE0] =	vst v31  }
0x22c: {  	v4 =	vld.idx.msk [tilespmem:v2+s19+$0x6400], $0xffff;
	[tilespmem:s18+$0x11AF0] =	vst v40  }
0x22d: {  	[tilespmem:s18+$0x11AD0] =	vst v3;
	v3 =	vld.idx.msk [tilespmem:v1+s19+$0x6400], $0xffff  }
0x22e: {  	v5 =	vld.idx.msk [tilespmem:v19+s17+$0x6400], $0xffff  }
0x22f: {  	v28 =	vld.idx.msk [tilespmem:v20+s17+$0x6400], $0xffff  }
0x230: {  	v29 =	vld.idx.msk [tilespmem:v21+s17+$0x6400], $0xffff  }
0x231: {  	v30 =	vld.idx.msk [tilespmem:v22+s17+$0x6400], $0xffff  }
0x232: {  	v31 =	vld.idx.msk [tilespmem:v24+s17+$0x6400], $0xffff;
	[tilespmem:s16+$0x11B80] =	vst v11  }
0x233: {  	v16 =	vld.idx.msk [tilespmem:v25+s17+$0x6400], $0xffff;
	[tilespmem:s16+$0x11B90] =	vst v41  }
0x234: {  	v40 =	vld.idx.msk [tilespmem:v23+s17+$0x6400], $0xffff;
	[tilespmem:s16+$0x11BA0] =	vst v7  }
0x235: {  	v41 =	vld.idx.msk [tilespmem:v32+s17+$0x6400], $0xffff;
	[tilespmem:s18+$0x11B00] =	vst v5  }
0x236: {  	[tilespmem:s18+$0x11B10] =	vst v28  }
0x237: {  	[tilespmem:s18+$0x11B20] =	vst v29  }
0x238: {  	[tilespmem:s18+$0x11B30] =	vst v30  }
0x239: {  	[tilespmem:s18+$0x11B40] =	vst v31  }
0x23a: {  	[tilespmem:s18+$0x11B50] =	vst v16  }
0x23b: {  	[tilespmem:s18+$0x11B60] =	vst v40  }
0x23c: {  	[tilespmem:s18+$0x11B70] =	vst v41  }
0x23d: {  	[tilespmem:s16+$0x11BB0] =	vst v8;
	v5 =	vld.idx.msk [tilespmem:v33+s17+$0x6400], $0xffff  }
0x23e: {  	[tilespmem:s16+$0x11BC0] =	vst v9;
	v6 =	vld.idx.msk [tilespmem:v34+s17+$0x6400], $0xffff  }
0x23f: {  	[tilespmem:s16+$0x11BD0] =	vst v10;
	v15 =	vld.idx.msk [tilespmem:v35+s17+$0x6400], $0xffff  }
0x240: {  	s22 =	sadd.s32 s13, s14;
	[tilespmem:s16+$0x11BF0] =	vst v4;
	v28 =	vld.idx.msk [tilespmem:v36+s17+$0x6400], $0xffff  }
0x241: {  	s20 =	sshll.u32 s14, $0x5;
	[tilespmem:s16+$0x11BE0] =	vst v3;
	v29 =	vadd.s32 s22, v38;
	v3 =	vld.idx.msk [tilespmem:v37+s17+$0x6400], $0xffff  }
0x242: {  	v31 =	vadd.s32 s22, v39;
	v30 =	vld.idx.msk [tilespmem:v26+s17+$0x6400], $0xffff;
	[tilespmem:s20+$0x16A80] =	vst v29  }
0x243: {  	v40 =	vld.idx.msk [tilespmem:v1+s17+$0x6400], $0xffff;
	[tilespmem:s20+$0x16A90] =	vst v31  }
0x244: {  	v41 =	vld.idx.msk [tilespmem:v2+s17+$0x6400], $0xffff;
	[tilespmem:s18+$0x11B80] =	vst v5  }
0x245: {  	[tilespmem:s18+$0x11B90] =	vst v6  }
0x246: {  	[tilespmem:s18+$0x11BA0] =	vst v15  }
0x247: {  	[tilespmem:s18+$0x11BB0] =	vst v28  }
0x248: {  	p0 =	slt.u32 s14, $0x12;
	[tilespmem:s18+$0x11BC0] =	vst v3  }
.Ltmp7:
0x249: {  	[tilespmem:s18+$0x11BD0] =	vst v30;
	(pc) =	sbr.rel @p0 .LBB2_15-.Ltmp7, $4  }
0x24a: {  	s21 =	sadd.s32 s13, s15;
	[tilespmem:s18+$0x11BE0] =	vst v40  }
0x24b: {  	s15 =	sshll.u32 s15, $0x5;
	[tilespmem:s18+$0x11BF0] =	vst v41;
	v3 =	vadd.s32 s21, v38  }
0x24c: {  	s22 =	sadd.s32 $0x2, s14;
	[tilespmem:s15+$0x16A80] =	vst v3;
	v3 =	vadd.s32 s21, v39  }
0x24d: {  	s14 =	smov.u32 s22;
	[tilespmem:s15+$0x16A90] =	vst v3  }
0x24e: {  	[hbm4b:s4+s12] =	stream.indirect.scatter [tilespmem:s26], [sflag:$0x5], $0x20, s25, s12, $0xb8;
	[tilespmem:$0x1EC00] =	vst v63  }
0x24f: {  	_ = 	snop  }
0x250: {  	[hbm4b:s4+s12] =	stream.indirect.scatter [tilespmem:s29], [sflag:$0x5], $0x20, s28, s12, $0xb8;
	[tilespmem:$0x1EC00] =	vst v63  }
0x251: {  	p0 =	sne.s32 s8, $0x19  }
0x252: {  	[hbm4b:s4+s12] =	stream.indirect.scatter [tilespmem:s31], [sflag:$0x5], $0x20, s30, s12, $0xb8;
	[tilespmem:$0x1EC00] =	vst v63  }
.Ltmp8:
0x253: {  	_ = 	snop;
	(pc) =	sbr.rel @p0 .LBB2_4-.Ltmp8, $4  }
0x254: {  	_ = 	snop  }
0x255: {  	[hbm4b:s4+s12] =	stream.indirect.scatter [tilespmem:s0], [sflag:$0x5], $0x20, s3, s12, $0xb8;
	[tilespmem:$0x1EC00] =	vst v63  }
0x256: {  	_ = 	snop  }
0x257: {  	[hbm4b:s4+s12] =	stream.indirect.scatter [tilespmem:s10], [sflag:$0x5], $0x20, s9, s12, $0xb8;
	[tilespmem:$0x1EC00] =	vst v63  }
0x258: {  	s8 =	simm.s32 $0x4  }
0x259: {  	_ =	swait.ge [sflag:s8], $0x1000  }
0x25a: {  	[sflag:s8] =	ssyncset.done $0x0  }
0x25b: {  	[sflag:s8] =	ssyncadd.s32 $0xFFFFF000  }
0x25c: {  	_ =	swait.ge [sflag:s8], $0x1000  }
0x25d: {  	[sflag:s8] =	ssyncset.done $0x0  }
0x25e: {  	[sflag:s8] =	ssyncadd.s32 $0xFFFFF000  }
0x25f: {  	_ =	swait.ge [sflag:s8], $0x1000  }
0x260: {  	[sflag:s8] =	ssyncset.done $0x0  }
0x261: {  	[sflag:s8] =	ssyncadd.s32 $0xFFFFF000  }
0x262: {  	_ =	swait.ge [sflag:s8], $0x1000  }
0x263: {  	[sflag:s8] =	ssyncset.done $0x0  }
0x264: {  	[sflag:s8] =	ssyncadd.s32 $0xFFFFF000  }
0x265: {  	_ =	swait.ge [sflag:s8], $0x1000  }
0x266: {  	[sflag:s8] =	ssyncset.done $0x0  }
0x267: {  	[sflag:s8] =	ssyncadd.s32 $0xFFFFF000  }
0x268: {  	_ =	swait.ge [sflag:s24], $0x1000  }
0x269: {  	[sflag:s24] =	ssyncset.done $0x0  }
0x26a: {  	[sflag:s24] =	ssyncadd.s32 $0xFFFFF000  }
0x26b: {  	_ =	swait.ge [sflag:s24], $0x1000  }
0x26c: {  	[sflag:s24] =	ssyncset.done $0x0  }
0x26d: {  	[sflag:s24] =	ssyncadd.s32 $0xFFFFF000  }
0x26e: {  	_ =	swait.ge [sflag:s24], $0x1000  }
0x26f: {  	[sflag:s24] =	ssyncset.done $0x0  }
0x270: {  	[sflag:s24] =	ssyncadd.s32 $0xFFFFF000  }
0x271: {  	_ =	swait.ge [sflag:s24], $0x1000  }
0x272: {  	[sflag:s24] =	ssyncset.done $0x0  }
0x273: {  	[sflag:s24] =	ssyncadd.s32 $0xFFFFF000  }
0x274: {  	s13 =	simm.s32 $0x20;
	_ =	swait.ge [sflag:s24], $0x1000  }
0x275: {  	s14 =	simm.s32 $0x400;
	s15 =	simm.s32 $0x16D00;
	[sflag:s24] =	ssyncset.done $0x0  }
0x276: {  	s21 =	simm.s32 $0x7;
	s20 =	rddreg [dreg:$0x7];
	[sflag:s24] =	ssyncadd.s32 $0xFFFFF000  }
0x277: {  	[tilespmem:s15], [sflag:$0x7] =	stream.strided.gather [hbm4b:s20+s13], $0x1900, s14, s13, $0x38;
	[tilespmem:$0x1EC00] =	vst v63  }
0x278: {  	_ =	swait.ge [sflag:s21], $0x1900  }
0x279: {  	[sflag:s21] =	ssyncset.done $0x0  }
0x27a: {  	s22 =	simm.s32 $0x16D20;
	[sflag:s21] =	ssyncadd.s32 $0xFFFFE700  }
0x27b: {  	v3 =	vld [tilespmem:s22+$0xFFFFFFE0]  }
0x27c: {  	v4 =	vld [tilespmem:s22+$0x0];
	_ =	sdelay $0x2  }
0x27d: {  	s14 =	simm.s32 $0x16D60  }
0x27e: {  	s8 =	simm.s32 $0x18620;
	v6 =	vld [tilespmem:s14+$0x0];
	v3 =	vadd.s32 v38, v3  }
0x27f: {  	v5 =	vld [tilespmem:s14+$0xFFFFFFE0];
	[tilespmem:s8+$0xFFFFFFE0] =	vst v3;
	v3 =	vadd.s32 v38, v4  }
0x280: {  	v7 =	vld [tilespmem:s22+$0xFFFFFFF0];
	[tilespmem:s8+$0x0] =	vst v3  }
0x281: {  	v8 =	vld [tilespmem:s22+$0x10];
	_ =	sdelay $0x1  }
0x282: {  	s15 =	simm.s32 $0x16DA0  }
0x283: {  	s13 =	simm.s32 $0x18660;
	v4 =	vld [tilespmem:s15+$0x0];
	v3 =	vadd.s32 v38, v5  }
0x284: {  	v9 =	vadd.s32 v38, v6;
	v5 =	vld [tilespmem:s15+$0xFFFFFFE0];
	[tilespmem:s13+$0xFFFFFFE0] =	vst v3  }
0x285: {  	s16 =	simm.s32 $0x4;
	[tilespmem:s13+$0x0] =	vst v9;
	v3 =	vld [tilespmem:s14+$0xFFFFFFF0];
	v6 =	vadd.s32 v39, v7;
	v7 =	vadd.s32 v39, v8  }
.LBB2_18:
0x286: {  	s16 =	sadd.s32 $0x2, s16  }
0x287: {  	v8 =	vld [tilespmem:s14+$0x10];
	[tilespmem:s8+$0x10] =	vst v7;
	s14 =	smov.u32 s15;
	p0 =	slt.u32 s16, $0xC6  }
.Ltmp9:
0x288: {  	[tilespmem:s8+$0xFFFFFFF0] =	vst v6;
	s8 =	smov.u32 s13;
	(pc) =	sbr.rel @p0 .LBB2_18-.Ltmp9, $4  }
0x289: {  	s15 =	sadd.s32 $0x40, s15;
	v6 =	vmov v4  }
0x28a: {  	s13 =	sadd.s32 $0x40, s13;
	v4 =	vld [tilespmem:s15+$0x0];
	v7 =	vadd.s32 v38, v5  }
0x28b: {  	v5 =	vld [tilespmem:s15+$0xFFFFFFE0];
	[tilespmem:s13+$0xFFFFFFE0] =	vst v7;
	v7 =	vadd.s32 v38, v6;
	v6 =	vadd.s32 v39, v3  }
0x28c: {  	v3 =	vld [tilespmem:s14+$0xFFFFFFF0];
	[tilespmem:s13+$0x0] =	vst v7;
	v7 =	vadd.s32 v39, v8  }
0x28d: {  	_ =	sdelay $0x1  }
0x28e: {  	s20 =	sadd.s32 $0x40, s13;
	v4 =	vadd.s32 v38, v4  }
0x28f: {  	v8 =	vld [tilespmem:s14+$0x10];
	v5 =	vadd.s32 v38, v5;
	[tilespmem:s20+$0x0] =	vst v4  }
0x290: {  	[tilespmem:s20+$0xFFFFFFE0] =	vst v5;
	v4 =	vld [tilespmem:s15+$0x10]  }
0x291: {  	v5 =	vld [tilespmem:s15+$0xFFFFFFF0]  }
0x292: {  	[tilespmem:s8+$0x10] =	vst v7  }
0x293: {  	[tilespmem:s8+$0xFFFFFFF0] =	vst v6;
	v3 =	vadd.s32 v39, v3  }
0x294: {  	v42 =	vadd.s32 v39, v8;
	[tilespmem:s13+$0xFFFFFFF0] =	vst v3  }
0x295: {  	[tilespmem:s13+$0x10] =	vst v42;
	v3 =	vadd.s32 v39, v4  }
0x296: {  	s21 =	simm.s32 $0x18600;
	v63 =	vadd.s32 v39, v5;
	[tilespmem:s20+$0x10] =	vst v3  }
0x297: {  	s22 =	simm.s32 $0x1B800;
	s8 =	simm.s32 $0x0;
	s19 =	rddreg [dreg:$0x2];
	[tilespmem:s20+$0xFFFFFFF0] =	vst v63  }
0x298: {  	[tilespmem:s22], [sflag:$0x1] =	stream.indirect.gather [hbm4b:s4+s12], $0x20, s21, s12, $0xb8;
	[tilespmem:$0x1EC00] =	vst v63  }
.LBB2_21:
0x299: {  	s13 =	smov.u32 s8  }
0x29a: {  	s14 =	sand.u32 $0x1, s8;
	s8 =	sadd.s32 $0x1, s8;
	p0 =	seq.s32 s13, $0x31  }
0x29b: {  	s15 =	sshll.u32 @!p0 s14, $0xC;
	s16 =	sshll.u32 @!p0 s8, $0x7  }
0x29c: {  	s15 =	sxor.u32 @!p0 $0x1000, s15;
	s16 =	sand.u32 @!p0 $0x3FFFFF80, s16  }
0x29d: {  	s17 =	simm.s32 @!p0 $0x80;
	s15 =	sadd.s32 @!p0 $0x1B800, s15;
	s16 =	sadd.s32 @!p0 $0x18600, s16  }
0x29e: {  	[tilespmem:s15], [sflag:$0x1] =	stream.indirect.gather @!p0 [hbm4b:s4+s17], $0x20, s16, s17, $0xb8;
	[tilespmem:$0x1EC00] =	vst v63  }
0x29f: {  	_ =	swait.ge [sflag:s7], $0x1000  }
0x2a0: {  	p0 =	seq.s32 s13, $0x0;
	[sflag:s7] =	ssyncset.done $0x0  }
0x2a1: {  	s15 =	simm.s32 @!p0 $0x6;
	[sflag:s7] =	ssyncadd.s32 $0xFFFFF000  }
0x2a2: {  	s14 =	sshll.u32 s14, $0xC;
	_ =	swait.ge @!p0 [sflag:s15], $0x1000  }
0x2a3: {  	s14 =	sadd.s32 $0x1B800, s14;
	[sflag:s15] =	ssyncset.done @!p0 $0x0  }
0x2a4: {  	v3 =	vmov s14;
	s14 =	simm.s32 $0x0;
	[sflag:s15] =	ssyncadd.s32 @!p0 $0xFFFFF000;
	p0 =	por $0x1, $0x1  }
.LBB2_22:
0x2a5: {  	v19 =	vld [tilespmem:$0x1FD60]  }
0x2a6: {  	v20 =	vld [tilespmem:$0x1FD70]  }
0x2a7: {  	v21 =	vld [tilespmem:$0x1FD80]  }
0x2a8: {  	v22 =	vld [tilespmem:$0x1FD90]  }
0x2a9: {  	v23 =	vld [tilespmem:$0x1FDA0]  }
0x2aa: {  	v24 =	vld [tilespmem:$0x1FDB0]  }
0x2ab: {  	v25 =	vld [tilespmem:$0x1FDC0]  }
0x2ac: {  	v38 =	vld [tilespmem:$0x1FE90]  }
0x2ad: {  	v37 =	vld [tilespmem:$0x1FE80]  }
0x2ae: {  	v36 =	vld [tilespmem:$0x1FE70]  }
0x2af: {  	v35 =	vld [tilespmem:$0x1FE60]  }
0x2b0: {  	v34 =	vld [tilespmem:$0x1FE50]  }
0x2b1: {  	v33 =	vld [tilespmem:$0x1FE40]  }
0x2b2: {  	v32 =	vld [tilespmem:$0x1FE30]  }
0x2b3: {  	v31 =	vld [tilespmem:$0x1FE20]  }
0x2b4: {  	v30 =	vld [tilespmem:$0x1FE10]  }
0x2b5: {  	v29 =	vld [tilespmem:$0x1FE00]  }
0x2b6: {  	v28 =	vld [tilespmem:$0x1FDF0]  }
0x2b7: {  	s15 =	sshll.u32 s14, $0xA;
	v27 =	vld [tilespmem:$0x1FDE0]  }
0x2b8: {  	v4 =	vmov s14;
	v26 =	vld [tilespmem:$0x1FDD0];
	s15 =	sand.u32 $0x3FFFFC00, s15  }
0x2b9: {  	v4 =	vmul.u32 $0x500, v4;
	v5 =	vld.idx.msk [tilespmem:v3+s15+$0x0 ss:$0x1], $0xffff  }
0x2ba: {  	v6 =	vld.idx.msk [tilespmem:v3+s15+$0x10 ss:$0x1], $0xffff  }
0x2bb: {  	v7 =	vld.idx.msk [tilespmem:v3+s15+$0x20 ss:$0x1], $0xffff;
	v4 =	vbroadcast v4, $0x0  }
0x2bc: {  	v8 =	vld.idx.msk [tilespmem:v3+s15+$0x30 ss:$0x1], $0xffff  }
0x2bd: {  	v10 =	vld.idx.msk [tilespmem:v3+s15+$0x40 ss:$0x1], $0xffff;
	v9 =	vadd.s32 v0, v4  }
0x2be: {  	s22 =	sor.u32 $0x1, s14;
	v12 =	vld.idx.msk [tilespmem:v3+s15+$0x50 ss:$0x1], $0xffff;
	v11 =	vadd.s32 v19, v4  }
0x2bf: {  	s14 =	sshll.u32 s22, $0xA;
	v14 =	vld.idx.msk [tilespmem:v3+s15+$0x60 ss:$0x1], $0xffff  }
0x2c0: {  	v17 =	vld.idx.msk [tilespmem:v3+s15+$0x70 ss:$0x1], $0xffff;
	s14 =	sand.u32 $0x3FFFFC00, s14;
	v13 =	vadd.s32 v20, v4  }
0x2c1: {  	v16 =	vmov s22;
	v63 =	vld.idx.msk [tilespmem:v3+s14+$0x0 ss:$0x1], $0xffff  }
0x2c2: {  	v16 =	vmul.u32 $0x500, v16;
	[tilespmem:v9+s2+$0x0] =	vst.idx.msk $0xffff, v5;
	v9 =	vld.idx.msk [tilespmem:v3+s14+$0x50 ss:$0x1], $0xffff  }
0x2c3: {  	v15 =	vadd.s32 v21, v4;
	[tilespmem:v11+s2+$0x0] =	vst.idx.msk $0xffff, v6;
	v11 =	vld.idx.msk [tilespmem:v3+s14+$0x10 ss:$0x1], $0xffff  }
0x2c4: {  	v18 =	vadd.s32 v22, v4;
	v5 =	vbroadcast v16, $0x0;
	v6 =	vld.idx.msk [tilespmem:v3+s14+$0x60 ss:$0x1], $0xffff  }
0x2c5: {  	v39 =	vadd.s32 v23, v4;
	[tilespmem:v13+s2+$0x0] =	vst.idx.msk $0xffff, v7;
	v13 =	vld.idx.msk [tilespmem:v3+s14+$0x20 ss:$0x1], $0xffff  }
0x2c6: {  	v16 =	vadd.s32 v19, v5;
	v19 =	vld [tilespmem:$0x1FFD0]  }
0x2c7: {  	v40 =	vadd.s32 v24, v4;
	v7 =	vld.idx.msk [tilespmem:v3+s14+$0x70 ss:$0x1], $0xffff  }
0x2c8: {  	v42 =	vadd.s32 v0, v5;
	[tilespmem:v15+s2+$0x0] =	vst.idx.msk $0xffff, v8;
	v8 =	vld.idx.msk [tilespmem:v3+s14+$0x30 ss:$0x1], $0xffff  }
0x2c9: {  	[tilespmem:v18+s2+$0x0] =	vst.idx.msk $0xffff, v10;
	v10 =	vld.idx.msk [tilespmem:v3+s14+$0x40 ss:$0x1], $0xffff  }
0x2ca: {  	v41 =	vadd.s32 v25, v4;
	[tilespmem:v39+s2+$0x0] =	vst.idx.msk $0xffff, v12;
	v39 =	vld [tilespmem:$0x1FEA0]  }
0x2cb: {  	v12 =	vadd.s32 v20, v5;
	v20 =	vld [tilespmem:$0x1FD50]  }
0x2cc: {  	[tilespmem:v40+s2+$0x0] =	vst.idx.msk $0xffff, v14;
	v40 =	vld [tilespmem:$0x1FEB0]  }
0x2cd: {  	[tilespmem:v42+s2+$0x0] =	vst.idx.msk $0xffff, v63;
	v63 =	vld [tilespmem:$0x1FF40]  }
0x2ce: {  	v14 =	vadd.s32 v21, v5;
	v42 =	vld [tilespmem:$0x1FED0]  }
0x2cf: {  	v21 =	vadd.s32 v22, v5;
	[tilespmem:v41+s2+$0x0] =	vst.idx.msk $0xffff, v17;
	v41 =	vld [tilespmem:$0x1FEC0]  }
0x2d0: {  	v22 =	vadd.s32 v23, v5;
	v15 =	vld.idx.msk [tilespmem:v3+s15+$0x80 ss:$0x1], $0xffff  }
0x2d1: {  	v23 =	vadd.s32 v24, v5;
	[tilespmem:v16+s2+$0x0] =	vst.idx.msk $0xffff, v11;
	v11 =	vld.idx.msk [tilespmem:v3+s15+$0x90 ss:$0x1], $0xffff  }
0x2d2: {  	v24 =	vadd.s32 v25, v5;
	[tilespmem:v12+s2+$0x0] =	vst.idx.msk $0xffff, v13;
	v12 =	vld.idx.msk [tilespmem:v3+s15+$0xA0 ss:$0x1], $0xffff  }
0x2d3: {  	v25 =	vadd.s32 v26, v4;
	[tilespmem:v14+s2+$0x0] =	vst.idx.msk $0xffff, v8;
	v8 =	vld.idx.msk [tilespmem:v3+s15+$0xB0 ss:$0x1], $0xffff  }
0x2d4: {  	[tilespmem:v21+s2+$0x0] =	vst.idx.msk $0xffff, v10;
	v10 =	vld.idx.msk [tilespmem:v3+s15+$0xC0 ss:$0x1], $0xffff;
	v21 =	vadd.s32 v27, v4  }
0x2d5: {  	[tilespmem:v22+s2+$0x0] =	vst.idx.msk $0xffff, v9;
	v9 =	vld.idx.msk [tilespmem:v3+s15+$0xD0 ss:$0x1], $0xffff;
	v22 =	vadd.s32 v28, v4  }
0x2d6: {  	[tilespmem:v23+s2+$0x0] =	vst.idx.msk $0xffff, v6;
	v6 =	vld.idx.msk [tilespmem:v3+s15+$0xE0 ss:$0x1], $0xffff;
	v23 =	vadd.s32 v29, v4  }
0x2d7: {  	[tilespmem:v24+s2+$0x0] =	vst.idx.msk $0xffff, v7;
	v7 =	vld.idx.msk [tilespmem:v3+s15+$0xF0 ss:$0x1], $0xffff  }
0x2d8: {  	v13 =	vadd.s32 v30, v4;
	[tilespmem:v25+s2+$0x0] =	vst.idx.msk $0xffff, v15;
	v15 =	vld.idx.msk [tilespmem:v3+s14+$0x80 ss:$0x1], $0xffff  }
0x2d9: {  	v14 =	vadd.s32 v31, v4;
	v17 =	vld.idx.msk [tilespmem:v3+s14+$0x90 ss:$0x1], $0xffff;
	[tilespmem:v21+s2+$0x0] =	vst.idx.msk $0xffff, v11  }
0x2da: {  	v24 =	vadd.s32 v32, v4;
	v18 =	vld.idx.msk [tilespmem:v3+s14+$0xA0 ss:$0x1], $0xffff;
	[tilespmem:v22+s2+$0x0] =	vst.idx.msk $0xffff, v12  }
0x2db: {  	v25 =	vadd.s32 v33, v4;
	[tilespmem:v23+s2+$0x0] =	vst.idx.msk $0xffff, v8;
	v8 =	vld.idx.msk [tilespmem:v3+s14+$0xB0 ss:$0x1], $0xffff  }
0x2dc: {  	v23 =	vadd.s32 v28, v5;
	v28 =	vadd.s32 v32, v5;
	v32 =	vld [tilespmem:$0x1FFE0]  }
0x2dd: {  	v26 =	vadd.s32 v26, v5;
	[tilespmem:v13+s2+$0x0] =	vst.idx.msk $0xffff, v10;
	v10 =	vld.idx.msk [tilespmem:v3+s14+$0xC0 ss:$0x1], $0xffff  }
0x2de: {  	v22 =	vadd.s32 v27, v5;
	[tilespmem:v14+s2+$0x0] =	vst.idx.msk $0xffff, v9;
	v9 =	vld.idx.msk [tilespmem:v3+s14+$0xD0 ss:$0x1], $0xffff  }
0x2df: {  	[tilespmem:v24+s2+$0x0] =	vst.idx.msk $0xffff, v6;
	v6 =	vld.idx.msk [tilespmem:v3+s14+$0xE0 ss:$0x1], $0xffff  }
0x2e0: {  	v24 =	vadd.s32 v29, v5;
	[tilespmem:v25+s2+$0x0] =	vst.idx.msk $0xffff, v7;
	v7 =	vld.idx.msk [tilespmem:v3+s14+$0xF0 ss:$0x1], $0xffff  }
0x2e1: {  	v25 =	vadd.s32 v30, v5;
	v30 =	vadd.s32 v33, v5;
	v33 =	vld [tilespmem:$0x1FFF0]  }
0x2e2: {  	v27 =	vadd.s32 v31, v5;
	[tilespmem:v26+s2+$0x0] =	vst.idx.msk $0xffff, v15;
	v26 =	vld.idx.msk [tilespmem:v3+s15+$0x100 ss:$0x1], $0xffff  }
0x2e3: {  	[tilespmem:v22+s2+$0x0] =	vst.idx.msk $0xffff, v17;
	v13 =	vld.idx.msk [tilespmem:v3+s15+$0x110 ss:$0x1], $0xffff  }
0x2e4: {  	v29 =	vld.idx.msk [tilespmem:v3+s15+$0x120 ss:$0x1], $0xffff;
	[tilespmem:v23+s2+$0x0] =	vst.idx.msk $0xffff, v18  }
0x2e5: {  	v21 =	vadd.s32 v34, v4;
	v31 =	vld.idx.msk [tilespmem:v3+s15+$0x130 ss:$0x1], $0xffff;
	[tilespmem:v24+s2+$0x0] =	vst.idx.msk $0xffff, v8  }
0x2e6: {  	[tilespmem:v25+s2+$0x0] =	vst.idx.msk $0xffff, v10;
	v10 =	vld.idx.msk [tilespmem:v3+s15+$0x140 ss:$0x1], $0xffff  }
0x2e7: {  	v22 =	vadd.s32 v35, v4;
	[tilespmem:v27+s2+$0x0] =	vst.idx.msk $0xffff, v9;
	v9 =	vld.idx.msk [tilespmem:v3+s15+$0x150 ss:$0x1], $0xffff  }
0x2e8: {  	v23 =	vadd.s32 v36, v4;
	[tilespmem:v28+s2+$0x0] =	vst.idx.msk $0xffff, v6;
	v6 =	vld.idx.msk [tilespmem:v3+s15+$0x160 ss:$0x1], $0xffff  }
0x2e9: {  	v24 =	vadd.s32 v37, v4;
	[tilespmem:v30+s2+$0x0] =	vst.idx.msk $0xffff, v7;
	v7 =	vld.idx.msk [tilespmem:v3+s15+$0x170 ss:$0x1], $0xffff  }
0x2ea: {  	v25 =	vadd.s32 v38, v4;
	[tilespmem:v21+s2+$0x0] =	vst.idx.msk $0xffff, v26;
	v21 =	vadd.s32 v34, v5;
	v34 =	vld [tilespmem:$0x1FEE0]  }
0x2eb: {  	v26 =	vadd.s32 v39, v4;
	v27 =	vld.idx.msk [tilespmem:v3+s14+$0x100 ss:$0x1], $0xffff  }
0x2ec: {  	v28 =	vadd.s32 v40, v4;
	[tilespmem:v22+s2+$0x0] =	vst.idx.msk $0xffff, v13;
	v13 =	vld.idx.msk [tilespmem:v3+s14+$0x110 ss:$0x1], $0xffff  }
0x2ed: {  	v30 =	vld.idx.msk [tilespmem:v3+s14+$0x120 ss:$0x1], $0xffff;
	[tilespmem:v23+s2+$0x0] =	vst.idx.msk $0xffff, v29;
	v29 =	vadd.s32 v41, v4  }
0x2ee: {  	[tilespmem:v24+s2+$0x0] =	vst.idx.msk $0xffff, v31;
	v31 =	vld.idx.msk [tilespmem:v3+s14+$0x130 ss:$0x1], $0xffff  }
0x2ef: {  	v22 =	vadd.s32 v35, v5;
	[tilespmem:v25+s2+$0x0] =	vst.idx.msk $0xffff, v10;
	v10 =	vld.idx.msk [tilespmem:v3+s14+$0x140 ss:$0x1], $0xffff  }
0x2f0: {  	v23 =	vadd.s32 v36, v5;
	v25 =	vld.idx.msk [tilespmem:v3+s14+$0x170 ss:$0x1], $0xffff;
	[tilespmem:v26+s2+$0x0] =	vst.idx.msk $0xffff, v9  }
0x2f1: {  	v24 =	vadd.s32 v37, v5;
	v9 =	vld.idx.msk [tilespmem:v3+s14+$0x150 ss:$0x1], $0xffff;
	[tilespmem:v28+s2+$0x0] =	vst.idx.msk $0xffff, v6  }
0x2f2: {  	v26 =	vadd.s32 v38, v5;
	v6 =	vld.idx.msk [tilespmem:v3+s14+$0x160 ss:$0x1], $0xffff;
	[tilespmem:v29+s2+$0x0] =	vst.idx.msk $0xffff, v7  }
0x2f3: {  	[tilespmem:v21+s2+$0x0] =	vst.idx.msk $0xffff, v27;
	v28 =	vadd.s32 v39, v5;
	v27 =	vld.idx.msk [tilespmem:v3+s15+$0x180 ss:$0x1], $0xffff  }
0x2f4: {  	v21 =	vadd.s32 v40, v5;
	[tilespmem:v22+s2+$0x0] =	vst.idx.msk $0xffff, v13;
	v29 =	vld.idx.msk [tilespmem:v3+s15+$0x190 ss:$0x1], $0xffff  }
0x2f5: {  	[tilespmem:v23+s2+$0x0] =	vst.idx.msk $0xffff, v30;
	v22 =	vld.idx.msk [tilespmem:v3+s15+$0x1A0 ss:$0x1], $0xffff;
	v30 =	vadd.s32 v41, v5  }
0x2f6: {  	v38 =	vadd.s32 v42, v4;
	v39 =	vld.idx.msk [tilespmem:v3+s15+$0x1C0 ss:$0x1], $0xffff;
	[tilespmem:v24+s2+$0x0] =	vst.idx.msk $0xffff, v31  }
0x2f7: {  	v40 =	vadd.s32 v43, v4;
	v41 =	vld.idx.msk [tilespmem:v3+s15+$0x1D0 ss:$0x1], $0xffff;
	[tilespmem:v26+s2+$0x0] =	vst.idx.msk $0xffff, v10  }
0x2f8: {  	v23 =	vadd.s32 v44, v4;
	v31 =	vld.idx.msk [tilespmem:v3+s15+$0x1B0 ss:$0x1], $0xffff;
	[tilespmem:v28+s2+$0x0] =	vst.idx.msk $0xffff, v9  }
0x2f9: {  	v24 =	vadd.s32 v45, v4;
	[tilespmem:v21+s2+$0x0] =	vst.idx.msk $0xffff, v6;
	v6 =	vld.idx.msk [tilespmem:v3+s15+$0x1E0 ss:$0x1], $0xffff  }
0x2fa: {  	v26 =	vadd.s32 v46, v4;
	[tilespmem:v30+s2+$0x0] =	vst.idx.msk $0xffff, v25;
	v25 =	vld.idx.msk [tilespmem:v3+s15+$0x1F0 ss:$0x1], $0xffff  }
0x2fb: {  	[tilespmem:v38+s2+$0x0] =	vst.idx.msk $0xffff, v27;
	v27 =	vadd.s32 v47, v4;
	v28 =	vld.idx.msk [tilespmem:v3+s14+$0x180 ss:$0x1], $0xffff  }
0x2fc: {  	[tilespmem:v40+s2+$0x0] =	vst.idx.msk $0xffff, v29;
	v29 =	vadd.s32 v48, v4;
	v30 =	vld.idx.msk [tilespmem:v3+s14+$0x190 ss:$0x1], $0xffff  }
0x2fd: {  	v21 =	vadd.s32 v49, v4;
	v38 =	vld.idx.msk [tilespmem:v3+s14+$0x1C0 ss:$0x1], $0xffff;
	[tilespmem:v23+s2+$0x0] =	vst.idx.msk $0xffff, v22  }
0x2fe: {  	v40 =	vld.idx.msk [tilespmem:v3+s14+$0x1D0 ss:$0x1], $0xffff;
	[tilespmem:v24+s2+$0x0] =	vst.idx.msk $0xffff, v31;
	v31 =	vadd.s32 v42, v5  }
0x2ff: {  	v22 =	vld.idx.msk [tilespmem:v3+s14+$0x1A0 ss:$0x1], $0xffff;
	[tilespmem:v26+s2+$0x0] =	vst.idx.msk $0xffff, v39;
	v39 =	vadd.s32 v43, v5  }
0x300: {  	v23 =	vld.idx.msk [tilespmem:v3+s14+$0x1B0 ss:$0x1], $0xffff;
	[tilespmem:v27+s2+$0x0] =	vst.idx.msk $0xffff, v41;
	v41 =	vadd.s32 v44, v5  }
0x301: {  	v42 =	vld.idx.msk [tilespmem:v3+s14+$0x1E0 ss:$0x1], $0xffff;
	v24 =	vadd.s32 v45, v5;
	[tilespmem:v29+s2+$0x0] =	vst.idx.msk $0xffff, v6  }
0x302: {  	v26 =	vadd.s32 v46, v5;
	[tilespmem:v21+s2+$0x0] =	vst.idx.msk $0xffff, v25;
	v25 =	vld.idx.msk [tilespmem:v3+s14+$0x1F0 ss:$0x1], $0xffff  }
0x303: {  	[tilespmem:v31+s2+$0x0] =	vst.idx.msk $0xffff, v28;
	v27 =	vld.idx.msk [tilespmem:v3+s15+$0x200 ss:$0x1], $0xffff;
	v28 =	vadd.s32 v47, v5  }
0x304: {  	v29 =	vld.idx.msk [tilespmem:v3+s15+$0x210 ss:$0x1], $0xffff;
	[tilespmem:v39+s2+$0x0] =	vst.idx.msk $0xffff, v30;
	v30 =	vadd.s32 v48, v5  }
0x305: {  	v21 =	vadd.s32 v49, v5;
	v31 =	vld.idx.msk [tilespmem:v3+s15+$0x220 ss:$0x1], $0xffff;
	[tilespmem:v41+s2+$0x0] =	vst.idx.msk $0xffff, v22  }
0x306: {  	v39 =	vld.idx.msk [tilespmem:v3+s15+$0x250 ss:$0x1], $0xffff;
	[tilespmem:v24+s2+$0x0] =	vst.idx.msk $0xffff, v23;
	v23 =	vadd.s32 v50, v4  }
0x307: {  	v22 =	vld.idx.msk [tilespmem:v3+s15+$0x230 ss:$0x1], $0xffff;
	[tilespmem:v26+s2+$0x0] =	vst.idx.msk $0xffff, v38;
	v38 =	vadd.s32 v51, v4  }
0x308: {  	v41 =	vld.idx.msk [tilespmem:v3+s15+$0x260 ss:$0x1], $0xffff;
	[tilespmem:v28+s2+$0x0] =	vst.idx.msk $0xffff, v40;
	v40 =	vadd.s32 v52, v4  }
0x309: {  	v24 =	vld.idx.msk [tilespmem:v3+s15+$0x240 ss:$0x1], $0xffff;
	[tilespmem:v30+s2+$0x0] =	vst.idx.msk $0xffff, v42;
	v42 =	vadd.s32 v53, v4  }
0x30a: {  	[tilespmem:v21+s2+$0x0] =	vst.idx.msk $0xffff, v25;
	v21 =	vld.idx.msk [tilespmem:v3+s15+$0x270 ss:$0x1], $0xffff;
	v25 =	vadd.s32 v54, v4  }
0x30b: {  	v26 =	vadd.s32 v55, v4;
	[tilespmem:v23+s2+$0x0] =	vst.idx.msk $0xffff, v27;
	v27 =	vld.idx.msk [tilespmem:v3+s14+$0x200 ss:$0x1], $0xffff  }
0x30c: {  	v28 =	vadd.s32 v56, v4;
	[tilespmem:v38+s2+$0x0] =	vst.idx.msk $0xffff, v29;
	v29 =	vld.idx.msk [tilespmem:v3+s14+$0x210 ss:$0x1], $0xffff  }
0x30d: {  	v30 =	vadd.s32 v57, v4;
	[tilespmem:v40+s2+$0x0] =	vst.idx.msk $0xffff, v31;
	v31 =	vld.idx.msk [tilespmem:v3+s14+$0x220 ss:$0x1], $0xffff  }
0x30e: {  	v23 =	vadd.s32 v50, v5;
	[tilespmem:v42+s2+$0x0] =	vst.idx.msk $0xffff, v22;
	v22 =	vld.idx.msk [tilespmem:v3+s14+$0x230 ss:$0x1], $0xffff  }
0x30f: {  	[tilespmem:v25+s2+$0x0] =	vst.idx.msk $0xffff, v24;
	v24 =	vld.idx.msk [tilespmem:v3+s14+$0x240 ss:$0x1], $0xffff;
	v25 =	vadd.s32 v51, v5  }
0x310: {  	v38 =	vadd.s32 v52, v5;
	[tilespmem:v26+s2+$0x0] =	vst.idx.msk $0xffff, v39;
	v26 =	vld.idx.msk [tilespmem:v3+s14+$0x250 ss:$0x1], $0xffff  }
0x311: {  	v40 =	vadd.s32 v53, v5;
	v39 =	vld.idx.msk [tilespmem:v3+s14+$0x260 ss:$0x1], $0xffff;
	[tilespmem:v28+s2+$0x0] =	vst.idx.msk $0xffff, v41  }
0x312: {  	v41 =	vld.idx.msk [tilespmem:v3+s14+$0x270 ss:$0x1], $0xffff;
	[tilespmem:v30+s2+$0x0] =	vst.idx.msk $0xffff, v21  }
0x313: {  	[tilespmem:v23+s2+$0x0] =	vst.idx.msk $0xffff, v27;
	v21 =	vld.idx.msk [tilespmem:v3+s15+$0x280 ss:$0x1], $0xffff  }
0x314: {  	v42 =	vadd.s32 v54, v5;
	v28 =	vld.idx.msk [tilespmem:v3+s15+$0x290 ss:$0x1], $0xffff;
	[tilespmem:v25+s2+$0x0] =	vst.idx.msk $0xffff, v29  }
0x315: {  	v27 =	vadd.s32 v55, v5;
	v30 =	vld.idx.msk [tilespmem:v3+s15+$0x2A0 ss:$0x1], $0xffff;
	[tilespmem:v38+s2+$0x0] =	vst.idx.msk $0xffff, v31  }
0x316: {  	v10 =	vld.idx.msk [tilespmem:v3+s15+$0x2C0 ss:$0x1], $0xffff;
	[tilespmem:v40+s2+$0x0] =	vst.idx.msk $0xffff, v22;
	v22 =	vadd.s32 v58, v4  }
0x317: {  	v7 =	vld.idx.msk [tilespmem:v3+s15+$0x2F0 ss:$0x1], $0xffff  }
0x318: {  	v29 =	vadd.s32 v56, v5;
	v38 =	vld.idx.msk [tilespmem:v3+s15+$0x2B0 ss:$0x1], $0xffff  }
0x319: {  	v31 =	vadd.s32 v57, v5;
	[tilespmem:v42+s2+$0x0] =	vst.idx.msk $0xffff, v24;
	v24 =	vld.idx.msk [tilespmem:v3+s15+$0x2D0 ss:$0x1], $0xffff  }
0x31a: {  	[tilespmem:v27+s2+$0x0] =	vst.idx.msk $0xffff, v26;
	v26 =	vld.idx.msk [tilespmem:v3+s15+$0x2E0 ss:$0x1], $0xffff  }
0x31b: {  	v23 =	vadd.s32 v59, v4;
	[tilespmem:v22+s2+$0x0] =	vst.idx.msk $0xffff, v21;
	v21 =	vld [tilespmem:$0x1FF50]  }
0x31c: {  	v35 =	vld [tilespmem:$0x1FEF0];
	v25 =	vadd.s32 v60, v4  }
0x31d: {  	[tilespmem:v29+s2+$0x0] =	vst.idx.msk $0xffff, v39;
	v39 =	vadd.s32 v61, v4;
	v22 =	vld [tilespmem:$0x1FF60]  }
0x31e: {  	v36 =	vld [tilespmem:$0x1FF00];
	v40 =	vadd.s32 v62, v4;
	[tilespmem:v31+s2+$0x0] =	vst.idx.msk $0xffff, v41  }
0x31f: {  	v41 =	vadd.s32 v63, v4;
	v42 =	vld.idx.msk [tilespmem:v3+s14+$0x280 ss:$0x1], $0xffff  }
0x320: {  	v31 =	vld.idx.msk [tilespmem:v3+s14+$0x2B0 ss:$0x1], $0xffff;
	[tilespmem:v23+s2+$0x0] =	vst.idx.msk $0xffff, v28;
	v27 =	vadd.s32 v21, v4  }
0x321: {  	v28 =	vld.idx.msk [tilespmem:v3+s14+$0x290 ss:$0x1], $0xffff;
	[tilespmem:v25+s2+$0x0] =	vst.idx.msk $0xffff, v30  }
0x322: {  	v30 =	vld.idx.msk [tilespmem:v3+s14+$0x2A0 ss:$0x1], $0xffff;
	[tilespmem:v39+s2+$0x0] =	vst.idx.msk $0xffff, v38;
	v29 =	vadd.s32 v22, v4  }
0x323: {  	v39 =	vld.idx.msk [tilespmem:v3+s14+$0x2C0 ss:$0x1], $0xffff;
	[tilespmem:v40+s2+$0x0] =	vst.idx.msk $0xffff, v10  }
0x324: {  	v38 =	vadd.s32 v58, v5;
	[tilespmem:v41+s2+$0x0] =	vst.idx.msk $0xffff, v24;
	v24 =	vld.idx.msk [tilespmem:v3+s14+$0x2D0 ss:$0x1], $0xffff  }
0x325: {  	v23 =	vadd.s32 v59, v5;
	[tilespmem:v27+s2+$0x0] =	vst.idx.msk $0xffff, v26;
	v26 =	vld.idx.msk [tilespmem:v3+s14+$0x2E0 ss:$0x1], $0xffff  }
0x326: {  	v25 =	vadd.s32 v60, v5;
	v27 =	vadd.s32 v21, v5;
	v21 =	vld [tilespmem:$0x1FF70]  }
0x327: {  	v40 =	vadd.s32 v61, v5;
	[tilespmem:v29+s2+$0x0] =	vst.idx.msk $0xffff, v7;
	v7 =	vld.idx.msk [tilespmem:v3+s14+$0x2F0 ss:$0x1], $0xffff  }
0x328: {  	v41 =	vadd.s32 v62, v5;
	v29 =	vadd.s32 v22, v5;
	v22 =	vld [tilespmem:$0x1FF80]  }
0x329: {  	[tilespmem:v38+s2+$0x0] =	vst.idx.msk $0xffff, v42;
	v42 =	vadd.s32 v63, v5;
	v15 =	vld.idx.msk [tilespmem:v3+s15+$0x300 ss:$0x1], $0xffff  }
0x32a: {  	[tilespmem:v23+s2+$0x0] =	vst.idx.msk $0xffff, v28;
	v63 =	vld.idx.msk [tilespmem:v3+s15+$0x310 ss:$0x1], $0xffff  }
0x32b: {  	v28 =	vld.idx.msk [tilespmem:v3+s15+$0x320 ss:$0x1], $0xffff;
	[tilespmem:v25+s2+$0x0] =	vst.idx.msk $0xffff, v30  }
0x32c: {  	v10 =	vld.idx.msk [tilespmem:v3+s15+$0x340 ss:$0x1], $0xffff;
	[tilespmem:v40+s2+$0x0] =	vst.idx.msk $0xffff, v31  }
0x32d: {  	v23 =	vld [tilespmem:$0x1FF90];
	[tilespmem:v41+s2+$0x0] =	vst.idx.msk $0xffff, v39  }
0x32e: {  	[tilespmem:v42+s2+$0x0] =	vst.idx.msk $0xffff, v24;
	v24 =	vld [tilespmem:$0x1FFA0]  }
0x32f: {  	v25 =	vld [tilespmem:$0x1FFB0]  }
0x330: {  	v31 =	vadd.s32 v21, v4;
	[tilespmem:v27+s2+$0x0] =	vst.idx.msk $0xffff, v26;
	v26 =	vld [tilespmem:$0x1FFC0]  }
0x331: {  	v9 =	vld.idx.msk [tilespmem:v3+s15+$0x350 ss:$0x1], $0xffff;
	v38 =	vadd.s32 v22, v4  }
0x332: {  	v6 =	vld.idx.msk [tilespmem:v3+s15+$0x360 ss:$0x1], $0xffff;
	v39 =	vadd.s32 v23, v4  }
0x333: {  	v30 =	vld.idx.msk [tilespmem:v3+s15+$0x330 ss:$0x1], $0xffff;
	v40 =	vadd.s32 v24, v4  }
0x334: {  	[tilespmem:v29+s2+$0x0] =	vst.idx.msk $0xffff, v7;
	v7 =	vld.idx.msk [tilespmem:v3+s15+$0x370 ss:$0x1], $0xffff;
	v41 =	vadd.s32 v25, v4  }
0x335: {  	v27 =	vld.idx.msk [tilespmem:v3+s14+$0x310 ss:$0x1], $0xffff;
	[tilespmem:v31+s2+$0x0] =	vst.idx.msk $0xffff, v15;
	v42 =	vadd.s32 v26, v4  }
0x336: {  	v29 =	vld.idx.msk [tilespmem:v3+s14+$0x320 ss:$0x1], $0xffff;
	[tilespmem:v38+s2+$0x0] =	vst.idx.msk $0xffff, v63;
	v63 =	vadd.s32 v19, v4  }
0x337: {  	v15 =	vld.idx.msk [tilespmem:v3+s14+$0x300 ss:$0x1], $0xffff;
	v31 =	vadd.s32 v21, v5;
	[tilespmem:v39+s2+$0x0] =	vst.idx.msk $0xffff, v28  }
0x338: {  	v21 =	vld.idx.msk [tilespmem:v3+s14+$0x370 ss:$0x1], $0xffff;
	v28 =	vadd.s32 v32, v4;
	[tilespmem:v40+s2+$0x0] =	vst.idx.msk $0xffff, v30  }
0x339: {  	v38 =	vld.idx.msk [tilespmem:v3+s14+$0x340 ss:$0x1], $0xffff;
	v39 =	vadd.s32 v22, v5;
	[tilespmem:v41+s2+$0x0] =	vst.idx.msk $0xffff, v10  }
0x33a: {  	v30 =	vld.idx.msk [tilespmem:v3+s14+$0x330 ss:$0x1], $0xffff;
	v41 =	vadd.s32 v23, v5;
	[tilespmem:v42+s2+$0x0] =	vst.idx.msk $0xffff, v9  }
0x33b: {  	v40 =	vld.idx.msk [tilespmem:v3+s14+$0x350 ss:$0x1], $0xffff;
	[tilespmem:v63+s2+$0x0] =	vst.idx.msk $0xffff, v6;
	v63 =	vadd.s32 v24, v5  }
0x33c: {  	v22 =	vadd.s32 v25, v5;
	v42 =	vld.idx.msk [tilespmem:v3+s14+$0x360 ss:$0x1], $0xffff;
	[tilespmem:v31+s2+$0x0] =	vst.idx.msk $0xffff, v15  }
0x33d: {  	v37 =	vld [tilespmem:$0x1FF10];
	v24 =	vadd.s32 v26, v5;
	[tilespmem:v28+s2+$0x0] =	vst.idx.msk $0xffff, v7  }
0x33e: {  	[tilespmem:v39+s2+$0x0] =	vst.idx.msk $0xffff, v27;
	v26 =	vadd.s32 v19, v5;
	v23 =	vld.idx.msk [tilespmem:v3+s15+$0x380 ss:$0x1], $0xffff  }
0x33f: {  	v28 =	vadd.s32 v32, v5;
	v25 =	vld.idx.msk [tilespmem:v3+s15+$0x390 ss:$0x1], $0xffff;
	[tilespmem:v41+s2+$0x0] =	vst.idx.msk $0xffff, v29  }
0x340: {  	v27 =	vld.idx.msk [tilespmem:v3+s15+$0x3A0 ss:$0x1], $0xffff;
	[tilespmem:v63+s2+$0x0] =	vst.idx.msk $0xffff, v30;
	v30 =	vadd.s32 v33, v4  }
0x341: {  	v31 =	vld.idx.msk [tilespmem:v3+s15+$0x3C0 ss:$0x1], $0xffff;
	[tilespmem:v22+s2+$0x0] =	vst.idx.msk $0xffff, v38;
	v38 =	vadd.s32 v34, v4  }
0x342: {  	v39 =	vld.idx.msk [tilespmem:v3+s15+$0x3D0 ss:$0x1], $0xffff;
	[tilespmem:v24+s2+$0x0] =	vst.idx.msk $0xffff, v40;
	v40 =	vadd.s32 v35, v4  }
0x343: {  	v29 =	vld.idx.msk [tilespmem:v3+s15+$0x3B0 ss:$0x1], $0xffff;
	[tilespmem:v26+s2+$0x0] =	vst.idx.msk $0xffff, v42;
	v42 =	vadd.s32 v36, v4  }
0x344: {  	v41 =	vld.idx.msk [tilespmem:v3+s15+$0x3E0 ss:$0x1], $0xffff;
	[tilespmem:v28+s2+$0x0] =	vst.idx.msk $0xffff, v21;
	v21 =	vadd.s32 v37, v4  }
0x345: {  	v63 =	vld.idx.msk [tilespmem:v3+s15+$0x3F0 ss:$0x1], $0xffff;
	v22 =	vadd.s32 v20, v4;
	[tilespmem:v30+s2+$0x0] =	vst.idx.msk $0xffff, v23  }
0x346: {  	v24 =	vadd.s32 v1, v4;
	v23 =	vld.idx.msk [tilespmem:v3+s14+$0x380 ss:$0x1], $0xffff;
	[tilespmem:v38+s2+$0x0] =	vst.idx.msk $0xffff, v25  }
0x347: {  	v4 =	vadd.s32 v2, v4;
	v26 =	vld.idx.msk [tilespmem:v3+s14+$0x3A0 ss:$0x1], $0xffff;
	[tilespmem:v40+s2+$0x0] =	vst.idx.msk $0xffff, v27  }
0x348: {  	v28 =	vadd.s32 v33, v5;
	v25 =	vld.idx.msk [tilespmem:v3+s14+$0x390 ss:$0x1], $0xffff;
	[tilespmem:v42+s2+$0x0] =	vst.idx.msk $0xffff, v29  }
0x349: {  	v30 =	vadd.s32 v34, v5;
	v27 =	vld.idx.msk [tilespmem:v3+s14+$0x3B0 ss:$0x1], $0xffff;
	[tilespmem:v21+s2+$0x0] =	vst.idx.msk $0xffff, v31  }
0x34a: {  	v38 =	vadd.s32 v35, v5;
	v29 =	vld.idx.msk [tilespmem:v3+s14+$0x3C0 ss:$0x1], $0xffff;
	[tilespmem:v22+s2+$0x0] =	vst.idx.msk $0xffff, v39  }
0x34b: {  	v40 =	vadd.s32 v36, v5;
	v31 =	vld.idx.msk [tilespmem:v3+s14+$0x3D0 ss:$0x1], $0xffff;
	[tilespmem:v24+s2+$0x0] =	vst.idx.msk $0xffff, v41  }
0x34c: {  	v39 =	vld.idx.msk [tilespmem:v3+s14+$0x3E0 ss:$0x1], $0xffff;
	v41 =	vadd.s32 v37, v5;
	[tilespmem:v4+s2+$0x0] =	vst.idx.msk $0xffff, v63  }
0x34d: {  	v42 =	vadd.s32 v20, v5;
	v4 =	vld.idx.msk [tilespmem:v3+s14+$0x3F0 ss:$0x1], $0xffff;
	[tilespmem:v28+s2+$0x0] =	vst.idx.msk $0xffff, v23  }
0x34e: {  	v63 =	vadd.s32 v1, v5;
	[tilespmem:v30+s2+$0x0] =	vst.idx.msk $0xffff, v25  }
0x34f: {  	p1 =	por p0, p0;
	v5 =	vadd.s32 v2, v5;
	[tilespmem:v38+s2+$0x0] =	vst.idx.msk $0xffff, v26  }
.Ltmp10:
0x350: {  	[tilespmem:v40+s2+$0x0] =	vst.idx.msk $0xffff, v27;
	(pc) =	sbr.rel @p1 .LBB2_22-.Ltmp10, $4  }
0x351: {  	[tilespmem:v41+s2+$0x0] =	vst.idx.msk $0xffff, v29  }
0x352: {  	[tilespmem:v42+s2+$0x0] =	vst.idx.msk $0xffff, v31  }
0x353: {  	[tilespmem:v63+s2+$0x0] =	vst.idx.msk $0xffff, v39  }
0x354: {  	p0 =	por $0x0, $0x0;
	s14 =	simm.s32 $0x2;
	[tilespmem:v5+s2+$0x0] =	vst.idx.msk $0xffff, v4  }
0x355: {  	s13 =	sshll.u32 s13, $0x11  }
0x356: {  	s13 =	sor.u32 s6, s13  }
0x357: {  	s13 =	sshrl.u32 s13, $0x3  }
0x358: {  	s16 =	simm.s32 $0x1D800;
	s14 =	sadd.s32 s19, s13  }
0x359: {  	[hbm4b:s14+s5] =	stream.linear.scatter [tilespmem:s16], [sflag:$0x6], $0x20, $0x38;
	[tilespmem:$0x1EC00] =	vst v63  }
0x35a: {  	s17 =	simm.s32 $0x1D828;
	s15 =	sadd.s32 $0x10, s14  }
0x35b: {  	[hbm4b:s15+s5] =	stream.linear.scatter [tilespmem:s17], [sflag:$0x6], $0x20, $0x38;
	[tilespmem:$0x1EC00] =	vst v63  }
0x35c: {  	s18 =	simm.s32 $0x1D850;
	s21 =	simm.s32 $0x1D878;
	s20 =	sadd.s32 $0x20, s14  }
0x35d: {  	[hbm4b:s20+s5] =	stream.linear.scatter [tilespmem:s18], [sflag:$0x6], $0x20, $0x38;
	[tilespmem:$0x1EC00] =	vst v63  }
0x35e: {  	s13 =	simm.s32 $0x140;
	s22 =	sadd.s32 $0x30, s14;
	s16 =	simm.s32 $0x1D8A0  }
0x35f: {  	[hbm4b:s22+s5] =	stream.linear.scatter [tilespmem:s21], [sflag:$0x6], $0x20, $0x38;
	[tilespmem:$0x1EC00] =	vst v63  }
0x360: {  	s17 =	sadd.s32 $0x40, s14;
	s15 =	simm.s32 $0xA00;
	s18 =	simm.s32 $0x1D8C8  }
0x361: {  	[hbm4b:s17+s5] =	stream.linear.scatter [tilespmem:s16], [sflag:$0x6], $0x20, $0x38;
	[tilespmem:$0x1EC00] =	vst v63  }
0x362: {  	s20 =	sadd.s32 $0x50, s14;
	s21 =	simm.s32 $0x1D8F0;
	s22 =	sadd.s32 $0x60, s14  }
0x363: {  	[hbm4b:s20+s5] =	stream.linear.scatter [tilespmem:s18], [sflag:$0x6], $0x20, $0x38;
	[tilespmem:$0x1EC00] =	vst v63  }
0x364: {  	s16 =	simm.s32 $0x1D918;
	s17 =	sadd.s32 $0x70, s14;
	s14 =	sadd.s32 $0x400, s14  }
0x365: {  	[hbm4b:s22+s5] =	stream.linear.scatter [tilespmem:s21], [sflag:$0x6], $0x20, $0x38;
	[tilespmem:$0x1EC00] =	vst v63  }
.LBB2_24:
0x366: {  	[hbm4b:s17+s5] =	stream.linear.scatter [tilespmem:s16], [sflag:$0x6], $0x20, $0x38;
	[tilespmem:$0x1EC00] =	vst v63  }
0x367: {  	s16 =	smov.u32 s13;
	s13 =	smov.u32 s15  }
0x368: {  	s18 =	sadd.s32 $0x500, s15;
	s13 =	sshra.s32 s13, $0x2;
	s17 =	sadd.s32 $0x1D800, s16  }
0x369: {  	[hbm4b:s14+s5] =	stream.linear.scatter [tilespmem:s17], [sflag:$0x6], $0x20, $0x38;
	[tilespmem:$0x1EC00] =	vst v63  }
0x36a: {  	p0 =	seq.s32 s15, $0x4B00;
	s15 =	sadd.s32 $0x1D828, s16;
	s17 =	sadd.s32 $0x10, s14  }
0x36b: {  	[hbm4b:s17+s5] =	stream.linear.scatter [tilespmem:s15], [sflag:$0x6], $0x20, $0x38;
	[tilespmem:$0x1EC00] =	vst v63  }
0x36c: {  	s15 =	sadd.s32 $0x1D850, s16;
	s17 =	sadd.s32 $0x20, s14  }
0x36d: {  	[hbm4b:s17+s5] =	stream.linear.scatter [tilespmem:s15], [sflag:$0x6], $0x20, $0x38;
	[tilespmem:$0x1EC00] =	vst v63  }
0x36e: {  	s15 =	sadd.s32 $0x1D878, s16;
	s17 =	sadd.s32 $0x30, s14  }
0x36f: {  	[hbm4b:s17+s5] =	stream.linear.scatter [tilespmem:s15], [sflag:$0x6], $0x20, $0x38;
	[tilespmem:$0x1EC00] =	vst v63  }
0x370: {  	s15 =	sadd.s32 $0x1D8A0, s16;
	s17 =	sadd.s32 $0x40, s14  }
0x371: {  	[hbm4b:s17+s5] =	stream.linear.scatter [tilespmem:s15], [sflag:$0x6], $0x20, $0x38;
	[tilespmem:$0x1EC00] =	vst v63  }
.Ltmp11:
0x372: {  	s15 =	sadd.s32 $0x1D8C8, s16;
	s17 =	sadd.s32 $0x50, s14;
	(pc) =	sbr.rel @!p0 .LBB2_24-.Ltmp11, $4  }
0x373: {  	[hbm4b:s17+s5] =	stream.linear.scatter [tilespmem:s15], [sflag:$0x6], $0x20, $0x38;
	[tilespmem:$0x1EC00] =	vst v63  }
0x374: {  	s15 =	sadd.s32 $0x1D8F0, s16;
	s17 =	sadd.s32 $0x60, s14;
	s16 =	sadd.s32 $0x1D918, s16  }
0x375: {  	[hbm4b:s17+s5] =	stream.linear.scatter [tilespmem:s15], [sflag:$0x6], $0x20, $0x38;
	[tilespmem:$0x1EC00] =	vst v63  }
0x376: {  	s17 =	sadd.s32 $0x70, s14;
	s14 =	sadd.s32 $0x400, s14;
	s15 =	smov.u32 s18  }
0x377: {  	[hbm4b:s17+s5] =	stream.linear.scatter [tilespmem:s16], [sflag:$0x6], $0x20, $0x38;
	[tilespmem:$0x1EC00] =	vst v63  }
0x378: {  	s15 =	sadd.s32 $0x1D800, s13  }
0x379: {  	[hbm4b:s14+s5] =	stream.linear.scatter [tilespmem:s15], [sflag:$0x6], $0x20, $0x38;
	[tilespmem:$0x1EC00] =	vst v63  }
0x37a: {  	s21 =	sadd.s32 $0x1D828, s13;
	s22 =	sadd.s32 $0x10, s14  }
0x37b: {  	[hbm4b:s22+s5] =	stream.linear.scatter [tilespmem:s21], [sflag:$0x6], $0x20, $0x38;
	[tilespmem:$0x1EC00] =	vst v63  }
0x37c: {  	s16 =	sadd.s32 $0x1D850, s13;
	s17 =	sadd.s32 $0x20, s14  }
0x37d: {  	[hbm4b:s17+s5] =	stream.linear.scatter [tilespmem:s16], [sflag:$0x6], $0x20, $0x38;
	[tilespmem:$0x1EC00] =	vst v63  }
0x37e: {  	s18 =	sadd.s32 $0x1D878, s13;
	s20 =	sadd.s32 $0x30, s14  }
0x37f: {  	[hbm4b:s20+s5] =	stream.linear.scatter [tilespmem:s18], [sflag:$0x6], $0x20, $0x38;
	[tilespmem:$0x1EC00] =	vst v63  }
0x380: {  	s21 =	sadd.s32 $0x1D8A0, s13;
	s22 =	sadd.s32 $0x40, s14  }
0x381: {  	[hbm4b:s22+s5] =	stream.linear.scatter [tilespmem:s21], [sflag:$0x6], $0x20, $0x38;
	[tilespmem:$0x1EC00] =	vst v63  }
0x382: {  	s16 =	sadd.s32 $0x1D8C8, s13;
	s17 =	sadd.s32 $0x50, s14  }
0x383: {  	[hbm4b:s17+s5] =	stream.linear.scatter [tilespmem:s16], [sflag:$0x6], $0x20, $0x38;
	[tilespmem:$0x1EC00] =	vst v63  }
0x384: {  	s18 =	sadd.s32 $0x1D8F0, s13;
	s20 =	sadd.s32 $0x60, s14  }
0x385: {  	[hbm4b:s20+s5] =	stream.linear.scatter [tilespmem:s18], [sflag:$0x6], $0x20, $0x38;
	[tilespmem:$0x1EC00] =	vst v63  }
0x386: {  	v38 =	vld [tilespmem:$0x1FF20];
	s21 =	sadd.s32 $0x1D918, s13;
	s22 =	sadd.s32 $0x70, s14  }
0x387: {  	v39 =	vld [tilespmem:$0x1FF30];
	[hbm4b:s22+s5] =	stream.linear.scatter [tilespmem:s21], [sflag:$0x6], $0x20, $0x38  }
0x388: {  	p0 =	seq.s32 s8, $0x32  }
.Ltmp12:
0x389: {  	_ = 	snop;
	(pc) =	sbr.rel @!p0 .LBB2_21-.Ltmp12, $1  }
0x38a: {  	_ =	sdelay $0x3  }
0x38b: {  	s13 =	simm.s32 $0x6  }
0x38c: {  	_ =	swait.ge [sflag:s13], $0x1000  }
0x38d: {  	s14 =	rddreg [dreg:$0x9]  }
0x38e: {  	s8 =	rddreg [dreg:$0x8];
	s14 =	sadd.s32 $0x1, s14  }
0x38f: {  	p0 =	sne.s32 s14, s8  }
.Ltmp13:
0x390: {  	_ = 	snop;
	(pc) =	sbr.rel @p0 .LBB2_1-.Ltmp13, $3  }
0x391: {  	_ =	sdelay $0x1  }
0x392: {  	[sflag:s13] =	ssyncset.done $0x0  }
0x393: {  	[sflag:s13] =	ssyncadd.s32 $0xFFFFF000  }
0x394: {  	_ =	sfence.sel $0x180000  }
0x395: {  	[bflag:$0x0] =	sbarrier.arrive $0xFFFF  }
0x396: {  	_ =	strace $0x90000047  }
0x397: {  	s0 =	stileid.u32;
	[bflag:$0x2] =	sbarrier.arrive $0xFFFF  }
0x398: {  	p0 =	sne.s32 s0, $0x0;
	s0 =	rddreg [dreg:$0x4]  }
0x399: {  	s0 =	sadd.s32 @!p0 $0x100000, s0  }
0x39a: {  	[sflag:s0] =	ssyncadd.tile.s32 @!p0 $0x1;
	_ =	shalt  }
.Lfunc_end2:
_tile_overlayer_lowered:
.L_overlay_start_2:
0x39b: {  	(tag) =	ssettag $0x2  }
0x39c: {  	s0 =	rddreg [dreg:$0x0];
	s2 =	stileid.u32  }
0x39d: {  	s1 =	rddreg [dreg:$0x1];
	p0 =	sne.s32 s2, $0x0  }
0x39e: {  	s3 =	rddreg [dreg:$0x2];
	[bflag:$0x3] =	sbarrier.arrive $0xFFFF;
	s2 =	simm.s32 @!p0 $0x1C07  }
0x39f: {  	[timem:s3], [sflag:s2] =	dma.local @!p0 [hbm:s0], s1  }
0x3a0: {  	s0 =	simm.s32 @!p0 $0x7  }
0x3a1: {  	_ =	swait.ge @!p0 [sflag:s0], s1  }
0x3a2: {  	s1 =	ssub.s32 @!p0 $0x0, s1;
	[sflag:s0] =	ssyncset.done @!p0 $0x0  }
0x3a3: {  	[sflag:s0] =	ssyncadd.s32 @!p0 s1  }
0x3a4: {  	[bflag:$0x3] =	sbarrier.arrive $0xFFFF  }
0x3a5: {  	_ =	shalt  }

// kernel: sparse-core-data-format-call.cloned.1.call-start
scs
called_computation_lowered:
.L_overlay_start_0:
0x0: {  	s2 =	sld [smem:$0x3FD9]  }
0x1: {  	s3 =	sld [smem:$0x3FFE];
	_ =	sdelay $0x1  }
0x2: {  	s1 =	srdreg.scid  }
0x3: {  	s0 =	sand.u32 $0x1, s1  }
0x4: {  	s15 =	sshll.u32 s0, $0xA;
	s2 =	sadd.s32 s3, s2  }
0x5: {  	s2 =	sadd.s32 s2, s15  }
0x6: {  	[smem:$0x3FC6] =	sst s2  }
0x7: {  	_ = 	snop  }
0x8: {  	s2 =	sld [smem:$0x3FD0];
	_ =	sdelay $0x2  }
0x9: {  	s16 =	simm.s32 $0xA;
	s4 =	simm.s32 $0x10  }
0xa: {  	[smem:s4], [sflag:s16] =	dma.local [hbm:s2], $0x1  }
0xb: {  	_ =	swait.eq [sflag:s16], $0x1  }
0xc: {  	[sflag:s16] =	ssyncset.done $0x0  }
0xd: {  	[sflag:s16] =	ssyncadd.s32 $0xFFFFFFFF  }
0xe: {  	s17 =	sld [smem:$0x11];
	(tm) =	ssettm $0x1  }
0xf: {  	s18 =	sld [smem:$0x3FFB];
	_ =	sdelay $0x3  }
0x10: {  	_ =	strace s18  }
0x11: {  	s3 =	sld [smem:$0x3FFC];
	_ =	sdelay $0x3  }
0x12: {  	_ =	strace s3  }
0x13: {  	s3 =	sld [smem:$0x3FFD];
	_ =	sdelay $0x3  }
0x14: {  	_ =	strace s3  }
0x15: {  	_ =	strace $0x8FFFFFFF  }
0x16: {  	s19 =	sld [smem:$0x3FDB];
	_ =	sdelay $0x1  }
0x17: {  	s20 =	simm.s32 $_scs_section_size  }
0x18: {  	s5 =	simm.s32 $_size__tile_overlayer_lowered;
	s6 =	simm.s32 $_tile_overlayer_lowered  }
0x19: {  	s23 =	simm.s32 $0x1BFF;
	s22 =	sshll.u32 s6, $0x1;
	s3 =	sadd.s32 s20, s19  }
0x1a: {  	s7 =	simm.s32 $0x0;
	s21 =	sshll.u32 s5, $0x1;
	s5 =	sadd.s32 s22, s3  }
0x1b: {  	[timem:s7], [sflag:s23] =	dma.local [hbm:s5], s21  }
0x1c: {  	_ =	swait.ge [sflag:s23], s21  }
0x1d: {  	s4 =	ssub.s32 $0x0, s21;
	[sflag:s23] =	ssyncset.done $0x0  }
0x1e: {  	[sflag:s23] =	ssyncadd.s32 s4;
	_ =	sdelay $0x1  }
0x1f: {  	s24 =	simm.s32 $0x1B8B  }
0x20: {  	_ =	swait.ge [sflag:s24], $0x1  }
0x21: {  	[sflag:s24] =	ssyncset.done $0x0  }
0x22: {  	s26 =	simm.s32 $0x1B8E;
	s25 =	sld [smem:$0x3FFE];
	[sflag:s24] =	ssyncadd.s32 $0xFFFFFFFF  }
0x23: {  	s27 =	simm.s32 $execute0_lowered;
	[smem:$0x3FD2] =	sst s26  }
0x24: {  	s5 =	sshll.u32 s27, $0x1;
	_ =	strace $0x80000049;
	[dreg:$0x1] =	wrdreg $0xFFFFFFFF  }
0x25: {  	s28 =	simm.s32 $_size_execute0_lowered;
	s3 =	sadd.s32 s3, s5;
	[dreg:$0x0] =	wrdreg $0x0  }
0x26: {  	s5 =	sshll.u32 s28, $0x1;
	[dreg:$0x2] =	wrdreg s3  }
0x27: {  	[dreg:$0x3] =	wrdreg s5  }
0x28: {  	[dreg:$0x4] =	wrdreg $0xC0  }
0x29: {  	_ =	task [dreg:s7], $0x5FFFF  }
0x2a: {  	[dreg:$0x1] =	wrdreg $0xFFFFFFFF  }
0x2b: {  	[dreg:$0x0] =	wrdreg $0x60  }
0x2c: {  	[dreg:$0x2] =	wrdreg s25  }
0x2d: {  	[dreg:$0x3] =	wrdreg s17  }
0x2e: {  	[dreg:$0x4] =	wrdreg $0x9  }
0x2f: {  	_ =	task.clear_ibuf [dreg:s7], $0x5FFFF;
	_ =	strace $0x90000049  }
0x30: {  	s29 =	simm.s32 $0x9;
	_ =	strace $0x8000004B  }
0x31: {  	_ =	swait.ge [sflag:s29], $0x1  }
0x32: {  	[sflag:s29] =	ssyncadd.s32 $0xFFFFFFFF  }
0x33: {  	_ =	strace $0x9000004B  }
0x34: {  	_ =	sfence  }
0x35: {  	s30 =	sld [smem:$0x0];
	_ =	sdelay $0x2  }
0x36: {  	s31 =	sshll.u32 s1, $0xD;
	s1 =	sshrl.u32 s1, $0x2  }
0x37: {  	s3 =	sand.u32 $0x4000, s31;
	s1 =	sadd.s32 s1, s30  }
0x38: {  	s0 =	sor.u32 s3, s0;
	s1 =	sshll.u32 s1, $0x11  }
0x39: {  	s0 =	sor.u32 s1, s0  }
0x3a: {  	s0 =	sadd.s32 $0x8F2B, s0  }
0x3b: {  	[sflag:s0] =	ssyncadd.remote.s32 $0x1  }
0x3c: {  	_ =	sfence.sel $0xFFFF  }
0x3d: {  	[dreg:$0x0] =	wrdreg $0xFFFFFFFF;
	(pc) =	sbr.abs _section_cstart, $3  }
0x3e: {  	[dreg:$0x1] =	wrdreg $0xFFFFFFFF  }
0x3f: {  	_ =	task.clear_ibuf [dreg:s7], $0x2FFFF;
	_ =	strace $0x9FFFFFFF  }
0x40: {  	(tm) =	ssettm $0x7FFFFFFF  }
0x41: {  	_ =	shalt  }
tec
execute0_lowered:
.L_overlay_start_1:
0x0: {  	(tag) =	ssettag $0x1  }
0x1: {  	s0 =	srdreg.scid  }
0x2: {  	s1 =	sshll.u32 s0, $0x4  }
0x3: {  	s4 =	rddreg [dreg:$0x0];
	s0 =	stileid.u32;
	s1 =	sand.u32 $0x10, s1  }
0x4: {  	s2 =	rddreg [dreg:$0x1];
	s7 =	simm.s32 $0x1;
	s1 =	sor.u32 s0, s1  }
0x5: {  	s8 =	simm.s32 $0x2;
	s11 =	simm.s32 $0x0;
	s3 =	sshll.u32 s1, $0x7  }
0x6: {  	s10 =	simm.s32 $0x0;
	s4 =	sadd.s32 $0xC00, s4;
	s6 =	ssub.s32 $0xFA000, s3  }
.Ltmp0:
0x7: {  	s1 =	rddreg [dreg:$0x2];
	s5 =	sand.u32 $0xF80, s6;
	(pc) =	sbr.rel .LBB1_1-.Ltmp0, $4  }
0x8: {  	_ =	strace $0x8000004A;
	s9 =	smov.u32 s3;
	p0 =	sne.s32 s5, $0x0  }
0x9: {  	s6 =	sshrl.u32 s6, $0xC;
	s5 =	simm.s32 $0x1;
	s7 =	simm.s32 @!p0 $0x0  }
0xa: {  	[sflag:s5] =	ssyncpa.u1 $0x0;
	p0 =	por $0x0, $0x0;
	s6 =	sadd.s32 s7, s6  }
0xb: {  	[sflag:s8] =	ssyncpa.u1 $0x0;
	s8 =	simm.s32 $0x7D0000;
	s7 =	sadd.s32 $0x1, s6  }
.LBB1_4:
0xc: {  	s14 =	sshll.u32 s11, $0x3  }
0xd: {  	s30 =	sand.u32 $0x7F, s11;
	s15 =	sand.u32 $0xFFFFFC00, s14  }
0xe: {  	s11 =	sor.u32 s30, s15  }
0xf: {  	s15 =	smulhi.u32 $0x10624DD3, s11  }
0x10: {  	s14 =	smulhi.u32 $0x10624DD3, s14  }
0x11: {  	s15 =	sshrl.u32 s15, $0x10  }
0x12: {  	s14 =	sshrl.u32 s14, $0x10;
	s15 =	smul.u32 $0xFA000, s15  }
0x13: {  	s14 =	sand.u32 $0x1F, s14  }
0x14: {  	s14 =	smul.u32 $0x1F400, s14;
	s11 =	ssub.s32 s11, s15  }
0x15: {  	s15 =	sand.u32 $0x7, s11  }
0x16: {  	s14 =	sadd.s32 s2, s14;
	s11 =	sshrl.u32 s11, $0x3;
	s15 =	sshll.u32 s15, $0x12  }
0x17: {  	[tilespmem:s13+$0x0 ss:$0x81] =	vst.msk $0xffff, v0;
	s11 =	sadd.s32 s11, s14;
	s31 =	sor.u32 $0x400, s15  }
0x18: {  	[hbm4b:s11+s31] =	stream.strided.scatter [tilespmem:s12], [sflag:$0x2], $0x1000, s8, s31, $0x20;
	[tilespmem:$0x4040] =	vst v63  }
.LBB1_5:
0x19: {  	s13 =	sadd.s32 $0x1000, s9  }
0x1a: {  	p2 =	sgt.s32 s13, $0xF9FFF  }
0x1b: {  	s13 =	smov.u32 @p2 s3;
	p2 =	sne.s32 s10, s7  }
.Ltmp1:
0x1c: {  	p1 =	slt.u32 s10, $0x2;
	(pc) =	sbr.rel @!p2 .LBB1_6-.Ltmp1, $4  }
0x1d: {  	s12 =	simm.s32 @!p1 $0x2  }
0x1e: {  	s14 =	sadd.s32 $0x1, s10;
	_ =	swait.ge @!p1 [sflag:s12], $0x1000  }
0x1f: {  	s11 =	smov.u32 s9;
	p0 =	por !p0, !p0;
	[sflag:s12] =	ssyncset.done @!p1 $0x0  }
0x20: {  	s10 =	smov.u32 s14;
	s9 =	smov.u32 s13;
	[sflag:s12] =	ssyncadd.s32 @!p1 $0xFFFFF000  }
.LBB1_1:
0x21: {  	p1 =	sge.u32 s10, s6  }
0x22: {  	s12 =	sand.u32 @!p1 $0x1FFFFFF, s9  }
0x23: {  	s13 =	smulhi.u32 @!p1 $0x20C49BB, s12;
	_ =	sdelay $0x1  }
0x24: {  	s13 =	sshrl.u32 @!p1 s13, $0xD  }
0x25: {  	s13 =	smul.u32 @!p1 $0xFA000, s13;
	_ =	sdelay $0x1  }
0x26: {  	s31 =	sadd.s32 $0xFFFFFFFF, s10;
	s14 =	sxor.u32 @!p1 $0xFFFFFFFF, s10;
	s12 =	ssub.s32 @!p1 s12, s13  }
0x27: {  	s15 =	simm.s32 @!p1 $0x80;
	s14 =	sshll.u32 @!p1 s14, $0xC;
	s12 =	sshll.u32 @!p1 s12, $0x4  }
0x28: {  	s13 =	sand.u32 @!p1 $0x1000, s14;
	s14 =	simm.s32 @!p1 $0x20;
	s12 =	sadd.s32 @!p1 s4, s12  }
0x29: {  	[tilespmem:s13], [sflag:$0x1] =	stream.strided.gather @!p1 [hbm4b:s12+s14], $0x1000, s15, s14, $0x38;
	[tilespmem:$0x4040] =	vst v63  }
0x2a: {  	p1 =	sge.u32 s31, s6  }
.Ltmp2:
0x2b: {  	_ = 	snop;
	(pc) =	sbr.rel @p1 .LBB1_5-.Ltmp2, $1  }
0x2c: {  	_ =	sdelay $0x3  }
0x2d: {  	s12 =	simm.s32 $0x1  }
0x2e: {  	_ =	swait.ge [sflag:s5], $0x1000;
	s12 =	simm.s32 @!p0 $0x0  }
0x2f: {  	[sflag:s5] =	ssyncset.done $0x0;
	s13 =	sshll.u32 s12, $0xC  }
0x30: {  	[sflag:s5] =	ssyncadd.s32 $0xFFFFF000;
	s16 =	sor.u32 $0x10, s13  }
0x31: {  	s12 =	smul.u32 $0x4080, s12;
	v1 =	vld [tilespmem:s16+$0x0]  }
0x32: {  	s30 =	sand.u32 $0x1, s10;
	v0 =	vld [tilespmem:s16+$0xFFFFFFF0]  }
0x33: {  	s13 =	smul.u32 $0x4080, s30;
	s12 =	sshrl.u32 s12, $0x2  }
0x34: {  	s14 =	sor.u32 $0x2000, s12  }
0x35: {  	s31 =	sshrl.u32 s13, $0x2;
	s13 =	sadd.s32 $0x0, s14  }
0x36: {  	s15 =	simm.s32 $0x4;
	s16 =	sadd.s32 $0x20, s16;
	s12 =	sor.u32 $0x2000, s31;
	[tilespmem:s13+$0x810 ss:$0x81] =	vst.msk $0xffff, v1  }
.LBB1_3:
0x37: {  	v1 =	vld [tilespmem:s16+$0x0];
	p1 =	sne.s32 s15, $0x1FC;
	[tilespmem:s13+$0x0 ss:$0x81] =	vst.msk $0xffff, v0;
	s13 =	smov.u32 s15;
	s15 =	sadd.s32 $0x4, s15  }
.Ltmp3:
0x38: {  	v0 =	vld [tilespmem:s16+$0xFFFFFFF0];
	(pc) =	sbr.rel @p1 .LBB1_3-.Ltmp3, $4  }
0x39: {  	_ = 	snop  }
0x3a: {  	s13 =	sshra.s32 s13, $0x2  }
0x3b: {  	s13 =	sadd.s32 s13, s14  }
0x3c: {  	s16 =	sadd.s32 $0x20, s16;
	[tilespmem:s13+$0x810 ss:$0x81] =	vst.msk $0xffff, v1  }
.Ltmp4:
0x3d: {  	_ = 	snop;
	(pc) =	sbr.rel .LBB1_4-.Ltmp4, $1  }
0x3e: {  	_ =	sdelay $0x3  }
.LBB1_6:
0x3f: {  	_ =	sfence.sel $0x180000  }
0x40: {  	s2 =	simm.s32 $0x1;
	[bflag:$0x0] =	sbarrier.arrive $0xFFFF  }
0x41: {  	s31 =	simm.s32 $0x2;
	[sflag:s2] =	ssyncpa.u1 $0x1  }
0x42: {  	[sflag:s31] =	ssyncpa.u1 $0x1  }
0x43: {  	p0 =	sne.s32 s0, $0x0;
	_ =	strace $0x9000004A  }
0x44: {  	s0 =	sadd.s32 @!p0 $0x100000, s1;
	[bflag:$0x2] =	sbarrier.arrive $0xFFFF  }
0x45: {  	[sflag:s0] =	ssyncadd.tile.s32 @!p0 $0x1;
	_ =	shalt  }
.Lfunc_end1:
_tile_overlayer_lowered:
.L_overlay_start_2:
0x46: {  	(tag) =	ssettag $0x2  }
0x47: {  	s0 =	rddreg [dreg:$0x0];
	s2 =	stileid.u32  }
0x48: {  	s1 =	rddreg [dreg:$0x1];
	p0 =	sne.s32 s2, $0x0  }
0x49: {  	s3 =	rddreg [dreg:$0x2];
	[bflag:$0x3] =	sbarrier.arrive $0xFFFF;
	s2 =	simm.s32 @!p0 $0x1C01  }
0x4a: {  	[timem:s3], [sflag:s2] =	dma.local @!p0 [hbm:s0], s1  }
0x4b: {  	s0 =	simm.s32 @!p0 $0x1  }
0x4c: {  	_ =	swait.ge @!p0 [sflag:s0], s1  }
0x4d: {  	s1 =	ssub.s32 @!p0 $0x0, s1;
	[sflag:s0] =	ssyncset.done @!p0 $0x0  }
0x4e: {  	[sflag:s0] =	ssyncadd.s32 @!p0 s1  }
0x4f: {  	[bflag:$0x3] =	sbarrier.arrive $0xFFFF  }
0x50: {  	_ =	shalt  }

</sc_bundles>
